<compile_context>
chip_gen: v7x
topology: tpu7x:2x2x1
jax: 0.10.2.dev20260603
libtpu: 0.0.44.dev20260713+nightly
codegen_flags: <defaults>
</compile_context>

<pallas_src>
import functools

import jax
import jax.numpy as jnp
from jax import lax
from jax.experimental import pallas as pl
from jax.experimental.pallas import tpu as pltpu
from jax.experimental.pallas import tpu_sc as plsc

_NC = 2
_NS = 16
_NW = _NC * _NS


def _head_body(x_ref, w1_ref, b1_ref, w2_ref, b2_ref, o_ref):
    h = jnp.dot(x_ref[...], w1_ref[...], preferred_element_type=jnp.float32)
    h = jnp.maximum(h + b1_ref[...], 0.0)
    h = jnp.dot(h, w2_ref[...], preferred_element_type=jnp.float32)
    o_ref[...] = jnp.maximum(h + b2_ref[...], 0.0)


def _head(x, W1, b1, W2, b2, rb, n_out):
    n, d = x.shape
    h = W1.shape[1]
    nb = n // rb
    return pl.pallas_call(
        _head_body,
        grid=(nb,),
        in_specs=[
            pl.BlockSpec((rb, d), lambda i: (i, 0)),
            pl.BlockSpec((d, h), lambda i: (0, 0)),
            pl.BlockSpec((1, h), lambda i: (0, 0)),
            pl.BlockSpec((h, h), lambda i: (0, 0)),
            pl.BlockSpec((1, h), lambda i: (0, 0)),
        ],
        out_specs=pl.BlockSpec((rb, h), lambda i: (i, 0)),
        out_shape=jax.ShapeDtypeStruct((n_out, h), jnp.float32),
    )(x, W1, b1.reshape(1, h), W2, b2.reshape(1, h))


def _sc_scatter(f2, srcp, dstp, n, h, ept, ch):
    n_acc = f2.shape[0]
    hh = h // 2
    nch = ept // ch
    jrows = ch // 128
    zrows = n_acc // _NS

    mesh = plsc.VectorSubcoreMesh(core_axis_name="c", subcore_axis_name="s")

    @functools.partial(
        pl.kernel,
        mesh=mesh,
        compiler_params=pltpu.CompilerParams(use_tc_tiling_on_sc=False),
        out_type=jax.ShapeDtypeStruct((_NC, n_acc, h), jnp.float32),
        scratch_types=[
            [pltpu.VMEM((jrows, 128), jnp.int32) for _ in range(2)],
            [pltpu.VMEM((jrows, 128), jnp.int32) for _ in range(2)],
            [pltpu.VMEM((ch, hh), jnp.float32) for _ in range(2)],
            pltpu.VMEM_SHARED((n_acc, hh), jnp.float32),
            pltpu.VMEM_SHARED((n_acc, hh), jnp.float32),
            [pltpu.SemaphoreType.DMA for _ in range(2)],
            pltpu.SemaphoreType.DMA,
        ],
    )
    def body(f_hbm, src_hbm, dst_hbm, out_hbm, srcv, dstv, rowsv,
             acc_sh, tab_sh, gsem, ssem):
        c = lax.axis_index("c")
        s = lax.axis_index("s")
        wid = c * _NS + s
        base = wid * (ept // 128)

        def fire(ci, b):
            r0 = base + ci * jrows
            pltpu.sync_copy(src_hbm.at[pl.ds(r0, jrows)], srcv[b])
            pltpu.sync_copy(dst_hbm.at[pl.ds(r0, jrows)], dstv[b])
            for j in range(jrows):
                pltpu.async_copy(tab_sh.at[srcv[b].at[j]],
                                 rowsv[b].at[pl.ds(j * 128, 128)], gsem[b])

        def drain_scatter(b):
            pltpu.make_async_copy(f_hbm.at[pl.ds(0, ch), pl.ds(0, hh)],
                                  rowsv[b], gsem[b]).wait()
            cps = [
                pltpu.async_copy(rowsv[b].at[pl.ds(j * 128, 128)],
                                 acc_sh.at[dstv[b].at[j]], ssem, add=True)
                for j in range(jrows)
            ]
            for cp in cps:
                cp.wait()

        for half in (0, 1):
            cols = pl.ds(half * hh, hh)
            pltpu.sync_copy(f_hbm.at[pl.ds(s * zrows, zrows), cols],
                            acc_sh.at[pl.ds(s * zrows, zrows)])
            pltpu.sync_copy(f_hbm.at[pl.ds(s * zrows, zrows), cols],
                            tab_sh.at[pl.ds(s * zrows, zrows)])
            plsc.subcore_barrier()
            for b in range(2):
                fire(b, b)

            def ring(g, carry):
                for b in range(2):
                    drain_scatter(b)
                    fire(2 * g + b + 2, b)
                return carry

            lax.fori_loop(0, nch // 2 - 1, ring, 0)
            for b in range(2):
                drain_scatter(b)
            plsc.subcore_barrier()
            pltpu.sync_copy(acc_sh.at[pl.ds(s * zrows, zrows)],
                            out_hbm.at[c, pl.ds(s * zrows, zrows), cols])

    return body(f2, srcp, dstp)


def _tail_body(batch_ref, f2_ref, a0_ref, a1_ref, wg_ref, bg_ref, wl_ref,
               bl_ref, wt_ref, bt_ref, wa_ref, ba_ref, wb_ref, bb_ref,
               wc_ref, bc_ref, wk_ref, bk_ref, out_ref, pooled_ref,
               h_scr, gp_scr, mx_scr, num_scr, den_scr, *, rb, nb, g_seg):
    p = pl.program_id(0)
    i = pl.program_id(1)
    bids = batch_ref[0, 0, :]
    oh = bids[:, None] == lax.broadcasted_iota(jnp.int32, (rb, g_seg), 1)

    @pl.when(p == 0)
    def _pass0():
        f = a0_ref[0] + a1_ref[0] - f2_ref[...]
        f = jnp.dot(f, wg_ref[...], preferred_element_type=jnp.float32)
        f = jnp.maximum(f + bg_ref[...], 0.0)
        f = jnp.dot(f, wl_ref[...], preferred_element_type=jnp.float32) + bl_ref[...]
        h = jnp.dot(f, wt_ref[...], preferred_element_type=jnp.float32) + bt_ref[...]
        ta = jnp.tanh(jnp.dot(h, wa_ref[...], preferred_element_type=jnp.float32)
                      + ba_ref[...])
        sb = jax.nn.sigmoid(jnp.dot(h, wb_ref[...],
                                    preferred_element_type=jnp.float32)
                            + bb_ref[...])
        gp = jnp.dot(ta * sb, wc_ref[...], preferred_element_type=jnp.float32) \
            + bc_ref[...]
        h_scr[pl.ds(i * rb, rb), :] = h
        gp_scr[pl.ds(i * rb, rb), :] = gp

        @pl.when(i == 0)
        def _():
            mx_scr[...] = jnp.full_like(mx_scr[...], -1e30)

        for g in range(g_seg):
            m = jnp.max(jnp.where(oh[:, g:g + 1], gp, -1e30), axis=0)
            mx_scr[g, :] = jnp.maximum(mx_scr[g, :], m)

    @pl.when(p == 1)
    def _pass1():
        @pl.when(i == 0)
        def _():
            num_scr[...] = jnp.zeros_like(num_scr[...])
            den_scr[...] = jnp.zeros_like(den_scr[...])

        ohf = oh.astype(jnp.float32)
        h = h_scr[pl.ds(i * rb, rb), :]
        gp = gp_scr[pl.ds(i * rb, rb), :]
        smax = jnp.dot(ohf, mx_scr[...], preferred_element_type=jnp.float32)
        e = jnp.exp(gp - smax)
        dims = (((0,), (0,)), ((), ()))
        den_scr[...] += lax.dot_general(ohf, e, dims,
                                        preferred_element_type=jnp.float32)
        num_scr[...] += lax.dot_general(ohf, h * e, dims,
                                        preferred_element_type=jnp.float32)

        @pl.when(i == nb - 1)
        def _():
            pooled = num_scr[...] / (den_scr[...] + 1e-16)
            pooled_ref[...] = pooled
            out_ref[...] = jnp.dot(pooled, wk_ref[...],
                                   preferred_element_type=jnp.float32) \
                + bk_ref[...]


def _tail(batch3, f2, parts, n, W_gin, b_gin, W_lin, b_lin, W_tail, b_tail,
          Wa, ba, Wb, bb, Wc, bc, W_cls, b_cls, rb, g_seg):
    h = f2.shape[1]
    c = W_tail.shape[1]
    t = W_cls.shape[1]
    nb = n // rb

    def rowmap(p, i):
        return (i * (1 - p), 0)

    wspec = lambda shp: pl.BlockSpec(shp, lambda p, i: tuple(0 for _ in shp))
    body = functools.partial(_tail_body, rb=rb, nb=nb, g_seg=g_seg)
    return pl.pallas_call(
        body,
        grid=(2, nb),
        in_specs=[
            pl.BlockSpec((1, 1, rb), lambda p, i: (i, 0, 0)),
            pl.BlockSpec((rb, h), rowmap),
            pl.BlockSpec((1, rb, h), lambda p, i: (0, i * (1 - p), 0)),
            pl.BlockSpec((1, rb, h), lambda p, i: (1, i * (1 - p), 0)),
            wspec((h, h)), wspec((1, h)),
            wspec((h, h)), wspec((1, h)),
            wspec((h, c)), wspec((1, c)),
            wspec((c, 64)), wspec((1, 64)),
            wspec((c, 64)), wspec((1, 64)),
            wspec((64, c)), wspec((1, c)),
            wspec((c, t)), wspec((1, t)),
        ],
        out_specs=[
            pl.BlockSpec((g_seg, t), lambda p, i: (0, 0)),
            pl.BlockSpec((g_seg, c), lambda p, i: (0, 0)),
        ],
        out_shape=[
            jax.ShapeDtypeStruct((g_seg, t), jnp.float32),
            jax.ShapeDtypeStruct((g_seg, c), jnp.float32),
        ],
        scratch_shapes=[
            pltpu.VMEM((n, c), jnp.float32),
            pltpu.VMEM((n, c), jnp.float32),
            pltpu.VMEM((g_seg, c), jnp.float32),
            pltpu.VMEM((g_seg, c), jnp.float32),
            pltpu.VMEM((g_seg, c), jnp.float32),
        ],
    )(batch3, f2, parts, parts,
      W_gin, b_gin.reshape(1, h), W_lin, b_lin.reshape(1, h),
      W_tail, b_tail.reshape(1, c), Wa, ba.reshape(1, 64),
      Wb, bb.reshape(1, 64), Wc, bc.reshape(1, c),
      W_cls, b_cls.reshape(1, t))


def kernel(x, edge_index, batch, W_head, b_head, W_chead, b_chead,
           W_gin, b_gin, W_lin, b_lin, W_tail, b_tail,
           Wa, ba, Wb, bb, Wc, bc, W_cls, b_cls):
    n = x.shape[0]
    e = edge_index.shape[1]
    h = W_head.shape[1]
    g_seg = 8
    rb = 2000

    ch = 1280
    ept = -(-(-(-e // _NW)) // (2 * ch)) * (2 * ch)
    e_pad = ept * _NW
    n_acc = -(-(n + 1) // 128) * 128
    src = jnp.concatenate(
        [edge_index[0], jnp.zeros((e_pad - e,), jnp.int32)]).reshape(-1, 128)
    dst = jnp.concatenate(
        [edge_index[1], jnp.full((e_pad - e,), n, jnp.int32)]).reshape(-1, 128)

    f2 = _head(x, W_head, b_head, W_chead, b_chead, rb, n_acc)
    parts = _sc_scatter(f2, src, dst, n, h, ept, ch)

    batch3 = batch.reshape(n // rb, 1, rb)
    out, pooled = _tail(batch3, f2, parts, n,
                        W_gin, b_gin, W_lin, b_lin, W_tail, b_tail,
                        Wa, ba, Wb, bb, Wc, bc, W_cls, b_cls, rb, g_seg)
    return (out, pooled)

# --- scband reference (transcript-rebuilt; emitter-appended) ---
"""Pipeline reference for scband-concept-graph-arch-16492674416859 (READ-ONLY COPY).

The authoritative reference and input builder live on the scoring server;
editing this copy changes nothing except your own understanding.
"""

import jax, jax.numpy as jnp
import numpy as np

N = 10000
E = 320000
D_IN = 128
H = 64
C = 64
T = 2
G = 8


def _lin(key, din, dout):
    k1, k2 = jax.random.split(key)
    W = jax.random.normal(k1, (din, dout), dtype=jnp.float32) * 0.05
    b = jax.random.normal(k2, (dout,), dtype=jnp.float32) * 0.05
    return W, b


def setup_inputs(seed: int = 0) -> dict:
    key = jax.random.key(seed)
    ks = jax.random.split(key, 16)
    x = jax.random.normal(ks[0], (N, D_IN), dtype=jnp.float32)
    edge_index = jax.random.randint(ks[1], (2, E), 0, N, dtype=jnp.int32)
    batch = jnp.sort(jax.random.randint(ks[2], (N,), 0, G, dtype=jnp.int32))
    W_head, b_head = _lin(ks[3], D_IN, H)
    W_chead, b_chead = _lin(ks[4], H, H)
    W_gin, b_gin = _lin(ks[5], H, H)
    W_lin, b_lin = _lin(ks[6], H, H)
    W_tail, b_tail = _lin(ks[7], H, C)
    Wa, ba = _lin(ks[8], C, 64)
    Wb, bb = _lin(ks[9], C, 64)
    Wc, bc = _lin(ks[10], 64, C)
    W_cls, b_cls = _lin(ks[11], C, T)
    return {"x": x, "edge_index": edge_index, "batch": batch,
            "W_head": W_head, "b_head": b_head,
            "W_chead": W_chead, "b_chead": b_chead,
            "W_gin": W_gin, "b_gin": b_gin,
            "W_lin": W_lin, "b_lin": b_lin,
            "W_tail": W_tail, "b_tail": b_tail,
            "Wa": Wa, "ba": ba, "Wb": Wb, "bb": bb, "Wc": Wc, "bc": bc,
            "W_cls": W_cls, "b_cls": b_cls}


def reference(x, edge_index, batch, W_head, b_head, W_chead, b_chead,
              W_gin, b_gin, W_lin, b_lin, W_tail, b_tail,
              Wa, ba, Wb, bb, Wc, bc, W_cls, b_cls):
    relu = jax.nn.relu
    # ConceptGraphArch.head: Linear + ReLU (dropout=0 is identity)
    f = relu(x @ W_head + b_head)
    # concept_nn (ConceptScoreArch, GINConv):
    # head block
    f = relu(f @ W_chead + b_chead)
    # GINConv: nn((1+eps)*x_i + sum_{j->i} x_j), eps=0, nn = Linear+ReLU
    src = edge_index[0]
    dst = edge_index[1]
    agg = jnp.zeros_like(f).at[dst].add(f[src])
    f = relu((f + agg) @ W_gin + b_gin)
    # per-layer linear
    f = f @ W_lin + b_lin
    # tail Linear (GINConv branch uses plain Linear tail)
    f = f @ W_tail + b_tail
    # Attn_Net_Gated (eval mode: dropout identity)
    a = jnp.tanh(f @ Wa + ba)
    b = jax.nn.sigmoid(f @ Wb + bb)
    gate = (a * b) @ Wc + bc
    # segment softmax over batch index (torch_geometric.utils.softmax)
    seg_max = jax.ops.segment_max(gate, batch, num_segments=G)
    gate = jnp.exp(gate - seg_max[batch])
    denom = jax.ops.segment_sum(gate, batch, num_segments=G)
    gate = gate / (denom[batch] + 1e-16)
    # SumAggregation(feature * gate, index=batch)
    pooled = jax.ops.segment_sum(f * gate, batch, num_segments=G)
    out = pooled @ W_cls + b_cls
    return (out, pooled)

if __name__ == "__main__":
    import jax
    _d = setup_inputs()
    print(jax.jit(kernel)(*tuple(_d.values())))

</pallas_src>

<mosaic_0001>
#map = affine_map<(d0, d1) -> (0, 0)>
#map1 = affine_map<(d0, d1) -> (0, 0, 0)>
module attributes {stable_mosaic.version = 14 : i64} {
  func.func @body(%arg0: i32, %arg1: i32, %arg2: memref<10112x64xf32, #tpu.memory_space<hbm>>, %arg3: memref<2560x128xi32, #tpu.memory_space<hbm>>, %arg4: memref<2560x128xi32, #tpu.memory_space<hbm>>, %arg5: memref<2x10112x64xf32, #tpu.memory_space<hbm>>, %arg6: memref<10x128xi32, #tpu.memory_space<vmem>>, %arg7: memref<10x128xi32, #tpu.memory_space<vmem>>, %arg8: memref<10x128xi32, #tpu.memory_space<vmem>>, %arg9: memref<10x128xi32, #tpu.memory_space<vmem>>, %arg10: memref<1280x32xf32, #tpu.memory_space<vmem>>, %arg11: memref<1280x32xf32, #tpu.memory_space<vmem>>, %arg12: memref<10112x32xf32, #tpu.memory_space<vmem_shared>>, %arg13: memref<10112x32xf32, #tpu.memory_space<vmem_shared>>, %arg14: memref<!tpu.dma_semaphore, #tpu.memory_space<semaphore_mem>>, %arg15: memref<!tpu.dma_semaphore, #tpu.memory_space<semaphore_mem>>, %arg16: memref<!tpu.dma_semaphore, #tpu.memory_space<semaphore_mem>>) attributes {dimension_semantics = [#tpu.dimension_semantics<core_parallel>, #tpu.dimension_semantics<subcore_parallel>], iteration_bounds = array<i64: 2, 16>, scalar_prefetch = 0 : i64, scratch_operands = 11 : i64, tpu.core_type = #tpu.core_type<sc_vector_subcore>, window_params = [{transform_indices = #map}, {transform_indices = #map}, {transform_indices = #map}, {transform_indices = #map1}]} {
    %mul3A = arith.constant 16 : i32
    %mul3A_0 = arith.muli %arg0, %mul3A : i32
    %add3A = arith.addi %mul3A_0, %arg1 : i32
    %mul3A_1 = arith.constant 80 : i32
    %mul3A_2 = arith.muli %add3A, %mul3A_1 : i32
    %mul3A_3 = arith.constant 632 : i32
    %mul3A_4 = arith.muli %arg1, %mul3A_3 : i32
    %mul3A_5 = arith.constant 632 : i32
    %mul3A_6 = arith.muli %arg1, %mul3A_5 : i32
    "tpu.region"() ({
      %run_scoped3A = tpu.sem_alloc : memref<!tpu.dma_semaphore, #tpu.memory_space<semaphore_mem>>
      %dma_start3A_1271 = arith.constant 0 : i32
      %dma_start3A_1272 = tpu.memref_slice %arg12[%mul3A_6, %dma_start3A_1271] : memref<10112x32xf32, #tpu.memory_space<vmem_shared>> -> memref<632x32xf32, #tpu.memory_space<vmem_shared>>
      %dma_start3A_1273 = arith.constant 0 : i32
      %dma_start3A_1274 = tpu.memref_slice %arg2[%mul3A_4, %dma_start3A_1273] : memref<10112x64xf32, #tpu.memory_space<hbm>> -> memref<632x32xf32, #tpu.memory_space<hbm>>
      tpu.enqueue_dma source(%dma_start3A_1274 : memref<632x32xf32, #tpu.memory_space<hbm>>) target(%dma_start3A_1272 : memref<632x32xf32, #tpu.memory_space<vmem_shared>>) target_semaphore(%run_scoped3A : memref<!tpu.dma_semaphore, #tpu.memory_space<semaphore_mem>>)
      %dma_wait3A_1275 = arith.constant 0 : i32
      %dma_wait3A_1276 = tpu.memref_slice %arg12[%mul3A_6, %dma_wait3A_1275] : memref<10112x32xf32, #tpu.memory_space<vmem_shared>> -> memref<632x32xf32, #tpu.memory_space<vmem_shared>>
      %dma_wait3A_1277 = arith.constant 0 : i32
      %dma_wait3A_1278 = tpu.memref_slice %arg2[%mul3A_4, %dma_wait3A_1277] : memref<10112x64xf32, #tpu.memory_space<hbm>> -> memref<632x32xf32, #tpu.memory_space<hbm>>
      tpu.wait_dma2 semaphore(%run_scoped3A : memref<!tpu.dma_semaphore, #tpu.memory_space<semaphore_mem>>) src(%dma_wait3A_1278 : memref<632x32xf32, #tpu.memory_space<hbm>>) dst(%dma_wait3A_1276 : memref<632x32xf32, #tpu.memory_space<vmem_shared>>)
      tpu.yield
    }) : () -> ()
    %mul3A_7 = arith.constant 632 : i32
    %mul3A_8 = arith.muli %arg1, %mul3A_7 : i32
    %mul3A_9 = arith.constant 632 : i32
    %mul3A_10 = arith.muli %arg1, %mul3A_9 : i32
    "tpu.region"() ({
      %run_scoped3A = tpu.sem_alloc : memref<!tpu.dma_semaphore, #tpu.memory_space<semaphore_mem>>
      %dma_start3A_1271 = arith.constant 0 : i32
      %dma_start3A_1272 = tpu.memref_slice %arg13[%mul3A_10, %dma_start3A_1271] : memref<10112x32xf32, #tpu.memory_space<vmem_shared>> -> memref<632x32xf32, #tpu.memory_space<vmem_shared>>
      %dma_start3A_1273 = arith.constant 0 : i32
      %dma_start3A_1274 = tpu.memref_slice %arg2[%mul3A_8, %dma_start3A_1273] : memref<10112x64xf32, #tpu.memory_space<hbm>> -> memref<632x32xf32, #tpu.memory_space<hbm>>
      tpu.enqueue_dma source(%dma_start3A_1274 : memref<632x32xf32, #tpu.memory_space<hbm>>) target(%dma_start3A_1272 : memref<632x32xf32, #tpu.memory_space<vmem_shared>>) target_semaphore(%run_scoped3A : memref<!tpu.dma_semaphore, #tpu.memory_space<semaphore_mem>>)
      %dma_wait3A_1275 = arith.constant 0 : i32
      %dma_wait3A_1276 = tpu.memref_slice %arg13[%mul3A_10, %dma_wait3A_1275] : memref<10112x32xf32, #tpu.memory_space<vmem_shared>> -> memref<632x32xf32, #tpu.memory_space<vmem_shared>>
      %dma_wait3A_1277 = arith.constant 0 : i32
      %dma_wait3A_1278 = tpu.memref_slice %arg2[%mul3A_8, %dma_wait3A_1277] : memref<10112x64xf32, #tpu.memory_space<hbm>> -> memref<632x32xf32, #tpu.memory_space<hbm>>
      tpu.wait_dma2 semaphore(%run_scoped3A : memref<!tpu.dma_semaphore, #tpu.memory_space<semaphore_mem>>) src(%dma_wait3A_1278 : memref<632x32xf32, #tpu.memory_space<hbm>>) dst(%dma_wait3A_1276 : memref<632x32xf32, #tpu.memory_space<vmem_shared>>)
      tpu.yield
    }) : () -> ()
    %barrier3A = arith.constant 0 : index
    tpu.barrier barrier_id(%barrier3A)
    %add3A_11 = arith.constant 0 : i32
    %add3A_12 = arith.addi %mul3A_2, %add3A_11 : i32
    "tpu.region"() ({
      %run_scoped3A = tpu.sem_alloc : memref<!tpu.dma_semaphore, #tpu.memory_space<semaphore_mem>>
      %dma_start3A_1271 = arith.constant 0 : i32
      %dma_start3A_1272 = tpu.memref_slice %arg3[%add3A_12, %dma_start3A_1271] : memref<2560x128xi32, #tpu.memory_space<hbm>> -> memref<10x128xi32, #tpu.memory_space<hbm>>
      %dma_start3A_1273 = arith.constant 0 : i32
      %dma_start3A_1274 = tpu.memref_slice %arg3[%add3A_12, %dma_start3A_1273] : memref<2560x128xi32, #tpu.memory_space<hbm>> -> memref<10x128xi32, #tpu.memory_space<hbm>>
      tpu.enqueue_dma source(%dma_start3A_1274 : memref<10x128xi32, #tpu.memory_space<hbm>>) target(%arg6 : memref<10x128xi32, #tpu.memory_space<vmem>>) target_semaphore(%run_scoped3A : memref<!tpu.dma_semaphore, #tpu.memory_space<semaphore_mem>>)
      %dma_wait3A_1275 = arith.constant 0 : i32
      %dma_wait3A_1276 = tpu.memref_slice %arg3[%add3A_12, %dma_wait3A_1275] : memref<2560x128xi32, #tpu.memory_space<hbm>> -> memref<10x128xi32, #tpu.memory_space<hbm>>
      %dma_wait3A_1277 = arith.constant 0 : i32
      %dma_wait3A_1278 = tpu.memref_slice %arg3[%add3A_12, %dma_wait3A_1277] : memref<2560x128xi32, #tpu.memory_space<hbm>> -> memref<10x128xi32, #tpu.memory_space<hbm>>
      tpu.wait_dma2 semaphore(%run_scoped3A : memref<!tpu.dma_semaphore, #tpu.memory_space<semaphore_mem>>) src(%dma_wait3A_1278 : memref<10x128xi32, #tpu.memory_space<hbm>>) dst(%arg6 : memref<10x128xi32, #tpu.memory_space<vmem>>)
      tpu.yield
    }) : () -> ()
    "tpu.region"() ({
      %run_scoped3A = tpu.sem_alloc : memref<!tpu.dma_semaphore, #tpu.memory_space<semaphore_mem>>
      %dma_start3A_1271 = arith.constant 0 : i32
      %dma_start3A_1272 = tpu.memref_slice %arg4[%add3A_12, %dma_start3A_1271] : memref<2560x128xi32, #tpu.memory_space<hbm>> -> memref<10x128xi32, #tpu.memory_space<hbm>>
      %dma_start3A_1273 = arith.constant 0 : i32
      %dma_start3A_1274 = tpu.memref_slice %arg4[%add3A_12, %dma_start3A_1273] : memref<2560x128xi32, #tpu.memory_space<hbm>> -> memref<10x128xi32, #tpu.memory_space<hbm>>
      tpu.enqueue_dma source(%dma_start3A_1274 : memref<10x128xi32, #tpu.memory_space<hbm>>) target(%arg8 : memref<10x128xi32, #tpu.memory_space<vmem>>) target_semaphore(%run_scoped3A : memref<!tpu.dma_semaphore, #tpu.memory_space<semaphore_mem>>)
      %dma_wait3A_1275 = arith.constant 0 : i32
      %dma_wait3A_1276 = tpu.memref_slice %arg4[%add3A_12, %dma_wait3A_1275] : memref<2560x128xi32, #tpu.memory_space<hbm>> -> memref<10x128xi32, #tpu.memory_space<hbm>>
      %dma_wait3A_1277 = arith.constant 0 : i32
      %dma_wait3A_1278 = tpu.memref_slice %arg4[%add3A_12, %dma_wait3A_1277] : memref<2560x128xi32, #tpu.memory_space<hbm>> -> memref<10x128xi32, #tpu.memory_space<hbm>>
      tpu.wait_dma2 semaphore(%run_scoped3A : memref<!tpu.dma_semaphore, #tpu.memory_space<semaphore_mem>>) src(%dma_wait3A_1278 : memref<10x128xi32, #tpu.memory_space<hbm>>) dst(%arg8 : memref<10x128xi32, #tpu.memory_space<vmem>>)
      tpu.yield
    }) : () -> ()
    %dma_start3A = arith.constant 0 : i32
    %dma_start3A_13 = arith.constant 0 : i32
    %dma_start3A_14 = arith.constant 0 : i32
    %dma_start3A_15 = tpu.memref_slice %arg10[%dma_start3A_13, %dma_start3A_14] : memref<1280x32xf32, #tpu.memory_space<vmem>> -> memref<128x32xf32, #tpu.memory_space<vmem>>
    %dma_start3A_16 = arith.constant 0 : i32
    %dma_start3A_17 = tpu.memref_slice %arg6[%dma_start3A, %dma_start3A_16] : memref<10x128xi32, #tpu.memory_space<vmem>> -> memref<1x128xi32, #tpu.memory_space<vmem>>
    %dma_start3A_18 = tpu.memref_squeeze %dma_start3A_17 : memref<1x128xi32, #tpu.memory_space<vmem>> -> memref<128xi32, #tpu.memory_space<vmem>>
    %dma_start3A_19 = arith.constant 0 : i32
    %dma_start3A_20 = arith.constant 0 : i32
    %dma_start3A_21 = tpu.memref_slice %arg13[%dma_start3A_19, %dma_start3A_20] : memref<10112x32xf32, #tpu.memory_space<vmem_shared>> -> memref<10112x32xf32, #tpu.memory_space<vmem_shared>>
    tpu.enqueue_indirect_dma source(%dma_start3A_21 : memref<10112x32xf32, #tpu.memory_space<vmem_shared>>) target(%dma_start3A_15 : memref<128x32xf32, #tpu.memory_space<vmem>>) offsets(%dma_start3A_18 : memref<128xi32, #tpu.memory_space<vmem>>) semaphore(%arg14 : memref<!tpu.dma_semaphore, #tpu.memory_space<semaphore_mem>>)
    %dma_start3A_22 = arith.constant 1 : i32
    %dma_start3A_23 = arith.constant 128 : i32
    %dma_start3A_24 = arith.constant 0 : i32
    %dma_start3A_25 = tpu.memref_slice %arg10[%dma_start3A_23, %dma_start3A_24] : memref<1280x32xf32, #tpu.memory_space<vmem>> -> memref<128x32xf32, #tpu.memory_space<vmem>>
    %dma_start3A_26 = arith.constant 0 : i32
    %dma_start3A_27 = tpu.memref_slice %arg6[%dma_start3A_22, %dma_start3A_26] : memref<10x128xi32, #tpu.memory_space<vmem>> -> memref<1x128xi32, #tpu.memory_space<vmem>>
    %dma_start3A_28 = tpu.memref_squeeze %dma_start3A_27 : memref<1x128xi32, #tpu.memory_space<vmem>> -> memref<128xi32, #tpu.memory_space<vmem>>
    %dma_start3A_29 = arith.constant 0 : i32
    %dma_start3A_30 = arith.constant 0 : i32
    %dma_start3A_31 = tpu.memref_slice %arg13[%dma_start3A_29, %dma_start3A_30] : memref<10112x32xf32, #tpu.memory_space<vmem_shared>> -> memref<10112x32xf32, #tpu.memory_space<vmem_shared>>
    tpu.enqueue_indirect_dma source(%dma_start3A_31 : memref<10112x32xf32, #tpu.memory_space<vmem_shared>>) target(%dma_start3A_25 : memref<128x32xf32, #tpu.memory_space<vmem>>) offsets(%dma_start3A_28 : memref<128xi32, #tpu.memory_space<vmem>>) semaphore(%arg14 : memref<!tpu.dma_semaphore, #tpu.memory_space<semaphore_mem>>)
    %dma_start3A_32 = arith.constant 2 : i32
    %dma_start3A_33 = arith.constant 256 : i32
    %dma_start3A_34 = arith.constant 0 : i32
    %dma_start3A_35 = tpu.memref_slice %arg10[%dma_start3A_33, %dma_start3A_34] : memref<1280x32xf32, #tpu.memory_space<vmem>> -> memref<128x32xf32, #tpu.memory_space<vmem>>
    %dma_start3A_36 = arith.constant 0 : i32
    %dma_start3A_37 = tpu.memref_slice %arg6[%dma_start3A_32, %dma_start3A_36] : memref<10x128xi32, #tpu.memory_space<vmem>> -> memref<1x128xi32, #tpu.memory_space<vmem>>
    %dma_start3A_38 = tpu.memref_squeeze %dma_start3A_37 : memref<1x128xi32, #tpu.memory_space<vmem>> -> memref<128xi32, #tpu.memory_space<vmem>>
    %dma_start3A_39 = arith.constant 0 : i32
    %dma_start3A_40 = arith.constant 0 : i32
    %dma_start3A_41 = tpu.memref_slice %arg13[%dma_start3A_39, %dma_start3A_40] : memref<10112x32xf32, #tpu.memory_space<vmem_shared>> -> memref<10112x32xf32, #tpu.memory_space<vmem_shared>>
    tpu.enqueue_indirect_dma source(%dma_start3A_41 : memref<10112x32xf32, #tpu.memory_space<vmem_shared>>) target(%dma_start3A_35 : memref<128x32xf32, #tpu.memory_space<vmem>>) offsets(%dma_start3A_38 : memref<128xi32, #tpu.memory_space<vmem>>) semaphore(%arg14 : memref<!tpu.dma_semaphore, #tpu.memory_space<semaphore_mem>>)
    %dma_start3A_42 = arith.constant 3 : i32
    %dma_start3A_43 = arith.constant 384 : i32
    %dma_start3A_44 = arith.constant 0 : i32
    %dma_start3A_45 = tpu.memref_slice %arg10[%dma_start3A_43, %dma_start3A_44] : memref<1280x32xf32, #tpu.memory_space<vmem>> -> memref<128x32xf32, #tpu.memory_space<vmem>>
    %dma_start3A_46 = arith.constant 0 : i32
    %dma_start3A_47 = tpu.memref_slice %arg6[%dma_start3A_42, %dma_start3A_46] : memref<10x128xi32, #tpu.memory_space<vmem>> -> memref<1x128xi32, #tpu.memory_space<vmem>>
    %dma_start3A_48 = tpu.memref_squeeze %dma_start3A_47 : memref<1x128xi32, #tpu.memory_space<vmem>> -> memref<128xi32, #tpu.memory_space<vmem>>
    %dma_start3A_49 = arith.constant 0 : i32
    %dma_start3A_50 = arith.constant 0 : i32
    %dma_start3A_51 = tpu.memref_slice %arg13[%dma_start3A_49, %dma_start3A_50] : memref<10112x32xf32, #tpu.memory_space<vmem_shared>> -> memref<10112x32xf32, #tpu.memory_space<vmem_shared>>
    tpu.enqueue_indirect_dma source(%dma_start3A_51 : memref<10112x32xf32, #tpu.memory_space<vmem_shared>>) target(%dma_start3A_45 : memref<128x32xf32, #tpu.memory_space<vmem>>) offsets(%dma_start3A_48 : memref<128xi32, #tpu.memory_space<vmem>>) semaphore(%arg14 : memref<!tpu.dma_semaphore, #tpu.memory_space<semaphore_mem>>)
    %dma_start3A_52 = arith.constant 4 : i32
    %dma_start3A_53 = arith.constant 512 : i32
    %dma_start3A_54 = arith.constant 0 : i32
    %dma_start3A_55 = tpu.memref_slice %arg10[%dma_start3A_53, %dma_start3A_54] : memref<1280x32xf32, #tpu.memory_space<vmem>> -> memref<128x32xf32, #tpu.memory_space<vmem>>
    %dma_start3A_56 = arith.constant 0 : i32
    %dma_start3A_57 = tpu.memref_slice %arg6[%dma_start3A_52, %dma_start3A_56] : memref<10x128xi32, #tpu.memory_space<vmem>> -> memref<1x128xi32, #tpu.memory_space<vmem>>
    %dma_start3A_58 = tpu.memref_squeeze %dma_start3A_57 : memref<1x128xi32, #tpu.memory_space<vmem>> -> memref<128xi32, #tpu.memory_space<vmem>>
    %dma_start3A_59 = arith.constant 0 : i32
    %dma_start3A_60 = arith.constant 0 : i32
    %dma_start3A_61 = tpu.memref_slice %arg13[%dma_start3A_59, %dma_start3A_60] : memref<10112x32xf32, #tpu.memory_space<vmem_shared>> -> memref<10112x32xf32, #tpu.memory_space<vmem_shared>>
    tpu.enqueue_indirect_dma source(%dma_start3A_61 : memref<10112x32xf32, #tpu.memory_space<vmem_shared>>) target(%dma_start3A_55 : memref<128x32xf32, #tpu.memory_space<vmem>>) offsets(%dma_start3A_58 : memref<128xi32, #tpu.memory_space<vmem>>) semaphore(%arg14 : memref<!tpu.dma_semaphore, #tpu.memory_space<semaphore_mem>>)
    %dma_start3A_62 = arith.constant 5 : i32
    %dma_start3A_63 = arith.constant 640 : i32
    %dma_start3A_64 = arith.constant 0 : i32
    %dma_start3A_65 = tpu.memref_slice %arg10[%dma_start3A_63, %dma_start3A_64] : memref<1280x32xf32, #tpu.memory_space<vmem>> -> memref<128x32xf32, #tpu.memory_space<vmem>>
    %dma_start3A_66 = arith.constant 0 : i32
    %dma_start3A_67 = tpu.memref_slice %arg6[%dma_start3A_62, %dma_start3A_66] : memref<10x128xi32, #tpu.memory_space<vmem>> -> memref<1x128xi32, #tpu.memory_space<vmem>>
    %dma_start3A_68 = tpu.memref_squeeze %dma_start3A_67 : memref<1x128xi32, #tpu.memory_space<vmem>> -> memref<128xi32, #tpu.memory_space<vmem>>
    %dma_start3A_69 = arith.constant 0 : i32
    %dma_start3A_70 = arith.constant 0 : i32
    %dma_start3A_71 = tpu.memref_slice %arg13[%dma_start3A_69, %dma_start3A_70] : memref<10112x32xf32, #tpu.memory_space<vmem_shared>> -> memref<10112x32xf32, #tpu.memory_space<vmem_shared>>
    tpu.enqueue_indirect_dma source(%dma_start3A_71 : memref<10112x32xf32, #tpu.memory_space<vmem_shared>>) target(%dma_start3A_65 : memref<128x32xf32, #tpu.memory_space<vmem>>) offsets(%dma_start3A_68 : memref<128xi32, #tpu.memory_space<vmem>>) semaphore(%arg14 : memref<!tpu.dma_semaphore, #tpu.memory_space<semaphore_mem>>)
    %dma_start3A_72 = arith.constant 6 : i32
    %dma_start3A_73 = arith.constant 768 : i32
    %dma_start3A_74 = arith.constant 0 : i32
    %dma_start3A_75 = tpu.memref_slice %arg10[%dma_start3A_73, %dma_start3A_74] : memref<1280x32xf32, #tpu.memory_space<vmem>> -> memref<128x32xf32, #tpu.memory_space<vmem>>
    %dma_start3A_76 = arith.constant 0 : i32
    %dma_start3A_77 = tpu.memref_slice %arg6[%dma_start3A_72, %dma_start3A_76] : memref<10x128xi32, #tpu.memory_space<vmem>> -> memref<1x128xi32, #tpu.memory_space<vmem>>
    %dma_start3A_78 = tpu.memref_squeeze %dma_start3A_77 : memref<1x128xi32, #tpu.memory_space<vmem>> -> memref<128xi32, #tpu.memory_space<vmem>>
    %dma_start3A_79 = arith.constant 0 : i32
    %dma_start3A_80 = arith.constant 0 : i32
    %dma_start3A_81 = tpu.memref_slice %arg13[%dma_start3A_79, %dma_start3A_80] : memref<10112x32xf32, #tpu.memory_space<vmem_shared>> -> memref<10112x32xf32, #tpu.memory_space<vmem_shared>>
    tpu.enqueue_indirect_dma source(%dma_start3A_81 : memref<10112x32xf32, #tpu.memory_space<vmem_shared>>) target(%dma_start3A_75 : memref<128x32xf32, #tpu.memory_space<vmem>>) offsets(%dma_start3A_78 : memref<128xi32, #tpu.memory_space<vmem>>) semaphore(%arg14 : memref<!tpu.dma_semaphore, #tpu.memory_space<semaphore_mem>>)
    %dma_start3A_82 = arith.constant 7 : i32
    %dma_start3A_83 = arith.constant 896 : i32
    %dma_start3A_84 = arith.constant 0 : i32
    %dma_start3A_85 = tpu.memref_slice %arg10[%dma_start3A_83, %dma_start3A_84] : memref<1280x32xf32, #tpu.memory_space<vmem>> -> memref<128x32xf32, #tpu.memory_space<vmem>>
    %dma_start3A_86 = arith.constant 0 : i32
    %dma_start3A_87 = tpu.memref_slice %arg6[%dma_start3A_82, %dma_start3A_86] : memref<10x128xi32, #tpu.memory_space<vmem>> -> memref<1x128xi32, #tpu.memory_space<vmem>>
    %dma_start3A_88 = tpu.memref_squeeze %dma_start3A_87 : memref<1x128xi32, #tpu.memory_space<vmem>> -> memref<128xi32, #tpu.memory_space<vmem>>
    %dma_start3A_89 = arith.constant 0 : i32
    %dma_start3A_90 = arith.constant 0 : i32
    %dma_start3A_91 = tpu.memref_slice %arg13[%dma_start3A_89, %dma_start3A_90] : memref<10112x32xf32, #tpu.memory_space<vmem_shared>> -> memref<10112x32xf32, #tpu.memory_space<vmem_shared>>
    tpu.enqueue_indirect_dma source(%dma_start3A_91 : memref<10112x32xf32, #tpu.memory_space<vmem_shared>>) target(%dma_start3A_85 : memref<128x32xf32, #tpu.memory_space<vmem>>) offsets(%dma_start3A_88 : memref<128xi32, #tpu.memory_space<vmem>>) semaphore(%arg14 : memref<!tpu.dma_semaphore, #tpu.memory_space<semaphore_mem>>)
    %dma_start3A_92 = arith.constant 8 : i32
    %dma_start3A_93 = arith.constant 1024 : i32
    %dma_start3A_94 = arith.constant 0 : i32
    %dma_start3A_95 = tpu.memref_slice %arg10[%dma_start3A_93, %dma_start3A_94] : memref<1280x32xf32, #tpu.memory_space<vmem>> -> memref<128x32xf32, #tpu.memory_space<vmem>>
    %dma_start3A_96 = arith.constant 0 : i32
    %dma_start3A_97 = tpu.memref_slice %arg6[%dma_start3A_92, %dma_start3A_96] : memref<10x128xi32, #tpu.memory_space<vmem>> -> memref<1x128xi32, #tpu.memory_space<vmem>>
    %dma_start3A_98 = tpu.memref_squeeze %dma_start3A_97 : memref<1x128xi32, #tpu.memory_space<vmem>> -> memref<128xi32, #tpu.memory_space<vmem>>
    %dma_start3A_99 = arith.constant 0 : i32
    %dma_start3A_100 = arith.constant 0 : i32
    %dma_start3A_101 = tpu.memref_slice %arg13[%dma_start3A_99, %dma_start3A_100] : memref<10112x32xf32, #tpu.memory_space<vmem_shared>> -> memref<10112x32xf32, #tpu.memory_space<vmem_shared>>
    tpu.enqueue_indirect_dma source(%dma_start3A_101 : memref<10112x32xf32, #tpu.memory_space<vmem_shared>>) target(%dma_start3A_95 : memref<128x32xf32, #tpu.memory_space<vmem>>) offsets(%dma_start3A_98 : memref<128xi32, #tpu.memory_space<vmem>>) semaphore(%arg14 : memref<!tpu.dma_semaphore, #tpu.memory_space<semaphore_mem>>)
    %dma_start3A_102 = arith.constant 9 : i32
    %dma_start3A_103 = arith.constant 1152 : i32
    %dma_start3A_104 = arith.constant 0 : i32
    %dma_start3A_105 = tpu.memref_slice %arg10[%dma_start3A_103, %dma_start3A_104] : memref<1280x32xf32, #tpu.memory_space<vmem>> -> memref<128x32xf32, #tpu.memory_space<vmem>>
    %dma_start3A_106 = arith.constant 0 : i32
    %dma_start3A_107 = tpu.memref_slice %arg6[%dma_start3A_102, %dma_start3A_106] : memref<10x128xi32, #tpu.memory_space<vmem>> -> memref<1x128xi32, #tpu.memory_space<vmem>>
    %dma_start3A_108 = tpu.memref_squeeze %dma_start3A_107 : memref<1x128xi32, #tpu.memory_space<vmem>> -> memref<128xi32, #tpu.memory_space<vmem>>
    %dma_start3A_109 = arith.constant 0 : i32
    %dma_start3A_110 = arith.constant 0 : i32
    %dma_start3A_111 = tpu.memref_slice %arg13[%dma_start3A_109, %dma_start3A_110] : memref<10112x32xf32, #tpu.memory_space<vmem_shared>> -> memref<10112x32xf32, #tpu.memory_space<vmem_shared>>
    tpu.enqueue_indirect_dma source(%dma_start3A_111 : memref<10112x32xf32, #tpu.memory_space<vmem_shared>>) target(%dma_start3A_105 : memref<128x32xf32, #tpu.memory_space<vmem>>) offsets(%dma_start3A_108 : memref<128xi32, #tpu.memory_space<vmem>>) semaphore(%arg14 : memref<!tpu.dma_semaphore, #tpu.memory_space<semaphore_mem>>)
    %add3A_112 = arith.constant 10 : i32
    %add3A_113 = arith.addi %mul3A_2, %add3A_112 : i32
    "tpu.region"() ({
      %run_scoped3A = tpu.sem_alloc : memref<!tpu.dma_semaphore, #tpu.memory_space<semaphore_mem>>
      %dma_start3A_1271 = arith.constant 0 : i32
      %dma_start3A_1272 = tpu.memref_slice %arg3[%add3A_113, %dma_start3A_1271] : memref<2560x128xi32, #tpu.memory_space<hbm>> -> memref<10x128xi32, #tpu.memory_space<hbm>>
      %dma_start3A_1273 = arith.constant 0 : i32
      %dma_start3A_1274 = tpu.memref_slice %arg3[%add3A_113, %dma_start3A_1273] : memref<2560x128xi32, #tpu.memory_space<hbm>> -> memref<10x128xi32, #tpu.memory_space<hbm>>
      tpu.enqueue_dma source(%dma_start3A_1274 : memref<10x128xi32, #tpu.memory_space<hbm>>) target(%arg7 : memref<10x128xi32, #tpu.memory_space<vmem>>) target_semaphore(%run_scoped3A : memref<!tpu.dma_semaphore, #tpu.memory_space<semaphore_mem>>)
      %dma_wait3A_1275 = arith.constant 0 : i32
      %dma_wait3A_1276 = tpu.memref_slice %arg3[%add3A_113, %dma_wait3A_1275] : memref<2560x128xi32, #tpu.memory_space<hbm>> -> memref<10x128xi32, #tpu.memory_space<hbm>>
      %dma_wait3A_1277 = arith.constant 0 : i32
      %dma_wait3A_1278 = tpu.memref_slice %arg3[%add3A_113, %dma_wait3A_1277] : memref<2560x128xi32, #tpu.memory_space<hbm>> -> memref<10x128xi32, #tpu.memory_space<hbm>>
      tpu.wait_dma2 semaphore(%run_scoped3A : memref<!tpu.dma_semaphore, #tpu.memory_space<semaphore_mem>>) src(%dma_wait3A_1278 : memref<10x128xi32, #tpu.memory_space<hbm>>) dst(%arg7 : memref<10x128xi32, #tpu.memory_space<vmem>>)
      tpu.yield
    }) : () -> ()
    "tpu.region"() ({
      %run_scoped3A = tpu.sem_alloc : memref<!tpu.dma_semaphore, #tpu.memory_space<semaphore_mem>>
      %dma_start3A_1271 = arith.constant 0 : i32
      %dma_start3A_1272 = tpu.memref_slice %arg4[%add3A_113, %dma_start3A_1271] : memref<2560x128xi32, #tpu.memory_space<hbm>> -> memref<10x128xi32, #tpu.memory_space<hbm>>
      %dma_start3A_1273 = arith.constant 0 : i32
      %dma_start3A_1274 = tpu.memref_slice %arg4[%add3A_113, %dma_start3A_1273] : memref<2560x128xi32, #tpu.memory_space<hbm>> -> memref<10x128xi32, #tpu.memory_space<hbm>>
      tpu.enqueue_dma source(%dma_start3A_1274 : memref<10x128xi32, #tpu.memory_space<hbm>>) target(%arg9 : memref<10x128xi32, #tpu.memory_space<vmem>>) target_semaphore(%run_scoped3A : memref<!tpu.dma_semaphore, #tpu.memory_space<semaphore_mem>>)
      %dma_wait3A_1275 = arith.constant 0 : i32
      %dma_wait3A_1276 = tpu.memref_slice %arg4[%add3A_113, %dma_wait3A_1275] : memref<2560x128xi32, #tpu.memory_space<hbm>> -> memref<10x128xi32, #tpu.memory_space<hbm>>
      %dma_wait3A_1277 = arith.constant 0 : i32
      %dma_wait3A_1278 = tpu.memref_slice %arg4[%add3A_113, %dma_wait3A_1277] : memref<2560x128xi32, #tpu.memory_space<hbm>> -> memref<10x128xi32, #tpu.memory_space<hbm>>
      tpu.wait_dma2 semaphore(%run_scoped3A : memref<!tpu.dma_semaphore, #tpu.memory_space<semaphore_mem>>) src(%dma_wait3A_1278 : memref<10x128xi32, #tpu.memory_space<hbm>>) dst(%arg9 : memref<10x128xi32, #tpu.memory_space<vmem>>)
      tpu.yield
    }) : () -> ()
    %dma_start3A_114 = arith.constant 0 : i32
    %dma_start3A_115 = arith.constant 0 : i32
    %dma_start3A_116 = arith.constant 0 : i32
    %dma_start3A_117 = tpu.memref_slice %arg11[%dma_start3A_115, %dma_start3A_116] : memref<1280x32xf32, #tpu.memory_space<vmem>> -> memref<128x32xf32, #tpu.memory_space<vmem>>
    %dma_start3A_118 = arith.constant 0 : i32
    %dma_start3A_119 = tpu.memref_slice %arg7[%dma_start3A_114, %dma_start3A_118] : memref<10x128xi32, #tpu.memory_space<vmem>> -> memref<1x128xi32, #tpu.memory_space<vmem>>
    %dma_start3A_120 = tpu.memref_squeeze %dma_start3A_119 : memref<1x128xi32, #tpu.memory_space<vmem>> -> memref<128xi32, #tpu.memory_space<vmem>>
    %dma_start3A_121 = arith.constant 0 : i32
    %dma_start3A_122 = arith.constant 0 : i32
    %dma_start3A_123 = tpu.memref_slice %arg13[%dma_start3A_121, %dma_start3A_122] : memref<10112x32xf32, #tpu.memory_space<vmem_shared>> -> memref<10112x32xf32, #tpu.memory_space<vmem_shared>>
    tpu.enqueue_indirect_dma source(%dma_start3A_123 : memref<10112x32xf32, #tpu.memory_space<vmem_shared>>) target(%dma_start3A_117 : memref<128x32xf32, #tpu.memory_space<vmem>>) offsets(%dma_start3A_120 : memref<128xi32, #tpu.memory_space<vmem>>) semaphore(%arg15 : memref<!tpu.dma_semaphore, #tpu.memory_space<semaphore_mem>>)
    %dma_start3A_124 = arith.constant 1 : i32
    %dma_start3A_125 = arith.constant 128 : i32
    %dma_start3A_126 = arith.constant 0 : i32
    %dma_start3A_127 = tpu.memref_slice %arg11[%dma_start3A_125, %dma_start3A_126] : memref<1280x32xf32, #tpu.memory_space<vmem>> -> memref<128x32xf32, #tpu.memory_space<vmem>>
    %dma_start3A_128 = arith.constant 0 : i32
    %dma_start3A_129 = tpu.memref_slice %arg7[%dma_start3A_124, %dma_start3A_128] : memref<10x128xi32, #tpu.memory_space<vmem>> -> memref<1x128xi32, #tpu.memory_space<vmem>>
    %dma_start3A_130 = tpu.memref_squeeze %dma_start3A_129 : memref<1x128xi32, #tpu.memory_space<vmem>> -> memref<128xi32, #tpu.memory_space<vmem>>
    %dma_start3A_131 = arith.constant 0 : i32
    %dma_start3A_132 = arith.constant 0 : i32
    %dma_start3A_133 = tpu.memref_slice %arg13[%dma_start3A_131, %dma_start3A_132] : memref<10112x32xf32, #tpu.memory_space<vmem_shared>> -> memref<10112x32xf32, #tpu.memory_space<vmem_shared>>
    tpu.enqueue_indirect_dma source(%dma_start3A_133 : memref<10112x32xf32, #tpu.memory_space<vmem_shared>>) target(%dma_start3A_127 : memref<128x32xf32, #tpu.memory_space<vmem>>) offsets(%dma_start3A_130 : memref<128xi32, #tpu.memory_space<vmem>>) semaphore(%arg15 : memref<!tpu.dma_semaphore, #tpu.memory_space<semaphore_mem>>)
    %dma_start3A_134 = arith.constant 2 : i32
    %dma_start3A_135 = arith.constant 256 : i32
    %dma_start3A_136 = arith.constant 0 : i32
    %dma_start3A_137 = tpu.memref_slice %arg11[%dma_start3A_135, %dma_start3A_136] : memref<1280x32xf32, #tpu.memory_space<vmem>> -> memref<128x32xf32, #tpu.memory_space<vmem>>
    %dma_start3A_138 = arith.constant 0 : i32
    %dma_start3A_139 = tpu.memref_slice %arg7[%dma_start3A_134, %dma_start3A_138] : memref<10x128xi32, #tpu.memory_space<vmem>> -> memref<1x128xi32, #tpu.memory_space<vmem>>
    %dma_start3A_140 = tpu.memref_squeeze %dma_start3A_139 : memref<1x128xi32, #tpu.memory_space<vmem>> -> memref<128xi32, #tpu.memory_space<vmem>>
    %dma_start3A_141 = arith.constant 0 : i32
    %dma_start3A_142 = arith.constant 0 : i32
    %dma_start3A_143 = tpu.memref_slice %arg13[%dma_start3A_141, %dma_start3A_142] : memref<10112x32xf32, #tpu.memory_space<vmem_shared>> -> memref<10112x32xf32, #tpu.memory_space<vmem_shared>>
    tpu.enqueue_indirect_dma source(%dma_start3A_143 : memref<10112x32xf32, #tpu.memory_space<vmem_shared>>) target(%dma_start3A_137 : memref<128x32xf32, #tpu.memory_space<vmem>>) offsets(%dma_start3A_140 : memref<128xi32, #tpu.memory_space<vmem>>) semaphore(%arg15 : memref<!tpu.dma_semaphore, #tpu.memory_space<semaphore_mem>>)
    %dma_start3A_144 = arith.constant 3 : i32
    %dma_start3A_145 = arith.constant 384 : i32
    %dma_start3A_146 = arith.constant 0 : i32
    %dma_start3A_147 = tpu.memref_slice %arg11[%dma_start3A_145, %dma_start3A_146] : memref<1280x32xf32, #tpu.memory_space<vmem>> -> memref<128x32xf32, #tpu.memory_space<vmem>>
    %dma_start3A_148 = arith.constant 0 : i32
    %dma_start3A_149 = tpu.memref_slice %arg7[%dma_start3A_144, %dma_start3A_148] : memref<10x128xi32, #tpu.memory_space<vmem>> -> memref<1x128xi32, #tpu.memory_space<vmem>>
    %dma_start3A_150 = tpu.memref_squeeze %dma_start3A_149 : memref<1x128xi32, #tpu.memory_space<vmem>> -> memref<128xi32, #tpu.memory_space<vmem>>
    %dma_start3A_151 = arith.constant 0 : i32
    %dma_start3A_152 = arith.constant 0 : i32
    %dma_start3A_153 = tpu.memref_slice %arg13[%dma_start3A_151, %dma_start3A_152] : memref<10112x32xf32, #tpu.memory_space<vmem_shared>> -> memref<10112x32xf32, #tpu.memory_space<vmem_shared>>
    tpu.enqueue_indirect_dma source(%dma_start3A_153 : memref<10112x32xf32, #tpu.memory_space<vmem_shared>>) target(%dma_start3A_147 : memref<128x32xf32, #tpu.memory_space<vmem>>) offsets(%dma_start3A_150 : memref<128xi32, #tpu.memory_space<vmem>>) semaphore(%arg15 : memref<!tpu.dma_semaphore, #tpu.memory_space<semaphore_mem>>)
    %dma_start3A_154 = arith.constant 4 : i32
    %dma_start3A_155 = arith.constant 512 : i32
    %dma_start3A_156 = arith.constant 0 : i32
    %dma_start3A_157 = tpu.memref_slice %arg11[%dma_start3A_155, %dma_start3A_156] : memref<1280x32xf32, #tpu.memory_space<vmem>> -> memref<128x32xf32, #tpu.memory_space<vmem>>
    %dma_start3A_158 = arith.constant 0 : i32
    %dma_start3A_159 = tpu.memref_slice %arg7[%dma_start3A_154, %dma_start3A_158] : memref<10x128xi32, #tpu.memory_space<vmem>> -> memref<1x128xi32, #tpu.memory_space<vmem>>
    %dma_start3A_160 = tpu.memref_squeeze %dma_start3A_159 : memref<1x128xi32, #tpu.memory_space<vmem>> -> memref<128xi32, #tpu.memory_space<vmem>>
    %dma_start3A_161 = arith.constant 0 : i32
    %dma_start3A_162 = arith.constant 0 : i32
    %dma_start3A_163 = tpu.memref_slice %arg13[%dma_start3A_161, %dma_start3A_162] : memref<10112x32xf32, #tpu.memory_space<vmem_shared>> -> memref<10112x32xf32, #tpu.memory_space<vmem_shared>>
    tpu.enqueue_indirect_dma source(%dma_start3A_163 : memref<10112x32xf32, #tpu.memory_space<vmem_shared>>) target(%dma_start3A_157 : memref<128x32xf32, #tpu.memory_space<vmem>>) offsets(%dma_start3A_160 : memref<128xi32, #tpu.memory_space<vmem>>) semaphore(%arg15 : memref<!tpu.dma_semaphore, #tpu.memory_space<semaphore_mem>>)
    %dma_start3A_164 = arith.constant 5 : i32
    %dma_start3A_165 = arith.constant 640 : i32
    %dma_start3A_166 = arith.constant 0 : i32
    %dma_start3A_167 = tpu.memref_slice %arg11[%dma_start3A_165, %dma_start3A_166] : memref<1280x32xf32, #tpu.memory_space<vmem>> -> memref<128x32xf32, #tpu.memory_space<vmem>>
    %dma_start3A_168 = arith.constant 0 : i32
    %dma_start3A_169 = tpu.memref_slice %arg7[%dma_start3A_164, %dma_start3A_168] : memref<10x128xi32, #tpu.memory_space<vmem>> -> memref<1x128xi32, #tpu.memory_space<vmem>>
    %dma_start3A_170 = tpu.memref_squeeze %dma_start3A_169 : memref<1x128xi32, #tpu.memory_space<vmem>> -> memref<128xi32, #tpu.memory_space<vmem>>
    %dma_start3A_171 = arith.constant 0 : i32
    %dma_start3A_172 = arith.constant 0 : i32
    %dma_start3A_173 = tpu.memref_slice %arg13[%dma_start3A_171, %dma_start3A_172] : memref<10112x32xf32, #tpu.memory_space<vmem_shared>> -> memref<10112x32xf32, #tpu.memory_space<vmem_shared>>
    tpu.enqueue_indirect_dma source(%dma_start3A_173 : memref<10112x32xf32, #tpu.memory_space<vmem_shared>>) target(%dma_start3A_167 : memref<128x32xf32, #tpu.memory_space<vmem>>) offsets(%dma_start3A_170 : memref<128xi32, #tpu.memory_space<vmem>>) semaphore(%arg15 : memref<!tpu.dma_semaphore, #tpu.memory_space<semaphore_mem>>)
    %dma_start3A_174 = arith.constant 6 : i32
    %dma_start3A_175 = arith.constant 768 : i32
    %dma_start3A_176 = arith.constant 0 : i32
    %dma_start3A_177 = tpu.memref_slice %arg11[%dma_start3A_175, %dma_start3A_176] : memref<1280x32xf32, #tpu.memory_space<vmem>> -> memref<128x32xf32, #tpu.memory_space<vmem>>
    %dma_start3A_178 = arith.constant 0 : i32
    %dma_start3A_179 = tpu.memref_slice %arg7[%dma_start3A_174, %dma_start3A_178] : memref<10x128xi32, #tpu.memory_space<vmem>> -> memref<1x128xi32, #tpu.memory_space<vmem>>
    %dma_start3A_180 = tpu.memref_squeeze %dma_start3A_179 : memref<1x128xi32, #tpu.memory_space<vmem>> -> memref<128xi32, #tpu.memory_space<vmem>>
    %dma_start3A_181 = arith.constant 0 : i32
    %dma_start3A_182 = arith.constant 0 : i32
    %dma_start3A_183 = tpu.memref_slice %arg13[%dma_start3A_181, %dma_start3A_182] : memref<10112x32xf32, #tpu.memory_space<vmem_shared>> -> memref<10112x32xf32, #tpu.memory_space<vmem_shared>>
    tpu.enqueue_indirect_dma source(%dma_start3A_183 : memref<10112x32xf32, #tpu.memory_space<vmem_shared>>) target(%dma_start3A_177 : memref<128x32xf32, #tpu.memory_space<vmem>>) offsets(%dma_start3A_180 : memref<128xi32, #tpu.memory_space<vmem>>) semaphore(%arg15 : memref<!tpu.dma_semaphore, #tpu.memory_space<semaphore_mem>>)
    %dma_start3A_184 = arith.constant 7 : i32
    %dma_start3A_185 = arith.constant 896 : i32
    %dma_start3A_186 = arith.constant 0 : i32
    %dma_start3A_187 = tpu.memref_slice %arg11[%dma_start3A_185, %dma_start3A_186] : memref<1280x32xf32, #tpu.memory_space<vmem>> -> memref<128x32xf32, #tpu.memory_space<vmem>>
    %dma_start3A_188 = arith.constant 0 : i32
    %dma_start3A_189 = tpu.memref_slice %arg7[%dma_start3A_184, %dma_start3A_188] : memref<10x128xi32, #tpu.memory_space<vmem>> -> memref<1x128xi32, #tpu.memory_space<vmem>>
    %dma_start3A_190 = tpu.memref_squeeze %dma_start3A_189 : memref<1x128xi32, #tpu.memory_space<vmem>> -> memref<128xi32, #tpu.memory_space<vmem>>
    %dma_start3A_191 = arith.constant 0 : i32
    %dma_start3A_192 = arith.constant 0 : i32
    %dma_start3A_193 = tpu.memref_slice %arg13[%dma_start3A_191, %dma_start3A_192] : memref<10112x32xf32, #tpu.memory_space<vmem_shared>> -> memref<10112x32xf32, #tpu.memory_space<vmem_shared>>
    tpu.enqueue_indirect_dma source(%dma_start3A_193 : memref<10112x32xf32, #tpu.memory_space<vmem_shared>>) target(%dma_start3A_187 : memref<128x32xf32, #tpu.memory_space<vmem>>) offsets(%dma_start3A_190 : memref<128xi32, #tpu.memory_space<vmem>>) semaphore(%arg15 : memref<!tpu.dma_semaphore, #tpu.memory_space<semaphore_mem>>)
    %dma_start3A_194 = arith.constant 8 : i32
    %dma_start3A_195 = arith.constant 1024 : i32
    %dma_start3A_196 = arith.constant 0 : i32
    %dma_start3A_197 = tpu.memref_slice %arg11[%dma_start3A_195, %dma_start3A_196] : memref<1280x32xf32, #tpu.memory_space<vmem>> -> memref<128x32xf32, #tpu.memory_space<vmem>>
    %dma_start3A_198 = arith.constant 0 : i32
    %dma_start3A_199 = tpu.memref_slice %arg7[%dma_start3A_194, %dma_start3A_198] : memref<10x128xi32, #tpu.memory_space<vmem>> -> memref<1x128xi32, #tpu.memory_space<vmem>>
    %dma_start3A_200 = tpu.memref_squeeze %dma_start3A_199 : memref<1x128xi32, #tpu.memory_space<vmem>> -> memref<128xi32, #tpu.memory_space<vmem>>
    %dma_start3A_201 = arith.constant 0 : i32
    %dma_start3A_202 = arith.constant 0 : i32
    %dma_start3A_203 = tpu.memref_slice %arg13[%dma_start3A_201, %dma_start3A_202] : memref<10112x32xf32, #tpu.memory_space<vmem_shared>> -> memref<10112x32xf32, #tpu.memory_space<vmem_shared>>
    tpu.enqueue_indirect_dma source(%dma_start3A_203 : memref<10112x32xf32, #tpu.memory_space<vmem_shared>>) target(%dma_start3A_197 : memref<128x32xf32, #tpu.memory_space<vmem>>) offsets(%dma_start3A_200 : memref<128xi32, #tpu.memory_space<vmem>>) semaphore(%arg15 : memref<!tpu.dma_semaphore, #tpu.memory_space<semaphore_mem>>)
    %dma_start3A_204 = arith.constant 9 : i32
    %dma_start3A_205 = arith.constant 1152 : i32
    %dma_start3A_206 = arith.constant 0 : i32
    %dma_start3A_207 = tpu.memref_slice %arg11[%dma_start3A_205, %dma_start3A_206] : memref<1280x32xf32, #tpu.memory_space<vmem>> -> memref<128x32xf32, #tpu.memory_space<vmem>>
    %dma_start3A_208 = arith.constant 0 : i32
    %dma_start3A_209 = tpu.memref_slice %arg7[%dma_start3A_204, %dma_start3A_208] : memref<10x128xi32, #tpu.memory_space<vmem>> -> memref<1x128xi32, #tpu.memory_space<vmem>>
    %dma_start3A_210 = tpu.memref_squeeze %dma_start3A_209 : memref<1x128xi32, #tpu.memory_space<vmem>> -> memref<128xi32, #tpu.memory_space<vmem>>
    %dma_start3A_211 = arith.constant 0 : i32
    %dma_start3A_212 = arith.constant 0 : i32
    %dma_start3A_213 = tpu.memref_slice %arg13[%dma_start3A_211, %dma_start3A_212] : memref<10112x32xf32, #tpu.memory_space<vmem_shared>> -> memref<10112x32xf32, #tpu.memory_space<vmem_shared>>
    tpu.enqueue_indirect_dma source(%dma_start3A_213 : memref<10112x32xf32, #tpu.memory_space<vmem_shared>>) target(%dma_start3A_207 : memref<128x32xf32, #tpu.memory_space<vmem>>) offsets(%dma_start3A_210 : memref<128xi32, #tpu.memory_space<vmem>>) semaphore(%arg15 : memref<!tpu.dma_semaphore, #tpu.memory_space<semaphore_mem>>)
    %scan3A = arith.constant 0 : i32
    %scan3A_214 = arith.constant 0 : i32
    %scan3A_215 = arith.constant 3 : i32
    %scan3A_216 = arith.addi %scan3A_214, %scan3A_215 : i32
    %scan3A_217 = arith.constant 1 : i32
    scf.for %scan3A_1271 = %scan3A_214 to %scan3A_216 step %scan3A_217  : i32 {
      %dma_wait3A_1272 = arith.constant 0 : i32
      %dma_wait3A_1273 = arith.constant 0 : i32
      %dma_wait3A_1274 = tpu.memref_slice %arg2[%dma_wait3A_1272, %dma_wait3A_1273] : memref<10112x64xf32, #tpu.memory_space<hbm>> -> memref<1280x32xf32, #tpu.memory_space<hbm>>
      %dma_wait3A_1275 = arith.constant 0 : i32
      %dma_wait3A_1276 = arith.constant 0 : i32
      %dma_wait3A_1277 = tpu.memref_slice %arg2[%dma_wait3A_1275, %dma_wait3A_1276] : memref<10112x64xf32, #tpu.memory_space<hbm>> -> memref<1280x32xf32, #tpu.memory_space<hbm>>
      tpu.wait_dma2 semaphore(%arg14 : memref<!tpu.dma_semaphore, #tpu.memory_space<semaphore_mem>>) src(%dma_wait3A_1277 : memref<1280x32xf32, #tpu.memory_space<hbm>>) dst(%arg10 : memref<1280x32xf32, #tpu.memory_space<vmem>>)
      %dma_start3A_1278 = arith.constant 0 : i32
      %dma_start3A_1279 = arith.constant 0 : i32
      %dma_start3A_1280 = arith.constant 0 : i32
      %dma_start3A_1281 = tpu.memref_slice %arg10[%dma_start3A_1279, %dma_start3A_1280] : memref<1280x32xf32, #tpu.memory_space<vmem>> -> memref<128x32xf32, #tpu.memory_space<vmem>>
      %dma_start3A_1282 = arith.constant 0 : i32
      %dma_start3A_1283 = tpu.memref_slice %arg8[%dma_start3A_1278, %dma_start3A_1282] : memref<10x128xi32, #tpu.memory_space<vmem>> -> memref<1x128xi32, #tpu.memory_space<vmem>>
      %dma_start3A_1284 = tpu.memref_squeeze %dma_start3A_1283 : memref<1x128xi32, #tpu.memory_space<vmem>> -> memref<128xi32, #tpu.memory_space<vmem>>
      %dma_start3A_1285 = arith.constant 0 : i32
      %dma_start3A_1286 = arith.constant 0 : i32
      %dma_start3A_1287 = tpu.memref_slice %arg12[%dma_start3A_1285, %dma_start3A_1286] : memref<10112x32xf32, #tpu.memory_space<vmem_shared>> -> memref<10112x32xf32, #tpu.memory_space<vmem_shared>>
      tpu.enqueue_indirect_dma source(%dma_start3A_1281 : memref<128x32xf32, #tpu.memory_space<vmem>>) target(%dma_start3A_1287 : memref<10112x32xf32, #tpu.memory_space<vmem_shared>>) offsets(%dma_start3A_1284 : memref<128xi32, #tpu.memory_space<vmem>>) semaphore(%arg16 : memref<!tpu.dma_semaphore, #tpu.memory_space<semaphore_mem>>) {add = true}
      %dma_start3A_1288 = arith.constant 1 : i32
      %dma_start3A_1289 = arith.constant 128 : i32
      %dma_start3A_1290 = arith.constant 0 : i32
      %dma_start3A_1291 = tpu.memref_slice %arg10[%dma_start3A_1289, %dma_start3A_1290] : memref<1280x32xf32, #tpu.memory_space<vmem>> -> memref<128x32xf32, #tpu.memory_space<vmem>>
      %dma_start3A_1292 = arith.constant 0 : i32
      %dma_start3A_1293 = tpu.memref_slice %arg8[%dma_start3A_1288, %dma_start3A_1292] : memref<10x128xi32, #tpu.memory_space<vmem>> -> memref<1x128xi32, #tpu.memory_space<vmem>>
      %dma_start3A_1294 = tpu.memref_squeeze %dma_start3A_1293 : memref<1x128xi32, #tpu.memory_space<vmem>> -> memref<128xi32, #tpu.memory_space<vmem>>
      %dma_start3A_1295 = arith.constant 0 : i32
      %dma_start3A_1296 = arith.constant 0 : i32
      %dma_start3A_1297 = tpu.memref_slice %arg12[%dma_start3A_1295, %dma_start3A_1296] : memref<10112x32xf32, #tpu.memory_space<vmem_shared>> -> memref<10112x32xf32, #tpu.memory_space<vmem_shared>>
      tpu.enqueue_indirect_dma source(%dma_start3A_1291 : memref<128x32xf32, #tpu.memory_space<vmem>>) target(%dma_start3A_1297 : memref<10112x32xf32, #tpu.memory_space<vmem_shared>>) offsets(%dma_start3A_1294 : memref<128xi32, #tpu.memory_space<vmem>>) semaphore(%arg16 : memref<!tpu.dma_semaphore, #tpu.memory_space<semaphore_mem>>) {add = true}
      %dma_start3A_1298 = arith.constant 2 : i32
      %dma_start3A_1299 = arith.constant 256 : i32
      %dma_start3A_1300 = arith.constant 0 : i32
      %dma_start3A_1301 = tpu.memref_slice %arg10[%dma_start3A_1299, %dma_start3A_1300] : memref<1280x32xf32, #tpu.memory_space<vmem>> -> memref<128x32xf32, #tpu.memory_space<vmem>>
      %dma_start3A_1302 = arith.constant 0 : i32
      %dma_start3A_1303 = tpu.memref_slice %arg8[%dma_start3A_1298, %dma_start3A_1302] : memref<10x128xi32, #tpu.memory_space<vmem>> -> memref<1x128xi32, #tpu.memory_space<vmem>>
      %dma_start3A_1304 = tpu.memref_squeeze %dma_start3A_1303 : memref<1x128xi32, #tpu.memory_space<vmem>> -> memref<128xi32, #tpu.memory_space<vmem>>
      %dma_start3A_1305 = arith.constant 0 : i32
      %dma_start3A_1306 = arith.constant 0 : i32
      %dma_start3A_1307 = tpu.memref_slice %arg12[%dma_start3A_1305, %dma_start3A_1306] : memref<10112x32xf32, #tpu.memory_space<vmem_shared>> -> memref<10112x32xf32, #tpu.memory_space<vmem_shared>>
      tpu.enqueue_indirect_dma source(%dma_start3A_1301 : memref<128x32xf32, #tpu.memory_space<vmem>>) target(%dma_start3A_1307 : memref<10112x32xf32, #tpu.memory_space<vmem_shared>>) offsets(%dma_start3A_1304 : memref<128xi32, #tpu.memory_space<vmem>>) semaphore(%arg16 : memref<!tpu.dma_semaphore, #tpu.memory_space<semaphore_mem>>) {add = true}
      %dma_start3A_1308 = arith.constant 3 : i32
      %dma_start3A_1309 = arith.constant 384 : i32
      %dma_start3A_1310 = arith.constant 0 : i32
      %dma_start3A_1311 = tpu.memref_slice %arg10[%dma_start3A_1309, %dma_start3A_1310] : memref<1280x32xf32, #tpu.memory_space<vmem>> -> memref<128x32xf32, #tpu.memory_space<vmem>>
      %dma_start3A_1312 = arith.constant 0 : i32
      %dma_start3A_1313 = tpu.memref_slice %arg8[%dma_start3A_1308, %dma_start3A_1312] : memref<10x128xi32, #tpu.memory_space<vmem>> -> memref<1x128xi32, #tpu.memory_space<vmem>>
      %dma_start3A_1314 = tpu.memref_squeeze %dma_start3A_1313 : memref<1x128xi32, #tpu.memory_space<vmem>> -> memref<128xi32, #tpu.memory_space<vmem>>
      %dma_start3A_1315 = arith.constant 0 : i32
      %dma_start3A_1316 = arith.constant 0 : i32
      %dma_start3A_1317 = tpu.memref_slice %arg12[%dma_start3A_1315, %dma_start3A_1316] : memref<10112x32xf32, #tpu.memory_space<vmem_shared>> -> memref<10112x32xf32, #tpu.memory_space<vmem_shared>>
      tpu.enqueue_indirect_dma source(%dma_start3A_1311 : memref<128x32xf32, #tpu.memory_space<vmem>>) target(%dma_start3A_1317 : memref<10112x32xf32, #tpu.memory_space<vmem_shared>>) offsets(%dma_start3A_1314 : memref<128xi32, #tpu.memory_space<vmem>>) semaphore(%arg16 : memref<!tpu.dma_semaphore, #tpu.memory_space<semaphore_mem>>) {add = true}
      %dma_start3A_1318 = arith.constant 4 : i32
      %dma_start3A_1319 = arith.constant 512 : i32
      %dma_start3A_1320 = arith.constant 0 : i32
      %dma_start3A_1321 = tpu.memref_slice %arg10[%dma_start3A_1319, %dma_start3A_1320] : memref<1280x32xf32, #tpu.memory_space<vmem>> -> memref<128x32xf32, #tpu.memory_space<vmem>>
      %dma_start3A_1322 = arith.constant 0 : i32
      %dma_start3A_1323 = tpu.memref_slice %arg8[%dma_start3A_1318, %dma_start3A_1322] : memref<10x128xi32, #tpu.memory_space<vmem>> -> memref<1x128xi32, #tpu.memory_space<vmem>>
      %dma_start3A_1324 = tpu.memref_squeeze %dma_start3A_1323 : memref<1x128xi32, #tpu.memory_space<vmem>> -> memref<128xi32, #tpu.memory_space<vmem>>
      %dma_start3A_1325 = arith.constant 0 : i32
      %dma_start3A_1326 = arith.constant 0 : i32
      %dma_start3A_1327 = tpu.memref_slice %arg12[%dma_start3A_1325, %dma_start3A_1326] : memref<10112x32xf32, #tpu.memory_space<vmem_shared>> -> memref<10112x32xf32, #tpu.memory_space<vmem_shared>>
      tpu.enqueue_indirect_dma source(%dma_start3A_1321 : memref<128x32xf32, #tpu.memory_space<vmem>>) target(%dma_start3A_1327 : memref<10112x32xf32, #tpu.memory_space<vmem_shared>>) offsets(%dma_start3A_1324 : memref<128xi32, #tpu.memory_space<vmem>>) semaphore(%arg16 : memref<!tpu.dma_semaphore, #tpu.memory_space<semaphore_mem>>) {add = true}
      %dma_start3A_1328 = arith.constant 5 : i32
      %dma_start3A_1329 = arith.constant 640 : i32
      %dma_start3A_1330 = arith.constant 0 : i32
      %dma_start3A_1331 = tpu.memref_slice %arg10[%dma_start3A_1329, %dma_start3A_1330] : memref<1280x32xf32, #tpu.memory_space<vmem>> -> memref<128x32xf32, #tpu.memory_space<vmem>>
      %dma_start3A_1332 = arith.constant 0 : i32
      %dma_start3A_1333 = tpu.memref_slice %arg8[%dma_start3A_1328, %dma_start3A_1332] : memref<10x128xi32, #tpu.memory_space<vmem>> -> memref<1x128xi32, #tpu.memory_space<vmem>>
      %dma_start3A_1334 = tpu.memref_squeeze %dma_start3A_1333 : memref<1x128xi32, #tpu.memory_space<vmem>> -> memref<128xi32, #tpu.memory_space<vmem>>
      %dma_start3A_1335 = arith.constant 0 : i32
      %dma_start3A_1336 = arith.constant 0 : i32
      %dma_start3A_1337 = tpu.memref_slice %arg12[%dma_start3A_1335, %dma_start3A_1336] : memref<10112x32xf32, #tpu.memory_space<vmem_shared>> -> memref<10112x32xf32, #tpu.memory_space<vmem_shared>>
      tpu.enqueue_indirect_dma source(%dma_start3A_1331 : memref<128x32xf32, #tpu.memory_space<vmem>>) target(%dma_start3A_1337 : memref<10112x32xf32, #tpu.memory_space<vmem_shared>>) offsets(%dma_start3A_1334 : memref<128xi32, #tpu.memory_space<vmem>>) semaphore(%arg16 : memref<!tpu.dma_semaphore, #tpu.memory_space<semaphore_mem>>) {add = true}
      %dma_start3A_1338 = arith.constant 6 : i32
      %dma_start3A_1339 = arith.constant 768 : i32
      %dma_start3A_1340 = arith.constant 0 : i32
      %dma_start3A_1341 = tpu.memref_slice %arg10[%dma_start3A_1339, %dma_start3A_1340] : memref<1280x32xf32, #tpu.memory_space<vmem>> -> memref<128x32xf32, #tpu.memory_space<vmem>>
      %dma_start3A_1342 = arith.constant 0 : i32
      %dma_start3A_1343 = tpu.memref_slice %arg8[%dma_start3A_1338, %dma_start3A_1342] : memref<10x128xi32, #tpu.memory_space<vmem>> -> memref<1x128xi32, #tpu.memory_space<vmem>>
      %dma_start3A_1344 = tpu.memref_squeeze %dma_start3A_1343 : memref<1x128xi32, #tpu.memory_space<vmem>> -> memref<128xi32, #tpu.memory_space<vmem>>
      %dma_start3A_1345 = arith.constant 0 : i32
      %dma_start3A_1346 = arith.constant 0 : i32
      %dma_start3A_1347 = tpu.memref_slice %arg12[%dma_start3A_1345, %dma_start3A_1346] : memref<10112x32xf32, #tpu.memory_space<vmem_shared>> -> memref<10112x32xf32, #tpu.memory_space<vmem_shared>>
      tpu.enqueue_indirect_dma source(%dma_start3A_1341 : memref<128x32xf32, #tpu.memory_space<vmem>>) target(%dma_start3A_1347 : memref<10112x32xf32, #tpu.memory_space<vmem_shared>>) offsets(%dma_start3A_1344 : memref<128xi32, #tpu.memory_space<vmem>>) semaphore(%arg16 : memref<!tpu.dma_semaphore, #tpu.memory_space<semaphore_mem>>) {add = true}
      %dma_start3A_1348 = arith.constant 7 : i32
      %dma_start3A_1349 = arith.constant 896 : i32
      %dma_start3A_1350 = arith.constant 0 : i32
      %dma_start3A_1351 = tpu.memref_slice %arg10[%dma_start3A_1349, %dma_start3A_1350] : memref<1280x32xf32, #tpu.memory_space<vmem>> -> memref<128x32xf32, #tpu.memory_space<vmem>>
      %dma_start3A_1352 = arith.constant 0 : i32
      %dma_start3A_1353 = tpu.memref_slice %arg8[%dma_start3A_1348, %dma_start3A_1352] : memref<10x128xi32, #tpu.memory_space<vmem>> -> memref<1x128xi32, #tpu.memory_space<vmem>>
      %dma_start3A_1354 = tpu.memref_squeeze %dma_start3A_1353 : memref<1x128xi32, #tpu.memory_space<vmem>> -> memref<128xi32, #tpu.memory_space<vmem>>
      %dma_start3A_1355 = arith.constant 0 : i32
      %dma_start3A_1356 = arith.constant 0 : i32
      %dma_start3A_1357 = tpu.memref_slice %arg12[%dma_start3A_1355, %dma_start3A_1356] : memref<10112x32xf32, #tpu.memory_space<vmem_shared>> -> memref<10112x32xf32, #tpu.memory_space<vmem_shared>>
      tpu.enqueue_indirect_dma source(%dma_start3A_1351 : memref<128x32xf32, #tpu.memory_space<vmem>>) target(%dma_start3A_1357 : memref<10112x32xf32, #tpu.memory_space<vmem_shared>>) offsets(%dma_start3A_1354 : memref<128xi32, #tpu.memory_space<vmem>>) semaphore(%arg16 : memref<!tpu.dma_semaphore, #tpu.memory_space<semaphore_mem>>) {add = true}
      %dma_start3A_1358 = arith.constant 8 : i32
      %dma_start3A_1359 = arith.constant 1024 : i32
      %dma_start3A_1360 = arith.constant 0 : i32
      %dma_start3A_1361 = tpu.memref_slice %arg10[%dma_start3A_1359, %dma_start3A_1360] : memref<1280x32xf32, #tpu.memory_space<vmem>> -> memref<128x32xf32, #tpu.memory_space<vmem>>
      %dma_start3A_1362 = arith.constant 0 : i32
      %dma_start3A_1363 = tpu.memref_slice %arg8[%dma_start3A_1358, %dma_start3A_1362] : memref<10x128xi32, #tpu.memory_space<vmem>> -> memref<1x128xi32, #tpu.memory_space<vmem>>
      %dma_start3A_1364 = tpu.memref_squeeze %dma_start3A_1363 : memref<1x128xi32, #tpu.memory_space<vmem>> -> memref<128xi32, #tpu.memory_space<vmem>>
      %dma_start3A_1365 = arith.constant 0 : i32
      %dma_start3A_1366 = arith.constant 0 : i32
      %dma_start3A_1367 = tpu.memref_slice %arg12[%dma_start3A_1365, %dma_start3A_1366] : memref<10112x32xf32, #tpu.memory_space<vmem_shared>> -> memref<10112x32xf32, #tpu.memory_space<vmem_shared>>
      tpu.enqueue_indirect_dma source(%dma_start3A_1361 : memref<128x32xf32, #tpu.memory_space<vmem>>) target(%dma_start3A_1367 : memref<10112x32xf32, #tpu.memory_space<vmem_shared>>) offsets(%dma_start3A_1364 : memref<128xi32, #tpu.memory_space<vmem>>) semaphore(%arg16 : memref<!tpu.dma_semaphore, #tpu.memory_space<semaphore_mem>>) {add = true}
      %dma_start3A_1368 = arith.constant 9 : i32
      %dma_start3A_1369 = arith.constant 1152 : i32
      %dma_start3A_1370 = arith.constant 0 : i32
      %dma_start3A_1371 = tpu.memref_slice %arg10[%dma_start3A_1369, %dma_start3A_1370] : memref<1280x32xf32, #tpu.memory_space<vmem>> -> memref<128x32xf32, #tpu.memory_space<vmem>>
      %dma_start3A_1372 = arith.constant 0 : i32
      %dma_start3A_1373 = tpu.memref_slice %arg8[%dma_start3A_1368, %dma_start3A_1372] : memref<10x128xi32, #tpu.memory_space<vmem>> -> memref<1x128xi32, #tpu.memory_space<vmem>>
      %dma_start3A_1374 = tpu.memref_squeeze %dma_start3A_1373 : memref<1x128xi32, #tpu.memory_space<vmem>> -> memref<128xi32, #tpu.memory_space<vmem>>
      %dma_start3A_1375 = arith.constant 0 : i32
      %dma_start3A_1376 = arith.constant 0 : i32
      %dma_start3A_1377 = tpu.memref_slice %arg12[%dma_start3A_1375, %dma_start3A_1376] : memref<10112x32xf32, #tpu.memory_space<vmem_shared>> -> memref<10112x32xf32, #tpu.memory_space<vmem_shared>>
      tpu.enqueue_indirect_dma source(%dma_start3A_1371 : memref<128x32xf32, #tpu.memory_space<vmem>>) target(%dma_start3A_1377 : memref<10112x32xf32, #tpu.memory_space<vmem_shared>>) offsets(%dma_start3A_1374 : memref<128xi32, #tpu.memory_space<vmem>>) semaphore(%arg16 : memref<!tpu.dma_semaphore, #tpu.memory_space<semaphore_mem>>) {add = true}
      %dma_wait3A_1378 = arith.constant 0 : i32
      %dma_wait3A_1379 = arith.constant 0 : i32
      %dma_wait3A_1380 = arith.constant 0 : i32
      %dma_wait3A_1381 = tpu.memref_slice %arg10[%dma_wait3A_1379, %dma_wait3A_1380] : memref<1280x32xf32, #tpu.memory_space<vmem>> -> memref<128x32xf32, #tpu.memory_space<vmem>>
      %dma_wait3A_1382 = arith.constant 0 : i32
      %dma_wait3A_1383 = tpu.memref_slice %arg8[%dma_wait3A_1378, %dma_wait3A_1382] : memref<10x128xi32, #tpu.memory_space<vmem>> -> memref<1x128xi32, #tpu.memory_space<vmem>>
      %dma_wait3A_1384 = tpu.memref_squeeze %dma_wait3A_1383 : memref<1x128xi32, #tpu.memory_space<vmem>> -> memref<128xi32, #tpu.memory_space<vmem>>
      %dma_wait3A_1385 = arith.constant 0 : i32
      %dma_wait3A_1386 = arith.constant 0 : i32
      %dma_wait3A_1387 = tpu.memref_slice %arg12[%dma_wait3A_1385, %dma_wait3A_1386] : memref<10112x32xf32, #tpu.memory_space<vmem_shared>> -> memref<10112x32xf32, #tpu.memory_space<vmem_shared>>
      tpu.wait_indirect_dma semaphore(%arg16 : memref<!tpu.dma_semaphore, #tpu.memory_space<semaphore_mem>>) src(%dma_wait3A_1381 : memref<128x32xf32, #tpu.memory_space<vmem>>) dst(%dma_wait3A_1387 : memref<10112x32xf32, #tpu.memory_space<vmem_shared>>)
      %dma_wait3A_1388 = arith.constant 1 : i32
      %dma_wait3A_1389 = arith.constant 128 : i32
      %dma_wait3A_1390 = arith.constant 0 : i32
      %dma_wait3A_1391 = tpu.memref_slice %arg10[%dma_wait3A_1389, %dma_wait3A_1390] : memref<1280x32xf32, #tpu.memory_space<vmem>> -> memref<128x32xf32, #tpu.memory_space<vmem>>
      %dma_wait3A_1392 = arith.constant 0 : i32
      %dma_wait3A_1393 = tpu.memref_slice %arg8[%dma_wait3A_1388, %dma_wait3A_1392] : memref<10x128xi32, #tpu.memory_space<vmem>> -> memref<1x128xi32, #tpu.memory_space<vmem>>
      %dma_wait3A_1394 = tpu.memref_squeeze %dma_wait3A_1393 : memref<1x128xi32, #tpu.memory_space<vmem>> -> memref<128xi32, #tpu.memory_space<vmem>>
      %dma_wait3A_1395 = arith.constant 0 : i32
      %dma_wait3A_1396 = arith.constant 0 : i32
      %dma_wait3A_1397 = tpu.memref_slice %arg12[%dma_wait3A_1395, %dma_wait3A_1396] : memref<10112x32xf32, #tpu.memory_space<vmem_shared>> -> memref<10112x32xf32, #tpu.memory_space<vmem_shared>>
      tpu.wait_indirect_dma semaphore(%arg16 : memref<!tpu.dma_semaphore, #tpu.memory_space<semaphore_mem>>) src(%dma_wait3A_1391 : memref<128x32xf32, #tpu.memory_space<vmem>>) dst(%dma_wait3A_1397 : memref<10112x32xf32, #tpu.memory_space<vmem_shared>>)
      %dma_wait3A_1398 = arith.constant 2 : i32
      %dma_wait3A_1399 = arith.constant 256 : i32
      %dma_wait3A_1400 = arith.constant 0 : i32
      %dma_wait3A_1401 = tpu.memref_slice %arg10[%dma_wait3A_1399, %dma_wait3A_1400] : memref<1280x32xf32, #tpu.memory_space<vmem>> -> memref<128x32xf32, #tpu.memory_space<vmem>>
      %dma_wait3A_1402 = arith.constant 0 : i32
      %dma_wait3A_1403 = tpu.memref_slice %arg8[%dma_wait3A_1398, %dma_wait3A_1402] : memref<10x128xi32, #tpu.memory_space<vmem>> -> memref<1x128xi32, #tpu.memory_space<vmem>>
      %dma_wait3A_1404 = tpu.memref_squeeze %dma_wait3A_1403 : memref<1x128xi32, #tpu.memory_space<vmem>> -> memref<128xi32, #tpu.memory_space<vmem>>
      %dma_wait3A_1405 = arith.constant 0 : i32
      %dma_wait3A_1406 = arith.constant 0 : i32
      %dma_wait3A_1407 = tpu.memref_slice %arg12[%dma_wait3A_1405, %dma_wait3A_1406] : memref<10112x32xf32, #tpu.memory_space<vmem_shared>> -> memref<10112x32xf32, #tpu.memory_space<vmem_shared>>
      tpu.wait_indirect_dma semaphore(%arg16 : memref<!tpu.dma_semaphore, #tpu.memory_space<semaphore_mem>>) src(%dma_wait3A_1401 : memref<128x32xf32, #tpu.memory_space<vmem>>) dst(%dma_wait3A_1407 : memref<10112x32xf32, #tpu.memory_space<vmem_shared>>)
      %dma_wait3A_1408 = arith.constant 3 : i32
      %dma_wait3A_1409 = arith.constant 384 : i32
      %dma_wait3A_1410 = arith.constant 0 : i32
      %dma_wait3A_1411 = tpu.memref_slice %arg10[%dma_wait3A_1409, %dma_wait3A_1410] : memref<1280x32xf32, #tpu.memory_space<vmem>> -> memref<128x32xf32, #tpu.memory_space<vmem>>
      %dma_wait3A_1412 = arith.constant 0 : i32
      %dma_wait3A_1413 = tpu.memref_slice %arg8[%dma_wait3A_1408, %dma_wait3A_1412] : memref<10x128xi32, #tpu.memory_space<vmem>> -> memref<1x128xi32, #tpu.memory_space<vmem>>
      %dma_wait3A_1414 = tpu.memref_squeeze %dma_wait3A_1413 : memref<1x128xi32, #tpu.memory_space<vmem>> -> memref<128xi32, #tpu.memory_space<vmem>>
      %dma_wait3A_1415 = arith.constant 0 : i32
      %dma_wait3A_1416 = arith.constant 0 : i32
      %dma_wait3A_1417 = tpu.memref_slice %arg12[%dma_wait3A_1415, %dma_wait3A_1416] : memref<10112x32xf32, #tpu.memory_space<vmem_shared>> -> memref<10112x32xf32, #tpu.memory_space<vmem_shared>>
      tpu.wait_indirect_dma semaphore(%arg16 : memref<!tpu.dma_semaphore, #tpu.memory_space<semaphore_mem>>) src(%dma_wait3A_1411 : memref<128x32xf32, #tpu.memory_space<vmem>>) dst(%dma_wait3A_1417 : memref<10112x32xf32, #tpu.memory_space<vmem_shared>>)
      %dma_wait3A_1418 = arith.constant 4 : i32
      %dma_wait3A_1419 = arith.constant 512 : i32
      %dma_wait3A_1420 = arith.constant 0 : i32
      %dma_wait3A_1421 = tpu.memref_slice %arg10[%dma_wait3A_1419, %dma_wait3A_1420] : memref<1280x32xf32, #tpu.memory_space<vmem>> -> memref<128x32xf32, #tpu.memory_space<vmem>>
      %dma_wait3A_1422 = arith.constant 0 : i32
      %dma_wait3A_1423 = tpu.memref_slice %arg8[%dma_wait3A_1418, %dma_wait3A_1422] : memref<10x128xi32, #tpu.memory_space<vmem>> -> memref<1x128xi32, #tpu.memory_space<vmem>>
      %dma_wait3A_1424 = tpu.memref_squeeze %dma_wait3A_1423 : memref<1x128xi32, #tpu.memory_space<vmem>> -> memref<128xi32, #tpu.memory_space<vmem>>
      %dma_wait3A_1425 = arith.constant 0 : i32
      %dma_wait3A_1426 = arith.constant 0 : i32
      %dma_wait3A_1427 = tpu.memref_slice %arg12[%dma_wait3A_1425, %dma_wait3A_1426] : memref<10112x32xf32, #tpu.memory_space<vmem_shared>> -> memref<10112x32xf32, #tpu.memory_space<vmem_shared>>
      tpu.wait_indirect_dma semaphore(%arg16 : memref<!tpu.dma_semaphore, #tpu.memory_space<semaphore_mem>>) src(%dma_wait3A_1421 : memref<128x32xf32, #tpu.memory_space<vmem>>) dst(%dma_wait3A_1427 : memref<10112x32xf32, #tpu.memory_space<vmem_shared>>)
      %dma_wait3A_1428 = arith.constant 5 : i32
      %dma_wait3A_1429 = arith.constant 640 : i32
      %dma_wait3A_1430 = arith.constant 0 : i32
      %dma_wait3A_1431 = tpu.memref_slice %arg10[%dma_wait3A_1429, %dma_wait3A_1430] : memref<1280x32xf32, #tpu.memory_space<vmem>> -> memref<128x32xf32, #tpu.memory_space<vmem>>
      %dma_wait3A_1432 = arith.constant 0 : i32
      %dma_wait3A_1433 = tpu.memref_slice %arg8[%dma_wait3A_1428, %dma_wait3A_1432] : memref<10x128xi32, #tpu.memory_space<vmem>> -> memref<1x128xi32, #tpu.memory_space<vmem>>
      %dma_wait3A_1434 = tpu.memref_squeeze %dma_wait3A_1433 : memref<1x128xi32, #tpu.memory_space<vmem>> -> memref<128xi32, #tpu.memory_space<vmem>>
      %dma_wait3A_1435 = arith.constant 0 : i32
      %dma_wait3A_1436 = arith.constant 0 : i32
      %dma_wait3A_1437 = tpu.memref_slice %arg12[%dma_wait3A_1435, %dma_wait3A_1436] : memref<10112x32xf32, #tpu.memory_space<vmem_shared>> -> memref<10112x32xf32, #tpu.memory_space<vmem_shared>>
      tpu.wait_indirect_dma semaphore(%arg16 : memref<!tpu.dma_semaphore, #tpu.memory_space<semaphore_mem>>) src(%dma_wait3A_1431 : memref<128x32xf32, #tpu.memory_space<vmem>>) dst(%dma_wait3A_1437 : memref<10112x32xf32, #tpu.memory_space<vmem_shared>>)
      %dma_wait3A_1438 = arith.constant 6 : i32
      %dma_wait3A_1439 = arith.constant 768 : i32
      %dma_wait3A_1440 = arith.constant 0 : i32
      %dma_wait3A_1441 = tpu.memref_slice %arg10[%dma_wait3A_1439, %dma_wait3A_1440] : memref<1280x32xf32, #tpu.memory_space<vmem>> -> memref<128x32xf32, #tpu.memory_space<vmem>>
      %dma_wait3A_1442 = arith.constant 0 : i32
      %dma_wait3A_1443 = tpu.memref_slice %arg8[%dma_wait3A_1438, %dma_wait3A_1442] : memref<10x128xi32, #tpu.memory_space<vmem>> -> memref<1x128xi32, #tpu.memory_space<vmem>>
      %dma_wait3A_1444 = tpu.memref_squeeze %dma_wait3A_1443 : memref<1x128xi32, #tpu.memory_space<vmem>> -> memref<128xi32, #tpu.memory_space<vmem>>
      %dma_wait3A_1445 = arith.constant 0 : i32
      %dma_wait3A_1446 = arith.constant 0 : i32
      %dma_wait3A_1447 = tpu.memref_slice %arg12[%dma_wait3A_1445, %dma_wait3A_1446] : memref<10112x32xf32, #tpu.memory_space<vmem_shared>> -> memref<10112x32xf32, #tpu.memory_space<vmem_shared>>
      tpu.wait_indirect_dma semaphore(%arg16 : memref<!tpu.dma_semaphore, #tpu.memory_space<semaphore_mem>>) src(%dma_wait3A_1441 : memref<128x32xf32, #tpu.memory_space<vmem>>) dst(%dma_wait3A_1447 : memref<10112x32xf32, #tpu.memory_space<vmem_shared>>)
      %dma_wait3A_1448 = arith.constant 7 : i32
      %dma_wait3A_1449 = arith.constant 896 : i32
      %dma_wait3A_1450 = arith.constant 0 : i32
      %dma_wait3A_1451 = tpu.memref_slice %arg10[%dma_wait3A_1449, %dma_wait3A_1450] : memref<1280x32xf32, #tpu.memory_space<vmem>> -> memref<128x32xf32, #tpu.memory_space<vmem>>
      %dma_wait3A_1452 = arith.constant 0 : i32
      %dma_wait3A_1453 = tpu.memref_slice %arg8[%dma_wait3A_1448, %dma_wait3A_1452] : memref<10x128xi32, #tpu.memory_space<vmem>> -> memref<1x128xi32, #tpu.memory_space<vmem>>
      %dma_wait3A_1454 = tpu.memref_squeeze %dma_wait3A_1453 : memref<1x128xi32, #tpu.memory_space<vmem>> -> memref<128xi32, #tpu.memory_space<vmem>>
      %dma_wait3A_1455 = arith.constant 0 : i32
      %dma_wait3A_1456 = arith.constant 0 : i32
      %dma_wait3A_1457 = tpu.memref_slice %arg12[%dma_wait3A_1455, %dma_wait3A_1456] : memref<10112x32xf32, #tpu.memory_space<vmem_shared>> -> memref<10112x32xf32, #tpu.memory_space<vmem_shared>>
      tpu.wait_indirect_dma semaphore(%arg16 : memref<!tpu.dma_semaphore, #tpu.memory_space<semaphore_mem>>) src(%dma_wait3A_1451 : memref<128x32xf32, #tpu.memory_space<vmem>>) dst(%dma_wait3A_1457 : memref<10112x32xf32, #tpu.memory_space<vmem_shared>>)
      %dma_wait3A_1458 = arith.constant 8 : i32
      %dma_wait3A_1459 = arith.constant 1024 : i32
      %dma_wait3A_1460 = arith.constant 0 : i32
      %dma_wait3A_1461 = tpu.memref_slice %arg10[%dma_wait3A_1459, %dma_wait3A_1460] : memref<1280x32xf32, #tpu.memory_space<vmem>> -> memref<128x32xf32, #tpu.memory_space<vmem>>
      %dma_wait3A_1462 = arith.constant 0 : i32
      %dma_wait3A_1463 = tpu.memref_slice %arg8[%dma_wait3A_1458, %dma_wait3A_1462] : memref<10x128xi32, #tpu.memory_space<vmem>> -> memref<1x128xi32, #tpu.memory_space<vmem>>
      %dma_wait3A_1464 = tpu.memref_squeeze %dma_wait3A_1463 : memref<1x128xi32, #tpu.memory_space<vmem>> -> memref<128xi32, #tpu.memory_space<vmem>>
      %dma_wait3A_1465 = arith.constant 0 : i32
      %dma_wait3A_1466 = arith.constant 0 : i32
      %dma_wait3A_1467 = tpu.memref_slice %arg12[%dma_wait3A_1465, %dma_wait3A_1466] : memref<10112x32xf32, #tpu.memory_space<vmem_shared>> -> memref<10112x32xf32, #tpu.memory_space<vmem_shared>>
      tpu.wait_indirect_dma semaphore(%arg16 : memref<!tpu.dma_semaphore, #tpu.memory_space<semaphore_mem>>) src(%dma_wait3A_1461 : memref<128x32xf32, #tpu.memory_space<vmem>>) dst(%dma_wait3A_1467 : memref<10112x32xf32, #tpu.memory_space<vmem_shared>>)
      %dma_wait3A_1468 = arith.constant 9 : i32
      %dma_wait3A_1469 = arith.constant 1152 : i32
      %dma_wait3A_1470 = arith.constant 0 : i32
      %dma_wait3A_1471 = tpu.memref_slice %arg10[%dma_wait3A_1469, %dma_wait3A_1470] : memref<1280x32xf32, #tpu.memory_space<vmem>> -> memref<128x32xf32, #tpu.memory_space<vmem>>
      %dma_wait3A_1472 = arith.constant 0 : i32
      %dma_wait3A_1473 = tpu.memref_slice %arg8[%dma_wait3A_1468, %dma_wait3A_1472] : memref<10x128xi32, #tpu.memory_space<vmem>> -> memref<1x128xi32, #tpu.memory_space<vmem>>
      %dma_wait3A_1474 = tpu.memref_squeeze %dma_wait3A_1473 : memref<1x128xi32, #tpu.memory_space<vmem>> -> memref<128xi32, #tpu.memory_space<vmem>>
      %dma_wait3A_1475 = arith.constant 0 : i32
      %dma_wait3A_1476 = arith.constant 0 : i32
      %dma_wait3A_1477 = tpu.memref_slice %arg12[%dma_wait3A_1475, %dma_wait3A_1476] : memref<10112x32xf32, #tpu.memory_space<vmem_shared>> -> memref<10112x32xf32, #tpu.memory_space<vmem_shared>>
      tpu.wait_indirect_dma semaphore(%arg16 : memref<!tpu.dma_semaphore, #tpu.memory_space<semaphore_mem>>) src(%dma_wait3A_1471 : memref<128x32xf32, #tpu.memory_space<vmem>>) dst(%dma_wait3A_1477 : memref<10112x32xf32, #tpu.memory_space<vmem_shared>>)
      %mul3A_1478 = arith.constant 2 : i32
      %mul3A_1479 = arith.muli %mul3A_1478, %scan3A_1271 : i32
      %add3A_1480 = arith.constant 0 : i32
      %add3A_1481 = arith.addi %mul3A_1479, %add3A_1480 : i32
      %add3A_1482 = arith.constant 2 : i32
      %add3A_1483 = arith.addi %add3A_1481, %add3A_1482 : i32
      %mul3A_1484 = arith.constant 10 : i32
      %mul3A_1485 = arith.muli %add3A_1483, %mul3A_1484 : i32
      %add3A_1486 = arith.addi %mul3A_2, %mul3A_1485 : i32
      "tpu.region"() ({
        %run_scoped3A = tpu.sem_alloc : memref<!tpu.dma_semaphore, #tpu.memory_space<semaphore_mem>>
        %dma_start3A_1902 = arith.constant 0 : i32
        %dma_start3A_1903 = tpu.memref_slice %arg3[%add3A_1486, %dma_start3A_1902] : memref<2560x128xi32, #tpu.memory_space<hbm>> -> memref<10x128xi32, #tpu.memory_space<hbm>>
        %dma_start3A_1904 = arith.constant 0 : i32
        %dma_start3A_1905 = tpu.memref_slice %arg3[%add3A_1486, %dma_start3A_1904] : memref<2560x128xi32, #tpu.memory_space<hbm>> -> memref<10x128xi32, #tpu.memory_space<hbm>>
        tpu.enqueue_dma source(%dma_start3A_1905 : memref<10x128xi32, #tpu.memory_space<hbm>>) target(%arg6 : memref<10x128xi32, #tpu.memory_space<vmem>>) target_semaphore(%run_scoped3A : memref<!tpu.dma_semaphore, #tpu.memory_space<semaphore_mem>>)
        %dma_wait3A_1906 = arith.constant 0 : i32
        %dma_wait3A_1907 = tpu.memref_slice %arg3[%add3A_1486, %dma_wait3A_1906] : memref<2560x128xi32, #tpu.memory_space<hbm>> -> memref<10x128xi32, #tpu.memory_space<hbm>>
        %dma_wait3A_1908 = arith.constant 0 : i32
        %dma_wait3A_1909 = tpu.memref_slice %arg3[%add3A_1486, %dma_wait3A_1908] : memref<2560x128xi32, #tpu.memory_space<hbm>> -> memref<10x128xi32, #tpu.memory_space<hbm>>
        tpu.wait_dma2 semaphore(%run_scoped3A : memref<!tpu.dma_semaphore, #tpu.memory_space<semaphore_mem>>) src(%dma_wait3A_1909 : memref<10x128xi32, #tpu.memory_space<hbm>>) dst(%arg6 : memref<10x128xi32, #tpu.memory_space<vmem>>)
        tpu.yield
      }) : () -> ()
      "tpu.region"() ({
        %run_scoped3A = tpu.sem_alloc : memref<!tpu.dma_semaphore, #tpu.memory_space<semaphore_mem>>
        %dma_start3A_1902 = arith.constant 0 : i32
        %dma_start3A_1903 = tpu.memref_slice %arg4[%add3A_1486, %dma_start3A_1902] : memref<2560x128xi32, #tpu.memory_space<hbm>> -> memref<10x128xi32, #tpu.memory_space<hbm>>
        %dma_start3A_1904 = arith.constant 0 : i32
        %dma_start3A_1905 = tpu.memref_slice %arg4[%add3A_1486, %dma_start3A_1904] : memref<2560x128xi32, #tpu.memory_space<hbm>> -> memref<10x128xi32, #tpu.memory_space<hbm>>
        tpu.enqueue_dma source(%dma_start3A_1905 : memref<10x128xi32, #tpu.memory_space<hbm>>) target(%arg8 : memref<10x128xi32, #tpu.memory_space<vmem>>) target_semaphore(%run_scoped3A : memref<!tpu.dma_semaphore, #tpu.memory_space<semaphore_mem>>)
        %dma_wait3A_1906 = arith.constant 0 : i32
        %dma_wait3A_1907 = tpu.memref_slice %arg4[%add3A_1486, %dma_wait3A_1906] : memref<2560x128xi32, #tpu.memory_space<hbm>> -> memref<10x128xi32, #tpu.memory_space<hbm>>
        %dma_wait3A_1908 = arith.constant 0 : i32
        %dma_wait3A_1909 = tpu.memref_slice %arg4[%add3A_1486, %dma_wait3A_1908] : memref<2560x128xi32, #tpu.memory_space<hbm>> -> memref<10x128xi32, #tpu.memory_space<hbm>>
        tpu.wait_dma2 semaphore(%run_scoped3A : memref<!tpu.dma_semaphore, #tpu.memory_space<semaphore_mem>>) src(%dma_wait3A_1909 : memref<10x128xi32, #tpu.memory_space<hbm>>) dst(%arg8 : memref<10x128xi32, #tpu.memory_space<vmem>>)
        tpu.yield
      }) : () -> ()
      %dma_start3A_1487 = arith.constant 0 : i32
      %dma_start3A_1488 = arith.constant 0 : i32
      %dma_start3A_1489 = arith.constant 0 : i32
      %dma_start3A_1490 = tpu.memref_slice %arg10[%dma_start3A_1488, %dma_start3A_1489] : memref<1280x32xf32, #tpu.memory_space<vmem>> -> memref<128x32xf32, #tpu.memory_space<vmem>>
      %dma_start3A_1491 = arith.constant 0 : i32
      %dma_start3A_1492 = tpu.memref_slice %arg6[%dma_start3A_1487, %dma_start3A_1491] : memref<10x128xi32, #tpu.memory_space<vmem>> -> memref<1x128xi32, #tpu.memory_space<vmem>>
      %dma_start3A_1493 = tpu.memref_squeeze %dma_start3A_1492 : memref<1x128xi32, #tpu.memory_space<vmem>> -> memref<128xi32, #tpu.memory_space<vmem>>
      %dma_start3A_1494 = arith.constant 0 : i32
      %dma_start3A_1495 = arith.constant 0 : i32
      %dma_start3A_1496 = tpu.memref_slice %arg13[%dma_start3A_1494, %dma_start3A_1495] : memref<10112x32xf32, #tpu.memory_space<vmem_shared>> -> memref<10112x32xf32, #tpu.memory_space<vmem_shared>>
      tpu.enqueue_indirect_dma source(%dma_start3A_1496 : memref<10112x32xf32, #tpu.memory_space<vmem_shared>>) target(%dma_start3A_1490 : memref<128x32xf32, #tpu.memory_space<vmem>>) offsets(%dma_start3A_1493 : memref<128xi32, #tpu.memory_space<vmem>>) semaphore(%arg14 : memref<!tpu.dma_semaphore, #tpu.memory_space<semaphore_mem>>)
      %dma_start3A_1497 = arith.constant 1 : i32
      %dma_start3A_1498 = arith.constant 128 : i32
      %dma_start3A_1499 = arith.constant 0 : i32
      %dma_start3A_1500 = tpu.memref_slice %arg10[%dma_start3A_1498, %dma_start3A_1499] : memref<1280x32xf32, #tpu.memory_space<vmem>> -> memref<128x32xf32, #tpu.memory_space<vmem>>
      %dma_start3A_1501 = arith.constant 0 : i32
      %dma_start3A_1502 = tpu.memref_slice %arg6[%dma_start3A_1497, %dma_start3A_1501] : memref<10x128xi32, #tpu.memory_space<vmem>> -> memref<1x128xi32, #tpu.memory_space<vmem>>
      %dma_start3A_1503 = tpu.memref_squeeze %dma_start3A_1502 : memref<1x128xi32, #tpu.memory_space<vmem>> -> memref<128xi32, #tpu.memory_space<vmem>>
      %dma_start3A_1504 = arith.constant 0 : i32
      %dma_start3A_1505 = arith.constant 0 : i32
      %dma_start3A_1506 = tpu.memref_slice %arg13[%dma_start3A_1504, %dma_start3A_1505] : memref<10112x32xf32, #tpu.memory_space<vmem_shared>> -> memref<10112x32xf32, #tpu.memory_space<vmem_shared>>
      tpu.enqueue_indirect_dma source(%dma_start3A_1506 : memref<10112x32xf32, #tpu.memory_space<vmem_shared>>) target(%dma_start3A_1500 : memref<128x32xf32, #tpu.memory_space<vmem>>) offsets(%dma_start3A_1503 : memref<128xi32, #tpu.memory_space<vmem>>) semaphore(%arg14 : memref<!tpu.dma_semaphore, #tpu.memory_space<semaphore_mem>>)
      %dma_start3A_1507 = arith.constant 2 : i32
      %dma_start3A_1508 = arith.constant 256 : i32
      %dma_start3A_1509 = arith.constant 0 : i32
      %dma_start3A_1510 = tpu.memref_slice %arg10[%dma_start3A_1508, %dma_start3A_1509] : memref<1280x32xf32, #tpu.memory_space<vmem>> -> memref<128x32xf32, #tpu.memory_space<vmem>>
      %dma_start3A_1511 = arith.constant 0 : i32
      %dma_start3A_1512 = tpu.memref_slice %arg6[%dma_start3A_1507, %dma_start3A_1511] : memref<10x128xi32, #tpu.memory_space<vmem>> -> memref<1x128xi32, #tpu.memory_space<vmem>>
      %dma_start3A_1513 = tpu.memref_squeeze %dma_start3A_1512 : memref<1x128xi32, #tpu.memory_space<vmem>> -> memref<128xi32, #tpu.memory_space<vmem>>
      %dma_start3A_1514 = arith.constant 0 : i32
      %dma_start3A_1515 = arith.constant 0 : i32
      %dma_start3A_1516 = tpu.memref_slice %arg13[%dma_start3A_1514, %dma_start3A_1515] : memref<10112x32xf32, #tpu.memory_space<vmem_shared>> -> memref<10112x32xf32, #tpu.memory_space<vmem_shared>>
      tpu.enqueue_indirect_dma source(%dma_start3A_1516 : memref<10112x32xf32, #tpu.memory_space<vmem_shared>>) target(%dma_start3A_1510 : memref<128x32xf32, #tpu.memory_space<vmem>>) offsets(%dma_start3A_1513 : memref<128xi32, #tpu.memory_space<vmem>>) semaphore(%arg14 : memref<!tpu.dma_semaphore, #tpu.memory_space<semaphore_mem>>)
      %dma_start3A_1517 = arith.constant 3 : i32
      %dma_start3A_1518 = arith.constant 384 : i32
      %dma_start3A_1519 = arith.constant 0 : i32
      %dma_start3A_1520 = tpu.memref_slice %arg10[%dma_start3A_1518, %dma_start3A_1519] : memref<1280x32xf32, #tpu.memory_space<vmem>> -> memref<128x32xf32, #tpu.memory_space<vmem>>
      %dma_start3A_1521 = arith.constant 0 : i32
      %dma_start3A_1522 = tpu.memref_slice %arg6[%dma_start3A_1517, %dma_start3A_1521] : memref<10x128xi32, #tpu.memory_space<vmem>> -> memref<1x128xi32, #tpu.memory_space<vmem>>
      %dma_start3A_1523 = tpu.memref_squeeze %dma_start3A_1522 : memref<1x128xi32, #tpu.memory_space<vmem>> -> memref<128xi32, #tpu.memory_space<vmem>>
      %dma_start3A_1524 = arith.constant 0 : i32
      %dma_start3A_1525 = arith.constant 0 : i32
      %dma_start3A_1526 = tpu.memref_slice %arg13[%dma_start3A_1524, %dma_start3A_1525] : memref<10112x32xf32, #tpu.memory_space<vmem_shared>> -> memref<10112x32xf32, #tpu.memory_space<vmem_shared>>
      tpu.enqueue_indirect_dma source(%dma_start3A_1526 : memref<10112x32xf32, #tpu.memory_space<vmem_shared>>) target(%dma_start3A_1520 : memref<128x32xf32, #tpu.memory_space<vmem>>) offsets(%dma_start3A_1523 : memref<128xi32, #tpu.memory_space<vmem>>) semaphore(%arg14 : memref<!tpu.dma_semaphore, #tpu.memory_space<semaphore_mem>>)
      %dma_start3A_1527 = arith.constant 4 : i32
      %dma_start3A_1528 = arith.constant 512 : i32
      %dma_start3A_1529 = arith.constant 0 : i32
      %dma_start3A_1530 = tpu.memref_slice %arg10[%dma_start3A_1528, %dma_start3A_1529] : memref<1280x32xf32, #tpu.memory_space<vmem>> -> memref<128x32xf32, #tpu.memory_space<vmem>>
      %dma_start3A_1531 = arith.constant 0 : i32
      %dma_start3A_1532 = tpu.memref_slice %arg6[%dma_start3A_1527, %dma_start3A_1531] : memref<10x128xi32, #tpu.memory_space<vmem>> -> memref<1x128xi32, #tpu.memory_space<vmem>>
      %dma_start3A_1533 = tpu.memref_squeeze %dma_start3A_1532 : memref<1x128xi32, #tpu.memory_space<vmem>> -> memref<128xi32, #tpu.memory_space<vmem>>
      %dma_start3A_1534 = arith.constant 0 : i32
      %dma_start3A_1535 = arith.constant 0 : i32
      %dma_start3A_1536 = tpu.memref_slice %arg13[%dma_start3A_1534, %dma_start3A_1535] : memref<10112x32xf32, #tpu.memory_space<vmem_shared>> -> memref<10112x32xf32, #tpu.memory_space<vmem_shared>>
      tpu.enqueue_indirect_dma source(%dma_start3A_1536 : memref<10112x32xf32, #tpu.memory_space<vmem_shared>>) target(%dma_start3A_1530 : memref<128x32xf32, #tpu.memory_space<vmem>>) offsets(%dma_start3A_1533 : memref<128xi32, #tpu.memory_space<vmem>>) semaphore(%arg14 : memref<!tpu.dma_semaphore, #tpu.memory_space<semaphore_mem>>)
      %dma_start3A_1537 = arith.constant 5 : i32
      %dma_start3A_1538 = arith.constant 640 : i32
      %dma_start3A_1539 = arith.constant 0 : i32
      %dma_start3A_1540 = tpu.memref_slice %arg10[%dma_start3A_1538, %dma_start3A_1539] : memref<1280x32xf32, #tpu.memory_space<vmem>> -> memref<128x32xf32, #tpu.memory_space<vmem>>
      %dma_start3A_1541 = arith.constant 0 : i32
      %dma_start3A_1542 = tpu.memref_slice %arg6[%dma_start3A_1537, %dma_start3A_1541] : memref<10x128xi32, #tpu.memory_space<vmem>> -> memref<1x128xi32, #tpu.memory_space<vmem>>
      %dma_start3A_1543 = tpu.memref_squeeze %dma_start3A_1542 : memref<1x128xi32, #tpu.memory_space<vmem>> -> memref<128xi32, #tpu.memory_space<vmem>>
      %dma_start3A_1544 = arith.constant 0 : i32
      %dma_start3A_1545 = arith.constant 0 : i32
      %dma_start3A_1546 = tpu.memref_slice %arg13[%dma_start3A_1544, %dma_start3A_1545] : memref<10112x32xf32, #tpu.memory_space<vmem_shared>> -> memref<10112x32xf32, #tpu.memory_space<vmem_shared>>
      tpu.enqueue_indirect_dma source(%dma_start3A_1546 : memref<10112x32xf32, #tpu.memory_space<vmem_shared>>) target(%dma_start3A_1540 : memref<128x32xf32, #tpu.memory_space<vmem>>) offsets(%dma_start3A_1543 : memref<128xi32, #tpu.memory_space<vmem>>) semaphore(%arg14 : memref<!tpu.dma_semaphore, #tpu.memory_space<semaphore_mem>>)
      %dma_start3A_1547 = arith.constant 6 : i32
      %dma_start3A_1548 = arith.constant 768 : i32
      %dma_start3A_1549 = arith.constant 0 : i32
      %dma_start3A_1550 = tpu.memref_slice %arg10[%dma_start3A_1548, %dma_start3A_1549] : memref<1280x32xf32, #tpu.memory_space<vmem>> -> memref<128x32xf32, #tpu.memory_space<vmem>>
      %dma_start3A_1551 = arith.constant 0 : i32
      %dma_start3A_1552 = tpu.memref_slice %arg6[%dma_start3A_1547, %dma_start3A_1551] : memref<10x128xi32, #tpu.memory_space<vmem>> -> memref<1x128xi32, #tpu.memory_space<vmem>>
      %dma_start3A_1553 = tpu.memref_squeeze %dma_start3A_1552 : memref<1x128xi32, #tpu.memory_space<vmem>> -> memref<128xi32, #tpu.memory_space<vmem>>
      %dma_start3A_1554 = arith.constant 0 : i32
      %dma_start3A_1555 = arith.constant 0 : i32
      %dma_start3A_1556 = tpu.memref_slice %arg13[%dma_start3A_1554, %dma_start3A_1555] : memref<10112x32xf32, #tpu.memory_space<vmem_shared>> -> memref<10112x32xf32, #tpu.memory_space<vmem_shared>>
      tpu.enqueue_indirect_dma source(%dma_start3A_1556 : memref<10112x32xf32, #tpu.memory_space<vmem_shared>>) target(%dma_start3A_1550 : memref<128x32xf32, #tpu.memory_space<vmem>>) offsets(%dma_start3A_1553 : memref<128xi32, #tpu.memory_space<vmem>>) semaphore(%arg14 : memref<!tpu.dma_semaphore, #tpu.memory_space<semaphore_mem>>)
      %dma_start3A_1557 = arith.constant 7 : i32
      %dma_start3A_1558 = arith.constant 896 : i32
      %dma_start3A_1559 = arith.constant 0 : i32
      %dma_start3A_1560 = tpu.memref_slice %arg10[%dma_start3A_1558, %dma_start3A_1559] : memref<1280x32xf32, #tpu.memory_space<vmem>> -> memref<128x32xf32, #tpu.memory_space<vmem>>
      %dma_start3A_1561 = arith.constant 0 : i32
      %dma_start3A_1562 = tpu.memref_slice %arg6[%dma_start3A_1557, %dma_start3A_1561] : memref<10x128xi32, #tpu.memory_space<vmem>> -> memref<1x128xi32, #tpu.memory_space<vmem>>
      %dma_start3A_1563 = tpu.memref_squeeze %dma_start3A_1562 : memref<1x128xi32, #tpu.memory_space<vmem>> -> memref<128xi32, #tpu.memory_space<vmem>>
      %dma_start3A_1564 = arith.constant 0 : i32
      %dma_start3A_1565 = arith.constant 0 : i32
      %dma_start3A_1566 = tpu.memref_slice %arg13[%dma_start3A_1564, %dma_start3A_1565] : memref<10112x32xf32, #tpu.memory_space<vmem_shared>> -> memref<10112x32xf32, #tpu.memory_space<vmem_shared>>
      tpu.enqueue_indirect_dma source(%dma_start3A_1566 : memref<10112x32xf32, #tpu.memory_space<vmem_shared>>) target(%dma_start3A_1560 : memref<128x32xf32, #tpu.memory_space<vmem>>) offsets(%dma_start3A_1563 : memref<128xi32, #tpu.memory_space<vmem>>) semaphore(%arg14 : memref<!tpu.dma_semaphore, #tpu.memory_space<semaphore_mem>>)
      %dma_start3A_1567 = arith.constant 8 : i32
      %dma_start3A_1568 = arith.constant 1024 : i32
      %dma_start3A_1569 = arith.constant 0 : i32
      %dma_start3A_1570 = tpu.memref_slice %arg10[%dma_start3A_1568, %dma_start3A_1569] : memref<1280x32xf32, #tpu.memory_space<vmem>> -> memref<128x32xf32, #tpu.memory_space<vmem>>
      %dma_start3A_1571 = arith.constant 0 : i32
      %dma_start3A_1572 = tpu.memref_slice %arg6[%dma_start3A_1567, %dma_start3A_1571] : memref<10x128xi32, #tpu.memory_space<vmem>> -> memref<1x128xi32, #tpu.memory_space<vmem>>
      %dma_start3A_1573 = tpu.memref_squeeze %dma_start3A_1572 : memref<1x128xi32, #tpu.memory_space<vmem>> -> memref<128xi32, #tpu.memory_space<vmem>>
      %dma_start3A_1574 = arith.constant 0 : i32
      %dma_start3A_1575 = arith.constant 0 : i32
      %dma_start3A_1576 = tpu.memref_slice %arg13[%dma_start3A_1574, %dma_start3A_1575] : memref<10112x32xf32, #tpu.memory_space<vmem_shared>> -> memref<10112x32xf32, #tpu.memory_space<vmem_shared>>
      tpu.enqueue_indirect_dma source(%dma_start3A_1576 : memref<10112x32xf32, #tpu.memory_space<vmem_shared>>) target(%dma_start3A_1570 : memref<128x32xf32, #tpu.memory_space<vmem>>) offsets(%dma_start3A_1573 : memref<128xi32, #tpu.memory_space<vmem>>) semaphore(%arg14 : memref<!tpu.dma_semaphore, #tpu.memory_space<semaphore_mem>>)
      %dma_start3A_1577 = arith.constant 9 : i32
      %dma_start3A_1578 = arith.constant 1152 : i32
      %dma_start3A_1579 = arith.constant 0 : i32
      %dma_start3A_1580 = tpu.memref_slice %arg10[%dma_start3A_1578, %dma_start3A_1579] : memref<1280x32xf32, #tpu.memory_space<vmem>> -> memref<128x32xf32, #tpu.memory_space<vmem>>
      %dma_start3A_1581 = arith.constant 0 : i32
      %dma_start3A_1582 = tpu.memref_slice %arg6[%dma_start3A_1577, %dma_start3A_1581] : memref<10x128xi32, #tpu.memory_space<vmem>> -> memref<1x128xi32, #tpu.memory_space<vmem>>
      %dma_start3A_1583 = tpu.memref_squeeze %dma_start3A_1582 : memref<1x128xi32, #tpu.memory_space<vmem>> -> memref<128xi32, #tpu.memory_space<vmem>>
      %dma_start3A_1584 = arith.constant 0 : i32
      %dma_start3A_1585 = arith.constant 0 : i32
      %dma_start3A_1586 = tpu.memref_slice %arg13[%dma_start3A_1584, %dma_start3A_1585] : memref<10112x32xf32, #tpu.memory_space<vmem_shared>> -> memref<10112x32xf32, #tpu.memory_space<vmem_shared>>
      tpu.enqueue_indirect_dma source(%dma_start3A_1586 : memref<10112x32xf32, #tpu.memory_space<vmem_shared>>) target(%dma_start3A_1580 : memref<128x32xf32, #tpu.memory_space<vmem>>) offsets(%dma_start3A_1583 : memref<128xi32, #tpu.memory_space<vmem>>) semaphore(%arg14 : memref<!tpu.dma_semaphore, #tpu.memory_space<semaphore_mem>>)
      %dma_wait3A_1587 = arith.constant 0 : i32
      %dma_wait3A_1588 = arith.constant 0 : i32
      %dma_wait3A_1589 = tpu.memref_slice %arg2[%dma_wait3A_1587, %dma_wait3A_1588] : memref<10112x64xf32, #tpu.memory_space<hbm>> -> memref<1280x32xf32, #tpu.memory_space<hbm>>
      %dma_wait3A_1590 = arith.constant 0 : i32
      %dma_wait3A_1591 = arith.constant 0 : i32
      %dma_wait3A_1592 = tpu.memref_slice %arg2[%dma_wait3A_1590, %dma_wait3A_1591] : memref<10112x64xf32, #tpu.memory_space<hbm>> -> memref<1280x32xf32, #tpu.memory_space<hbm>>
      tpu.wait_dma2 semaphore(%arg15 : memref<!tpu.dma_semaphore, #tpu.memory_space<semaphore_mem>>) src(%dma_wait3A_1592 : memref<1280x32xf32, #tpu.memory_space<hbm>>) dst(%arg11 : memref<1280x32xf32, #tpu.memory_space<vmem>>)
      %dma_start3A_1593 = arith.constant 0 : i32
      %dma_start3A_1594 = arith.constant 0 : i32
      %dma_start3A_1595 = arith.constant 0 : i32
      %dma_start3A_1596 = tpu.memref_slice %arg11[%dma_start3A_1594, %dma_start3A_1595] : memref<1280x32xf32, #tpu.memory_space<vmem>> -> memref<128x32xf32, #tpu.memory_space<vmem>>
      %dma_start3A_1597 = arith.constant 0 : i32
      %dma_start3A_1598 = tpu.memref_slice %arg9[%dma_start3A_1593, %dma_start3A_1597] : memref<10x128xi32, #tpu.memory_space<vmem>> -> memref<1x128xi32, #tpu.memory_space<vmem>>
      %dma_start3A_1599 = tpu.memref_squeeze %dma_start3A_1598 : memref<1x128xi32, #tpu.memory_space<vmem>> -> memref<128xi32, #tpu.memory_space<vmem>>
      %dma_start3A_1600 = arith.constant 0 : i32
      %dma_start3A_1601 = arith.constant 0 : i32
      %dma_start3A_1602 = tpu.memref_slice %arg12[%dma_start3A_1600, %dma_start3A_1601] : memref<10112x32xf32, #tpu.memory_space<vmem_shared>> -> memref<10112x32xf32, #tpu.memory_space<vmem_shared>>
      tpu.enqueue_indirect_dma source(%dma_start3A_1596 : memref<128x32xf32, #tpu.memory_space<vmem>>) target(%dma_start3A_1602 : memref<10112x32xf32, #tpu.memory_space<vmem_shared>>) offsets(%dma_start3A_1599 : memref<128xi32, #tpu.memory_space<vmem>>) semaphore(%arg16 : memref<!tpu.dma_semaphore, #tpu.memory_space<semaphore_mem>>) {add = true}
      %dma_start3A_1603 = arith.constant 1 : i32
      %dma_start3A_1604 = arith.constant 128 : i32
      %dma_start3A_1605 = arith.constant 0 : i32
      %dma_start3A_1606 = tpu.memref_slice %arg11[%dma_start3A_1604, %dma_start3A_1605] : memref<1280x32xf32, #tpu.memory_space<vmem>> -> memref<128x32xf32, #tpu.memory_space<vmem>>
      %dma_start3A_1607 = arith.constant 0 : i32
      %dma_start3A_1608 = tpu.memref_slice %arg9[%dma_start3A_1603, %dma_start3A_1607] : memref<10x128xi32, #tpu.memory_space<vmem>> -> memref<1x128xi32, #tpu.memory_space<vmem>>
      %dma_start3A_1609 = tpu.memref_squeeze %dma_start3A_1608 : memref<1x128xi32, #tpu.memory_space<vmem>> -> memref<128xi32, #tpu.memory_space<vmem>>
      %dma_start3A_1610 = arith.constant 0 : i32
      %dma_start3A_1611 = arith.constant 0 : i32
      %dma_start3A_1612 = tpu.memref_slice %arg12[%dma_start3A_1610, %dma_start3A_1611] : memref<10112x32xf32, #tpu.memory_space<vmem_shared>> -> memref<10112x32xf32, #tpu.memory_space<vmem_shared>>
      tpu.enqueue_indirect_dma source(%dma_start3A_1606 : memref<128x32xf32, #tpu.memory_space<vmem>>) target(%dma_start3A_1612 : memref<10112x32xf32, #tpu.memory_space<vmem_shared>>) offsets(%dma_start3A_1609 : memref<128xi32, #tpu.memory_space<vmem>>) semaphore(%arg16 : memref<!tpu.dma_semaphore, #tpu.memory_space<semaphore_mem>>) {add = true}
      %dma_start3A_1613 = arith.constant 2 : i32
      %dma_start3A_1614 = arith.constant 256 : i32
      %dma_start3A_1615 = arith.constant 0 : i32
      %dma_start3A_1616 = tpu.memref_slice %arg11[%dma_start3A_1614, %dma_start3A_1615] : memref<1280x32xf32, #tpu.memory_space<vmem>> -> memref<128x32xf32, #tpu.memory_space<vmem>>
      %dma_start3A_1617 = arith.constant 0 : i32
      %dma_start3A_1618 = tpu.memref_slice %arg9[%dma_start3A_1613, %dma_start3A_1617] : memref<10x128xi32, #tpu.memory_space<vmem>> -> memref<1x128xi32, #tpu.memory_space<vmem>>
      %dma_start3A_1619 = tpu.memref_squeeze %dma_start3A_1618 : memref<1x128xi32, #tpu.memory_space<vmem>> -> memref<128xi32, #tpu.memory_space<vmem>>
      %dma_start3A_1620 = arith.constant 0 : i32
      %dma_start3A_1621 = arith.constant 0 : i32
      %dma_start3A_1622 = tpu.memref_slice %arg12[%dma_start3A_1620, %dma_start3A_1621] : memref<10112x32xf32, #tpu.memory_space<vmem_shared>> -> memref<10112x32xf32, #tpu.memory_space<vmem_shared>>
      tpu.enqueue_indirect_dma source(%dma_start3A_1616 : memref<128x32xf32, #tpu.memory_space<vmem>>) target(%dma_start3A_1622 : memref<10112x32xf32, #tpu.memory_space<vmem_shared>>) offsets(%dma_start3A_1619 : memref<128xi32, #tpu.memory_space<vmem>>) semaphore(%arg16 : memref<!tpu.dma_semaphore, #tpu.memory_space<semaphore_mem>>) {add = true}
      %dma_start3A_1623 = arith.constant 3 : i32
      %dma_start3A_1624 = arith.constant 384 : i32
      %dma_start3A_1625 = arith.constant 0 : i32
      %dma_start3A_1626 = tpu.memref_slice %arg11[%dma_start3A_1624, %dma_start3A_1625] : memref<1280x32xf32, #tpu.memory_space<vmem>> -> memref<128x32xf32, #tpu.memory_space<vmem>>
      %dma_start3A_1627 = arith.constant 0 : i32
      %dma_start3A_1628 = tpu.memref_slice %arg9[%dma_start3A_1623, %dma_start3A_1627] : memref<10x128xi32, #tpu.memory_space<vmem>> -> memref<1x128xi32, #tpu.memory_space<vmem>>
      %dma_start3A_1629 = tpu.memref_squeeze %dma_start3A_1628 : memref<1x128xi32, #tpu.memory_space<vmem>> -> memref<128xi32, #tpu.memory_space<vmem>>
      %dma_start3A_1630 = arith.constant 0 : i32
      %dma_start3A_1631 = arith.constant 0 : i32
      %dma_start3A_1632 = tpu.memref_slice %arg12[%dma_start3A_1630, %dma_start3A_1631] : memref<10112x32xf32, #tpu.memory_space<vmem_shared>> -> memref<10112x32xf32, #tpu.memory_space<vmem_shared>>
      tpu.enqueue_indirect_dma source(%dma_start3A_1626 : memref<128x32xf32, #tpu.memory_space<vmem>>) target(%dma_start3A_1632 : memref<10112x32xf32, #tpu.memory_space<vmem_shared>>) offsets(%dma_start3A_1629 : memref<128xi32, #tpu.memory_space<vmem>>) semaphore(%arg16 : memref<!tpu.dma_semaphore, #tpu.memory_space<semaphore_mem>>) {add = true}
      %dma_start3A_1633 = arith.constant 4 : i32
      %dma_start3A_1634 = arith.constant 512 : i32
      %dma_start3A_1635 = arith.constant 0 : i32
      %dma_start3A_1636 = tpu.memref_slice %arg11[%dma_start3A_1634, %dma_start3A_1635] : memref<1280x32xf32, #tpu.memory_space<vmem>> -> memref<128x32xf32, #tpu.memory_space<vmem>>
      %dma_start3A_1637 = arith.constant 0 : i32
      %dma_start3A_1638 = tpu.memref_slice %arg9[%dma_start3A_1633, %dma_start3A_1637] : memref<10x128xi32, #tpu.memory_space<vmem>> -> memref<1x128xi32, #tpu.memory_space<vmem>>
      %dma_start3A_1639 = tpu.memref_squeeze %dma_start3A_1638 : memref<1x128xi32, #tpu.memory_space<vmem>> -> memref<128xi32, #tpu.memory_space<vmem>>
      %dma_start3A_1640 = arith.constant 0 : i32
      %dma_start3A_1641 = arith.constant 0 : i32
      %dma_start3A_1642 = tpu.memref_slice %arg12[%dma_start3A_1640, %dma_start3A_1641] : memref<10112x32xf32, #tpu.memory_space<vmem_shared>> -> memref<10112x32xf32, #tpu.memory_space<vmem_shared>>
      tpu.enqueue_indirect_dma source(%dma_start3A_1636 : memref<128x32xf32, #tpu.memory_space<vmem>>) target(%dma_start3A_1642 : memref<10112x32xf32, #tpu.memory_space<vmem_shared>>) offsets(%dma_start3A_1639 : memref<128xi32, #tpu.memory_space<vmem>>) semaphore(%arg16 : memref<!tpu.dma_semaphore, #tpu.memory_space<semaphore_mem>>) {add = true}
      %dma_start3A_1643 = arith.constant 5 : i32
      %dma_start3A_1644 = arith.constant 640 : i32
      %dma_start3A_1645 = arith.constant 0 : i32
      %dma_start3A_1646 = tpu.memref_slice %arg11[%dma_start3A_1644, %dma_start3A_1645] : memref<1280x32xf32, #tpu.memory_space<vmem>> -> memref<128x32xf32, #tpu.memory_space<vmem>>
      %dma_start3A_1647 = arith.constant 0 : i32
      %dma_start3A_1648 = tpu.memref_slice %arg9[%dma_start3A_1643, %dma_start3A_1647] : memref<10x128xi32, #tpu.memory_space<vmem>> -> memref<1x128xi32, #tpu.memory_space<vmem>>
      %dma_start3A_1649 = tpu.memref_squeeze %dma_start3A_1648 : memref<1x128xi32, #tpu.memory_space<vmem>> -> memref<128xi32, #tpu.memory_space<vmem>>
      %dma_start3A_1650 = arith.constant 0 : i32
      %dma_start3A_1651 = arith.constant 0 : i32
      %dma_start3A_1652 = tpu.memref_slice %arg12[%dma_start3A_1650, %dma_start3A_1651] : memref<10112x32xf32, #tpu.memory_space<vmem_shared>> -> memref<10112x32xf32, #tpu.memory_space<vmem_shared>>
      tpu.enqueue_indirect_dma source(%dma_start3A_1646 : memref<128x32xf32, #tpu.memory_space<vmem>>) target(%dma_start3A_1652 : memref<10112x32xf32, #tpu.memory_space<vmem_shared>>) offsets(%dma_start3A_1649 : memref<128xi32, #tpu.memory_space<vmem>>) semaphore(%arg16 : memref<!tpu.dma_semaphore, #tpu.memory_space<semaphore_mem>>) {add = true}
      %dma_start3A_1653 = arith.constant 6 : i32
      %dma_start3A_1654 = arith.constant 768 : i32
      %dma_start3A_1655 = arith.constant 0 : i32
      %dma_start3A_1656 = tpu.memref_slice %arg11[%dma_start3A_1654, %dma_start3A_1655] : memref<1280x32xf32, #tpu.memory_space<vmem>> -> memref<128x32xf32, #tpu.memory_space<vmem>>
      %dma_start3A_1657 = arith.constant 0 : i32
      %dma_start3A_1658 = tpu.memref_slice %arg9[%dma_start3A_1653, %dma_start3A_1657] : memref<10x128xi32, #tpu.memory_space<vmem>> -> memref<1x128xi32, #tpu.memory_space<vmem>>
      %dma_start3A_1659 = tpu.memref_squeeze %dma_start3A_1658 : memref<1x128xi32, #tpu.memory_space<vmem>> -> memref<128xi32, #tpu.memory_space<vmem>>
      %dma_start3A_1660 = arith.constant 0 : i32
      %dma_start3A_1661 = arith.constant 0 : i32
      %dma_start3A_1662 = tpu.memref_slice %arg12[%dma_start3A_1660, %dma_start3A_1661] : memref<10112x32xf32, #tpu.memory_space<vmem_shared>> -> memref<10112x32xf32, #tpu.memory_space<vmem_shared>>
      tpu.enqueue_indirect_dma source(%dma_start3A_1656 : memref<128x32xf32, #tpu.memory_space<vmem>>) target(%dma_start3A_1662 : memref<10112x32xf32, #tpu.memory_space<vmem_shared>>) offsets(%dma_start3A_1659 : memref<128xi32, #tpu.memory_space<vmem>>) semaphore(%arg16 : memref<!tpu.dma_semaphore, #tpu.memory_space<semaphore_mem>>) {add = true}
      %dma_start3A_1663 = arith.constant 7 : i32
      %dma_start3A_1664 = arith.constant 896 : i32
      %dma_start3A_1665 = arith.constant 0 : i32
      %dma_start3A_1666 = tpu.memref_slice %arg11[%dma_start3A_1664, %dma_start3A_1665] : memref<1280x32xf32, #tpu.memory_space<vmem>> -> memref<128x32xf32, #tpu.memory_space<vmem>>
      %dma_start3A_1667 = arith.constant 0 : i32
      %dma_start3A_1668 = tpu.memref_slice %arg9[%dma_start3A_1663, %dma_start3A_1667] : memref<10x128xi32, #tpu.memory_space<vmem>> -> memref<1x128xi32, #tpu.memory_space<vmem>>
      %dma_start3A_1669 = tpu.memref_squeeze %dma_start3A_1668 : memref<1x128xi32, #tpu.memory_space<vmem>> -> memref<128xi32, #tpu.memory_space<vmem>>
      %dma_start3A_1670 = arith.constant 0 : i32
      %dma_start3A_1671 = arith.constant 0 : i32
      %dma_start3A_1672 = tpu.memref_slice %arg12[%dma_start3A_1670, %dma_start3A_1671] : memref<10112x32xf32, #tpu.memory_space<vmem_shared>> -> memref<10112x32xf32, #tpu.memory_space<vmem_shared>>
      tpu.enqueue_indirect_dma source(%dma_start3A_1666 : memref<128x32xf32, #tpu.memory_space<vmem>>) target(%dma_start3A_1672 : memref<10112x32xf32, #tpu.memory_space<vmem_shared>>) offsets(%dma_start3A_1669 : memref<128xi32, #tpu.memory_space<vmem>>) semaphore(%arg16 : memref<!tpu.dma_semaphore, #tpu.memory_space<semaphore_mem>>) {add = true}
      %dma_start3A_1673 = arith.constant 8 : i32
      %dma_start3A_1674 = arith.constant 1024 : i32
      %dma_start3A_1675 = arith.constant 0 : i32
      %dma_start3A_1676 = tpu.memref_slice %arg11[%dma_start3A_1674, %dma_start3A_1675] : memref<1280x32xf32, #tpu.memory_space<vmem>> -> memref<128x32xf32, #tpu.memory_space<vmem>>
      %dma_start3A_1677 = arith.constant 0 : i32
      %dma_start3A_1678 = tpu.memref_slice %arg9[%dma_start3A_1673, %dma_start3A_1677] : memref<10x128xi32, #tpu.memory_space<vmem>> -> memref<1x128xi32, #tpu.memory_space<vmem>>
      %dma_start3A_1679 = tpu.memref_squeeze %dma_start3A_1678 : memref<1x128xi32, #tpu.memory_space<vmem>> -> memref<128xi32, #tpu.memory_space<vmem>>
      %dma_start3A_1680 = arith.constant 0 : i32
      %dma_start3A_1681 = arith.constant 0 : i32
      %dma_start3A_1682 = tpu.memref_slice %arg12[%dma_start3A_1680, %dma_start3A_1681] : memref<10112x32xf32, #tpu.memory_space<vmem_shared>> -> memref<10112x32xf32, #tpu.memory_space<vmem_shared>>
      tpu.enqueue_indirect_dma source(%dma_start3A_1676 : memref<128x32xf32, #tpu.memory_space<vmem>>) target(%dma_start3A_1682 : memref<10112x32xf32, #tpu.memory_space<vmem_shared>>) offsets(%dma_start3A_1679 : memref<128xi32, #tpu.memory_space<vmem>>) semaphore(%arg16 : memref<!tpu.dma_semaphore, #tpu.memory_space<semaphore_mem>>) {add = true}
      %dma_start3A_1683 = arith.constant 9 : i32
      %dma_start3A_1684 = arith.constant 1152 : i32
      %dma_start3A_1685 = arith.constant 0 : i32
      %dma_start3A_1686 = tpu.memref_slice %arg11[%dma_start3A_1684, %dma_start3A_1685] : memref<1280x32xf32, #tpu.memory_space<vmem>> -> memref<128x32xf32, #tpu.memory_space<vmem>>
      %dma_start3A_1687 = arith.constant 0 : i32
      %dma_start3A_1688 = tpu.memref_slice %arg9[%dma_start3A_1683, %dma_start3A_1687] : memref<10x128xi32, #tpu.memory_space<vmem>> -> memref<1x128xi32, #tpu.memory_space<vmem>>
      %dma_start3A_1689 = tpu.memref_squeeze %dma_start3A_1688 : memref<1x128xi32, #tpu.memory_space<vmem>> -> memref<128xi32, #tpu.memory_space<vmem>>
      %dma_start3A_1690 = arith.constant 0 : i32
      %dma_start3A_1691 = arith.constant 0 : i32
      %dma_start3A_1692 = tpu.memref_slice %arg12[%dma_start3A_1690, %dma_start3A_1691] : memref<10112x32xf32, #tpu.memory_space<vmem_shared>> -> memref<10112x32xf32, #tpu.memory_space<vmem_shared>>
      tpu.enqueue_indirect_dma source(%dma_start3A_1686 : memref<128x32xf32, #tpu.memory_space<vmem>>) target(%dma_start3A_1692 : memref<10112x32xf32, #tpu.memory_space<vmem_shared>>) offsets(%dma_start3A_1689 : memref<128xi32, #tpu.memory_space<vmem>>) semaphore(%arg16 : memref<!tpu.dma_semaphore, #tpu.memory_space<semaphore_mem>>) {add = true}
      %dma_wait3A_1693 = arith.constant 0 : i32
      %dma_wait3A_1694 = arith.constant 0 : i32
      %dma_wait3A_1695 = arith.constant 0 : i32
      %dma_wait3A_1696 = tpu.memref_slice %arg11[%dma_wait3A_1694, %dma_wait3A_1695] : memref<1280x32xf32, #tpu.memory_space<vmem>> -> memref<128x32xf32, #tpu.memory_space<vmem>>
      %dma_wait3A_1697 = arith.constant 0 : i32
      %dma_wait3A_1698 = tpu.memref_slice %arg9[%dma_wait3A_1693, %dma_wait3A_1697] : memref<10x128xi32, #tpu.memory_space<vmem>> -> memref<1x128xi32, #tpu.memory_space<vmem>>
      %dma_wait3A_1699 = tpu.memref_squeeze %dma_wait3A_1698 : memref<1x128xi32, #tpu.memory_space<vmem>> -> memref<128xi32, #tpu.memory_space<vmem>>
      %dma_wait3A_1700 = arith.constant 0 : i32
      %dma_wait3A_1701 = arith.constant 0 : i32
      %dma_wait3A_1702 = tpu.memref_slice %arg12[%dma_wait3A_1700, %dma_wait3A_1701] : memref<10112x32xf32, #tpu.memory_space<vmem_shared>> -> memref<10112x32xf32, #tpu.memory_space<vmem_shared>>
      tpu.wait_indirect_dma semaphore(%arg16 : memref<!tpu.dma_semaphore, #tpu.memory_space<semaphore_mem>>) src(%dma_wait3A_1696 : memref<128x32xf32, #tpu.memory_space<vmem>>) dst(%dma_wait3A_1702 : memref<10112x32xf32, #tpu.memory_space<vmem_shared>>)
      %dma_wait3A_1703 = arith.constant 1 : i32
      %dma_wait3A_1704 = arith.constant 128 : i32
      %dma_wait3A_1705 = arith.constant 0 : i32
      %dma_wait3A_1706 = tpu.memref_slice %arg11[%dma_wait3A_1704, %dma_wait3A_1705] : memref<1280x32xf32, #tpu.memory_space<vmem>> -> memref<128x32xf32, #tpu.memory_space<vmem>>
      %dma_wait3A_1707 = arith.constant 0 : i32
      %dma_wait3A_1708 = tpu.memref_slice %arg9[%dma_wait3A_1703, %dma_wait3A_1707] : memref<10x128xi32, #tpu.memory_space<vmem>> -> memref<1x128xi32, #tpu.memory_space<vmem>>
      %dma_wait3A_1709 = tpu.memref_squeeze %dma_wait3A_1708 : memref<1x128xi32, #tpu.memory_space<vmem>> -> memref<128xi32, #tpu.memory_space<vmem>>
      %dma_wait3A_1710 = arith.constant 0 : i32
      %dma_wait3A_1711 = arith.constant 0 : i32
      %dma_wait3A_1712 = tpu.memref_slice %arg12[%dma_wait3A_1710, %dma_wait3A_1711] : memref<10112x32xf32, #tpu.memory_space<vmem_shared>> -> memref<10112x32xf32, #tpu.memory_space<vmem_shared>>
      tpu.wait_indirect_dma semaphore(%arg16 : memref<!tpu.dma_semaphore, #tpu.memory_space<semaphore_mem>>) src(%dma_wait3A_1706 : memref<128x32xf32, #tpu.memory_space<vmem>>) dst(%dma_wait3A_1712 : memref<10112x32xf32, #tpu.memory_space<vmem_shared>>)
      %dma_wait3A_1713 = arith.constant 2 : i32
      %dma_wait3A_1714 = arith.constant 256 : i32
      %dma_wait3A_1715 = arith.constant 0 : i32
      %dma_wait3A_1716 = tpu.memref_slice %arg11[%dma_wait3A_1714, %dma_wait3A_1715] : memref<1280x32xf32, #tpu.memory_space<vmem>> -> memref<128x32xf32, #tpu.memory_space<vmem>>
      %dma_wait3A_1717 = arith.constant 0 : i32
      %dma_wait3A_1718 = tpu.memref_slice %arg9[%dma_wait3A_1713, %dma_wait3A_1717] : memref<10x128xi32, #tpu.memory_space<vmem>> -> memref<1x128xi32, #tpu.memory_space<vmem>>
      %dma_wait3A_1719 = tpu.memref_squeeze %dma_wait3A_1718 : memref<1x128xi32, #tpu.memory_space<vmem>> -> memref<128xi32, #tpu.memory_space<vmem>>
      %dma_wait3A_1720 = arith.constant 0 : i32
      %dma_wait3A_1721 = arith.constant 0 : i32
      %dma_wait3A_1722 = tpu.memref_slice %arg12[%dma_wait3A_1720, %dma_wait3A_1721] : memref<10112x32xf32, #tpu.memory_space<vmem_shared>> -> memref<10112x32xf32, #tpu.memory_space<vmem_shared>>
      tpu.wait_indirect_dma semaphore(%arg16 : memref<!tpu.dma_semaphore, #tpu.memory_space<semaphore_mem>>) src(%dma_wait3A_1716 : memref<128x32xf32, #tpu.memory_space<vmem>>) dst(%dma_wait3A_1722 : memref<10112x32xf32, #tpu.memory_space<vmem_shared>>)
      %dma_wait3A_1723 = arith.constant 3 : i32
      %dma_wait3A_1724 = arith.constant 384 : i32
      %dma_wait3A_1725 = arith.constant 0 : i32
      %dma_wait3A_1726 = tpu.memref_slice %arg11[%dma_wait3A_1724, %dma_wait3A_1725] : memref<1280x32xf32, #tpu.memory_space<vmem>> -> memref<128x32xf32, #tpu.memory_space<vmem>>
      %dma_wait3A_1727 = arith.constant 0 : i32
      %dma_wait3A_1728 = tpu.memref_slice %arg9[%dma_wait3A_1723, %dma_wait3A_1727] : memref<10x128xi32, #tpu.memory_space<vmem>> -> memref<1x128xi32, #tpu.memory_space<vmem>>
      %dma_wait3A_1729 = tpu.memref_squeeze %dma_wait3A_1728 : memref<1x128xi32, #tpu.memory_space<vmem>> -> memref<128xi32, #tpu.memory_space<vmem>>
      %dma_wait3A_1730 = arith.constant 0 : i32
      %dma_wait3A_1731 = arith.constant 0 : i32
      %dma_wait3A_1732 = tpu.memref_slice %arg12[%dma_wait3A_1730, %dma_wait3A_1731] : memref<10112x32xf32, #tpu.memory_space<vmem_shared>> -> memref<10112x32xf32, #tpu.memory_space<vmem_shared>>
      tpu.wait_indirect_dma semaphore(%arg16 : memref<!tpu.dma_semaphore, #tpu.memory_space<semaphore_mem>>) src(%dma_wait3A_1726 : memref<128x32xf32, #tpu.memory_space<vmem>>) dst(%dma_wait3A_1732 : memref<10112x32xf32, #tpu.memory_space<vmem_shared>>)
      %dma_wait3A_1733 = arith.constant 4 : i32
      %dma_wait3A_1734 = arith.constant 512 : i32
      %dma_wait3A_1735 = arith.constant 0 : i32
      %dma_wait3A_1736 = tpu.memref_slice %arg11[%dma_wait3A_1734, %dma_wait3A_1735] : memref<1280x32xf32, #tpu.memory_space<vmem>> -> memref<128x32xf32, #tpu.memory_space<vmem>>
      %dma_wait3A_1737 = arith.constant 0 : i32
      %dma_wait3A_1738 = tpu.memref_slice %arg9[%dma_wait3A_1733, %dma_wait3A_1737] : memref<10x128xi32, #tpu.memory_space<vmem>> -> memref<1x128xi32, #tpu.memory_space<vmem>>
      %dma_wait3A_1739 = tpu.memref_squeeze %dma_wait3A_1738 : memref<1x128xi32, #tpu.memory_space<vmem>> -> memref<128xi32, #tpu.memory_space<vmem>>
      %dma_wait3A_1740 = arith.constant 0 : i32
      %dma_wait3A_1741 = arith.constant 0 : i32
      %dma_wait3A_1742 = tpu.memref_slice %arg12[%dma_wait3A_1740, %dma_wait3A_1741] : memref<10112x32xf32, #tpu.memory_space<vmem_shared>> -> memref<10112x32xf32, #tpu.memory_space<vmem_shared>>
      tpu.wait_indirect_dma semaphore(%arg16 : memref<!tpu.dma_semaphore, #tpu.memory_space<semaphore_mem>>) src(%dma_wait3A_1736 : memref<128x32xf32, #tpu.memory_space<vmem>>) dst(%dma_wait3A_1742 : memref<10112x32xf32, #tpu.memory_space<vmem_shared>>)
      %dma_wait3A_1743 = arith.constant 5 : i32
      %dma_wait3A_1744 = arith.constant 640 : i32
      %dma_wait3A_1745 = arith.constant 0 : i32
      %dma_wait3A_1746 = tpu.memref_slice %arg11[%dma_wait3A_1744, %dma_wait3A_1745] : memref<1280x32xf32, #tpu.memory_space<vmem>> -> memref<128x32xf32, #tpu.memory_space<vmem>>
      %dma_wait3A_1747 = arith.constant 0 : i32
      %dma_wait3A_1748 = tpu.memref_slice %arg9[%dma_wait3A_1743, %dma_wait3A_1747] : memref<10x128xi32, #tpu.memory_space<vmem>> -> memref<1x128xi32, #tpu.memory_space<vmem>>
      %dma_wait3A_1749 = tpu.memref_squeeze %dma_wait3A_1748 : memref<1x128xi32, #tpu.memory_space<vmem>> -> memref<128xi32, #tpu.memory_space<vmem>>
      %dma_wait3A_1750 = arith.constant 0 : i32
      %dma_wait3A_1751 = arith.constant 0 : i32
      %dma_wait3A_1752 = tpu.memref_slice %arg12[%dma_wait3A_1750, %dma_wait3A_1751] : memref<10112x32xf32, #tpu.memory_space<vmem_shared>> -> memref<10112x32xf32, #tpu.memory_space<vmem_shared>>
      tpu.wait_indirect_dma semaphore(%arg16 : memref<!tpu.dma_semaphore, #tpu.memory_space<semaphore_mem>>) src(%dma_wait3A_1746 : memref<128x32xf32, #tpu.memory_space<vmem>>) dst(%dma_wait3A_1752 : memref<10112x32xf32, #tpu.memory_space<vmem_shared>>)
      %dma_wait3A_1753 = arith.constant 6 : i32
      %dma_wait3A_1754 = arith.constant 768 : i32
      %dma_wait3A_1755 = arith.constant 0 : i32
      %dma_wait3A_1756 = tpu.memref_slice %arg11[%dma_wait3A_1754, %dma_wait3A_1755] : memref<1280x32xf32, #tpu.memory_space<vmem>> -> memref<128x32xf32, #tpu.memory_space<vmem>>
      %dma_wait3A_1757 = arith.constant 0 : i32
      %dma_wait3A_1758 = tpu.memref_slice %arg9[%dma_wait3A_1753, %dma_wait3A_1757] : memref<10x128xi32, #tpu.memory_space<vmem>> -> memref<1x128xi32, #tpu.memory_space<vmem>>
      %dma_wait3A_1759 = tpu.memref_squeeze %dma_wait3A_1758 : memref<1x128xi32, #tpu.memory_space<vmem>> -> memref<128xi32, #tpu.memory_space<vmem>>
      %dma_wait3A_1760 = arith.constant 0 : i32
      %dma_wait3A_1761 = arith.constant 0 : i32
      %dma_wait3A_1762 = tpu.memref_slice %arg12[%dma_wait3A_1760, %dma_wait3A_1761] : memref<10112x32xf32, #tpu.memory_space<vmem_shared>> -> memref<10112x32xf32, #tpu.memory_space<vmem_shared>>
      tpu.wait_indirect_dma semaphore(%arg16 : memref<!tpu.dma_semaphore, #tpu.memory_space<semaphore_mem>>) src(%dma_wait3A_1756 : memref<128x32xf32, #tpu.memory_space<vmem>>) dst(%dma_wait3A_1762 : memref<10112x32xf32, #tpu.memory_space<vmem_shared>>)
      %dma_wait3A_1763 = arith.constant 7 : i32
      %dma_wait3A_1764 = arith.constant 896 : i32
      %dma_wait3A_1765 = arith.constant 0 : i32
      %dma_wait3A_1766 = tpu.memref_slice %arg11[%dma_wait3A_1764, %dma_wait3A_1765] : memref<1280x32xf32, #tpu.memory_space<vmem>> -> memref<128x32xf32, #tpu.memory_space<vmem>>
      %dma_wait3A_1767 = arith.constant 0 : i32
      %dma_wait3A_1768 = tpu.memref_slice %arg9[%dma_wait3A_1763, %dma_wait3A_1767] : memref<10x128xi32, #tpu.memory_space<vmem>> -> memref<1x128xi32, #tpu.memory_space<vmem>>
      %dma_wait3A_1769 = tpu.memref_squeeze %dma_wait3A_1768 : memref<1x128xi32, #tpu.memory_space<vmem>> -> memref<128xi32, #tpu.memory_space<vmem>>
      %dma_wait3A_1770 = arith.constant 0 : i32
      %dma_wait3A_1771 = arith.constant 0 : i32
      %dma_wait3A_1772 = tpu.memref_slice %arg12[%dma_wait3A_1770, %dma_wait3A_1771] : memref<10112x32xf32, #tpu.memory_space<vmem_shared>> -> memref<10112x32xf32, #tpu.memory_space<vmem_shared>>
      tpu.wait_indirect_dma semaphore(%arg16 : memref<!tpu.dma_semaphore, #tpu.memory_space<semaphore_mem>>) src(%dma_wait3A_1766 : memref<128x32xf32, #tpu.memory_space<vmem>>) dst(%dma_wait3A_1772 : memref<10112x32xf32, #tpu.memory_space<vmem_shared>>)
      %dma_wait3A_1773 = arith.constant 8 : i32
      %dma_wait3A_1774 = arith.constant 1024 : i32
      %dma_wait3A_1775 = arith.constant 0 : i32
      %dma_wait3A_1776 = tpu.memref_slice %arg11[%dma_wait3A_1774, %dma_wait3A_1775] : memref<1280x32xf32, #tpu.memory_space<vmem>> -> memref<128x32xf32, #tpu.memory_space<vmem>>
      %dma_wait3A_1777 = arith.constant 0 : i32
      %dma_wait3A_1778 = tpu.memref_slice %arg9[%dma_wait3A_1773, %dma_wait3A_1777] : memref<10x128xi32, #tpu.memory_space<vmem>> -> memref<1x128xi32, #tpu.memory_space<vmem>>
      %dma_wait3A_1779 = tpu.memref_squeeze %dma_wait3A_1778 : memref<1x128xi32, #tpu.memory_space<vmem>> -> memref<128xi32, #tpu.memory_space<vmem>>
      %dma_wait3A_1780 = arith.constant 0 : i32
      %dma_wait3A_1781 = arith.constant 0 : i32
      %dma_wait3A_1782 = tpu.memref_slice %arg12[%dma_wait3A_1780, %dma_wait3A_1781] : memref<10112x32xf32, #tpu.memory_space<vmem_shared>> -> memref<10112x32xf32, #tpu.memory_space<vmem_shared>>
      tpu.wait_indirect_dma semaphore(%arg16 : memref<!tpu.dma_semaphore, #tpu.memory_space<semaphore_mem>>) src(%dma_wait3A_1776 : memref<128x32xf32, #tpu.memory_space<vmem>>) dst(%dma_wait3A_1782 : memref<10112x32xf32, #tpu.memory_space<vmem_shared>>)
      %dma_wait3A_1783 = arith.constant 9 : i32
      %dma_wait3A_1784 = arith.constant 1152 : i32
      %dma_wait3A_1785 = arith.constant 0 : i32
      %dma_wait3A_1786 = tpu.memref_slice %arg11[%dma_wait3A_1784, %dma_wait3A_1785] : memref<1280x32xf32, #tpu.memory_space<vmem>> -> memref<128x32xf32, #tpu.memory_space<vmem>>
      %dma_wait3A_1787 = arith.constant 0 : i32
      %dma_wait3A_1788 = tpu.memref_slice %arg9[%dma_wait3A_1783, %dma_wait3A_1787] : memref<10x128xi32, #tpu.memory_space<vmem>> -> memref<1x128xi32, #tpu.memory_space<vmem>>
      %dma_wait3A_1789 = tpu.memref_squeeze %dma_wait3A_1788 : memref<1x128xi32, #tpu.memory_space<vmem>> -> memref<128xi32, #tpu.memory_space<vmem>>
      %dma_wait3A_1790 = arith.constant 0 : i32
      %dma_wait3A_1791 = arith.constant 0 : i32
      %dma_wait3A_1792 = tpu.memref_slice %arg12[%dma_wait3A_1790, %dma_wait3A_1791] : memref<10112x32xf32, #tpu.memory_space<vmem_shared>> -> memref<10112x32xf32, #tpu.memory_space<vmem_shared>>
      tpu.wait_indirect_dma semaphore(%arg16 : memref<!tpu.dma_semaphore, #tpu.memory_space<semaphore_mem>>) src(%dma_wait3A_1786 : memref<128x32xf32, #tpu.memory_space<vmem>>) dst(%dma_wait3A_1792 : memref<10112x32xf32, #tpu.memory_space<vmem_shared>>)
      %mul3A_1793 = arith.constant 2 : i32
      %mul3A_1794 = arith.muli %mul3A_1793, %scan3A_1271 : i32
      %add3A_1795 = arith.constant 1 : i32
      %add3A_1796 = arith.addi %mul3A_1794, %add3A_1795 : i32
      %add3A_1797 = arith.constant 2 : i32
      %add3A_1798 = arith.addi %add3A_1796, %add3A_1797 : i32
      %mul3A_1799 = arith.constant 10 : i32
      %mul3A_1800 = arith.muli %add3A_1798, %mul3A_1799 : i32
      %add3A_1801 = arith.addi %mul3A_2, %mul3A_1800 : i32
      "tpu.region"() ({
        %run_scoped3A = tpu.sem_alloc : memref<!tpu.dma_semaphore, #tpu.memory_space<semaphore_mem>>
        %dma_start3A_1902 = arith.constant 0 : i32
        %dma_start3A_1903 = tpu.memref_slice %arg3[%add3A_1801, %dma_start3A_1902] : memref<2560x128xi32, #tpu.memory_space<hbm>> -> memref<10x128xi32, #tpu.memory_space<hbm>>
        %dma_start3A_1904 = arith.constant 0 : i32
        %dma_start3A_1905 = tpu.memref_slice %arg3[%add3A_1801, %dma_start3A_1904] : memref<2560x128xi32, #tpu.memory_space<hbm>> -> memref<10x128xi32, #tpu.memory_space<hbm>>
        tpu.enqueue_dma source(%dma_start3A_1905 : memref<10x128xi32, #tpu.memory_space<hbm>>) target(%arg7 : memref<10x128xi32, #tpu.memory_space<vmem>>) target_semaphore(%run_scoped3A : memref<!tpu.dma_semaphore, #tpu.memory_space<semaphore_mem>>)
        %dma_wait3A_1906 = arith.constant 0 : i32
        %dma_wait3A_1907 = tpu.memref_slice %arg3[%add3A_1801, %dma_wait3A_1906] : memref<2560x128xi32, #tpu.memory_space<hbm>> -> memref<10x128xi32, #tpu.memory_space<hbm>>
        %dma_wait3A_1908 = arith.constant 0 : i32
        %dma_wait3A_1909 = tpu.memref_slice %arg3[%add3A_1801, %dma_wait3A_1908] : memref<2560x128xi32, #tpu.memory_space<hbm>> -> memref<10x128xi32, #tpu.memory_space<hbm>>
        tpu.wait_dma2 semaphore(%run_scoped3A : memref<!tpu.dma_semaphore, #tpu.memory_space<semaphore_mem>>) src(%dma_wait3A_1909 : memref<10x128xi32, #tpu.memory_space<hbm>>) dst(%arg7 : memref<10x128xi32, #tpu.memory_space<vmem>>)
        tpu.yield
      }) : () -> ()
      "tpu.region"() ({
        %run_scoped3A = tpu.sem_alloc : memref<!tpu.dma_semaphore, #tpu.memory_space<semaphore_mem>>
        %dma_start3A_1902 = arith.constant 0 : i32
        %dma_start3A_1903 = tpu.memref_slice %arg4[%add3A_1801, %dma_start3A_1902] : memref<2560x128xi32, #tpu.memory_space<hbm>> -> memref<10x128xi32, #tpu.memory_space<hbm>>
        %dma_start3A_1904 = arith.constant 0 : i32
        %dma_start3A_1905 = tpu.memref_slice %arg4[%add3A_1801, %dma_start3A_1904] : memref<2560x128xi32, #tpu.memory_space<hbm>> -> memref<10x128xi32, #tpu.memory_space<hbm>>
        tpu.enqueue_dma source(%dma_start3A_1905 : memref<10x128xi32, #tpu.memory_space<hbm>>) target(%arg9 : memref<10x128xi32, #tpu.memory_space<vmem>>) target_semaphore(%run_scoped3A : memref<!tpu.dma_semaphore, #tpu.memory_space<semaphore_mem>>)
        %dma_wait3A_1906 = arith.constant 0 : i32
        %dma_wait3A_1907 = tpu.memref_slice %arg4[%add3A_1801, %dma_wait3A_1906] : memref<2560x128xi32, #tpu.memory_space<hbm>> -> memref<10x128xi32, #tpu.memory_space<hbm>>
        %dma_wait3A_1908 = arith.constant 0 : i32
        %dma_wait3A_1909 = tpu.memref_slice %arg4[%add3A_1801, %dma_wait3A_1908] : memref<2560x128xi32, #tpu.memory_space<hbm>> -> memref<10x128xi32, #tpu.memory_space<hbm>>
        tpu.wait_dma2 semaphore(%run_scoped3A : memref<!tpu.dma_semaphore, #tpu.memory_space<semaphore_mem>>) src(%dma_wait3A_1909 : memref<10x128xi32, #tpu.memory_space<hbm>>) dst(%arg9 : memref<10x128xi32, #tpu.memory_space<vmem>>)
        tpu.yield
      }) : () -> ()
      %dma_start3A_1802 = arith.constant 0 : i32
      %dma_start3A_1803 = arith.constant 0 : i32
      %dma_start3A_1804 = arith.constant 0 : i32
      %dma_start3A_1805 = tpu.memref_slice %arg11[%dma_start3A_1803, %dma_start3A_1804] : memref<1280x32xf32, #tpu.memory_space<vmem>> -> memref<128x32xf32, #tpu.memory_space<vmem>>
      %dma_start3A_1806 = arith.constant 0 : i32
      %dma_start3A_1807 = tpu.memref_slice %arg7[%dma_start3A_1802, %dma_start3A_1806] : memref<10x128xi32, #tpu.memory_space<vmem>> -> memref<1x128xi32, #tpu.memory_space<vmem>>
      %dma_start3A_1808 = tpu.memref_squeeze %dma_start3A_1807 : memref<1x128xi32, #tpu.memory_space<vmem>> -> memref<128xi32, #tpu.memory_space<vmem>>
      %dma_start3A_1809 = arith.constant 0 : i32
      %dma_start3A_1810 = arith.constant 0 : i32
      %dma_start3A_1811 = tpu.memref_slice %arg13[%dma_start3A_1809, %dma_start3A_1810] : memref<10112x32xf32, #tpu.memory_space<vmem_shared>> -> memref<10112x32xf32, #tpu.memory_space<vmem_shared>>
      tpu.enqueue_indirect_dma source(%dma_start3A_1811 : memref<10112x32xf32, #tpu.memory_space<vmem_shared>>) target(%dma_start3A_1805 : memref<128x32xf32, #tpu.memory_space<vmem>>) offsets(%dma_start3A_1808 : memref<128xi32, #tpu.memory_space<vmem>>) semaphore(%arg15 : memref<!tpu.dma_semaphore, #tpu.memory_space<semaphore_mem>>)
      %dma_start3A_1812 = arith.constant 1 : i32
      %dma_start3A_1813 = arith.constant 128 : i32
      %dma_start3A_1814 = arith.constant 0 : i32
      %dma_start3A_1815 = tpu.memref_slice %arg11[%dma_start3A_1813, %dma_start3A_1814] : memref<1280x32xf32, #tpu.memory_space<vmem>> -> memref<128x32xf32, #tpu.memory_space<vmem>>
      %dma_start3A_1816 = arith.constant 0 : i32
      %dma_start3A_1817 = tpu.memref_slice %arg7[%dma_start3A_1812, %dma_start3A_1816] : memref<10x128xi32, #tpu.memory_space<vmem>> -> memref<1x128xi32, #tpu.memory_space<vmem>>
      %dma_start3A_1818 = tpu.memref_squeeze %dma_start3A_1817 : memref<1x128xi32, #tpu.memory_space<vmem>> -> memref<128xi32, #tpu.memory_space<vmem>>
      %dma_start3A_1819 = arith.constant 0 : i32
      %dma_start3A_1820 = arith.constant 0 : i32
      %dma_start3A_1821 = tpu.memref_slice %arg13[%dma_start3A_1819, %dma_start3A_1820] : memref<10112x32xf32, #tpu.memory_space<vmem_shared>> -> memref<10112x32xf32, #tpu.memory_space<vmem_shared>>
      tpu.enqueue_indirect_dma source(%dma_start3A_1821 : memref<10112x32xf32, #tpu.memory_space<vmem_shared>>) target(%dma_start3A_1815 : memref<128x32xf32, #tpu.memory_space<vmem>>) offsets(%dma_start3A_1818 : memref<128xi32, #tpu.memory_space<vmem>>) semaphore(%arg15 : memref<!tpu.dma_semaphore, #tpu.memory_space<semaphore_mem>>)
      %dma_start3A_1822 = arith.constant 2 : i32
      %dma_start3A_1823 = arith.constant 256 : i32
      %dma_start3A_1824 = arith.constant 0 : i32
      %dma_start3A_1825 = tpu.memref_slice %arg11[%dma_start3A_1823, %dma_start3A_1824] : memref<1280x32xf32, #tpu.memory_space<vmem>> -> memref<128x32xf32, #tpu.memory_space<vmem>>
      %dma_start3A_1826 = arith.constant 0 : i32
      %dma_start3A_1827 = tpu.memref_slice %arg7[%dma_start3A_1822, %dma_start3A_1826] : memref<10x128xi32, #tpu.memory_space<vmem>> -> memref<1x128xi32, #tpu.memory_space<vmem>>
      %dma_start3A_1828 = tpu.memref_squeeze %dma_start3A_1827 : memref<1x128xi32, #tpu.memory_space<vmem>> -> memref<128xi32, #tpu.memory_space<vmem>>
      %dma_start3A_1829 = arith.constant 0 : i32
      %dma_start3A_1830 = arith.constant 0 : i32
      %dma_start3A_1831 = tpu.memref_slice %arg13[%dma_start3A_1829, %dma_start3A_1830] : memref<10112x32xf32, #tpu.memory_space<vmem_shared>> -> memref<10112x32xf32, #tpu.memory_space<vmem_shared>>
      tpu.enqueue_indirect_dma source(%dma_start3A_1831 : memref<10112x32xf32, #tpu.memory_space<vmem_shared>>) target(%dma_start3A_1825 : memref<128x32xf32, #tpu.memory_space<vmem>>) offsets(%dma_start3A_1828 : memref<128xi32, #tpu.memory_space<vmem>>) semaphore(%arg15 : memref<!tpu.dma_semaphore, #tpu.memory_space<semaphore_mem>>)
      %dma_start3A_1832 = arith.constant 3 : i32
      %dma_start3A_1833 = arith.constant 384 : i32
      %dma_start3A_1834 = arith.constant 0 : i32
      %dma_start3A_1835 = tpu.memref_slice %arg11[%dma_start3A_1833, %dma_start3A_1834] : memref<1280x32xf32, #tpu.memory_space<vmem>> -> memref<128x32xf32, #tpu.memory_space<vmem>>
      %dma_start3A_1836 = arith.constant 0 : i32
      %dma_start3A_1837 = tpu.memref_slice %arg7[%dma_start3A_1832, %dma_start3A_1836] : memref<10x128xi32, #tpu.memory_space<vmem>> -> memref<1x128xi32, #tpu.memory_space<vmem>>
      %dma_start3A_1838 = tpu.memref_squeeze %dma_start3A_1837 : memref<1x128xi32, #tpu.memory_space<vmem>> -> memref<128xi32, #tpu.memory_space<vmem>>
      %dma_start3A_1839 = arith.constant 0 : i32
      %dma_start3A_1840 = arith.constant 0 : i32
      %dma_start3A_1841 = tpu.memref_slice %arg13[%dma_start3A_1839, %dma_start3A_1840] : memref<10112x32xf32, #tpu.memory_space<vmem_shared>> -> memref<10112x32xf32, #tpu.memory_space<vmem_shared>>
      tpu.enqueue_indirect_dma source(%dma_start3A_1841 : memref<10112x32xf32, #tpu.memory_space<vmem_shared>>) target(%dma_start3A_1835 : memref<128x32xf32, #tpu.memory_space<vmem>>) offsets(%dma_start3A_1838 : memref<128xi32, #tpu.memory_space<vmem>>) semaphore(%arg15 : memref<!tpu.dma_semaphore, #tpu.memory_space<semaphore_mem>>)
      %dma_start3A_1842 = arith.constant 4 : i32
      %dma_start3A_1843 = arith.constant 512 : i32
      %dma_start3A_1844 = arith.constant 0 : i32
      %dma_start3A_1845 = tpu.memref_slice %arg11[%dma_start3A_1843, %dma_start3A_1844] : memref<1280x32xf32, #tpu.memory_space<vmem>> -> memref<128x32xf32, #tpu.memory_space<vmem>>
      %dma_start3A_1846 = arith.constant 0 : i32
      %dma_start3A_1847 = tpu.memref_slice %arg7[%dma_start3A_1842, %dma_start3A_1846] : memref<10x128xi32, #tpu.memory_space<vmem>> -> memref<1x128xi32, #tpu.memory_space<vmem>>
      %dma_start3A_1848 = tpu.memref_squeeze %dma_start3A_1847 : memref<1x128xi32, #tpu.memory_space<vmem>> -> memref<128xi32, #tpu.memory_space<vmem>>
      %dma_start3A_1849 = arith.constant 0 : i32
      %dma_start3A_1850 = arith.constant 0 : i32
      %dma_start3A_1851 = tpu.memref_slice %arg13[%dma_start3A_1849, %dma_start3A_1850] : memref<10112x32xf32, #tpu.memory_space<vmem_shared>> -> memref<10112x32xf32, #tpu.memory_space<vmem_shared>>
      tpu.enqueue_indirect_dma source(%dma_start3A_1851 : memref<10112x32xf32, #tpu.memory_space<vmem_shared>>) target(%dma_start3A_1845 : memref<128x32xf32, #tpu.memory_space<vmem>>) offsets(%dma_start3A_1848 : memref<128xi32, #tpu.memory_space<vmem>>) semaphore(%arg15 : memref<!tpu.dma_semaphore, #tpu.memory_space<semaphore_mem>>)
      %dma_start3A_1852 = arith.constant 5 : i32
      %dma_start3A_1853 = arith.constant 640 : i32
      %dma_start3A_1854 = arith.constant 0 : i32
      %dma_start3A_1855 = tpu.memref_slice %arg11[%dma_start3A_1853, %dma_start3A_1854] : memref<1280x32xf32, #tpu.memory_space<vmem>> -> memref<128x32xf32, #tpu.memory_space<vmem>>
      %dma_start3A_1856 = arith.constant 0 : i32
      %dma_start3A_1857 = tpu.memref_slice %arg7[%dma_start3A_1852, %dma_start3A_1856] : memref<10x128xi32, #tpu.memory_space<vmem>> -> memref<1x128xi32, #tpu.memory_space<vmem>>
      %dma_start3A_1858 = tpu.memref_squeeze %dma_start3A_1857 : memref<1x128xi32, #tpu.memory_space<vmem>> -> memref<128xi32, #tpu.memory_space<vmem>>
      %dma_start3A_1859 = arith.constant 0 : i32
      %dma_start3A_1860 = arith.constant 0 : i32
      %dma_start3A_1861 = tpu.memref_slice %arg13[%dma_start3A_1859, %dma_start3A_1860] : memref<10112x32xf32, #tpu.memory_space<vmem_shared>> -> memref<10112x32xf32, #tpu.memory_space<vmem_shared>>
      tpu.enqueue_indirect_dma source(%dma_start3A_1861 : memref<10112x32xf32, #tpu.memory_space<vmem_shared>>) target(%dma_start3A_1855 : memref<128x32xf32, #tpu.memory_space<vmem>>) offsets(%dma_start3A_1858 : memref<128xi32, #tpu.memory_space<vmem>>) semaphore(%arg15 : memref<!tpu.dma_semaphore, #tpu.memory_space<semaphore_mem>>)
      %dma_start3A_1862 = arith.constant 6 : i32
      %dma_start3A_1863 = arith.constant 768 : i32
      %dma_start3A_1864 = arith.constant 0 : i32
      %dma_start3A_1865 = tpu.memref_slice %arg11[%dma_start3A_1863, %dma_start3A_1864] : memref<1280x32xf32, #tpu.memory_space<vmem>> -> memref<128x32xf32, #tpu.memory_space<vmem>>
      %dma_start3A_1866 = arith.constant 0 : i32
      %dma_start3A_1867 = tpu.memref_slice %arg7[%dma_start3A_1862, %dma_start3A_1866] : memref<10x128xi32, #tpu.memory_space<vmem>> -> memref<1x128xi32, #tpu.memory_space<vmem>>
      %dma_start3A_1868 = tpu.memref_squeeze %dma_start3A_1867 : memref<1x128xi32, #tpu.memory_space<vmem>> -> memref<128xi32, #tpu.memory_space<vmem>>
      %dma_start3A_1869 = arith.constant 0 : i32
      %dma_start3A_1870 = arith.constant 0 : i32
      %dma_start3A_1871 = tpu.memref_slice %arg13[%dma_start3A_1869, %dma_start3A_1870] : memref<10112x32xf32, #tpu.memory_space<vmem_shared>> -> memref<10112x32xf32, #tpu.memory_space<vmem_shared>>
      tpu.enqueue_indirect_dma source(%dma_start3A_1871 : memref<10112x32xf32, #tpu.memory_space<vmem_shared>>) target(%dma_start3A_1865 : memref<128x32xf32, #tpu.memory_space<vmem>>) offsets(%dma_start3A_1868 : memref<128xi32, #tpu.memory_space<vmem>>) semaphore(%arg15 : memref<!tpu.dma_semaphore, #tpu.memory_space<semaphore_mem>>)
      %dma_start3A_1872 = arith.constant 7 : i32
      %dma_start3A_1873 = arith.constant 896 : i32
      %dma_start3A_1874 = arith.constant 0 : i32
      %dma_start3A_1875 = tpu.memref_slice %arg11[%dma_start3A_1873, %dma_start3A_1874] : memref<1280x32xf32, #tpu.memory_space<vmem>> -> memref<128x32xf32, #tpu.memory_space<vmem>>
      %dma_start3A_1876 = arith.constant 0 : i32
      %dma_start3A_1877 = tpu.memref_slice %arg7[%dma_start3A_1872, %dma_start3A_1876] : memref<10x128xi32, #tpu.memory_space<vmem>> -> memref<1x128xi32, #tpu.memory_space<vmem>>
      %dma_start3A_1878 = tpu.memref_squeeze %dma_start3A_1877 : memref<1x128xi32, #tpu.memory_space<vmem>> -> memref<128xi32, #tpu.memory_space<vmem>>
      %dma_start3A_1879 = arith.constant 0 : i32
      %dma_start3A_1880 = arith.constant 0 : i32
      %dma_start3A_1881 = tpu.memref_slice %arg13[%dma_start3A_1879, %dma_start3A_1880] : memref<10112x32xf32, #tpu.memory_space<vmem_shared>> -> memref<10112x32xf32, #tpu.memory_space<vmem_shared>>
      tpu.enqueue_indirect_dma source(%dma_start3A_1881 : memref<10112x32xf32, #tpu.memory_space<vmem_shared>>) target(%dma_start3A_1875 : memref<128x32xf32, #tpu.memory_space<vmem>>) offsets(%dma_start3A_1878 : memref<128xi32, #tpu.memory_space<vmem>>) semaphore(%arg15 : memref<!tpu.dma_semaphore, #tpu.memory_space<semaphore_mem>>)
      %dma_start3A_1882 = arith.constant 8 : i32
      %dma_start3A_1883 = arith.constant 1024 : i32
      %dma_start3A_1884 = arith.constant 0 : i32
      %dma_start3A_1885 = tpu.memref_slice %arg11[%dma_start3A_1883, %dma_start3A_1884] : memref<1280x32xf32, #tpu.memory_space<vmem>> -> memref<128x32xf32, #tpu.memory_space<vmem>>
      %dma_start3A_1886 = arith.constant 0 : i32
      %dma_start3A_1887 = tpu.memref_slice %arg7[%dma_start3A_1882, %dma_start3A_1886] : memref<10x128xi32, #tpu.memory_space<vmem>> -> memref<1x128xi32, #tpu.memory_space<vmem>>
      %dma_start3A_1888 = tpu.memref_squeeze %dma_start3A_1887 : memref<1x128xi32, #tpu.memory_space<vmem>> -> memref<128xi32, #tpu.memory_space<vmem>>
      %dma_start3A_1889 = arith.constant 0 : i32
      %dma_start3A_1890 = arith.constant 0 : i32
      %dma_start3A_1891 = tpu.memref_slice %arg13[%dma_start3A_1889, %dma_start3A_1890] : memref<10112x32xf32, #tpu.memory_space<vmem_shared>> -> memref<10112x32xf32, #tpu.memory_space<vmem_shared>>
      tpu.enqueue_indirect_dma source(%dma_start3A_1891 : memref<10112x32xf32, #tpu.memory_space<vmem_shared>>) target(%dma_start3A_1885 : memref<128x32xf32, #tpu.memory_space<vmem>>) offsets(%dma_start3A_1888 : memref<128xi32, #tpu.memory_space<vmem>>) semaphore(%arg15 : memref<!tpu.dma_semaphore, #tpu.memory_space<semaphore_mem>>)
      %dma_start3A_1892 = arith.constant 9 : i32
      %dma_start3A_1893 = arith.constant 1152 : i32
      %dma_start3A_1894 = arith.constant 0 : i32
      %dma_start3A_1895 = tpu.memref_slice %arg11[%dma_start3A_1893, %dma_start3A_1894] : memref<1280x32xf32, #tpu.memory_space<vmem>> -> memref<128x32xf32, #tpu.memory_space<vmem>>
      %dma_start3A_1896 = arith.constant 0 : i32
      %dma_start3A_1897 = tpu.memref_slice %arg7[%dma_start3A_1892, %dma_start3A_1896] : memref<10x128xi32, #tpu.memory_space<vmem>> -> memref<1x128xi32, #tpu.memory_space<vmem>>
      %dma_start3A_1898 = tpu.memref_squeeze %dma_start3A_1897 : memref<1x128xi32, #tpu.memory_space<vmem>> -> memref<128xi32, #tpu.memory_space<vmem>>
      %dma_start3A_1899 = arith.constant 0 : i32
      %dma_start3A_1900 = arith.constant 0 : i32
      %dma_start3A_1901 = tpu.memref_slice %arg13[%dma_start3A_1899, %dma_start3A_1900] : memref<10112x32xf32, #tpu.memory_space<vmem_shared>> -> memref<10112x32xf32, #tpu.memory_space<vmem_shared>>
      tpu.enqueue_indirect_dma source(%dma_start3A_1901 : memref<10112x32xf32, #tpu.memory_space<vmem_shared>>) target(%dma_start3A_1895 : memref<128x32xf32, #tpu.memory_space<vmem>>) offsets(%dma_start3A_1898 : memref<128xi32, #tpu.memory_space<vmem>>) semaphore(%arg15 : memref<!tpu.dma_semaphore, #tpu.memory_space<semaphore_mem>>)
    }
    %scan3A_218 = arith.constant 3 : i32
    %dma_wait3A = arith.constant 0 : i32
    %dma_wait3A_219 = arith.constant 0 : i32
    %dma_wait3A_220 = tpu.memref_slice %arg2[%dma_wait3A, %dma_wait3A_219] : memref<10112x64xf32, #tpu.memory_space<hbm>> -> memref<1280x32xf32, #tpu.memory_space<hbm>>
    %dma_wait3A_221 = arith.constant 0 : i32
    %dma_wait3A_222 = arith.constant 0 : i32
    %dma_wait3A_223 = tpu.memref_slice %arg2[%dma_wait3A_221, %dma_wait3A_222] : memref<10112x64xf32, #tpu.memory_space<hbm>> -> memref<1280x32xf32, #tpu.memory_space<hbm>>
    tpu.wait_dma2 semaphore(%arg14 : memref<!tpu.dma_semaphore, #tpu.memory_space<semaphore_mem>>) src(%dma_wait3A_223 : memref<1280x32xf32, #tpu.memory_space<hbm>>) dst(%arg10 : memref<1280x32xf32, #tpu.memory_space<vmem>>)
    %dma_start3A_224 = arith.constant 0 : i32
    %dma_start3A_225 = arith.constant 0 : i32
    %dma_start3A_226 = arith.constant 0 : i32
    %dma_start3A_227 = tpu.memref_slice %arg10[%dma_start3A_225, %dma_start3A_226] : memref<1280x32xf32, #tpu.memory_space<vmem>> -> memref<128x32xf32, #tpu.memory_space<vmem>>
    %dma_start3A_228 = arith.constant 0 : i32
    %dma_start3A_229 = tpu.memref_slice %arg8[%dma_start3A_224, %dma_start3A_228] : memref<10x128xi32, #tpu.memory_space<vmem>> -> memref<1x128xi32, #tpu.memory_space<vmem>>
    %dma_start3A_230 = tpu.memref_squeeze %dma_start3A_229 : memref<1x128xi32, #tpu.memory_space<vmem>> -> memref<128xi32, #tpu.memory_space<vmem>>
    %dma_start3A_231 = arith.constant 0 : i32
    %dma_start3A_232 = arith.constant 0 : i32
    %dma_start3A_233 = tpu.memref_slice %arg12[%dma_start3A_231, %dma_start3A_232] : memref<10112x32xf32, #tpu.memory_space<vmem_shared>> -> memref<10112x32xf32, #tpu.memory_space<vmem_shared>>
    tpu.enqueue_indirect_dma source(%dma_start3A_227 : memref<128x32xf32, #tpu.memory_space<vmem>>) target(%dma_start3A_233 : memref<10112x32xf32, #tpu.memory_space<vmem_shared>>) offsets(%dma_start3A_230 : memref<128xi32, #tpu.memory_space<vmem>>) semaphore(%arg16 : memref<!tpu.dma_semaphore, #tpu.memory_space<semaphore_mem>>) {add = true}
    %dma_start3A_234 = arith.constant 1 : i32
    %dma_start3A_235 = arith.constant 128 : i32
    %dma_start3A_236 = arith.constant 0 : i32
    %dma_start3A_237 = tpu.memref_slice %arg10[%dma_start3A_235, %dma_start3A_236] : memref<1280x32xf32, #tpu.memory_space<vmem>> -> memref<128x32xf32, #tpu.memory_space<vmem>>
    %dma_start3A_238 = arith.constant 0 : i32
    %dma_start3A_239 = tpu.memref_slice %arg8[%dma_start3A_234, %dma_start3A_238] : memref<10x128xi32, #tpu.memory_space<vmem>> -> memref<1x128xi32, #tpu.memory_space<vmem>>
    %dma_start3A_240 = tpu.memref_squeeze %dma_start3A_239 : memref<1x128xi32, #tpu.memory_space<vmem>> -> memref<128xi32, #tpu.memory_space<vmem>>
    %dma_start3A_241 = arith.constant 0 : i32
    %dma_start3A_242 = arith.constant 0 : i32
    %dma_start3A_243 = tpu.memref_slice %arg12[%dma_start3A_241, %dma_start3A_242] : memref<10112x32xf32, #tpu.memory_space<vmem_shared>> -> memref<10112x32xf32, #tpu.memory_space<vmem_shared>>
    tpu.enqueue_indirect_dma source(%dma_start3A_237 : memref<128x32xf32, #tpu.memory_space<vmem>>) target(%dma_start3A_243 : memref<10112x32xf32, #tpu.memory_space<vmem_shared>>) offsets(%dma_start3A_240 : memref<128xi32, #tpu.memory_space<vmem>>) semaphore(%arg16 : memref<!tpu.dma_semaphore, #tpu.memory_space<semaphore_mem>>) {add = true}
    %dma_start3A_244 = arith.constant 2 : i32
    %dma_start3A_245 = arith.constant 256 : i32
    %dma_start3A_246 = arith.constant 0 : i32
    %dma_start3A_247 = tpu.memref_slice %arg10[%dma_start3A_245, %dma_start3A_246] : memref<1280x32xf32, #tpu.memory_space<vmem>> -> memref<128x32xf32, #tpu.memory_space<vmem>>
    %dma_start3A_248 = arith.constant 0 : i32
    %dma_start3A_249 = tpu.memref_slice %arg8[%dma_start3A_244, %dma_start3A_248] : memref<10x128xi32, #tpu.memory_space<vmem>> -> memref<1x128xi32, #tpu.memory_space<vmem>>
    %dma_start3A_250 = tpu.memref_squeeze %dma_start3A_249 : memref<1x128xi32, #tpu.memory_space<vmem>> -> memref<128xi32, #tpu.memory_space<vmem>>
    %dma_start3A_251 = arith.constant 0 : i32
    %dma_start3A_252 = arith.constant 0 : i32
    %dma_start3A_253 = tpu.memref_slice %arg12[%dma_start3A_251, %dma_start3A_252] : memref<10112x32xf32, #tpu.memory_space<vmem_shared>> -> memref<10112x32xf32, #tpu.memory_space<vmem_shared>>
    tpu.enqueue_indirect_dma source(%dma_start3A_247 : memref<128x32xf32, #tpu.memory_space<vmem>>) target(%dma_start3A_253 : memref<10112x32xf32, #tpu.memory_space<vmem_shared>>) offsets(%dma_start3A_250 : memref<128xi32, #tpu.memory_space<vmem>>) semaphore(%arg16 : memref<!tpu.dma_semaphore, #tpu.memory_space<semaphore_mem>>) {add = true}
    %dma_start3A_254 = arith.constant 3 : i32
    %dma_start3A_255 = arith.constant 384 : i32
    %dma_start3A_256 = arith.constant 0 : i32
    %dma_start3A_257 = tpu.memref_slice %arg10[%dma_start3A_255, %dma_start3A_256] : memref<1280x32xf32, #tpu.memory_space<vmem>> -> memref<128x32xf32, #tpu.memory_space<vmem>>
    %dma_start3A_258 = arith.constant 0 : i32
    %dma_start3A_259 = tpu.memref_slice %arg8[%dma_start3A_254, %dma_start3A_258] : memref<10x128xi32, #tpu.memory_space<vmem>> -> memref<1x128xi32, #tpu.memory_space<vmem>>
    %dma_start3A_260 = tpu.memref_squeeze %dma_start3A_259 : memref<1x128xi32, #tpu.memory_space<vmem>> -> memref<128xi32, #tpu.memory_space<vmem>>
    %dma_start3A_261 = arith.constant 0 : i32
    %dma_start3A_262 = arith.constant 0 : i32
    %dma_start3A_263 = tpu.memref_slice %arg12[%dma_start3A_261, %dma_start3A_262] : memref<10112x32xf32, #tpu.memory_space<vmem_shared>> -> memref<10112x32xf32, #tpu.memory_space<vmem_shared>>
    tpu.enqueue_indirect_dma source(%dma_start3A_257 : memref<128x32xf32, #tpu.memory_space<vmem>>) target(%dma_start3A_263 : memref<10112x32xf32, #tpu.memory_space<vmem_shared>>) offsets(%dma_start3A_260 : memref<128xi32, #tpu.memory_space<vmem>>) semaphore(%arg16 : memref<!tpu.dma_semaphore, #tpu.memory_space<semaphore_mem>>) {add = true}
    %dma_start3A_264 = arith.constant 4 : i32
    %dma_start3A_265 = arith.constant 512 : i32
    %dma_start3A_266 = arith.constant 0 : i32
    %dma_start3A_267 = tpu.memref_slice %arg10[%dma_start3A_265, %dma_start3A_266] : memref<1280x32xf32, #tpu.memory_space<vmem>> -> memref<128x32xf32, #tpu.memory_space<vmem>>
    %dma_start3A_268 = arith.constant 0 : i32
    %dma_start3A_269 = tpu.memref_slice %arg8[%dma_start3A_264, %dma_start3A_268] : memref<10x128xi32, #tpu.memory_space<vmem>> -> memref<1x128xi32, #tpu.memory_space<vmem>>
    %dma_start3A_270 = tpu.memref_squeeze %dma_start3A_269 : memref<1x128xi32, #tpu.memory_space<vmem>> -> memref<128xi32, #tpu.memory_space<vmem>>
    %dma_start3A_271 = arith.constant 0 : i32
    %dma_start3A_272 = arith.constant 0 : i32
    %dma_start3A_273 = tpu.memref_slice %arg12[%dma_start3A_271, %dma_start3A_272] : memref<10112x32xf32, #tpu.memory_space<vmem_shared>> -> memref<10112x32xf32, #tpu.memory_space<vmem_shared>>
    tpu.enqueue_indirect_dma source(%dma_start3A_267 : memref<128x32xf32, #tpu.memory_space<vmem>>) target(%dma_start3A_273 : memref<10112x32xf32, #tpu.memory_space<vmem_shared>>) offsets(%dma_start3A_270 : memref<128xi32, #tpu.memory_space<vmem>>) semaphore(%arg16 : memref<!tpu.dma_semaphore, #tpu.memory_space<semaphore_mem>>) {add = true}
    %dma_start3A_274 = arith.constant 5 : i32
    %dma_start3A_275 = arith.constant 640 : i32
    %dma_start3A_276 = arith.constant 0 : i32
    %dma_start3A_277 = tpu.memref_slice %arg10[%dma_start3A_275, %dma_start3A_276] : memref<1280x32xf32, #tpu.memory_space<vmem>> -> memref<128x32xf32, #tpu.memory_space<vmem>>
    %dma_start3A_278 = arith.constant 0 : i32
    %dma_start3A_279 = tpu.memref_slice %arg8[%dma_start3A_274, %dma_start3A_278] : memref<10x128xi32, #tpu.memory_space<vmem>> -> memref<1x128xi32, #tpu.memory_space<vmem>>
    %dma_start3A_280 = tpu.memref_squeeze %dma_start3A_279 : memref<1x128xi32, #tpu.memory_space<vmem>> -> memref<128xi32, #tpu.memory_space<vmem>>
    %dma_start3A_281 = arith.constant 0 : i32
    %dma_start3A_282 = arith.constant 0 : i32
    %dma_start3A_283 = tpu.memref_slice %arg12[%dma_start3A_281, %dma_start3A_282] : memref<10112x32xf32, #tpu.memory_space<vmem_shared>> -> memref<10112x32xf32, #tpu.memory_space<vmem_shared>>
    tpu.enqueue_indirect_dma source(%dma_start3A_277 : memref<128x32xf32, #tpu.memory_space<vmem>>) target(%dma_start3A_283 : memref<10112x32xf32, #tpu.memory_space<vmem_shared>>) offsets(%dma_start3A_280 : memref<128xi32, #tpu.memory_space<vmem>>) semaphore(%arg16 : memref<!tpu.dma_semaphore, #tpu.memory_space<semaphore_mem>>) {add = true}
    %dma_start3A_284 = arith.constant 6 : i32
    %dma_start3A_285 = arith.constant 768 : i32
    %dma_start3A_286 = arith.constant 0 : i32
    %dma_start3A_287 = tpu.memref_slice %arg10[%dma_start3A_285, %dma_start3A_286] : memref<1280x32xf32, #tpu.memory_space<vmem>> -> memref<128x32xf32, #tpu.memory_space<vmem>>
    %dma_start3A_288 = arith.constant 0 : i32
    %dma_start3A_289 = tpu.memref_slice %arg8[%dma_start3A_284, %dma_start3A_288] : memref<10x128xi32, #tpu.memory_space<vmem>> -> memref<1x128xi32, #tpu.memory_space<vmem>>
    %dma_start3A_290 = tpu.memref_squeeze %dma_start3A_289 : memref<1x128xi32, #tpu.memory_space<vmem>> -> memref<128xi32, #tpu.memory_space<vmem>>
    %dma_start3A_291 = arith.constant 0 : i32
    %dma_start3A_292 = arith.constant 0 : i32
    %dma_start3A_293 = tpu.memref_slice %arg12[%dma_start3A_291, %dma_start3A_292] : memref<10112x32xf32, #tpu.memory_space<vmem_shared>> -> memref<10112x32xf32, #tpu.memory_space<vmem_shared>>
    tpu.enqueue_indirect_dma source(%dma_start3A_287 : memref<128x32xf32, #tpu.memory_space<vmem>>) target(%dma_start3A_293 : memref<10112x32xf32, #tpu.memory_space<vmem_shared>>) offsets(%dma_start3A_290 : memref<128xi32, #tpu.memory_space<vmem>>) semaphore(%arg16 : memref<!tpu.dma_semaphore, #tpu.memory_space<semaphore_mem>>) {add = true}
    %dma_start3A_294 = arith.constant 7 : i32
    %dma_start3A_295 = arith.constant 896 : i32
    %dma_start3A_296 = arith.constant 0 : i32
    %dma_start3A_297 = tpu.memref_slice %arg10[%dma_start3A_295, %dma_start3A_296] : memref<1280x32xf32, #tpu.memory_space<vmem>> -> memref<128x32xf32, #tpu.memory_space<vmem>>
    %dma_start3A_298 = arith.constant 0 : i32
    %dma_start3A_299 = tpu.memref_slice %arg8[%dma_start3A_294, %dma_start3A_298] : memref<10x128xi32, #tpu.memory_space<vmem>> -> memref<1x128xi32, #tpu.memory_space<vmem>>
    %dma_start3A_300 = tpu.memref_squeeze %dma_start3A_299 : memref<1x128xi32, #tpu.memory_space<vmem>> -> memref<128xi32, #tpu.memory_space<vmem>>
    %dma_start3A_301 = arith.constant 0 : i32
    %dma_start3A_302 = arith.constant 0 : i32
    %dma_start3A_303 = tpu.memref_slice %arg12[%dma_start3A_301, %dma_start3A_302] : memref<10112x32xf32, #tpu.memory_space<vmem_shared>> -> memref<10112x32xf32, #tpu.memory_space<vmem_shared>>
    tpu.enqueue_indirect_dma source(%dma_start3A_297 : memref<128x32xf32, #tpu.memory_space<vmem>>) target(%dma_start3A_303 : memref<10112x32xf32, #tpu.memory_space<vmem_shared>>) offsets(%dma_start3A_300 : memref<128xi32, #tpu.memory_space<vmem>>) semaphore(%arg16 : memref<!tpu.dma_semaphore, #tpu.memory_space<semaphore_mem>>) {add = true}
    %dma_start3A_304 = arith.constant 8 : i32
    %dma_start3A_305 = arith.constant 1024 : i32
    %dma_start3A_306 = arith.constant 0 : i32
    %dma_start3A_307 = tpu.memref_slice %arg10[%dma_start3A_305, %dma_start3A_306] : memref<1280x32xf32, #tpu.memory_space<vmem>> -> memref<128x32xf32, #tpu.memory_space<vmem>>
    %dma_start3A_308 = arith.constant 0 : i32
    %dma_start3A_309 = tpu.memref_slice %arg8[%dma_start3A_304, %dma_start3A_308] : memref<10x128xi32, #tpu.memory_space<vmem>> -> memref<1x128xi32, #tpu.memory_space<vmem>>
    %dma_start3A_310 = tpu.memref_squeeze %dma_start3A_309 : memref<1x128xi32, #tpu.memory_space<vmem>> -> memref<128xi32, #tpu.memory_space<vmem>>
    %dma_start3A_311 = arith.constant 0 : i32
    %dma_start3A_312 = arith.constant 0 : i32
    %dma_start3A_313 = tpu.memref_slice %arg12[%dma_start3A_311, %dma_start3A_312] : memref<10112x32xf32, #tpu.memory_space<vmem_shared>> -> memref<10112x32xf32, #tpu.memory_space<vmem_shared>>
    tpu.enqueue_indirect_dma source(%dma_start3A_307 : memref<128x32xf32, #tpu.memory_space<vmem>>) target(%dma_start3A_313 : memref<10112x32xf32, #tpu.memory_space<vmem_shared>>) offsets(%dma_start3A_310 : memref<128xi32, #tpu.memory_space<vmem>>) semaphore(%arg16 : memref<!tpu.dma_semaphore, #tpu.memory_space<semaphore_mem>>) {add = true}
    %dma_start3A_314 = arith.constant 9 : i32
    %dma_start3A_315 = arith.constant 1152 : i32
    %dma_start3A_316 = arith.constant 0 : i32
    %dma_start3A_317 = tpu.memref_slice %arg10[%dma_start3A_315, %dma_start3A_316] : memref<1280x32xf32, #tpu.memory_space<vmem>> -> memref<128x32xf32, #tpu.memory_space<vmem>>
    %dma_start3A_318 = arith.constant 0 : i32
    %dma_start3A_319 = tpu.memref_slice %arg8[%dma_start3A_314, %dma_start3A_318] : memref<10x128xi32, #tpu.memory_space<vmem>> -> memref<1x128xi32, #tpu.memory_space<vmem>>
    %dma_start3A_320 = tpu.memref_squeeze %dma_start3A_319 : memref<1x128xi32, #tpu.memory_space<vmem>> -> memref<128xi32, #tpu.memory_space<vmem>>
    %dma_start3A_321 = arith.constant 0 : i32
    %dma_start3A_322 = arith.constant 0 : i32
    %dma_start3A_323 = tpu.memref_slice %arg12[%dma_start3A_321, %dma_start3A_322] : memref<10112x32xf32, #tpu.memory_space<vmem_shared>> -> memref<10112x32xf32, #tpu.memory_space<vmem_shared>>
    tpu.enqueue_indirect_dma source(%dma_start3A_317 : memref<128x32xf32, #tpu.memory_space<vmem>>) target(%dma_start3A_323 : memref<10112x32xf32, #tpu.memory_space<vmem_shared>>) offsets(%dma_start3A_320 : memref<128xi32, #tpu.memory_space<vmem>>) semaphore(%arg16 : memref<!tpu.dma_semaphore, #tpu.memory_space<semaphore_mem>>) {add = true}
    %dma_wait3A_324 = arith.constant 0 : i32
    %dma_wait3A_325 = arith.constant 0 : i32
    %dma_wait3A_326 = arith.constant 0 : i32
    %dma_wait3A_327 = tpu.memref_slice %arg10[%dma_wait3A_325, %dma_wait3A_326] : memref<1280x32xf32, #tpu.memory_space<vmem>> -> memref<128x32xf32, #tpu.memory_space<vmem>>
    %dma_wait3A_328 = arith.constant 0 : i32
    %dma_wait3A_329 = tpu.memref_slice %arg8[%dma_wait3A_324, %dma_wait3A_328] : memref<10x128xi32, #tpu.memory_space<vmem>> -> memref<1x128xi32, #tpu.memory_space<vmem>>
    %dma_wait3A_330 = tpu.memref_squeeze %dma_wait3A_329 : memref<1x128xi32, #tpu.memory_space<vmem>> -> memref<128xi32, #tpu.memory_space<vmem>>
    %dma_wait3A_331 = arith.constant 0 : i32
    %dma_wait3A_332 = arith.constant 0 : i32
    %dma_wait3A_333 = tpu.memref_slice %arg12[%dma_wait3A_331, %dma_wait3A_332] : memref<10112x32xf32, #tpu.memory_space<vmem_shared>> -> memref<10112x32xf32, #tpu.memory_space<vmem_shared>>
    tpu.wait_indirect_dma semaphore(%arg16 : memref<!tpu.dma_semaphore, #tpu.memory_space<semaphore_mem>>) src(%dma_wait3A_327 : memref<128x32xf32, #tpu.memory_space<vmem>>) dst(%dma_wait3A_333 : memref<10112x32xf32, #tpu.memory_space<vmem_shared>>)
    %dma_wait3A_334 = arith.constant 1 : i32
    %dma_wait3A_335 = arith.constant 128 : i32
    %dma_wait3A_336 = arith.constant 0 : i32
    %dma_wait3A_337 = tpu.memref_slice %arg10[%dma_wait3A_335, %dma_wait3A_336] : memref<1280x32xf32, #tpu.memory_space<vmem>> -> memref<128x32xf32, #tpu.memory_space<vmem>>
    %dma_wait3A_338 = arith.constant 0 : i32
    %dma_wait3A_339 = tpu.memref_slice %arg8[%dma_wait3A_334, %dma_wait3A_338] : memref<10x128xi32, #tpu.memory_space<vmem>> -> memref<1x128xi32, #tpu.memory_space<vmem>>
    %dma_wait3A_340 = tpu.memref_squeeze %dma_wait3A_339 : memref<1x128xi32, #tpu.memory_space<vmem>> -> memref<128xi32, #tpu.memory_space<vmem>>
    %dma_wait3A_341 = arith.constant 0 : i32
    %dma_wait3A_342 = arith.constant 0 : i32
    %dma_wait3A_343 = tpu.memref_slice %arg12[%dma_wait3A_341, %dma_wait3A_342] : memref<10112x32xf32, #tpu.memory_space<vmem_shared>> -> memref<10112x32xf32, #tpu.memory_space<vmem_shared>>
    tpu.wait_indirect_dma semaphore(%arg16 : memref<!tpu.dma_semaphore, #tpu.memory_space<semaphore_mem>>) src(%dma_wait3A_337 : memref<128x32xf32, #tpu.memory_space<vmem>>) dst(%dma_wait3A_343 : memref<10112x32xf32, #tpu.memory_space<vmem_shared>>)
    %dma_wait3A_344 = arith.constant 2 : i32
    %dma_wait3A_345 = arith.constant 256 : i32
    %dma_wait3A_346 = arith.constant 0 : i32
    %dma_wait3A_347 = tpu.memref_slice %arg10[%dma_wait3A_345, %dma_wait3A_346] : memref<1280x32xf32, #tpu.memory_space<vmem>> -> memref<128x32xf32, #tpu.memory_space<vmem>>
    %dma_wait3A_348 = arith.constant 0 : i32
    %dma_wait3A_349 = tpu.memref_slice %arg8[%dma_wait3A_344, %dma_wait3A_348] : memref<10x128xi32, #tpu.memory_space<vmem>> -> memref<1x128xi32, #tpu.memory_space<vmem>>
    %dma_wait3A_350 = tpu.memref_squeeze %dma_wait3A_349 : memref<1x128xi32, #tpu.memory_space<vmem>> -> memref<128xi32, #tpu.memory_space<vmem>>
    %dma_wait3A_351 = arith.constant 0 : i32
    %dma_wait3A_352 = arith.constant 0 : i32
    %dma_wait3A_353 = tpu.memref_slice %arg12[%dma_wait3A_351, %dma_wait3A_352] : memref<10112x32xf32, #tpu.memory_space<vmem_shared>> -> memref<10112x32xf32, #tpu.memory_space<vmem_shared>>
    tpu.wait_indirect_dma semaphore(%arg16 : memref<!tpu.dma_semaphore, #tpu.memory_space<semaphore_mem>>) src(%dma_wait3A_347 : memref<128x32xf32, #tpu.memory_space<vmem>>) dst(%dma_wait3A_353 : memref<10112x32xf32, #tpu.memory_space<vmem_shared>>)
    %dma_wait3A_354 = arith.constant 3 : i32
    %dma_wait3A_355 = arith.constant 384 : i32
    %dma_wait3A_356 = arith.constant 0 : i32
    %dma_wait3A_357 = tpu.memref_slice %arg10[%dma_wait3A_355, %dma_wait3A_356] : memref<1280x32xf32, #tpu.memory_space<vmem>> -> memref<128x32xf32, #tpu.memory_space<vmem>>
    %dma_wait3A_358 = arith.constant 0 : i32
    %dma_wait3A_359 = tpu.memref_slice %arg8[%dma_wait3A_354, %dma_wait3A_358] : memref<10x128xi32, #tpu.memory_space<vmem>> -> memref<1x128xi32, #tpu.memory_space<vmem>>
    %dma_wait3A_360 = tpu.memref_squeeze %dma_wait3A_359 : memref<1x128xi32, #tpu.memory_space<vmem>> -> memref<128xi32, #tpu.memory_space<vmem>>
    %dma_wait3A_361 = arith.constant 0 : i32
    %dma_wait3A_362 = arith.constant 0 : i32
    %dma_wait3A_363 = tpu.memref_slice %arg12[%dma_wait3A_361, %dma_wait3A_362] : memref<10112x32xf32, #tpu.memory_space<vmem_shared>> -> memref<10112x32xf32, #tpu.memory_space<vmem_shared>>
    tpu.wait_indirect_dma semaphore(%arg16 : memref<!tpu.dma_semaphore, #tpu.memory_space<semaphore_mem>>) src(%dma_wait3A_357 : memref<128x32xf32, #tpu.memory_space<vmem>>) dst(%dma_wait3A_363 : memref<10112x32xf32, #tpu.memory_space<vmem_shared>>)
    %dma_wait3A_364 = arith.constant 4 : i32
    %dma_wait3A_365 = arith.constant 512 : i32
    %dma_wait3A_366 = arith.constant 0 : i32
    %dma_wait3A_367 = tpu.memref_slice %arg10[%dma_wait3A_365, %dma_wait3A_366] : memref<1280x32xf32, #tpu.memory_space<vmem>> -> memref<128x32xf32, #tpu.memory_space<vmem>>
    %dma_wait3A_368 = arith.constant 0 : i32
    %dma_wait3A_369 = tpu.memref_slice %arg8[%dma_wait3A_364, %dma_wait3A_368] : memref<10x128xi32, #tpu.memory_space<vmem>> -> memref<1x128xi32, #tpu.memory_space<vmem>>
    %dma_wait3A_370 = tpu.memref_squeeze %dma_wait3A_369 : memref<1x128xi32, #tpu.memory_space<vmem>> -> memref<128xi32, #tpu.memory_space<vmem>>
    %dma_wait3A_371 = arith.constant 0 : i32
    %dma_wait3A_372 = arith.constant 0 : i32
    %dma_wait3A_373 = tpu.memref_slice %arg12[%dma_wait3A_371, %dma_wait3A_372] : memref<10112x32xf32, #tpu.memory_space<vmem_shared>> -> memref<10112x32xf32, #tpu.memory_space<vmem_shared>>
    tpu.wait_indirect_dma semaphore(%arg16 : memref<!tpu.dma_semaphore, #tpu.memory_space<semaphore_mem>>) src(%dma_wait3A_367 : memref<128x32xf32, #tpu.memory_space<vmem>>) dst(%dma_wait3A_373 : memref<10112x32xf32, #tpu.memory_space<vmem_shared>>)
    %dma_wait3A_374 = arith.constant 5 : i32
    %dma_wait3A_375 = arith.constant 640 : i32
    %dma_wait3A_376 = arith.constant 0 : i32
    %dma_wait3A_377 = tpu.memref_slice %arg10[%dma_wait3A_375, %dma_wait3A_376] : memref<1280x32xf32, #tpu.memory_space<vmem>> -> memref<128x32xf32, #tpu.memory_space<vmem>>
    %dma_wait3A_378 = arith.constant 0 : i32
    %dma_wait3A_379 = tpu.memref_slice %arg8[%dma_wait3A_374, %dma_wait3A_378] : memref<10x128xi32, #tpu.memory_space<vmem>> -> memref<1x128xi32, #tpu.memory_space<vmem>>
    %dma_wait3A_380 = tpu.memref_squeeze %dma_wait3A_379 : memref<1x128xi32, #tpu.memory_space<vmem>> -> memref<128xi32, #tpu.memory_space<vmem>>
    %dma_wait3A_381 = arith.constant 0 : i32
    %dma_wait3A_382 = arith.constant 0 : i32
    %dma_wait3A_383 = tpu.memref_slice %arg12[%dma_wait3A_381, %dma_wait3A_382] : memref<10112x32xf32, #tpu.memory_space<vmem_shared>> -> memref<10112x32xf32, #tpu.memory_space<vmem_shared>>
    tpu.wait_indirect_dma semaphore(%arg16 : memref<!tpu.dma_semaphore, #tpu.memory_space<semaphore_mem>>) src(%dma_wait3A_377 : memref<128x32xf32, #tpu.memory_space<vmem>>) dst(%dma_wait3A_383 : memref<10112x32xf32, #tpu.memory_space<vmem_shared>>)
    %dma_wait3A_384 = arith.constant 6 : i32
    %dma_wait3A_385 = arith.constant 768 : i32
    %dma_wait3A_386 = arith.constant 0 : i32
    %dma_wait3A_387 = tpu.memref_slice %arg10[%dma_wait3A_385, %dma_wait3A_386] : memref<1280x32xf32, #tpu.memory_space<vmem>> -> memref<128x32xf32, #tpu.memory_space<vmem>>
    %dma_wait3A_388 = arith.constant 0 : i32
    %dma_wait3A_389 = tpu.memref_slice %arg8[%dma_wait3A_384, %dma_wait3A_388] : memref<10x128xi32, #tpu.memory_space<vmem>> -> memref<1x128xi32, #tpu.memory_space<vmem>>
    %dma_wait3A_390 = tpu.memref_squeeze %dma_wait3A_389 : memref<1x128xi32, #tpu.memory_space<vmem>> -> memref<128xi32, #tpu.memory_space<vmem>>
    %dma_wait3A_391 = arith.constant 0 : i32
    %dma_wait3A_392 = arith.constant 0 : i32
    %dma_wait3A_393 = tpu.memref_slice %arg12[%dma_wait3A_391, %dma_wait3A_392] : memref<10112x32xf32, #tpu.memory_space<vmem_shared>> -> memref<10112x32xf32, #tpu.memory_space<vmem_shared>>
    tpu.wait_indirect_dma semaphore(%arg16 : memref<!tpu.dma_semaphore, #tpu.memory_space<semaphore_mem>>) src(%dma_wait3A_387 : memref<128x32xf32, #tpu.memory_space<vmem>>) dst(%dma_wait3A_393 : memref<10112x32xf32, #tpu.memory_space<vmem_shared>>)
    %dma_wait3A_394 = arith.constant 7 : i32
    %dma_wait3A_395 = arith.constant 896 : i32
    %dma_wait3A_396 = arith.constant 0 : i32
    %dma_wait3A_397 = tpu.memref_slice %arg10[%dma_wait3A_395, %dma_wait3A_396] : memref<1280x32xf32, #tpu.memory_space<vmem>> -> memref<128x32xf32, #tpu.memory_space<vmem>>
    %dma_wait3A_398 = arith.constant 0 : i32
    %dma_wait3A_399 = tpu.memref_slice %arg8[%dma_wait3A_394, %dma_wait3A_398] : memref<10x128xi32, #tpu.memory_space<vmem>> -> memref<1x128xi32, #tpu.memory_space<vmem>>
    %dma_wait3A_400 = tpu.memref_squeeze %dma_wait3A_399 : memref<1x128xi32, #tpu.memory_space<vmem>> -> memref<128xi32, #tpu.memory_space<vmem>>
    %dma_wait3A_401 = arith.constant 0 : i32
    %dma_wait3A_402 = arith.constant 0 : i32
    %dma_wait3A_403 = tpu.memref_slice %arg12[%dma_wait3A_401, %dma_wait3A_402] : memref<10112x32xf32, #tpu.memory_space<vmem_shared>> -> memref<10112x32xf32, #tpu.memory_space<vmem_shared>>
    tpu.wait_indirect_dma semaphore(%arg16 : memref<!tpu.dma_semaphore, #tpu.memory_space<semaphore_mem>>) src(%dma_wait3A_397 : memref<128x32xf32, #tpu.memory_space<vmem>>) dst(%dma_wait3A_403 : memref<10112x32xf32, #tpu.memory_space<vmem_shared>>)
    %dma_wait3A_404 = arith.constant 8 : i32
    %dma_wait3A_405 = arith.constant 1024 : i32
    %dma_wait3A_406 = arith.constant 0 : i32
    %dma_wait3A_407 = tpu.memref_slice %arg10[%dma_wait3A_405, %dma_wait3A_406] : memref<1280x32xf32, #tpu.memory_space<vmem>> -> memref<128x32xf32, #tpu.memory_space<vmem>>
    %dma_wait3A_408 = arith.constant 0 : i32
    %dma_wait3A_409 = tpu.memref_slice %arg8[%dma_wait3A_404, %dma_wait3A_408] : memref<10x128xi32, #tpu.memory_space<vmem>> -> memref<1x128xi32, #tpu.memory_space<vmem>>
    %dma_wait3A_410 = tpu.memref_squeeze %dma_wait3A_409 : memref<1x128xi32, #tpu.memory_space<vmem>> -> memref<128xi32, #tpu.memory_space<vmem>>
    %dma_wait3A_411 = arith.constant 0 : i32
    %dma_wait3A_412 = arith.constant 0 : i32
    %dma_wait3A_413 = tpu.memref_slice %arg12[%dma_wait3A_411, %dma_wait3A_412] : memref<10112x32xf32, #tpu.memory_space<vmem_shared>> -> memref<10112x32xf32, #tpu.memory_space<vmem_shared>>
    tpu.wait_indirect_dma semaphore(%arg16 : memref<!tpu.dma_semaphore, #tpu.memory_space<semaphore_mem>>) src(%dma_wait3A_407 : memref<128x32xf32, #tpu.memory_space<vmem>>) dst(%dma_wait3A_413 : memref<10112x32xf32, #tpu.memory_space<vmem_shared>>)
    %dma_wait3A_414 = arith.constant 9 : i32
    %dma_wait3A_415 = arith.constant 1152 : i32
    %dma_wait3A_416 = arith.constant 0 : i32
    %dma_wait3A_417 = tpu.memref_slice %arg10[%dma_wait3A_415, %dma_wait3A_416] : memref<1280x32xf32, #tpu.memory_space<vmem>> -> memref<128x32xf32, #tpu.memory_space<vmem>>
    %dma_wait3A_418 = arith.constant 0 : i32
    %dma_wait3A_419 = tpu.memref_slice %arg8[%dma_wait3A_414, %dma_wait3A_418] : memref<10x128xi32, #tpu.memory_space<vmem>> -> memref<1x128xi32, #tpu.memory_space<vmem>>
    %dma_wait3A_420 = tpu.memref_squeeze %dma_wait3A_419 : memref<1x128xi32, #tpu.memory_space<vmem>> -> memref<128xi32, #tpu.memory_space<vmem>>
    %dma_wait3A_421 = arith.constant 0 : i32
    %dma_wait3A_422 = arith.constant 0 : i32
    %dma_wait3A_423 = tpu.memref_slice %arg12[%dma_wait3A_421, %dma_wait3A_422] : memref<10112x32xf32, #tpu.memory_space<vmem_shared>> -> memref<10112x32xf32, #tpu.memory_space<vmem_shared>>
    tpu.wait_indirect_dma semaphore(%arg16 : memref<!tpu.dma_semaphore, #tpu.memory_space<semaphore_mem>>) src(%dma_wait3A_417 : memref<128x32xf32, #tpu.memory_space<vmem>>) dst(%dma_wait3A_423 : memref<10112x32xf32, #tpu.memory_space<vmem_shared>>)
    %dma_wait3A_424 = arith.constant 0 : i32
    %dma_wait3A_425 = arith.constant 0 : i32
    %dma_wait3A_426 = tpu.memref_slice %arg2[%dma_wait3A_424, %dma_wait3A_425] : memref<10112x64xf32, #tpu.memory_space<hbm>> -> memref<1280x32xf32, #tpu.memory_space<hbm>>
    %dma_wait3A_427 = arith.constant 0 : i32
    %dma_wait3A_428 = arith.constant 0 : i32
    %dma_wait3A_429 = tpu.memref_slice %arg2[%dma_wait3A_427, %dma_wait3A_428] : memref<10112x64xf32, #tpu.memory_space<hbm>> -> memref<1280x32xf32, #tpu.memory_space<hbm>>
    tpu.wait_dma2 semaphore(%arg15 : memref<!tpu.dma_semaphore, #tpu.memory_space<semaphore_mem>>) src(%dma_wait3A_429 : memref<1280x32xf32, #tpu.memory_space<hbm>>) dst(%arg11 : memref<1280x32xf32, #tpu.memory_space<vmem>>)
    %dma_start3A_430 = arith.constant 0 : i32
    %dma_start3A_431 = arith.constant 0 : i32
    %dma_start3A_432 = arith.constant 0 : i32
    %dma_start3A_433 = tpu.memref_slice %arg11[%dma_start3A_431, %dma_start3A_432] : memref<1280x32xf32, #tpu.memory_space<vmem>> -> memref<128x32xf32, #tpu.memory_space<vmem>>
    %dma_start3A_434 = arith.constant 0 : i32
    %dma_start3A_435 = tpu.memref_slice %arg9[%dma_start3A_430, %dma_start3A_434] : memref<10x128xi32, #tpu.memory_space<vmem>> -> memref<1x128xi32, #tpu.memory_space<vmem>>
    %dma_start3A_436 = tpu.memref_squeeze %dma_start3A_435 : memref<1x128xi32, #tpu.memory_space<vmem>> -> memref<128xi32, #tpu.memory_space<vmem>>
    %dma_start3A_437 = arith.constant 0 : i32
    %dma_start3A_438 = arith.constant 0 : i32
    %dma_start3A_439 = tpu.memref_slice %arg12[%dma_start3A_437, %dma_start3A_438] : memref<10112x32xf32, #tpu.memory_space<vmem_shared>> -> memref<10112x32xf32, #tpu.memory_space<vmem_shared>>
    tpu.enqueue_indirect_dma source(%dma_start3A_433 : memref<128x32xf32, #tpu.memory_space<vmem>>) target(%dma_start3A_439 : memref<10112x32xf32, #tpu.memory_space<vmem_shared>>) offsets(%dma_start3A_436 : memref<128xi32, #tpu.memory_space<vmem>>) semaphore(%arg16 : memref<!tpu.dma_semaphore, #tpu.memory_space<semaphore_mem>>) {add = true}
    %dma_start3A_440 = arith.constant 1 : i32
    %dma_start3A_441 = arith.constant 128 : i32
    %dma_start3A_442 = arith.constant 0 : i32
    %dma_start3A_443 = tpu.memref_slice %arg11[%dma_start3A_441, %dma_start3A_442] : memref<1280x32xf32, #tpu.memory_space<vmem>> -> memref<128x32xf32, #tpu.memory_space<vmem>>
    %dma_start3A_444 = arith.constant 0 : i32
    %dma_start3A_445 = tpu.memref_slice %arg9[%dma_start3A_440, %dma_start3A_444] : memref<10x128xi32, #tpu.memory_space<vmem>> -> memref<1x128xi32, #tpu.memory_space<vmem>>
    %dma_start3A_446 = tpu.memref_squeeze %dma_start3A_445 : memref<1x128xi32, #tpu.memory_space<vmem>> -> memref<128xi32, #tpu.memory_space<vmem>>
    %dma_start3A_447 = arith.constant 0 : i32
    %dma_start3A_448 = arith.constant 0 : i32
    %dma_start3A_449 = tpu.memref_slice %arg12[%dma_start3A_447, %dma_start3A_448] : memref<10112x32xf32, #tpu.memory_space<vmem_shared>> -> memref<10112x32xf32, #tpu.memory_space<vmem_shared>>
    tpu.enqueue_indirect_dma source(%dma_start3A_443 : memref<128x32xf32, #tpu.memory_space<vmem>>) target(%dma_start3A_449 : memref<10112x32xf32, #tpu.memory_space<vmem_shared>>) offsets(%dma_start3A_446 : memref<128xi32, #tpu.memory_space<vmem>>) semaphore(%arg16 : memref<!tpu.dma_semaphore, #tpu.memory_space<semaphore_mem>>) {add = true}
    %dma_start3A_450 = arith.constant 2 : i32
    %dma_start3A_451 = arith.constant 256 : i32
    %dma_start3A_452 = arith.constant 0 : i32
    %dma_start3A_453 = tpu.memref_slice %arg11[%dma_start3A_451, %dma_start3A_452] : memref<1280x32xf32, #tpu.memory_space<vmem>> -> memref<128x32xf32, #tpu.memory_space<vmem>>
    %dma_start3A_454 = arith.constant 0 : i32
    %dma_start3A_455 = tpu.memref_slice %arg9[%dma_start3A_450, %dma_start3A_454] : memref<10x128xi32, #tpu.memory_space<vmem>> -> memref<1x128xi32, #tpu.memory_space<vmem>>
    %dma_start3A_456 = tpu.memref_squeeze %dma_start3A_455 : memref<1x128xi32, #tpu.memory_space<vmem>> -> memref<128xi32, #tpu.memory_space<vmem>>
    %dma_start3A_457 = arith.constant 0 : i32
    %dma_start3A_458 = arith.constant 0 : i32
    %dma_start3A_459 = tpu.memref_slice %arg12[%dma_start3A_457, %dma_start3A_458] : memref<10112x32xf32, #tpu.memory_space<vmem_shared>> -> memref<10112x32xf32, #tpu.memory_space<vmem_shared>>
    tpu.enqueue_indirect_dma source(%dma_start3A_453 : memref<128x32xf32, #tpu.memory_space<vmem>>) target(%dma_start3A_459 : memref<10112x32xf32, #tpu.memory_space<vmem_shared>>) offsets(%dma_start3A_456 : memref<128xi32, #tpu.memory_space<vmem>>) semaphore(%arg16 : memref<!tpu.dma_semaphore, #tpu.memory_space<semaphore_mem>>) {add = true}
    %dma_start3A_460 = arith.constant 3 : i32
    %dma_start3A_461 = arith.constant 384 : i32
    %dma_start3A_462 = arith.constant 0 : i32
    %dma_start3A_463 = tpu.memref_slice %arg11[%dma_start3A_461, %dma_start3A_462] : memref<1280x32xf32, #tpu.memory_space<vmem>> -> memref<128x32xf32, #tpu.memory_space<vmem>>
    %dma_start3A_464 = arith.constant 0 : i32
    %dma_start3A_465 = tpu.memref_slice %arg9[%dma_start3A_460, %dma_start3A_464] : memref<10x128xi32, #tpu.memory_space<vmem>> -> memref<1x128xi32, #tpu.memory_space<vmem>>
    %dma_start3A_466 = tpu.memref_squeeze %dma_start3A_465 : memref<1x128xi32, #tpu.memory_space<vmem>> -> memref<128xi32, #tpu.memory_space<vmem>>
    %dma_start3A_467 = arith.constant 0 : i32
    %dma_start3A_468 = arith.constant 0 : i32
    %dma_start3A_469 = tpu.memref_slice %arg12[%dma_start3A_467, %dma_start3A_468] : memref<10112x32xf32, #tpu.memory_space<vmem_shared>> -> memref<10112x32xf32, #tpu.memory_space<vmem_shared>>
    tpu.enqueue_indirect_dma source(%dma_start3A_463 : memref<128x32xf32, #tpu.memory_space<vmem>>) target(%dma_start3A_469 : memref<10112x32xf32, #tpu.memory_space<vmem_shared>>) offsets(%dma_start3A_466 : memref<128xi32, #tpu.memory_space<vmem>>) semaphore(%arg16 : memref<!tpu.dma_semaphore, #tpu.memory_space<semaphore_mem>>) {add = true}
    %dma_start3A_470 = arith.constant 4 : i32
    %dma_start3A_471 = arith.constant 512 : i32
    %dma_start3A_472 = arith.constant 0 : i32
    %dma_start3A_473 = tpu.memref_slice %arg11[%dma_start3A_471, %dma_start3A_472] : memref<1280x32xf32, #tpu.memory_space<vmem>> -> memref<128x32xf32, #tpu.memory_space<vmem>>
    %dma_start3A_474 = arith.constant 0 : i32
    %dma_start3A_475 = tpu.memref_slice %arg9[%dma_start3A_470, %dma_start3A_474] : memref<10x128xi32, #tpu.memory_space<vmem>> -> memref<1x128xi32, #tpu.memory_space<vmem>>
    %dma_start3A_476 = tpu.memref_squeeze %dma_start3A_475 : memref<1x128xi32, #tpu.memory_space<vmem>> -> memref<128xi32, #tpu.memory_space<vmem>>
    %dma_start3A_477 = arith.constant 0 : i32
    %dma_start3A_478 = arith.constant 0 : i32
    %dma_start3A_479 = tpu.memref_slice %arg12[%dma_start3A_477, %dma_start3A_478] : memref<10112x32xf32, #tpu.memory_space<vmem_shared>> -> memref<10112x32xf32, #tpu.memory_space<vmem_shared>>
    tpu.enqueue_indirect_dma source(%dma_start3A_473 : memref<128x32xf32, #tpu.memory_space<vmem>>) target(%dma_start3A_479 : memref<10112x32xf32, #tpu.memory_space<vmem_shared>>) offsets(%dma_start3A_476 : memref<128xi32, #tpu.memory_space<vmem>>) semaphore(%arg16 : memref<!tpu.dma_semaphore, #tpu.memory_space<semaphore_mem>>) {add = true}
    %dma_start3A_480 = arith.constant 5 : i32
    %dma_start3A_481 = arith.constant 640 : i32
    %dma_start3A_482 = arith.constant 0 : i32
    %dma_start3A_483 = tpu.memref_slice %arg11[%dma_start3A_481, %dma_start3A_482] : memref<1280x32xf32, #tpu.memory_space<vmem>> -> memref<128x32xf32, #tpu.memory_space<vmem>>
    %dma_start3A_484 = arith.constant 0 : i32
    %dma_start3A_485 = tpu.memref_slice %arg9[%dma_start3A_480, %dma_start3A_484] : memref<10x128xi32, #tpu.memory_space<vmem>> -> memref<1x128xi32, #tpu.memory_space<vmem>>
    %dma_start3A_486 = tpu.memref_squeeze %dma_start3A_485 : memref<1x128xi32, #tpu.memory_space<vmem>> -> memref<128xi32, #tpu.memory_space<vmem>>
    %dma_start3A_487 = arith.constant 0 : i32
    %dma_start3A_488 = arith.constant 0 : i32
    %dma_start3A_489 = tpu.memref_slice %arg12[%dma_start3A_487, %dma_start3A_488] : memref<10112x32xf32, #tpu.memory_space<vmem_shared>> -> memref<10112x32xf32, #tpu.memory_space<vmem_shared>>
    tpu.enqueue_indirect_dma source(%dma_start3A_483 : memref<128x32xf32, #tpu.memory_space<vmem>>) target(%dma_start3A_489 : memref<10112x32xf32, #tpu.memory_space<vmem_shared>>) offsets(%dma_start3A_486 : memref<128xi32, #tpu.memory_space<vmem>>) semaphore(%arg16 : memref<!tpu.dma_semaphore, #tpu.memory_space<semaphore_mem>>) {add = true}
    %dma_start3A_490 = arith.constant 6 : i32
    %dma_start3A_491 = arith.constant 768 : i32
    %dma_start3A_492 = arith.constant 0 : i32
    %dma_start3A_493 = tpu.memref_slice %arg11[%dma_start3A_491, %dma_start3A_492] : memref<1280x32xf32, #tpu.memory_space<vmem>> -> memref<128x32xf32, #tpu.memory_space<vmem>>
    %dma_start3A_494 = arith.constant 0 : i32
    %dma_start3A_495 = tpu.memref_slice %arg9[%dma_start3A_490, %dma_start3A_494] : memref<10x128xi32, #tpu.memory_space<vmem>> -> memref<1x128xi32, #tpu.memory_space<vmem>>
    %dma_start3A_496 = tpu.memref_squeeze %dma_start3A_495 : memref<1x128xi32, #tpu.memory_space<vmem>> -> memref<128xi32, #tpu.memory_space<vmem>>
    %dma_start3A_497 = arith.constant 0 : i32
    %dma_start3A_498 = arith.constant 0 : i32
    %dma_start3A_499 = tpu.memref_slice %arg12[%dma_start3A_497, %dma_start3A_498] : memref<10112x32xf32, #tpu.memory_space<vmem_shared>> -> memref<10112x32xf32, #tpu.memory_space<vmem_shared>>
    tpu.enqueue_indirect_dma source(%dma_start3A_493 : memref<128x32xf32, #tpu.memory_space<vmem>>) target(%dma_start3A_499 : memref<10112x32xf32, #tpu.memory_space<vmem_shared>>) offsets(%dma_start3A_496 : memref<128xi32, #tpu.memory_space<vmem>>) semaphore(%arg16 : memref<!tpu.dma_semaphore, #tpu.memory_space<semaphore_mem>>) {add = true}
    %dma_start3A_500 = arith.constant 7 : i32
    %dma_start3A_501 = arith.constant 896 : i32
    %dma_start3A_502 = arith.constant 0 : i32
    %dma_start3A_503 = tpu.memref_slice %arg11[%dma_start3A_501, %dma_start3A_502] : memref<1280x32xf32, #tpu.memory_space<vmem>> -> memref<128x32xf32, #tpu.memory_space<vmem>>
    %dma_start3A_504 = arith.constant 0 : i32
    %dma_start3A_505 = tpu.memref_slice %arg9[%dma_start3A_500, %dma_start3A_504] : memref<10x128xi32, #tpu.memory_space<vmem>> -> memref<1x128xi32, #tpu.memory_space<vmem>>
    %dma_start3A_506 = tpu.memref_squeeze %dma_start3A_505 : memref<1x128xi32, #tpu.memory_space<vmem>> -> memref<128xi32, #tpu.memory_space<vmem>>
    %dma_start3A_507 = arith.constant 0 : i32
    %dma_start3A_508 = arith.constant 0 : i32
    %dma_start3A_509 = tpu.memref_slice %arg12[%dma_start3A_507, %dma_start3A_508] : memref<10112x32xf32, #tpu.memory_space<vmem_shared>> -> memref<10112x32xf32, #tpu.memory_space<vmem_shared>>
    tpu.enqueue_indirect_dma source(%dma_start3A_503 : memref<128x32xf32, #tpu.memory_space<vmem>>) target(%dma_start3A_509 : memref<10112x32xf32, #tpu.memory_space<vmem_shared>>) offsets(%dma_start3A_506 : memref<128xi32, #tpu.memory_space<vmem>>) semaphore(%arg16 : memref<!tpu.dma_semaphore, #tpu.memory_space<semaphore_mem>>) {add = true}
    %dma_start3A_510 = arith.constant 8 : i32
    %dma_start3A_511 = arith.constant 1024 : i32
    %dma_start3A_512 = arith.constant 0 : i32
    %dma_start3A_513 = tpu.memref_slice %arg11[%dma_start3A_511, %dma_start3A_512] : memref<1280x32xf32, #tpu.memory_space<vmem>> -> memref<128x32xf32, #tpu.memory_space<vmem>>
    %dma_start3A_514 = arith.constant 0 : i32
    %dma_start3A_515 = tpu.memref_slice %arg9[%dma_start3A_510, %dma_start3A_514] : memref<10x128xi32, #tpu.memory_space<vmem>> -> memref<1x128xi32, #tpu.memory_space<vmem>>
    %dma_start3A_516 = tpu.memref_squeeze %dma_start3A_515 : memref<1x128xi32, #tpu.memory_space<vmem>> -> memref<128xi32, #tpu.memory_space<vmem>>
    %dma_start3A_517 = arith.constant 0 : i32
    %dma_start3A_518 = arith.constant 0 : i32
    %dma_start3A_519 = tpu.memref_slice %arg12[%dma_start3A_517, %dma_start3A_518] : memref<10112x32xf32, #tpu.memory_space<vmem_shared>> -> memref<10112x32xf32, #tpu.memory_space<vmem_shared>>
    tpu.enqueue_indirect_dma source(%dma_start3A_513 : memref<128x32xf32, #tpu.memory_space<vmem>>) target(%dma_start3A_519 : memref<10112x32xf32, #tpu.memory_space<vmem_shared>>) offsets(%dma_start3A_516 : memref<128xi32, #tpu.memory_space<vmem>>) semaphore(%arg16 : memref<!tpu.dma_semaphore, #tpu.memory_space<semaphore_mem>>) {add = true}
    %dma_start3A_520 = arith.constant 9 : i32
    %dma_start3A_521 = arith.constant 1152 : i32
    %dma_start3A_522 = arith.constant 0 : i32
    %dma_start3A_523 = tpu.memref_slice %arg11[%dma_start3A_521, %dma_start3A_522] : memref<1280x32xf32, #tpu.memory_space<vmem>> -> memref<128x32xf32, #tpu.memory_space<vmem>>
    %dma_start3A_524 = arith.constant 0 : i32
    %dma_start3A_525 = tpu.memref_slice %arg9[%dma_start3A_520, %dma_start3A_524] : memref<10x128xi32, #tpu.memory_space<vmem>> -> memref<1x128xi32, #tpu.memory_space<vmem>>
    %dma_start3A_526 = tpu.memref_squeeze %dma_start3A_525 : memref<1x128xi32, #tpu.memory_space<vmem>> -> memref<128xi32, #tpu.memory_space<vmem>>
    %dma_start3A_527 = arith.constant 0 : i32
    %dma_start3A_528 = arith.constant 0 : i32
    %dma_start3A_529 = tpu.memref_slice %arg12[%dma_start3A_527, %dma_start3A_528] : memref<10112x32xf32, #tpu.memory_space<vmem_shared>> -> memref<10112x32xf32, #tpu.memory_space<vmem_shared>>
    tpu.enqueue_indirect_dma source(%dma_start3A_523 : memref<128x32xf32, #tpu.memory_space<vmem>>) target(%dma_start3A_529 : memref<10112x32xf32, #tpu.memory_space<vmem_shared>>) offsets(%dma_start3A_526 : memref<128xi32, #tpu.memory_space<vmem>>) semaphore(%arg16 : memref<!tpu.dma_semaphore, #tpu.memory_space<semaphore_mem>>) {add = true}
    %dma_wait3A_530 = arith.constant 0 : i32
    %dma_wait3A_531 = arith.constant 0 : i32
    %dma_wait3A_532 = arith.constant 0 : i32
    %dma_wait3A_533 = tpu.memref_slice %arg11[%dma_wait3A_531, %dma_wait3A_532] : memref<1280x32xf32, #tpu.memory_space<vmem>> -> memref<128x32xf32, #tpu.memory_space<vmem>>
    %dma_wait3A_534 = arith.constant 0 : i32
    %dma_wait3A_535 = tpu.memref_slice %arg9[%dma_wait3A_530, %dma_wait3A_534] : memref<10x128xi32, #tpu.memory_space<vmem>> -> memref<1x128xi32, #tpu.memory_space<vmem>>
    %dma_wait3A_536 = tpu.memref_squeeze %dma_wait3A_535 : memref<1x128xi32, #tpu.memory_space<vmem>> -> memref<128xi32, #tpu.memory_space<vmem>>
    %dma_wait3A_537 = arith.constant 0 : i32
    %dma_wait3A_538 = arith.constant 0 : i32
    %dma_wait3A_539 = tpu.memref_slice %arg12[%dma_wait3A_537, %dma_wait3A_538] : memref<10112x32xf32, #tpu.memory_space<vmem_shared>> -> memref<10112x32xf32, #tpu.memory_space<vmem_shared>>
    tpu.wait_indirect_dma semaphore(%arg16 : memref<!tpu.dma_semaphore, #tpu.memory_space<semaphore_mem>>) src(%dma_wait3A_533 : memref<128x32xf32, #tpu.memory_space<vmem>>) dst(%dma_wait3A_539 : memref<10112x32xf32, #tpu.memory_space<vmem_shared>>)
    %dma_wait3A_540 = arith.constant 1 : i32
    %dma_wait3A_541 = arith.constant 128 : i32
    %dma_wait3A_542 = arith.constant 0 : i32
    %dma_wait3A_543 = tpu.memref_slice %arg11[%dma_wait3A_541, %dma_wait3A_542] : memref<1280x32xf32, #tpu.memory_space<vmem>> -> memref<128x32xf32, #tpu.memory_space<vmem>>
    %dma_wait3A_544 = arith.constant 0 : i32
    %dma_wait3A_545 = tpu.memref_slice %arg9[%dma_wait3A_540, %dma_wait3A_544] : memref<10x128xi32, #tpu.memory_space<vmem>> -> memref<1x128xi32, #tpu.memory_space<vmem>>
    %dma_wait3A_546 = tpu.memref_squeeze %dma_wait3A_545 : memref<1x128xi32, #tpu.memory_space<vmem>> -> memref<128xi32, #tpu.memory_space<vmem>>
    %dma_wait3A_547 = arith.constant 0 : i32
    %dma_wait3A_548 = arith.constant 0 : i32
    %dma_wait3A_549 = tpu.memref_slice %arg12[%dma_wait3A_547, %dma_wait3A_548] : memref<10112x32xf32, #tpu.memory_space<vmem_shared>> -> memref<10112x32xf32, #tpu.memory_space<vmem_shared>>
    tpu.wait_indirect_dma semaphore(%arg16 : memref<!tpu.dma_semaphore, #tpu.memory_space<semaphore_mem>>) src(%dma_wait3A_543 : memref<128x32xf32, #tpu.memory_space<vmem>>) dst(%dma_wait3A_549 : memref<10112x32xf32, #tpu.memory_space<vmem_shared>>)
    %dma_wait3A_550 = arith.constant 2 : i32
    %dma_wait3A_551 = arith.constant 256 : i32
    %dma_wait3A_552 = arith.constant 0 : i32
    %dma_wait3A_553 = tpu.memref_slice %arg11[%dma_wait3A_551, %dma_wait3A_552] : memref<1280x32xf32, #tpu.memory_space<vmem>> -> memref<128x32xf32, #tpu.memory_space<vmem>>
    %dma_wait3A_554 = arith.constant 0 : i32
    %dma_wait3A_555 = tpu.memref_slice %arg9[%dma_wait3A_550, %dma_wait3A_554] : memref<10x128xi32, #tpu.memory_space<vmem>> -> memref<1x128xi32, #tpu.memory_space<vmem>>
    %dma_wait3A_556 = tpu.memref_squeeze %dma_wait3A_555 : memref<1x128xi32, #tpu.memory_space<vmem>> -> memref<128xi32, #tpu.memory_space<vmem>>
    %dma_wait3A_557 = arith.constant 0 : i32
    %dma_wait3A_558 = arith.constant 0 : i32
    %dma_wait3A_559 = tpu.memref_slice %arg12[%dma_wait3A_557, %dma_wait3A_558] : memref<10112x32xf32, #tpu.memory_space<vmem_shared>> -> memref<10112x32xf32, #tpu.memory_space<vmem_shared>>
    tpu.wait_indirect_dma semaphore(%arg16 : memref<!tpu.dma_semaphore, #tpu.memory_space<semaphore_mem>>) src(%dma_wait3A_553 : memref<128x32xf32, #tpu.memory_space<vmem>>) dst(%dma_wait3A_559 : memref<10112x32xf32, #tpu.memory_space<vmem_shared>>)
    %dma_wait3A_560 = arith.constant 3 : i32
    %dma_wait3A_561 = arith.constant 384 : i32
    %dma_wait3A_562 = arith.constant 0 : i32
    %dma_wait3A_563 = tpu.memref_slice %arg11[%dma_wait3A_561, %dma_wait3A_562] : memref<1280x32xf32, #tpu.memory_space<vmem>> -> memref<128x32xf32, #tpu.memory_space<vmem>>
    %dma_wait3A_564 = arith.constant 0 : i32
    %dma_wait3A_565 = tpu.memref_slice %arg9[%dma_wait3A_560, %dma_wait3A_564] : memref<10x128xi32, #tpu.memory_space<vmem>> -> memref<1x128xi32, #tpu.memory_space<vmem>>
    %dma_wait3A_566 = tpu.memref_squeeze %dma_wait3A_565 : memref<1x128xi32, #tpu.memory_space<vmem>> -> memref<128xi32, #tpu.memory_space<vmem>>
    %dma_wait3A_567 = arith.constant 0 : i32
    %dma_wait3A_568 = arith.constant 0 : i32
    %dma_wait3A_569 = tpu.memref_slice %arg12[%dma_wait3A_567, %dma_wait3A_568] : memref<10112x32xf32, #tpu.memory_space<vmem_shared>> -> memref<10112x32xf32, #tpu.memory_space<vmem_shared>>
    tpu.wait_indirect_dma semaphore(%arg16 : memref<!tpu.dma_semaphore, #tpu.memory_space<semaphore_mem>>) src(%dma_wait3A_563 : memref<128x32xf32, #tpu.memory_space<vmem>>) dst(%dma_wait3A_569 : memref<10112x32xf32, #tpu.memory_space<vmem_shared>>)
    %dma_wait3A_570 = arith.constant 4 : i32
    %dma_wait3A_571 = arith.constant 512 : i32
    %dma_wait3A_572 = arith.constant 0 : i32
    %dma_wait3A_573 = tpu.memref_slice %arg11[%dma_wait3A_571, %dma_wait3A_572] : memref<1280x32xf32, #tpu.memory_space<vmem>> -> memref<128x32xf32, #tpu.memory_space<vmem>>
    %dma_wait3A_574 = arith.constant 0 : i32
    %dma_wait3A_575 = tpu.memref_slice %arg9[%dma_wait3A_570, %dma_wait3A_574] : memref<10x128xi32, #tpu.memory_space<vmem>> -> memref<1x128xi32, #tpu.memory_space<vmem>>
    %dma_wait3A_576 = tpu.memref_squeeze %dma_wait3A_575 : memref<1x128xi32, #tpu.memory_space<vmem>> -> memref<128xi32, #tpu.memory_space<vmem>>
    %dma_wait3A_577 = arith.constant 0 : i32
    %dma_wait3A_578 = arith.constant 0 : i32
    %dma_wait3A_579 = tpu.memref_slice %arg12[%dma_wait3A_577, %dma_wait3A_578] : memref<10112x32xf32, #tpu.memory_space<vmem_shared>> -> memref<10112x32xf32, #tpu.memory_space<vmem_shared>>
    tpu.wait_indirect_dma semaphore(%arg16 : memref<!tpu.dma_semaphore, #tpu.memory_space<semaphore_mem>>) src(%dma_wait3A_573 : memref<128x32xf32, #tpu.memory_space<vmem>>) dst(%dma_wait3A_579 : memref<10112x32xf32, #tpu.memory_space<vmem_shared>>)
    %dma_wait3A_580 = arith.constant 5 : i32
    %dma_wait3A_581 = arith.constant 640 : i32
    %dma_wait3A_582 = arith.constant 0 : i32
    %dma_wait3A_583 = tpu.memref_slice %arg11[%dma_wait3A_581, %dma_wait3A_582] : memref<1280x32xf32, #tpu.memory_space<vmem>> -> memref<128x32xf32, #tpu.memory_space<vmem>>
    %dma_wait3A_584 = arith.constant 0 : i32
    %dma_wait3A_585 = tpu.memref_slice %arg9[%dma_wait3A_580, %dma_wait3A_584] : memref<10x128xi32, #tpu.memory_space<vmem>> -> memref<1x128xi32, #tpu.memory_space<vmem>>
    %dma_wait3A_586 = tpu.memref_squeeze %dma_wait3A_585 : memref<1x128xi32, #tpu.memory_space<vmem>> -> memref<128xi32, #tpu.memory_space<vmem>>
    %dma_wait3A_587 = arith.constant 0 : i32
    %dma_wait3A_588 = arith.constant 0 : i32
    %dma_wait3A_589 = tpu.memref_slice %arg12[%dma_wait3A_587, %dma_wait3A_588] : memref<10112x32xf32, #tpu.memory_space<vmem_shared>> -> memref<10112x32xf32, #tpu.memory_space<vmem_shared>>
    tpu.wait_indirect_dma semaphore(%arg16 : memref<!tpu.dma_semaphore, #tpu.memory_space<semaphore_mem>>) src(%dma_wait3A_583 : memref<128x32xf32, #tpu.memory_space<vmem>>) dst(%dma_wait3A_589 : memref<10112x32xf32, #tpu.memory_space<vmem_shared>>)
    %dma_wait3A_590 = arith.constant 6 : i32
    %dma_wait3A_591 = arith.constant 768 : i32
    %dma_wait3A_592 = arith.constant 0 : i32
    %dma_wait3A_593 = tpu.memref_slice %arg11[%dma_wait3A_591, %dma_wait3A_592] : memref<1280x32xf32, #tpu.memory_space<vmem>> -> memref<128x32xf32, #tpu.memory_space<vmem>>
    %dma_wait3A_594 = arith.constant 0 : i32
    %dma_wait3A_595 = tpu.memref_slice %arg9[%dma_wait3A_590, %dma_wait3A_594] : memref<10x128xi32, #tpu.memory_space<vmem>> -> memref<1x128xi32, #tpu.memory_space<vmem>>
    %dma_wait3A_596 = tpu.memref_squeeze %dma_wait3A_595 : memref<1x128xi32, #tpu.memory_space<vmem>> -> memref<128xi32, #tpu.memory_space<vmem>>
    %dma_wait3A_597 = arith.constant 0 : i32
    %dma_wait3A_598 = arith.constant 0 : i32
    %dma_wait3A_599 = tpu.memref_slice %arg12[%dma_wait3A_597, %dma_wait3A_598] : memref<10112x32xf32, #tpu.memory_space<vmem_shared>> -> memref<10112x32xf32, #tpu.memory_space<vmem_shared>>
    tpu.wait_indirect_dma semaphore(%arg16 : memref<!tpu.dma_semaphore, #tpu.memory_space<semaphore_mem>>) src(%dma_wait3A_593 : memref<128x32xf32, #tpu.memory_space<vmem>>) dst(%dma_wait3A_599 : memref<10112x32xf32, #tpu.memory_space<vmem_shared>>)
    %dma_wait3A_600 = arith.constant 7 : i32
    %dma_wait3A_601 = arith.constant 896 : i32
    %dma_wait3A_602 = arith.constant 0 : i32
    %dma_wait3A_603 = tpu.memref_slice %arg11[%dma_wait3A_601, %dma_wait3A_602] : memref<1280x32xf32, #tpu.memory_space<vmem>> -> memref<128x32xf32, #tpu.memory_space<vmem>>
    %dma_wait3A_604 = arith.constant 0 : i32
    %dma_wait3A_605 = tpu.memref_slice %arg9[%dma_wait3A_600, %dma_wait3A_604] : memref<10x128xi32, #tpu.memory_space<vmem>> -> memref<1x128xi32, #tpu.memory_space<vmem>>
    %dma_wait3A_606 = tpu.memref_squeeze %dma_wait3A_605 : memref<1x128xi32, #tpu.memory_space<vmem>> -> memref<128xi32, #tpu.memory_space<vmem>>
    %dma_wait3A_607 = arith.constant 0 : i32
    %dma_wait3A_608 = arith.constant 0 : i32
    %dma_wait3A_609 = tpu.memref_slice %arg12[%dma_wait3A_607, %dma_wait3A_608] : memref<10112x32xf32, #tpu.memory_space<vmem_shared>> -> memref<10112x32xf32, #tpu.memory_space<vmem_shared>>
    tpu.wait_indirect_dma semaphore(%arg16 : memref<!tpu.dma_semaphore, #tpu.memory_space<semaphore_mem>>) src(%dma_wait3A_603 : memref<128x32xf32, #tpu.memory_space<vmem>>) dst(%dma_wait3A_609 : memref<10112x32xf32, #tpu.memory_space<vmem_shared>>)
    %dma_wait3A_610 = arith.constant 8 : i32
    %dma_wait3A_611 = arith.constant 1024 : i32
    %dma_wait3A_612 = arith.constant 0 : i32
    %dma_wait3A_613 = tpu.memref_slice %arg11[%dma_wait3A_611, %dma_wait3A_612] : memref<1280x32xf32, #tpu.memory_space<vmem>> -> memref<128x32xf32, #tpu.memory_space<vmem>>
    %dma_wait3A_614 = arith.constant 0 : i32
    %dma_wait3A_615 = tpu.memref_slice %arg9[%dma_wait3A_610, %dma_wait3A_614] : memref<10x128xi32, #tpu.memory_space<vmem>> -> memref<1x128xi32, #tpu.memory_space<vmem>>
    %dma_wait3A_616 = tpu.memref_squeeze %dma_wait3A_615 : memref<1x128xi32, #tpu.memory_space<vmem>> -> memref<128xi32, #tpu.memory_space<vmem>>
    %dma_wait3A_617 = arith.constant 0 : i32
    %dma_wait3A_618 = arith.constant 0 : i32
    %dma_wait3A_619 = tpu.memref_slice %arg12[%dma_wait3A_617, %dma_wait3A_618] : memref<10112x32xf32, #tpu.memory_space<vmem_shared>> -> memref<10112x32xf32, #tpu.memory_space<vmem_shared>>
    tpu.wait_indirect_dma semaphore(%arg16 : memref<!tpu.dma_semaphore, #tpu.memory_space<semaphore_mem>>) src(%dma_wait3A_613 : memref<128x32xf32, #tpu.memory_space<vmem>>) dst(%dma_wait3A_619 : memref<10112x32xf32, #tpu.memory_space<vmem_shared>>)
    %dma_wait3A_620 = arith.constant 9 : i32
    %dma_wait3A_621 = arith.constant 1152 : i32
    %dma_wait3A_622 = arith.constant 0 : i32
    %dma_wait3A_623 = tpu.memref_slice %arg11[%dma_wait3A_621, %dma_wait3A_622] : memref<1280x32xf32, #tpu.memory_space<vmem>> -> memref<128x32xf32, #tpu.memory_space<vmem>>
    %dma_wait3A_624 = arith.constant 0 : i32
    %dma_wait3A_625 = tpu.memref_slice %arg9[%dma_wait3A_620, %dma_wait3A_624] : memref<10x128xi32, #tpu.memory_space<vmem>> -> memref<1x128xi32, #tpu.memory_space<vmem>>
    %dma_wait3A_626 = tpu.memref_squeeze %dma_wait3A_625 : memref<1x128xi32, #tpu.memory_space<vmem>> -> memref<128xi32, #tpu.memory_space<vmem>>
    %dma_wait3A_627 = arith.constant 0 : i32
    %dma_wait3A_628 = arith.constant 0 : i32
    %dma_wait3A_629 = tpu.memref_slice %arg12[%dma_wait3A_627, %dma_wait3A_628] : memref<10112x32xf32, #tpu.memory_space<vmem_shared>> -> memref<10112x32xf32, #tpu.memory_space<vmem_shared>>
    tpu.wait_indirect_dma semaphore(%arg16 : memref<!tpu.dma_semaphore, #tpu.memory_space<semaphore_mem>>) src(%dma_wait3A_623 : memref<128x32xf32, #tpu.memory_space<vmem>>) dst(%dma_wait3A_629 : memref<10112x32xf32, #tpu.memory_space<vmem_shared>>)
    %barrier3A_630 = arith.constant 0 : index
    tpu.barrier barrier_id(%barrier3A_630)
    %mul3A_631 = arith.constant 632 : i32
    %mul3A_632 = arith.muli %arg1, %mul3A_631 : i32
    %mul3A_633 = arith.constant 632 : i32
    %mul3A_634 = arith.muli %arg1, %mul3A_633 : i32
    "tpu.region"() ({
      %run_scoped3A = tpu.sem_alloc : memref<!tpu.dma_semaphore, #tpu.memory_space<semaphore_mem>>
      %dma_start3A_1271 = arith.constant 0 : i32
      %dma_start3A_1272 = tpu.memref_slice %arg5[%arg0, %mul3A_634, %dma_start3A_1271] : memref<2x10112x64xf32, #tpu.memory_space<hbm>> -> memref<1x632x32xf32, #tpu.memory_space<hbm>>
      %dma_start3A_1273 = tpu.memref_squeeze %dma_start3A_1272 : memref<1x632x32xf32, #tpu.memory_space<hbm>> -> memref<632x32xf32, #tpu.memory_space<hbm>>
      %dma_start3A_1274 = arith.constant 0 : i32
      %dma_start3A_1275 = tpu.memref_slice %arg12[%mul3A_632, %dma_start3A_1274] : memref<10112x32xf32, #tpu.memory_space<vmem_shared>> -> memref<632x32xf32, #tpu.memory_space<vmem_shared>>
      tpu.enqueue_dma source(%dma_start3A_1275 : memref<632x32xf32, #tpu.memory_space<vmem_shared>>) target(%dma_start3A_1273 : memref<632x32xf32, #tpu.memory_space<hbm>>) target_semaphore(%run_scoped3A : memref<!tpu.dma_semaphore, #tpu.memory_space<semaphore_mem>>)
      %dma_wait3A_1276 = arith.constant 0 : i32
      %dma_wait3A_1277 = tpu.memref_slice %arg5[%arg0, %mul3A_634, %dma_wait3A_1276] : memref<2x10112x64xf32, #tpu.memory_space<hbm>> -> memref<1x632x32xf32, #tpu.memory_space<hbm>>
      %dma_wait3A_1278 = tpu.memref_squeeze %dma_wait3A_1277 : memref<1x632x32xf32, #tpu.memory_space<hbm>> -> memref<632x32xf32, #tpu.memory_space<hbm>>
      %dma_wait3A_1279 = arith.constant 0 : i32
      %dma_wait3A_1280 = tpu.memref_slice %arg12[%mul3A_632, %dma_wait3A_1279] : memref<10112x32xf32, #tpu.memory_space<vmem_shared>> -> memref<632x32xf32, #tpu.memory_space<vmem_shared>>
      tpu.wait_dma2 semaphore(%run_scoped3A : memref<!tpu.dma_semaphore, #tpu.memory_space<semaphore_mem>>) src(%dma_wait3A_1280 : memref<632x32xf32, #tpu.memory_space<vmem_shared>>) dst(%dma_wait3A_1278 : memref<632x32xf32, #tpu.memory_space<hbm>>)
      tpu.yield
    }) : () -> ()
    %mul3A_635 = arith.constant 632 : i32
    %mul3A_636 = arith.muli %arg1, %mul3A_635 : i32
    %mul3A_637 = arith.constant 632 : i32
    %mul3A_638 = arith.muli %arg1, %mul3A_637 : i32
    "tpu.region"() ({
      %run_scoped3A = tpu.sem_alloc : memref<!tpu.dma_semaphore, #tpu.memory_space<semaphore_mem>>
      %dma_start3A_1271 = arith.constant 0 : i32
      %dma_start3A_1272 = tpu.memref_slice %arg12[%mul3A_638, %dma_start3A_1271] : memref<10112x32xf32, #tpu.memory_space<vmem_shared>> -> memref<632x32xf32, #tpu.memory_space<vmem_shared>>
      %dma_start3A_1273 = arith.constant 32 : i32
      %dma_start3A_1274 = tpu.memref_slice %arg2[%mul3A_636, %dma_start3A_1273] : memref<10112x64xf32, #tpu.memory_space<hbm>> -> memref<632x32xf32, #tpu.memory_space<hbm>>
      tpu.enqueue_dma source(%dma_start3A_1274 : memref<632x32xf32, #tpu.memory_space<hbm>>) target(%dma_start3A_1272 : memref<632x32xf32, #tpu.memory_space<vmem_shared>>) target_semaphore(%run_scoped3A : memref<!tpu.dma_semaphore, #tpu.memory_space<semaphore_mem>>)
      %dma_wait3A_1275 = arith.constant 0 : i32
      %dma_wait3A_1276 = tpu.memref_slice %arg12[%mul3A_638, %dma_wait3A_1275] : memref<10112x32xf32, #tpu.memory_space<vmem_shared>> -> memref<632x32xf32, #tpu.memory_space<vmem_shared>>
      %dma_wait3A_1277 = arith.constant 32 : i32
      %dma_wait3A_1278 = tpu.memref_slice %arg2[%mul3A_636, %dma_wait3A_1277] : memref<10112x64xf32, #tpu.memory_space<hbm>> -> memref<632x32xf32, #tpu.memory_space<hbm>>
      tpu.wait_dma2 semaphore(%run_scoped3A : memref<!tpu.dma_semaphore, #tpu.memory_space<semaphore_mem>>) src(%dma_wait3A_1278 : memref<632x32xf32, #tpu.memory_space<hbm>>) dst(%dma_wait3A_1276 : memref<632x32xf32, #tpu.memory_space<vmem_shared>>)
      tpu.yield
    }) : () -> ()
    %mul3A_639 = arith.constant 632 : i32
    %mul3A_640 = arith.muli %arg1, %mul3A_639 : i32
    %mul3A_641 = arith.constant 632 : i32
    %mul3A_642 = arith.muli %arg1, %mul3A_641 : i32
    "tpu.region"() ({
      %run_scoped3A = tpu.sem_alloc : memref<!tpu.dma_semaphore, #tpu.memory_space<semaphore_mem>>
      %dma_start3A_1271 = arith.constant 0 : i32
      %dma_start3A_1272 = tpu.memref_slice %arg13[%mul3A_642, %dma_start3A_1271] : memref<10112x32xf32, #tpu.memory_space<vmem_shared>> -> memref<632x32xf32, #tpu.memory_space<vmem_shared>>
      %dma_start3A_1273 = arith.constant 32 : i32
      %dma_start3A_1274 = tpu.memref_slice %arg2[%mul3A_640, %dma_start3A_1273] : memref<10112x64xf32, #tpu.memory_space<hbm>> -> memref<632x32xf32, #tpu.memory_space<hbm>>
      tpu.enqueue_dma source(%dma_start3A_1274 : memref<632x32xf32, #tpu.memory_space<hbm>>) target(%dma_start3A_1272 : memref<632x32xf32, #tpu.memory_space<vmem_shared>>) target_semaphore(%run_scoped3A : memref<!tpu.dma_semaphore, #tpu.memory_space<semaphore_mem>>)
      %dma_wait3A_1275 = arith.constant 0 : i32
      %dma_wait3A_1276 = tpu.memref_slice %arg13[%mul3A_642, %dma_wait3A_1275] : memref<10112x32xf32, #tpu.memory_space<vmem_shared>> -> memref<632x32xf32, #tpu.memory_space<vmem_shared>>
      %dma_wait3A_1277 = arith.constant 32 : i32
      %dma_wait3A_1278 = tpu.memref_slice %arg2[%mul3A_640, %dma_wait3A_1277] : memref<10112x64xf32, #tpu.memory_space<hbm>> -> memref<632x32xf32, #tpu.memory_space<hbm>>
      tpu.wait_dma2 semaphore(%run_scoped3A : memref<!tpu.dma_semaphore, #tpu.memory_space<semaphore_mem>>) src(%dma_wait3A_1278 : memref<632x32xf32, #tpu.memory_space<hbm>>) dst(%dma_wait3A_1276 : memref<632x32xf32, #tpu.memory_space<vmem_shared>>)
      tpu.yield
    }) : () -> ()
    %barrier3A_643 = arith.constant 0 : index
    tpu.barrier barrier_id(%barrier3A_643)
    %add3A_644 = arith.constant 0 : i32
    %add3A_645 = arith.addi %mul3A_2, %add3A_644 : i32
    "tpu.region"() ({
      %run_scoped3A = tpu.sem_alloc : memref<!tpu.dma_semaphore, #tpu.memory_space<semaphore_mem>>
      %dma_start3A_1271 = arith.constant 0 : i32
      %dma_start3A_1272 = tpu.memref_slice %arg3[%add3A_645, %dma_start3A_1271] : memref<2560x128xi32, #tpu.memory_space<hbm>> -> memref<10x128xi32, #tpu.memory_space<hbm>>
      %dma_start3A_1273 = arith.constant 0 : i32
      %dma_start3A_1274 = tpu.memref_slice %arg3[%add3A_645, %dma_start3A_1273] : memref<2560x128xi32, #tpu.memory_space<hbm>> -> memref<10x128xi32, #tpu.memory_space<hbm>>
      tpu.enqueue_dma source(%dma_start3A_1274 : memref<10x128xi32, #tpu.memory_space<hbm>>) target(%arg6 : memref<10x128xi32, #tpu.memory_space<vmem>>) target_semaphore(%run_scoped3A : memref<!tpu.dma_semaphore, #tpu.memory_space<semaphore_mem>>)
      %dma_wait3A_1275 = arith.constant 0 : i32
      %dma_wait3A_1276 = tpu.memref_slice %arg3[%add3A_645, %dma_wait3A_1275] : memref<2560x128xi32, #tpu.memory_space<hbm>> -> memref<10x128xi32, #tpu.memory_space<hbm>>
      %dma_wait3A_1277 = arith.constant 0 : i32
      %dma_wait3A_1278 = tpu.memref_slice %arg3[%add3A_645, %dma_wait3A_1277] : memref<2560x128xi32, #tpu.memory_space<hbm>> -> memref<10x128xi32, #tpu.memory_space<hbm>>
      tpu.wait_dma2 semaphore(%run_scoped3A : memref<!tpu.dma_semaphore, #tpu.memory_space<semaphore_mem>>) src(%dma_wait3A_1278 : memref<10x128xi32, #tpu.memory_space<hbm>>) dst(%arg6 : memref<10x128xi32, #tpu.memory_space<vmem>>)
      tpu.yield
    }) : () -> ()
    "tpu.region"() ({
      %run_scoped3A = tpu.sem_alloc : memref<!tpu.dma_semaphore, #tpu.memory_space<semaphore_mem>>
      %dma_start3A_1271 = arith.constant 0 : i32
      %dma_start3A_1272 = tpu.memref_slice %arg4[%add3A_645, %dma_start3A_1271] : memref<2560x128xi32, #tpu.memory_space<hbm>> -> memref<10x128xi32, #tpu.memory_space<hbm>>
      %dma_start3A_1273 = arith.constant 0 : i32
      %dma_start3A_1274 = tpu.memref_slice %arg4[%add3A_645, %dma_start3A_1273] : memref<2560x128xi32, #tpu.memory_space<hbm>> -> memref<10x128xi32, #tpu.memory_space<hbm>>
      tpu.enqueue_dma source(%dma_start3A_1274 : memref<10x128xi32, #tpu.memory_space<hbm>>) target(%arg8 : memref<10x128xi32, #tpu.memory_space<vmem>>) target_semaphore(%run_scoped3A : memref<!tpu.dma_semaphore, #tpu.memory_space<semaphore_mem>>)
      %dma_wait3A_1275 = arith.constant 0 : i32
      %dma_wait3A_1276 = tpu.memref_slice %arg4[%add3A_645, %dma_wait3A_1275] : memref<2560x128xi32, #tpu.memory_space<hbm>> -> memref<10x128xi32, #tpu.memory_space<hbm>>
      %dma_wait3A_1277 = arith.constant 0 : i32
      %dma_wait3A_1278 = tpu.memref_slice %arg4[%add3A_645, %dma_wait3A_1277] : memref<2560x128xi32, #tpu.memory_space<hbm>> -> memref<10x128xi32, #tpu.memory_space<hbm>>
      tpu.wait_dma2 semaphore(%run_scoped3A : memref<!tpu.dma_semaphore, #tpu.memory_space<semaphore_mem>>) src(%dma_wait3A_1278 : memref<10x128xi32, #tpu.memory_space<hbm>>) dst(%arg8 : memref<10x128xi32, #tpu.memory_space<vmem>>)
      tpu.yield
    }) : () -> ()
    %dma_start3A_646 = arith.constant 0 : i32
    %dma_start3A_647 = arith.constant 0 : i32
    %dma_start3A_648 = arith.constant 0 : i32
    %dma_start3A_649 = tpu.memref_slice %arg10[%dma_start3A_647, %dma_start3A_648] : memref<1280x32xf32, #tpu.memory_space<vmem>> -> memref<128x32xf32, #tpu.memory_space<vmem>>
    %dma_start3A_650 = arith.constant 0 : i32
    %dma_start3A_651 = tpu.memref_slice %arg6[%dma_start3A_646, %dma_start3A_650] : memref<10x128xi32, #tpu.memory_space<vmem>> -> memref<1x128xi32, #tpu.memory_space<vmem>>
    %dma_start3A_652 = tpu.memref_squeeze %dma_start3A_651 : memref<1x128xi32, #tpu.memory_space<vmem>> -> memref<128xi32, #tpu.memory_space<vmem>>
    %dma_start3A_653 = arith.constant 0 : i32
    %dma_start3A_654 = arith.constant 0 : i32
    %dma_start3A_655 = tpu.memref_slice %arg13[%dma_start3A_653, %dma_start3A_654] : memref<10112x32xf32, #tpu.memory_space<vmem_shared>> -> memref<10112x32xf32, #tpu.memory_space<vmem_shared>>
    tpu.enqueue_indirect_dma source(%dma_start3A_655 : memref<10112x32xf32, #tpu.memory_space<vmem_shared>>) target(%dma_start3A_649 : memref<128x32xf32, #tpu.memory_space<vmem>>) offsets(%dma_start3A_652 : memref<128xi32, #tpu.memory_space<vmem>>) semaphore(%arg14 : memref<!tpu.dma_semaphore, #tpu.memory_space<semaphore_mem>>)
    %dma_start3A_656 = arith.constant 1 : i32
    %dma_start3A_657 = arith.constant 128 : i32
    %dma_start3A_658 = arith.constant 0 : i32
    %dma_start3A_659 = tpu.memref_slice %arg10[%dma_start3A_657, %dma_start3A_658] : memref<1280x32xf32, #tpu.memory_space<vmem>> -> memref<128x32xf32, #tpu.memory_space<vmem>>
    %dma_start3A_660 = arith.constant 0 : i32
    %dma_start3A_661 = tpu.memref_slice %arg6[%dma_start3A_656, %dma_start3A_660] : memref<10x128xi32, #tpu.memory_space<vmem>> -> memref<1x128xi32, #tpu.memory_space<vmem>>
    %dma_start3A_662 = tpu.memref_squeeze %dma_start3A_661 : memref<1x128xi32, #tpu.memory_space<vmem>> -> memref<128xi32, #tpu.memory_space<vmem>>
    %dma_start3A_663 = arith.constant 0 : i32
    %dma_start3A_664 = arith.constant 0 : i32
    %dma_start3A_665 = tpu.memref_slice %arg13[%dma_start3A_663, %dma_start3A_664] : memref<10112x32xf32, #tpu.memory_space<vmem_shared>> -> memref<10112x32xf32, #tpu.memory_space<vmem_shared>>
    tpu.enqueue_indirect_dma source(%dma_start3A_665 : memref<10112x32xf32, #tpu.memory_space<vmem_shared>>) target(%dma_start3A_659 : memref<128x32xf32, #tpu.memory_space<vmem>>) offsets(%dma_start3A_662 : memref<128xi32, #tpu.memory_space<vmem>>) semaphore(%arg14 : memref<!tpu.dma_semaphore, #tpu.memory_space<semaphore_mem>>)
    %dma_start3A_666 = arith.constant 2 : i32
    %dma_start3A_667 = arith.constant 256 : i32
    %dma_start3A_668 = arith.constant 0 : i32
    %dma_start3A_669 = tpu.memref_slice %arg10[%dma_start3A_667, %dma_start3A_668] : memref<1280x32xf32, #tpu.memory_space<vmem>> -> memref<128x32xf32, #tpu.memory_space<vmem>>
    %dma_start3A_670 = arith.constant 0 : i32
    %dma_start3A_671 = tpu.memref_slice %arg6[%dma_start3A_666, %dma_start3A_670] : memref<10x128xi32, #tpu.memory_space<vmem>> -> memref<1x128xi32, #tpu.memory_space<vmem>>
    %dma_start3A_672 = tpu.memref_squeeze %dma_start3A_671 : memref<1x128xi32, #tpu.memory_space<vmem>> -> memref<128xi32, #tpu.memory_space<vmem>>
    %dma_start3A_673 = arith.constant 0 : i32
    %dma_start3A_674 = arith.constant 0 : i32
    %dma_start3A_675 = tpu.memref_slice %arg13[%dma_start3A_673, %dma_start3A_674] : memref<10112x32xf32, #tpu.memory_space<vmem_shared>> -> memref<10112x32xf32, #tpu.memory_space<vmem_shared>>
    tpu.enqueue_indirect_dma source(%dma_start3A_675 : memref<10112x32xf32, #tpu.memory_space<vmem_shared>>) target(%dma_start3A_669 : memref<128x32xf32, #tpu.memory_space<vmem>>) offsets(%dma_start3A_672 : memref<128xi32, #tpu.memory_space<vmem>>) semaphore(%arg14 : memref<!tpu.dma_semaphore, #tpu.memory_space<semaphore_mem>>)
    %dma_start3A_676 = arith.constant 3 : i32
    %dma_start3A_677 = arith.constant 384 : i32
    %dma_start3A_678 = arith.constant 0 : i32
    %dma_start3A_679 = tpu.memref_slice %arg10[%dma_start3A_677, %dma_start3A_678] : memref<1280x32xf32, #tpu.memory_space<vmem>> -> memref<128x32xf32, #tpu.memory_space<vmem>>
    %dma_start3A_680 = arith.constant 0 : i32
    %dma_start3A_681 = tpu.memref_slice %arg6[%dma_start3A_676, %dma_start3A_680] : memref<10x128xi32, #tpu.memory_space<vmem>> -> memref<1x128xi32, #tpu.memory_space<vmem>>
    %dma_start3A_682 = tpu.memref_squeeze %dma_start3A_681 : memref<1x128xi32, #tpu.memory_space<vmem>> -> memref<128xi32, #tpu.memory_space<vmem>>
    %dma_start3A_683 = arith.constant 0 : i32
    %dma_start3A_684 = arith.constant 0 : i32
    %dma_start3A_685 = tpu.memref_slice %arg13[%dma_start3A_683, %dma_start3A_684] : memref<10112x32xf32, #tpu.memory_space<vmem_shared>> -> memref<10112x32xf32, #tpu.memory_space<vmem_shared>>
    tpu.enqueue_indirect_dma source(%dma_start3A_685 : memref<10112x32xf32, #tpu.memory_space<vmem_shared>>) target(%dma_start3A_679 : memref<128x32xf32, #tpu.memory_space<vmem>>) offsets(%dma_start3A_682 : memref<128xi32, #tpu.memory_space<vmem>>) semaphore(%arg14 : memref<!tpu.dma_semaphore, #tpu.memory_space<semaphore_mem>>)
    %dma_start3A_686 = arith.constant 4 : i32
    %dma_start3A_687 = arith.constant 512 : i32
    %dma_start3A_688 = arith.constant 0 : i32
    %dma_start3A_689 = tpu.memref_slice %arg10[%dma_start3A_687, %dma_start3A_688] : memref<1280x32xf32, #tpu.memory_space<vmem>> -> memref<128x32xf32, #tpu.memory_space<vmem>>
    %dma_start3A_690 = arith.constant 0 : i32
    %dma_start3A_691 = tpu.memref_slice %arg6[%dma_start3A_686, %dma_start3A_690] : memref<10x128xi32, #tpu.memory_space<vmem>> -> memref<1x128xi32, #tpu.memory_space<vmem>>
    %dma_start3A_692 = tpu.memref_squeeze %dma_start3A_691 : memref<1x128xi32, #tpu.memory_space<vmem>> -> memref<128xi32, #tpu.memory_space<vmem>>
    %dma_start3A_693 = arith.constant 0 : i32
    %dma_start3A_694 = arith.constant 0 : i32
    %dma_start3A_695 = tpu.memref_slice %arg13[%dma_start3A_693, %dma_start3A_694] : memref<10112x32xf32, #tpu.memory_space<vmem_shared>> -> memref<10112x32xf32, #tpu.memory_space<vmem_shared>>
    tpu.enqueue_indirect_dma source(%dma_start3A_695 : memref<10112x32xf32, #tpu.memory_space<vmem_shared>>) target(%dma_start3A_689 : memref<128x32xf32, #tpu.memory_space<vmem>>) offsets(%dma_start3A_692 : memref<128xi32, #tpu.memory_space<vmem>>) semaphore(%arg14 : memref<!tpu.dma_semaphore, #tpu.memory_space<semaphore_mem>>)
    %dma_start3A_696 = arith.constant 5 : i32
    %dma_start3A_697 = arith.constant 640 : i32
    %dma_start3A_698 = arith.constant 0 : i32
    %dma_start3A_699 = tpu.memref_slice %arg10[%dma_start3A_697, %dma_start3A_698] : memref<1280x32xf32, #tpu.memory_space<vmem>> -> memref<128x32xf32, #tpu.memory_space<vmem>>
    %dma_start3A_700 = arith.constant 0 : i32
    %dma_start3A_701 = tpu.memref_slice %arg6[%dma_start3A_696, %dma_start3A_700] : memref<10x128xi32, #tpu.memory_space<vmem>> -> memref<1x128xi32, #tpu.memory_space<vmem>>
    %dma_start3A_702 = tpu.memref_squeeze %dma_start3A_701 : memref<1x128xi32, #tpu.memory_space<vmem>> -> memref<128xi32, #tpu.memory_space<vmem>>
    %dma_start3A_703 = arith.constant 0 : i32
    %dma_start3A_704 = arith.constant 0 : i32
    %dma_start3A_705 = tpu.memref_slice %arg13[%dma_start3A_703, %dma_start3A_704] : memref<10112x32xf32, #tpu.memory_space<vmem_shared>> -> memref<10112x32xf32, #tpu.memory_space<vmem_shared>>
    tpu.enqueue_indirect_dma source(%dma_start3A_705 : memref<10112x32xf32, #tpu.memory_space<vmem_shared>>) target(%dma_start3A_699 : memref<128x32xf32, #tpu.memory_space<vmem>>) offsets(%dma_start3A_702 : memref<128xi32, #tpu.memory_space<vmem>>) semaphore(%arg14 : memref<!tpu.dma_semaphore, #tpu.memory_space<semaphore_mem>>)
    %dma_start3A_706 = arith.constant 6 : i32
    %dma_start3A_707 = arith.constant 768 : i32
    %dma_start3A_708 = arith.constant 0 : i32
    %dma_start3A_709 = tpu.memref_slice %arg10[%dma_start3A_707, %dma_start3A_708] : memref<1280x32xf32, #tpu.memory_space<vmem>> -> memref<128x32xf32, #tpu.memory_space<vmem>>
    %dma_start3A_710 = arith.constant 0 : i32
    %dma_start3A_711 = tpu.memref_slice %arg6[%dma_start3A_706, %dma_start3A_710] : memref<10x128xi32, #tpu.memory_space<vmem>> -> memref<1x128xi32, #tpu.memory_space<vmem>>
    %dma_start3A_712 = tpu.memref_squeeze %dma_start3A_711 : memref<1x128xi32, #tpu.memory_space<vmem>> -> memref<128xi32, #tpu.memory_space<vmem>>
    %dma_start3A_713 = arith.constant 0 : i32
    %dma_start3A_714 = arith.constant 0 : i32
    %dma_start3A_715 = tpu.memref_slice %arg13[%dma_start3A_713, %dma_start3A_714] : memref<10112x32xf32, #tpu.memory_space<vmem_shared>> -> memref<10112x32xf32, #tpu.memory_space<vmem_shared>>
    tpu.enqueue_indirect_dma source(%dma_start3A_715 : memref<10112x32xf32, #tpu.memory_space<vmem_shared>>) target(%dma_start3A_709 : memref<128x32xf32, #tpu.memory_space<vmem>>) offsets(%dma_start3A_712 : memref<128xi32, #tpu.memory_space<vmem>>) semaphore(%arg14 : memref<!tpu.dma_semaphore, #tpu.memory_space<semaphore_mem>>)
    %dma_start3A_716 = arith.constant 7 : i32
    %dma_start3A_717 = arith.constant 896 : i32
    %dma_start3A_718 = arith.constant 0 : i32
    %dma_start3A_719 = tpu.memref_slice %arg10[%dma_start3A_717, %dma_start3A_718] : memref<1280x32xf32, #tpu.memory_space<vmem>> -> memref<128x32xf32, #tpu.memory_space<vmem>>
    %dma_start3A_720 = arith.constant 0 : i32
    %dma_start3A_721 = tpu.memref_slice %arg6[%dma_start3A_716, %dma_start3A_720] : memref<10x128xi32, #tpu.memory_space<vmem>> -> memref<1x128xi32, #tpu.memory_space<vmem>>
    %dma_start3A_722 = tpu.memref_squeeze %dma_start3A_721 : memref<1x128xi32, #tpu.memory_space<vmem>> -> memref<128xi32, #tpu.memory_space<vmem>>
    %dma_start3A_723 = arith.constant 0 : i32
    %dma_start3A_724 = arith.constant 0 : i32
    %dma_start3A_725 = tpu.memref_slice %arg13[%dma_start3A_723, %dma_start3A_724] : memref<10112x32xf32, #tpu.memory_space<vmem_shared>> -> memref<10112x32xf32, #tpu.memory_space<vmem_shared>>
    tpu.enqueue_indirect_dma source(%dma_start3A_725 : memref<10112x32xf32, #tpu.memory_space<vmem_shared>>) target(%dma_start3A_719 : memref<128x32xf32, #tpu.memory_space<vmem>>) offsets(%dma_start3A_722 : memref<128xi32, #tpu.memory_space<vmem>>) semaphore(%arg14 : memref<!tpu.dma_semaphore, #tpu.memory_space<semaphore_mem>>)
    %dma_start3A_726 = arith.constant 8 : i32
    %dma_start3A_727 = arith.constant 1024 : i32
    %dma_start3A_728 = arith.constant 0 : i32
    %dma_start3A_729 = tpu.memref_slice %arg10[%dma_start3A_727, %dma_start3A_728] : memref<1280x32xf32, #tpu.memory_space<vmem>> -> memref<128x32xf32, #tpu.memory_space<vmem>>
    %dma_start3A_730 = arith.constant 0 : i32
    %dma_start3A_731 = tpu.memref_slice %arg6[%dma_start3A_726, %dma_start3A_730] : memref<10x128xi32, #tpu.memory_space<vmem>> -> memref<1x128xi32, #tpu.memory_space<vmem>>
    %dma_start3A_732 = tpu.memref_squeeze %dma_start3A_731 : memref<1x128xi32, #tpu.memory_space<vmem>> -> memref<128xi32, #tpu.memory_space<vmem>>
    %dma_start3A_733 = arith.constant 0 : i32
    %dma_start3A_734 = arith.constant 0 : i32
    %dma_start3A_735 = tpu.memref_slice %arg13[%dma_start3A_733, %dma_start3A_734] : memref<10112x32xf32, #tpu.memory_space<vmem_shared>> -> memref<10112x32xf32, #tpu.memory_space<vmem_shared>>
    tpu.enqueue_indirect_dma source(%dma_start3A_735 : memref<10112x32xf32, #tpu.memory_space<vmem_shared>>) target(%dma_start3A_729 : memref<128x32xf32, #tpu.memory_space<vmem>>) offsets(%dma_start3A_732 : memref<128xi32, #tpu.memory_space<vmem>>) semaphore(%arg14 : memref<!tpu.dma_semaphore, #tpu.memory_space<semaphore_mem>>)
    %dma_start3A_736 = arith.constant 9 : i32
    %dma_start3A_737 = arith.constant 1152 : i32
    %dma_start3A_738 = arith.constant 0 : i32
    %dma_start3A_739 = tpu.memref_slice %arg10[%dma_start3A_737, %dma_start3A_738] : memref<1280x32xf32, #tpu.memory_space<vmem>> -> memref<128x32xf32, #tpu.memory_space<vmem>>
    %dma_start3A_740 = arith.constant 0 : i32
    %dma_start3A_741 = tpu.memref_slice %arg6[%dma_start3A_736, %dma_start3A_740] : memref<10x128xi32, #tpu.memory_space<vmem>> -> memref<1x128xi32, #tpu.memory_space<vmem>>
    %dma_start3A_742 = tpu.memref_squeeze %dma_start3A_741 : memref<1x128xi32, #tpu.memory_space<vmem>> -> memref<128xi32, #tpu.memory_space<vmem>>
    %dma_start3A_743 = arith.constant 0 : i32
    %dma_start3A_744 = arith.constant 0 : i32
    %dma_start3A_745 = tpu.memref_slice %arg13[%dma_start3A_743, %dma_start3A_744] : memref<10112x32xf32, #tpu.memory_space<vmem_shared>> -> memref<10112x32xf32, #tpu.memory_space<vmem_shared>>
    tpu.enqueue_indirect_dma source(%dma_start3A_745 : memref<10112x32xf32, #tpu.memory_space<vmem_shared>>) target(%dma_start3A_739 : memref<128x32xf32, #tpu.memory_space<vmem>>) offsets(%dma_start3A_742 : memref<128xi32, #tpu.memory_space<vmem>>) semaphore(%arg14 : memref<!tpu.dma_semaphore, #tpu.memory_space<semaphore_mem>>)
    %add3A_746 = arith.constant 10 : i32
    %add3A_747 = arith.addi %mul3A_2, %add3A_746 : i32
    "tpu.region"() ({
      %run_scoped3A = tpu.sem_alloc : memref<!tpu.dma_semaphore, #tpu.memory_space<semaphore_mem>>
      %dma_start3A_1271 = arith.constant 0 : i32
      %dma_start3A_1272 = tpu.memref_slice %arg3[%add3A_747, %dma_start3A_1271] : memref<2560x128xi32, #tpu.memory_space<hbm>> -> memref<10x128xi32, #tpu.memory_space<hbm>>
      %dma_start3A_1273 = arith.constant 0 : i32
      %dma_start3A_1274 = tpu.memref_slice %arg3[%add3A_747, %dma_start3A_1273] : memref<2560x128xi32, #tpu.memory_space<hbm>> -> memref<10x128xi32, #tpu.memory_space<hbm>>
      tpu.enqueue_dma source(%dma_start3A_1274 : memref<10x128xi32, #tpu.memory_space<hbm>>) target(%arg7 : memref<10x128xi32, #tpu.memory_space<vmem>>) target_semaphore(%run_scoped3A : memref<!tpu.dma_semaphore, #tpu.memory_space<semaphore_mem>>)
      %dma_wait3A_1275 = arith.constant 0 : i32
      %dma_wait3A_1276 = tpu.memref_slice %arg3[%add3A_747, %dma_wait3A_1275] : memref<2560x128xi32, #tpu.memory_space<hbm>> -> memref<10x128xi32, #tpu.memory_space<hbm>>
      %dma_wait3A_1277 = arith.constant 0 : i32
      %dma_wait3A_1278 = tpu.memref_slice %arg3[%add3A_747, %dma_wait3A_1277] : memref<2560x128xi32, #tpu.memory_space<hbm>> -> memref<10x128xi32, #tpu.memory_space<hbm>>
      tpu.wait_dma2 semaphore(%run_scoped3A : memref<!tpu.dma_semaphore, #tpu.memory_space<semaphore_mem>>) src(%dma_wait3A_1278 : memref<10x128xi32, #tpu.memory_space<hbm>>) dst(%arg7 : memref<10x128xi32, #tpu.memory_space<vmem>>)
      tpu.yield
    }) : () -> ()
    "tpu.region"() ({
      %run_scoped3A = tpu.sem_alloc : memref<!tpu.dma_semaphore, #tpu.memory_space<semaphore_mem>>
      %dma_start3A_1271 = arith.constant 0 : i32
      %dma_start3A_1272 = tpu.memref_slice %arg4[%add3A_747, %dma_start3A_1271] : memref<2560x128xi32, #tpu.memory_space<hbm>> -> memref<10x128xi32, #tpu.memory_space<hbm>>
      %dma_start3A_1273 = arith.constant 0 : i32
      %dma_start3A_1274 = tpu.memref_slice %arg4[%add3A_747, %dma_start3A_1273] : memref<2560x128xi32, #tpu.memory_space<hbm>> -> memref<10x128xi32, #tpu.memory_space<hbm>>
      tpu.enqueue_dma source(%dma_start3A_1274 : memref<10x128xi32, #tpu.memory_space<hbm>>) target(%arg9 : memref<10x128xi32, #tpu.memory_space<vmem>>) target_semaphore(%run_scoped3A : memref<!tpu.dma_semaphore, #tpu.memory_space<semaphore_mem>>)
      %dma_wait3A_1275 = arith.constant 0 : i32
      %dma_wait3A_1276 = tpu.memref_slice %arg4[%add3A_747, %dma_wait3A_1275] : memref<2560x128xi32, #tpu.memory_space<hbm>> -> memref<10x128xi32, #tpu.memory_space<hbm>>
      %dma_wait3A_1277 = arith.constant 0 : i32
      %dma_wait3A_1278 = tpu.memref_slice %arg4[%add3A_747, %dma_wait3A_1277] : memref<2560x128xi32, #tpu.memory_space<hbm>> -> memref<10x128xi32, #tpu.memory_space<hbm>>
      tpu.wait_dma2 semaphore(%run_scoped3A : memref<!tpu.dma_semaphore, #tpu.memory_space<semaphore_mem>>) src(%dma_wait3A_1278 : memref<10x128xi32, #tpu.memory_space<hbm>>) dst(%arg9 : memref<10x128xi32, #tpu.memory_space<vmem>>)
      tpu.yield
    }) : () -> ()
    %dma_start3A_748 = arith.constant 0 : i32
    %dma_start3A_749 = arith.constant 0 : i32
    %dma_start3A_750 = arith.constant 0 : i32
    %dma_start3A_751 = tpu.memref_slice %arg11[%dma_start3A_749, %dma_start3A_750] : memref<1280x32xf32, #tpu.memory_space<vmem>> -> memref<128x32xf32, #tpu.memory_space<vmem>>
    %dma_start3A_752 = arith.constant 0 : i32
    %dma_start3A_753 = tpu.memref_slice %arg7[%dma_start3A_748, %dma_start3A_752] : memref<10x128xi32, #tpu.memory_space<vmem>> -> memref<1x128xi32, #tpu.memory_space<vmem>>
    %dma_start3A_754 = tpu.memref_squeeze %dma_start3A_753 : memref<1x128xi32, #tpu.memory_space<vmem>> -> memref<128xi32, #tpu.memory_space<vmem>>
    %dma_start3A_755 = arith.constant 0 : i32
    %dma_start3A_756 = arith.constant 0 : i32
    %dma_start3A_757 = tpu.memref_slice %arg13[%dma_start3A_755, %dma_start3A_756] : memref<10112x32xf32, #tpu.memory_space<vmem_shared>> -> memref<10112x32xf32, #tpu.memory_space<vmem_shared>>
    tpu.enqueue_indirect_dma source(%dma_start3A_757 : memref<10112x32xf32, #tpu.memory_space<vmem_shared>>) target(%dma_start3A_751 : memref<128x32xf32, #tpu.memory_space<vmem>>) offsets(%dma_start3A_754 : memref<128xi32, #tpu.memory_space<vmem>>) semaphore(%arg15 : memref<!tpu.dma_semaphore, #tpu.memory_space<semaphore_mem>>)
    %dma_start3A_758 = arith.constant 1 : i32
    %dma_start3A_759 = arith.constant 128 : i32
    %dma_start3A_760 = arith.constant 0 : i32
    %dma_start3A_761 = tpu.memref_slice %arg11[%dma_start3A_759, %dma_start3A_760] : memref<1280x32xf32, #tpu.memory_space<vmem>> -> memref<128x32xf32, #tpu.memory_space<vmem>>
    %dma_start3A_762 = arith.constant 0 : i32
    %dma_start3A_763 = tpu.memref_slice %arg7[%dma_start3A_758, %dma_start3A_762] : memref<10x128xi32, #tpu.memory_space<vmem>> -> memref<1x128xi32, #tpu.memory_space<vmem>>
    %dma_start3A_764 = tpu.memref_squeeze %dma_start3A_763 : memref<1x128xi32, #tpu.memory_space<vmem>> -> memref<128xi32, #tpu.memory_space<vmem>>
    %dma_start3A_765 = arith.constant 0 : i32
    %dma_start3A_766 = arith.constant 0 : i32
    %dma_start3A_767 = tpu.memref_slice %arg13[%dma_start3A_765, %dma_start3A_766] : memref<10112x32xf32, #tpu.memory_space<vmem_shared>> -> memref<10112x32xf32, #tpu.memory_space<vmem_shared>>
    tpu.enqueue_indirect_dma source(%dma_start3A_767 : memref<10112x32xf32, #tpu.memory_space<vmem_shared>>) target(%dma_start3A_761 : memref<128x32xf32, #tpu.memory_space<vmem>>) offsets(%dma_start3A_764 : memref<128xi32, #tpu.memory_space<vmem>>) semaphore(%arg15 : memref<!tpu.dma_semaphore, #tpu.memory_space<semaphore_mem>>)
    %dma_start3A_768 = arith.constant 2 : i32
    %dma_start3A_769 = arith.constant 256 : i32
    %dma_start3A_770 = arith.constant 0 : i32
    %dma_start3A_771 = tpu.memref_slice %arg11[%dma_start3A_769, %dma_start3A_770] : memref<1280x32xf32, #tpu.memory_space<vmem>> -> memref<128x32xf32, #tpu.memory_space<vmem>>
    %dma_start3A_772 = arith.constant 0 : i32
    %dma_start3A_773 = tpu.memref_slice %arg7[%dma_start3A_768, %dma_start3A_772] : memref<10x128xi32, #tpu.memory_space<vmem>> -> memref<1x128xi32, #tpu.memory_space<vmem>>
    %dma_start3A_774 = tpu.memref_squeeze %dma_start3A_773 : memref<1x128xi32, #tpu.memory_space<vmem>> -> memref<128xi32, #tpu.memory_space<vmem>>
    %dma_start3A_775 = arith.constant 0 : i32
    %dma_start3A_776 = arith.constant 0 : i32
    %dma_start3A_777 = tpu.memref_slice %arg13[%dma_start3A_775, %dma_start3A_776] : memref<10112x32xf32, #tpu.memory_space<vmem_shared>> -> memref<10112x32xf32, #tpu.memory_space<vmem_shared>>
    tpu.enqueue_indirect_dma source(%dma_start3A_777 : memref<10112x32xf32, #tpu.memory_space<vmem_shared>>) target(%dma_start3A_771 : memref<128x32xf32, #tpu.memory_space<vmem>>) offsets(%dma_start3A_774 : memref<128xi32, #tpu.memory_space<vmem>>) semaphore(%arg15 : memref<!tpu.dma_semaphore, #tpu.memory_space<semaphore_mem>>)
    %dma_start3A_778 = arith.constant 3 : i32
    %dma_start3A_779 = arith.constant 384 : i32
    %dma_start3A_780 = arith.constant 0 : i32
    %dma_start3A_781 = tpu.memref_slice %arg11[%dma_start3A_779, %dma_start3A_780] : memref<1280x32xf32, #tpu.memory_space<vmem>> -> memref<128x32xf32, #tpu.memory_space<vmem>>
    %dma_start3A_782 = arith.constant 0 : i32
    %dma_start3A_783 = tpu.memref_slice %arg7[%dma_start3A_778, %dma_start3A_782] : memref<10x128xi32, #tpu.memory_space<vmem>> -> memref<1x128xi32, #tpu.memory_space<vmem>>
    %dma_start3A_784 = tpu.memref_squeeze %dma_start3A_783 : memref<1x128xi32, #tpu.memory_space<vmem>> -> memref<128xi32, #tpu.memory_space<vmem>>
    %dma_start3A_785 = arith.constant 0 : i32
    %dma_start3A_786 = arith.constant 0 : i32
    %dma_start3A_787 = tpu.memref_slice %arg13[%dma_start3A_785, %dma_start3A_786] : memref<10112x32xf32, #tpu.memory_space<vmem_shared>> -> memref<10112x32xf32, #tpu.memory_space<vmem_shared>>
    tpu.enqueue_indirect_dma source(%dma_start3A_787 : memref<10112x32xf32, #tpu.memory_space<vmem_shared>>) target(%dma_start3A_781 : memref<128x32xf32, #tpu.memory_space<vmem>>) offsets(%dma_start3A_784 : memref<128xi32, #tpu.memory_space<vmem>>) semaphore(%arg15 : memref<!tpu.dma_semaphore, #tpu.memory_space<semaphore_mem>>)
    %dma_start3A_788 = arith.constant 4 : i32
    %dma_start3A_789 = arith.constant 512 : i32
    %dma_start3A_790 = arith.constant 0 : i32
    %dma_start3A_791 = tpu.memref_slice %arg11[%dma_start3A_789, %dma_start3A_790] : memref<1280x32xf32, #tpu.memory_space<vmem>> -> memref<128x32xf32, #tpu.memory_space<vmem>>
    %dma_start3A_792 = arith.constant 0 : i32
    %dma_start3A_793 = tpu.memref_slice %arg7[%dma_start3A_788, %dma_start3A_792] : memref<10x128xi32, #tpu.memory_space<vmem>> -> memref<1x128xi32, #tpu.memory_space<vmem>>
    %dma_start3A_794 = tpu.memref_squeeze %dma_start3A_793 : memref<1x128xi32, #tpu.memory_space<vmem>> -> memref<128xi32, #tpu.memory_space<vmem>>
    %dma_start3A_795 = arith.constant 0 : i32
    %dma_start3A_796 = arith.constant 0 : i32
    %dma_start3A_797 = tpu.memref_slice %arg13[%dma_start3A_795, %dma_start3A_796] : memref<10112x32xf32, #tpu.memory_space<vmem_shared>> -> memref<10112x32xf32, #tpu.memory_space<vmem_shared>>
    tpu.enqueue_indirect_dma source(%dma_start3A_797 : memref<10112x32xf32, #tpu.memory_space<vmem_shared>>) target(%dma_start3A_791 : memref<128x32xf32, #tpu.memory_space<vmem>>) offsets(%dma_start3A_794 : memref<128xi32, #tpu.memory_space<vmem>>) semaphore(%arg15 : memref<!tpu.dma_semaphore, #tpu.memory_space<semaphore_mem>>)
    %dma_start3A_798 = arith.constant 5 : i32
    %dma_start3A_799 = arith.constant 640 : i32
    %dma_start3A_800 = arith.constant 0 : i32
    %dma_start3A_801 = tpu.memref_slice %arg11[%dma_start3A_799, %dma_start3A_800] : memref<1280x32xf32, #tpu.memory_space<vmem>> -> memref<128x32xf32, #tpu.memory_space<vmem>>
    %dma_start3A_802 = arith.constant 0 : i32
    %dma_start3A_803 = tpu.memref_slice %arg7[%dma_start3A_798, %dma_start3A_802] : memref<10x128xi32, #tpu.memory_space<vmem>> -> memref<1x128xi32, #tpu.memory_space<vmem>>
    %dma_start3A_804 = tpu.memref_squeeze %dma_start3A_803 : memref<1x128xi32, #tpu.memory_space<vmem>> -> memref<128xi32, #tpu.memory_space<vmem>>
    %dma_start3A_805 = arith.constant 0 : i32
    %dma_start3A_806 = arith.constant 0 : i32
    %dma_start3A_807 = tpu.memref_slice %arg13[%dma_start3A_805, %dma_start3A_806] : memref<10112x32xf32, #tpu.memory_space<vmem_shared>> -> memref<10112x32xf32, #tpu.memory_space<vmem_shared>>
    tpu.enqueue_indirect_dma source(%dma_start3A_807 : memref<10112x32xf32, #tpu.memory_space<vmem_shared>>) target(%dma_start3A_801 : memref<128x32xf32, #tpu.memory_space<vmem>>) offsets(%dma_start3A_804 : memref<128xi32, #tpu.memory_space<vmem>>) semaphore(%arg15 : memref<!tpu.dma_semaphore, #tpu.memory_space<semaphore_mem>>)
    %dma_start3A_808 = arith.constant 6 : i32
    %dma_start3A_809 = arith.constant 768 : i32
    %dma_start3A_810 = arith.constant 0 : i32
    %dma_start3A_811 = tpu.memref_slice %arg11[%dma_start3A_809, %dma_start3A_810] : memref<1280x32xf32, #tpu.memory_space<vmem>> -> memref<128x32xf32, #tpu.memory_space<vmem>>
    %dma_start3A_812 = arith.constant 0 : i32
    %dma_start3A_813 = tpu.memref_slice %arg7[%dma_start3A_808, %dma_start3A_812] : memref<10x128xi32, #tpu.memory_space<vmem>> -> memref<1x128xi32, #tpu.memory_space<vmem>>
    %dma_start3A_814 = tpu.memref_squeeze %dma_start3A_813 : memref<1x128xi32, #tpu.memory_space<vmem>> -> memref<128xi32, #tpu.memory_space<vmem>>
    %dma_start3A_815 = arith.constant 0 : i32
    %dma_start3A_816 = arith.constant 0 : i32
    %dma_start3A_817 = tpu.memref_slice %arg13[%dma_start3A_815, %dma_start3A_816] : memref<10112x32xf32, #tpu.memory_space<vmem_shared>> -> memref<10112x32xf32, #tpu.memory_space<vmem_shared>>
    tpu.enqueue_indirect_dma source(%dma_start3A_817 : memref<10112x32xf32, #tpu.memory_space<vmem_shared>>) target(%dma_start3A_811 : memref<128x32xf32, #tpu.memory_space<vmem>>) offsets(%dma_start3A_814 : memref<128xi32, #tpu.memory_space<vmem>>) semaphore(%arg15 : memref<!tpu.dma_semaphore, #tpu.memory_space<semaphore_mem>>)
    %dma_start3A_818 = arith.constant 7 : i32
    %dma_start3A_819 = arith.constant 896 : i32
    %dma_start3A_820 = arith.constant 0 : i32
    %dma_start3A_821 = tpu.memref_slice %arg11[%dma_start3A_819, %dma_start3A_820] : memref<1280x32xf32, #tpu.memory_space<vmem>> -> memref<128x32xf32, #tpu.memory_space<vmem>>
    %dma_start3A_822 = arith.constant 0 : i32
    %dma_start3A_823 = tpu.memref_slice %arg7[%dma_start3A_818, %dma_start3A_822] : memref<10x128xi32, #tpu.memory_space<vmem>> -> memref<1x128xi32, #tpu.memory_space<vmem>>
    %dma_start3A_824 = tpu.memref_squeeze %dma_start3A_823 : memref<1x128xi32, #tpu.memory_space<vmem>> -> memref<128xi32, #tpu.memory_space<vmem>>
    %dma_start3A_825 = arith.constant 0 : i32
    %dma_start3A_826 = arith.constant 0 : i32
    %dma_start3A_827 = tpu.memref_slice %arg13[%dma_start3A_825, %dma_start3A_826] : memref<10112x32xf32, #tpu.memory_space<vmem_shared>> -> memref<10112x32xf32, #tpu.memory_space<vmem_shared>>
    tpu.enqueue_indirect_dma source(%dma_start3A_827 : memref<10112x32xf32, #tpu.memory_space<vmem_shared>>) target(%dma_start3A_821 : memref<128x32xf32, #tpu.memory_space<vmem>>) offsets(%dma_start3A_824 : memref<128xi32, #tpu.memory_space<vmem>>) semaphore(%arg15 : memref<!tpu.dma_semaphore, #tpu.memory_space<semaphore_mem>>)
    %dma_start3A_828 = arith.constant 8 : i32
    %dma_start3A_829 = arith.constant 1024 : i32
    %dma_start3A_830 = arith.constant 0 : i32
    %dma_start3A_831 = tpu.memref_slice %arg11[%dma_start3A_829, %dma_start3A_830] : memref<1280x32xf32, #tpu.memory_space<vmem>> -> memref<128x32xf32, #tpu.memory_space<vmem>>
    %dma_start3A_832 = arith.constant 0 : i32
    %dma_start3A_833 = tpu.memref_slice %arg7[%dma_start3A_828, %dma_start3A_832] : memref<10x128xi32, #tpu.memory_space<vmem>> -> memref<1x128xi32, #tpu.memory_space<vmem>>
    %dma_start3A_834 = tpu.memref_squeeze %dma_start3A_833 : memref<1x128xi32, #tpu.memory_space<vmem>> -> memref<128xi32, #tpu.memory_space<vmem>>
    %dma_start3A_835 = arith.constant 0 : i32
    %dma_start3A_836 = arith.constant 0 : i32
    %dma_start3A_837 = tpu.memref_slice %arg13[%dma_start3A_835, %dma_start3A_836] : memref<10112x32xf32, #tpu.memory_space<vmem_shared>> -> memref<10112x32xf32, #tpu.memory_space<vmem_shared>>
    tpu.enqueue_indirect_dma source(%dma_start3A_837 : memref<10112x32xf32, #tpu.memory_space<vmem_shared>>) target(%dma_start3A_831 : memref<128x32xf32, #tpu.memory_space<vmem>>) offsets(%dma_start3A_834 : memref<128xi32, #tpu.memory_space<vmem>>) semaphore(%arg15 : memref<!tpu.dma_semaphore, #tpu.memory_space<semaphore_mem>>)
    %dma_start3A_838 = arith.constant 9 : i32
    %dma_start3A_839 = arith.constant 1152 : i32
    %dma_start3A_840 = arith.constant 0 : i32
    %dma_start3A_841 = tpu.memref_slice %arg11[%dma_start3A_839, %dma_start3A_840] : memref<1280x32xf32, #tpu.memory_space<vmem>> -> memref<128x32xf32, #tpu.memory_space<vmem>>
    %dma_start3A_842 = arith.constant 0 : i32
    %dma_start3A_843 = tpu.memref_slice %arg7[%dma_start3A_838, %dma_start3A_842] : memref<10x128xi32, #tpu.memory_space<vmem>> -> memref<1x128xi32, #tpu.memory_space<vmem>>
    %dma_start3A_844 = tpu.memref_squeeze %dma_start3A_843 : memref<1x128xi32, #tpu.memory_space<vmem>> -> memref<128xi32, #tpu.memory_space<vmem>>
    %dma_start3A_845 = arith.constant 0 : i32
    %dma_start3A_846 = arith.constant 0 : i32
    %dma_start3A_847 = tpu.memref_slice %arg13[%dma_start3A_845, %dma_start3A_846] : memref<10112x32xf32, #tpu.memory_space<vmem_shared>> -> memref<10112x32xf32, #tpu.memory_space<vmem_shared>>
    tpu.enqueue_indirect_dma source(%dma_start3A_847 : memref<10112x32xf32, #tpu.memory_space<vmem_shared>>) target(%dma_start3A_841 : memref<128x32xf32, #tpu.memory_space<vmem>>) offsets(%dma_start3A_844 : memref<128xi32, #tpu.memory_space<vmem>>) semaphore(%arg15 : memref<!tpu.dma_semaphore, #tpu.memory_space<semaphore_mem>>)
    %scan3A_848 = arith.constant 0 : i32
    %scan3A_849 = arith.constant 0 : i32
    %scan3A_850 = arith.constant 3 : i32
    %scan3A_851 = arith.addi %scan3A_849, %scan3A_850 : i32
    %scan3A_852 = arith.constant 1 : i32
    scf.for %scan3A_1271 = %scan3A_849 to %scan3A_851 step %scan3A_852  : i32 {
      %dma_wait3A_1272 = arith.constant 0 : i32
      %dma_wait3A_1273 = arith.constant 0 : i32
      %dma_wait3A_1274 = tpu.memref_slice %arg2[%dma_wait3A_1272, %dma_wait3A_1273] : memref<10112x64xf32, #tpu.memory_space<hbm>> -> memref<1280x32xf32, #tpu.memory_space<hbm>>
      %dma_wait3A_1275 = arith.constant 0 : i32
      %dma_wait3A_1276 = arith.constant 0 : i32
      %dma_wait3A_1277 = tpu.memref_slice %arg2[%dma_wait3A_1275, %dma_wait3A_1276] : memref<10112x64xf32, #tpu.memory_space<hbm>> -> memref<1280x32xf32, #tpu.memory_space<hbm>>
      tpu.wait_dma2 semaphore(%arg14 : memref<!tpu.dma_semaphore, #tpu.memory_space<semaphore_mem>>) src(%dma_wait3A_1277 : memref<1280x32xf32, #tpu.memory_space<hbm>>) dst(%arg10 : memref<1280x32xf32, #tpu.memory_space<vmem>>)
      %dma_start3A_1278 = arith.constant 0 : i32
      %dma_start3A_1279 = arith.constant 0 : i32
      %dma_start3A_1280 = arith.constant 0 : i32
      %dma_start3A_1281 = tpu.memref_slice %arg10[%dma_start3A_1279, %dma_start3A_1280] : memref<1280x32xf32, #tpu.memory_space<vmem>> -> memref<128x32xf32, #tpu.memory_space<vmem>>
      %dma_start3A_1282 = arith.constant 0 : i32
      %dma_start3A_1283 = tpu.memref_slice %arg8[%dma_start3A_1278, %dma_start3A_1282] : memref<10x128xi32, #tpu.memory_space<vmem>> -> memref<1x128xi32, #tpu.memory_space<vmem>>
      %dma_start3A_1284 = tpu.memref_squeeze %dma_start3A_1283 : memref<1x128xi32, #tpu.memory_space<vmem>> -> memref<128xi32, #tpu.memory_space<vmem>>
      %dma_start3A_1285 = arith.constant 0 : i32
      %dma_start3A_1286 = arith.constant 0 : i32
      %dma_start3A_1287 = tpu.memref_slice %arg12[%dma_start3A_1285, %dma_start3A_1286] : memref<10112x32xf32, #tpu.memory_space<vmem_shared>> -> memref<10112x32xf32, #tpu.memory_space<vmem_shared>>
      tpu.enqueue_indirect_dma source(%dma_start3A_1281 : memref<128x32xf32, #tpu.memory_space<vmem>>) target(%dma_start3A_1287 : memref<10112x32xf32, #tpu.memory_space<vmem_shared>>) offsets(%dma_start3A_1284 : memref<128xi32, #tpu.memory_space<vmem>>) semaphore(%arg16 : memref<!tpu.dma_semaphore, #tpu.memory_space<semaphore_mem>>) {add = true}
      %dma_start3A_1288 = arith.constant 1 : i32
      %dma_start3A_1289 = arith.constant 128 : i32
      %dma_start3A_1290 = arith.constant 0 : i32
      %dma_start3A_1291 = tpu.memref_slice %arg10[%dma_start3A_1289, %dma_start3A_1290] : memref<1280x32xf32, #tpu.memory_space<vmem>> -> memref<128x32xf32, #tpu.memory_space<vmem>>
      %dma_start3A_1292 = arith.constant 0 : i32
      %dma_start3A_1293 = tpu.memref_slice %arg8[%dma_start3A_1288, %dma_start3A_1292] : memref<10x128xi32, #tpu.memory_space<vmem>> -> memref<1x128xi32, #tpu.memory_space<vmem>>
      %dma_start3A_1294 = tpu.memref_squeeze %dma_start3A_1293 : memref<1x128xi32, #tpu.memory_space<vmem>> -> memref<128xi32, #tpu.memory_space<vmem>>
      %dma_start3A_1295 = arith.constant 0 : i32
      %dma_start3A_1296 = arith.constant 0 : i32
      %dma_start3A_1297 = tpu.memref_slice %arg12[%dma_start3A_1295, %dma_start3A_1296] : memref<10112x32xf32, #tpu.memory_space<vmem_shared>> -> memref<10112x32xf32, #tpu.memory_space<vmem_shared>>
      tpu.enqueue_indirect_dma source(%dma_start3A_1291 : memref<128x32xf32, #tpu.memory_space<vmem>>) target(%dma_start3A_1297 : memref<10112x32xf32, #tpu.memory_space<vmem_shared>>) offsets(%dma_start3A_1294 : memref<128xi32, #tpu.memory_space<vmem>>) semaphore(%arg16 : memref<!tpu.dma_semaphore, #tpu.memory_space<semaphore_mem>>) {add = true}
      %dma_start3A_1298 = arith.constant 2 : i32
      %dma_start3A_1299 = arith.constant 256 : i32
      %dma_start3A_1300 = arith.constant 0 : i32
      %dma_start3A_1301 = tpu.memref_slice %arg10[%dma_start3A_1299, %dma_start3A_1300] : memref<1280x32xf32, #tpu.memory_space<vmem>> -> memref<128x32xf32, #tpu.memory_space<vmem>>
      %dma_start3A_1302 = arith.constant 0 : i32
      %dma_start3A_1303 = tpu.memref_slice %arg8[%dma_start3A_1298, %dma_start3A_1302] : memref<10x128xi32, #tpu.memory_space<vmem>> -> memref<1x128xi32, #tpu.memory_space<vmem>>
      %dma_start3A_1304 = tpu.memref_squeeze %dma_start3A_1303 : memref<1x128xi32, #tpu.memory_space<vmem>> -> memref<128xi32, #tpu.memory_space<vmem>>
      %dma_start3A_1305 = arith.constant 0 : i32
      %dma_start3A_1306 = arith.constant 0 : i32
      %dma_start3A_1307 = tpu.memref_slice %arg12[%dma_start3A_1305, %dma_start3A_1306] : memref<10112x32xf32, #tpu.memory_space<vmem_shared>> -> memref<10112x32xf32, #tpu.memory_space<vmem_shared>>
      tpu.enqueue_indirect_dma source(%dma_start3A_1301 : memref<128x32xf32, #tpu.memory_space<vmem>>) target(%dma_start3A_1307 : memref<10112x32xf32, #tpu.memory_space<vmem_shared>>) offsets(%dma_start3A_1304 : memref<128xi32, #tpu.memory_space<vmem>>) semaphore(%arg16 : memref<!tpu.dma_semaphore, #tpu.memory_space<semaphore_mem>>) {add = true}
      %dma_start3A_1308 = arith.constant 3 : i32
      %dma_start3A_1309 = arith.constant 384 : i32
      %dma_start3A_1310 = arith.constant 0 : i32
      %dma_start3A_1311 = tpu.memref_slice %arg10[%dma_start3A_1309, %dma_start3A_1310] : memref<1280x32xf32, #tpu.memory_space<vmem>> -> memref<128x32xf32, #tpu.memory_space<vmem>>
      %dma_start3A_1312 = arith.constant 0 : i32
      %dma_start3A_1313 = tpu.memref_slice %arg8[%dma_start3A_1308, %dma_start3A_1312] : memref<10x128xi32, #tpu.memory_space<vmem>> -> memref<1x128xi32, #tpu.memory_space<vmem>>
      %dma_start3A_1314 = tpu.memref_squeeze %dma_start3A_1313 : memref<1x128xi32, #tpu.memory_space<vmem>> -> memref<128xi32, #tpu.memory_space<vmem>>
      %dma_start3A_1315 = arith.constant 0 : i32
      %dma_start3A_1316 = arith.constant 0 : i32
      %dma_start3A_1317 = tpu.memref_slice %arg12[%dma_start3A_1315, %dma_start3A_1316] : memref<10112x32xf32, #tpu.memory_space<vmem_shared>> -> memref<10112x32xf32, #tpu.memory_space<vmem_shared>>
      tpu.enqueue_indirect_dma source(%dma_start3A_1311 : memref<128x32xf32, #tpu.memory_space<vmem>>) target(%dma_start3A_1317 : memref<10112x32xf32, #tpu.memory_space<vmem_shared>>) offsets(%dma_start3A_1314 : memref<128xi32, #tpu.memory_space<vmem>>) semaphore(%arg16 : memref<!tpu.dma_semaphore, #tpu.memory_space<semaphore_mem>>) {add = true}
      %dma_start3A_1318 = arith.constant 4 : i32
      %dma_start3A_1319 = arith.constant 512 : i32
      %dma_start3A_1320 = arith.constant 0 : i32
      %dma_start3A_1321 = tpu.memref_slice %arg10[%dma_start3A_1319, %dma_start3A_1320] : memref<1280x32xf32, #tpu.memory_space<vmem>> -> memref<128x32xf32, #tpu.memory_space<vmem>>
      %dma_start3A_1322 = arith.constant 0 : i32
      %dma_start3A_1323 = tpu.memref_slice %arg8[%dma_start3A_1318, %dma_start3A_1322] : memref<10x128xi32, #tpu.memory_space<vmem>> -> memref<1x128xi32, #tpu.memory_space<vmem>>
      %dma_start3A_1324 = tpu.memref_squeeze %dma_start3A_1323 : memref<1x128xi32, #tpu.memory_space<vmem>> -> memref<128xi32, #tpu.memory_space<vmem>>
      %dma_start3A_1325 = arith.constant 0 : i32
      %dma_start3A_1326 = arith.constant 0 : i32
      %dma_start3A_1327 = tpu.memref_slice %arg12[%dma_start3A_1325, %dma_start3A_1326] : memref<10112x32xf32, #tpu.memory_space<vmem_shared>> -> memref<10112x32xf32, #tpu.memory_space<vmem_shared>>
      tpu.enqueue_indirect_dma source(%dma_start3A_1321 : memref<128x32xf32, #tpu.memory_space<vmem>>) target(%dma_start3A_1327 : memref<10112x32xf32, #tpu.memory_space<vmem_shared>>) offsets(%dma_start3A_1324 : memref<128xi32, #tpu.memory_space<vmem>>) semaphore(%arg16 : memref<!tpu.dma_semaphore, #tpu.memory_space<semaphore_mem>>) {add = true}
      %dma_start3A_1328 = arith.constant 5 : i32
      %dma_start3A_1329 = arith.constant 640 : i32
      %dma_start3A_1330 = arith.constant 0 : i32
      %dma_start3A_1331 = tpu.memref_slice %arg10[%dma_start3A_1329, %dma_start3A_1330] : memref<1280x32xf32, #tpu.memory_space<vmem>> -> memref<128x32xf32, #tpu.memory_space<vmem>>
      %dma_start3A_1332 = arith.constant 0 : i32
      %dma_start3A_1333 = tpu.memref_slice %arg8[%dma_start3A_1328, %dma_start3A_1332] : memref<10x128xi32, #tpu.memory_space<vmem>> -> memref<1x128xi32, #tpu.memory_space<vmem>>
      %dma_start3A_1334 = tpu.memref_squeeze %dma_start3A_1333 : memref<1x128xi32, #tpu.memory_space<vmem>> -> memref<128xi32, #tpu.memory_space<vmem>>
      %dma_start3A_1335 = arith.constant 0 : i32
      %dma_start3A_1336 = arith.constant 0 : i32
      %dma_start3A_1337 = tpu.memref_slice %arg12[%dma_start3A_1335, %dma_start3A_1336] : memref<10112x32xf32, #tpu.memory_space<vmem_shared>> -> memref<10112x32xf32, #tpu.memory_space<vmem_shared>>
      tpu.enqueue_indirect_dma source(%dma_start3A_1331 : memref<128x32xf32, #tpu.memory_space<vmem>>) target(%dma_start3A_1337 : memref<10112x32xf32, #tpu.memory_space<vmem_shared>>) offsets(%dma_start3A_1334 : memref<128xi32, #tpu.memory_space<vmem>>) semaphore(%arg16 : memref<!tpu.dma_semaphore, #tpu.memory_space<semaphore_mem>>) {add = true}
      %dma_start3A_1338 = arith.constant 6 : i32
      %dma_start3A_1339 = arith.constant 768 : i32
      %dma_start3A_1340 = arith.constant 0 : i32
      %dma_start3A_1341 = tpu.memref_slice %arg10[%dma_start3A_1339, %dma_start3A_1340] : memref<1280x32xf32, #tpu.memory_space<vmem>> -> memref<128x32xf32, #tpu.memory_space<vmem>>
      %dma_start3A_1342 = arith.constant 0 : i32
      %dma_start3A_1343 = tpu.memref_slice %arg8[%dma_start3A_1338, %dma_start3A_1342] : memref<10x128xi32, #tpu.memory_space<vmem>> -> memref<1x128xi32, #tpu.memory_space<vmem>>
      %dma_start3A_1344 = tpu.memref_squeeze %dma_start3A_1343 : memref<1x128xi32, #tpu.memory_space<vmem>> -> memref<128xi32, #tpu.memory_space<vmem>>
      %dma_start3A_1345 = arith.constant 0 : i32
      %dma_start3A_1346 = arith.constant 0 : i32
      %dma_start3A_1347 = tpu.memref_slice %arg12[%dma_start3A_1345, %dma_start3A_1346] : memref<10112x32xf32, #tpu.memory_space<vmem_shared>> -> memref<10112x32xf32, #tpu.memory_space<vmem_shared>>
      tpu.enqueue_indirect_dma source(%dma_start3A_1341 : memref<128x32xf32, #tpu.memory_space<vmem>>) target(%dma_start3A_1347 : memref<10112x32xf32, #tpu.memory_space<vmem_shared>>) offsets(%dma_start3A_1344 : memref<128xi32, #tpu.memory_space<vmem>>) semaphore(%arg16 : memref<!tpu.dma_semaphore, #tpu.memory_space<semaphore_mem>>) {add = true}
      %dma_start3A_1348 = arith.constant 7 : i32
      %dma_start3A_1349 = arith.constant 896 : i32
      %dma_start3A_1350 = arith.constant 0 : i32
      %dma_start3A_1351 = tpu.memref_slice %arg10[%dma_start3A_1349, %dma_start3A_1350] : memref<1280x32xf32, #tpu.memory_space<vmem>> -> memref<128x32xf32, #tpu.memory_space<vmem>>
      %dma_start3A_1352 = arith.constant 0 : i32
      %dma_start3A_1353 = tpu.memref_slice %arg8[%dma_start3A_1348, %dma_start3A_1352] : memref<10x128xi32, #tpu.memory_space<vmem>> -> memref<1x128xi32, #tpu.memory_space<vmem>>
      %dma_start3A_1354 = tpu.memref_squeeze %dma_start3A_1353 : memref<1x128xi32, #tpu.memory_space<vmem>> -> memref<128xi32, #tpu.memory_space<vmem>>
      %dma_start3A_1355 = arith.constant 0 : i32
      %dma_start3A_1356 = arith.constant 0 : i32
      %dma_start3A_1357 = tpu.memref_slice %arg12[%dma_start3A_1355, %dma_start3A_1356] : memref<10112x32xf32, #tpu.memory_space<vmem_shared>> -> memref<10112x32xf32, #tpu.memory_space<vmem_shared>>
      tpu.enqueue_indirect_dma source(%dma_start3A_1351 : memref<128x32xf32, #tpu.memory_space<vmem>>) target(%dma_start3A_1357 : memref<10112x32xf32, #tpu.memory_space<vmem_shared>>) offsets(%dma_start3A_1354 : memref<128xi32, #tpu.memory_space<vmem>>) semaphore(%arg16 : memref<!tpu.dma_semaphore, #tpu.memory_space<semaphore_mem>>) {add = true}
      %dma_start3A_1358 = arith.constant 8 : i32
      %dma_start3A_1359 = arith.constant 1024 : i32
      %dma_start3A_1360 = arith.constant 0 : i32
      %dma_start3A_1361 = tpu.memref_slice %arg10[%dma_start3A_1359, %dma_start3A_1360] : memref<1280x32xf32, #tpu.memory_space<vmem>> -> memref<128x32xf32, #tpu.memory_space<vmem>>
      %dma_start3A_1362 = arith.constant 0 : i32
      %dma_start3A_1363 = tpu.memref_slice %arg8[%dma_start3A_1358, %dma_start3A_1362] : memref<10x128xi32, #tpu.memory_space<vmem>> -> memref<1x128xi32, #tpu.memory_space<vmem>>
      %dma_start3A_1364 = tpu.memref_squeeze %dma_start3A_1363 : memref<1x128xi32, #tpu.memory_space<vmem>> -> memref<128xi32, #tpu.memory_space<vmem>>
      %dma_start3A_1365 = arith.constant 0 : i32
      %dma_start3A_1366 = arith.constant 0 : i32
      %dma_start3A_1367 = tpu.memref_slice %arg12[%dma_start3A_1365, %dma_start3A_1366] : memref<10112x32xf32, #tpu.memory_space<vmem_shared>> -> memref<10112x32xf32, #tpu.memory_space<vmem_shared>>
      tpu.enqueue_indirect_dma source(%dma_start3A_1361 : memref<128x32xf32, #tpu.memory_space<vmem>>) target(%dma_start3A_1367 : memref<10112x32xf32, #tpu.memory_space<vmem_shared>>) offsets(%dma_start3A_1364 : memref<128xi32, #tpu.memory_space<vmem>>) semaphore(%arg16 : memref<!tpu.dma_semaphore, #tpu.memory_space<semaphore_mem>>) {add = true}
      %dma_start3A_1368 = arith.constant 9 : i32
      %dma_start3A_1369 = arith.constant 1152 : i32
      %dma_start3A_1370 = arith.constant 0 : i32
      %dma_start3A_1371 = tpu.memref_slice %arg10[%dma_start3A_1369, %dma_start3A_1370] : memref<1280x32xf32, #tpu.memory_space<vmem>> -> memref<128x32xf32, #tpu.memory_space<vmem>>
      %dma_start3A_1372 = arith.constant 0 : i32
      %dma_start3A_1373 = tpu.memref_slice %arg8[%dma_start3A_1368, %dma_start3A_1372] : memref<10x128xi32, #tpu.memory_space<vmem>> -> memref<1x128xi32, #tpu.memory_space<vmem>>
      %dma_start3A_1374 = tpu.memref_squeeze %dma_start3A_1373 : memref<1x128xi32, #tpu.memory_space<vmem>> -> memref<128xi32, #tpu.memory_space<vmem>>
      %dma_start3A_1375 = arith.constant 0 : i32
      %dma_start3A_1376 = arith.constant 0 : i32
      %dma_start3A_1377 = tpu.memref_slice %arg12[%dma_start3A_1375, %dma_start3A_1376] : memref<10112x32xf32, #tpu.memory_space<vmem_shared>> -> memref<10112x32xf32, #tpu.memory_space<vmem_shared>>
      tpu.enqueue_indirect_dma source(%dma_start3A_1371 : memref<128x32xf32, #tpu.memory_space<vmem>>) target(%dma_start3A_1377 : memref<10112x32xf32, #tpu.memory_space<vmem_shared>>) offsets(%dma_start3A_1374 : memref<128xi32, #tpu.memory_space<vmem>>) semaphore(%arg16 : memref<!tpu.dma_semaphore, #tpu.memory_space<semaphore_mem>>) {add = true}
      %dma_wait3A_1378 = arith.constant 0 : i32
      %dma_wait3A_1379 = arith.constant 0 : i32
      %dma_wait3A_1380 = arith.constant 0 : i32
      %dma_wait3A_1381 = tpu.memref_slice %arg10[%dma_wait3A_1379, %dma_wait3A_1380] : memref<1280x32xf32, #tpu.memory_space<vmem>> -> memref<128x32xf32, #tpu.memory_space<vmem>>
      %dma_wait3A_1382 = arith.constant 0 : i32
      %dma_wait3A_1383 = tpu.memref_slice %arg8[%dma_wait3A_1378, %dma_wait3A_1382] : memref<10x128xi32, #tpu.memory_space<vmem>> -> memref<1x128xi32, #tpu.memory_space<vmem>>
      %dma_wait3A_1384 = tpu.memref_squeeze %dma_wait3A_1383 : memref<1x128xi32, #tpu.memory_space<vmem>> -> memref<128xi32, #tpu.memory_space<vmem>>
      %dma_wait3A_1385 = arith.constant 0 : i32
      %dma_wait3A_1386 = arith.constant 0 : i32
      %dma_wait3A_1387 = tpu.memref_slice %arg12[%dma_wait3A_1385, %dma_wait3A_1386] : memref<10112x32xf32, #tpu.memory_space<vmem_shared>> -> memref<10112x32xf32, #tpu.memory_space<vmem_shared>>
      tpu.wait_indirect_dma semaphore(%arg16 : memref<!tpu.dma_semaphore, #tpu.memory_space<semaphore_mem>>) src(%dma_wait3A_1381 : memref<128x32xf32, #tpu.memory_space<vmem>>) dst(%dma_wait3A_1387 : memref<10112x32xf32, #tpu.memory_space<vmem_shared>>)
      %dma_wait3A_1388 = arith.constant 1 : i32
      %dma_wait3A_1389 = arith.constant 128 : i32
      %dma_wait3A_1390 = arith.constant 0 : i32
      %dma_wait3A_1391 = tpu.memref_slice %arg10[%dma_wait3A_1389, %dma_wait3A_1390] : memref<1280x32xf32, #tpu.memory_space<vmem>> -> memref<128x32xf32, #tpu.memory_space<vmem>>
      %dma_wait3A_1392 = arith.constant 0 : i32
      %dma_wait3A_1393 = tpu.memref_slice %arg8[%dma_wait3A_1388, %dma_wait3A_1392] : memref<10x128xi32, #tpu.memory_space<vmem>> -> memref<1x128xi32, #tpu.memory_space<vmem>>
      %dma_wait3A_1394 = tpu.memref_squeeze %dma_wait3A_1393 : memref<1x128xi32, #tpu.memory_space<vmem>> -> memref<128xi32, #tpu.memory_space<vmem>>
      %dma_wait3A_1395 = arith.constant 0 : i32
      %dma_wait3A_1396 = arith.constant 0 : i32
      %dma_wait3A_1397 = tpu.memref_slice %arg12[%dma_wait3A_1395, %dma_wait3A_1396] : memref<10112x32xf32, #tpu.memory_space<vmem_shared>> -> memref<10112x32xf32, #tpu.memory_space<vmem_shared>>
      tpu.wait_indirect_dma semaphore(%arg16 : memref<!tpu.dma_semaphore, #tpu.memory_space<semaphore_mem>>) src(%dma_wait3A_1391 : memref<128x32xf32, #tpu.memory_space<vmem>>) dst(%dma_wait3A_1397 : memref<10112x32xf32, #tpu.memory_space<vmem_shared>>)
      %dma_wait3A_1398 = arith.constant 2 : i32
      %dma_wait3A_1399 = arith.constant 256 : i32
      %dma_wait3A_1400 = arith.constant 0 : i32
      %dma_wait3A_1401 = tpu.memref_slice %arg10[%dma_wait3A_1399, %dma_wait3A_1400] : memref<1280x32xf32, #tpu.memory_space<vmem>> -> memref<128x32xf32, #tpu.memory_space<vmem>>
      %dma_wait3A_1402 = arith.constant 0 : i32
      %dma_wait3A_1403 = tpu.memref_slice %arg8[%dma_wait3A_1398, %dma_wait3A_1402] : memref<10x128xi32, #tpu.memory_space<vmem>> -> memref<1x128xi32, #tpu.memory_space<vmem>>
      %dma_wait3A_1404 = tpu.memref_squeeze %dma_wait3A_1403 : memref<1x128xi32, #tpu.memory_space<vmem>> -> memref<128xi32, #tpu.memory_space<vmem>>
      %dma_wait3A_1405 = arith.constant 0 : i32
      %dma_wait3A_1406 = arith.constant 0 : i32
      %dma_wait3A_1407 = tpu.memref_slice %arg12[%dma_wait3A_1405, %dma_wait3A_1406] : memref<10112x32xf32, #tpu.memory_space<vmem_shared>> -> memref<10112x32xf32, #tpu.memory_space<vmem_shared>>
      tpu.wait_indirect_dma semaphore(%arg16 : memref<!tpu.dma_semaphore, #tpu.memory_space<semaphore_mem>>) src(%dma_wait3A_1401 : memref<128x32xf32, #tpu.memory_space<vmem>>) dst(%dma_wait3A_1407 : memref<10112x32xf32, #tpu.memory_space<vmem_shared>>)
      %dma_wait3A_1408 = arith.constant 3 : i32
      %dma_wait3A_1409 = arith.constant 384 : i32
      %dma_wait3A_1410 = arith.constant 0 : i32
      %dma_wait3A_1411 = tpu.memref_slice %arg10[%dma_wait3A_1409, %dma_wait3A_1410] : memref<1280x32xf32, #tpu.memory_space<vmem>> -> memref<128x32xf32, #tpu.memory_space<vmem>>
      %dma_wait3A_1412 = arith.constant 0 : i32
      %dma_wait3A_1413 = tpu.memref_slice %arg8[%dma_wait3A_1408, %dma_wait3A_1412] : memref<10x128xi32, #tpu.memory_space<vmem>> -> memref<1x128xi32, #tpu.memory_space<vmem>>
      %dma_wait3A_1414 = tpu.memref_squeeze %dma_wait3A_1413 : memref<1x128xi32, #tpu.memory_space<vmem>> -> memref<128xi32, #tpu.memory_space<vmem>>
      %dma_wait3A_1415 = arith.constant 0 : i32
      %dma_wait3A_1416 = arith.constant 0 : i32
      %dma_wait3A_1417 = tpu.memref_slice %arg12[%dma_wait3A_1415, %dma_wait3A_1416] : memref<10112x32xf32, #tpu.memory_space<vmem_shared>> -> memref<10112x32xf32, #tpu.memory_space<vmem_shared>>
      tpu.wait_indirect_dma semaphore(%arg16 : memref<!tpu.dma_semaphore, #tpu.memory_space<semaphore_mem>>) src(%dma_wait3A_1411 : memref<128x32xf32, #tpu.memory_space<vmem>>) dst(%dma_wait3A_1417 : memref<10112x32xf32, #tpu.memory_space<vmem_shared>>)
      %dma_wait3A_1418 = arith.constant 4 : i32
      %dma_wait3A_1419 = arith.constant 512 : i32
      %dma_wait3A_1420 = arith.constant 0 : i32
      %dma_wait3A_1421 = tpu.memref_slice %arg10[%dma_wait3A_1419, %dma_wait3A_1420] : memref<1280x32xf32, #tpu.memory_space<vmem>> -> memref<128x32xf32, #tpu.memory_space<vmem>>
      %dma_wait3A_1422 = arith.constant 0 : i32
      %dma_wait3A_1423 = tpu.memref_slice %arg8[%dma_wait3A_1418, %dma_wait3A_1422] : memref<10x128xi32, #tpu.memory_space<vmem>> -> memref<1x128xi32, #tpu.memory_space<vmem>>
      %dma_wait3A_1424 = tpu.memref_squeeze %dma_wait3A_1423 : memref<1x128xi32, #tpu.memory_space<vmem>> -> memref<128xi32, #tpu.memory_space<vmem>>
      %dma_wait3A_1425 = arith.constant 0 : i32
      %dma_wait3A_1426 = arith.constant 0 : i32
      %dma_wait3A_1427 = tpu.memref_slice %arg12[%dma_wait3A_1425, %dma_wait3A_1426] : memref<10112x32xf32, #tpu.memory_space<vmem_shared>> -> memref<10112x32xf32, #tpu.memory_space<vmem_shared>>
      tpu.wait_indirect_dma semaphore(%arg16 : memref<!tpu.dma_semaphore, #tpu.memory_space<semaphore_mem>>) src(%dma_wait3A_1421 : memref<128x32xf32, #tpu.memory_space<vmem>>) dst(%dma_wait3A_1427 : memref<10112x32xf32, #tpu.memory_space<vmem_shared>>)
      %dma_wait3A_1428 = arith.constant 5 : i32
      %dma_wait3A_1429 = arith.constant 640 : i32
      %dma_wait3A_1430 = arith.constant 0 : i32
      %dma_wait3A_1431 = tpu.memref_slice %arg10[%dma_wait3A_1429, %dma_wait3A_1430] : memref<1280x32xf32, #tpu.memory_space<vmem>> -> memref<128x32xf32, #tpu.memory_space<vmem>>
      %dma_wait3A_1432 = arith.constant 0 : i32
      %dma_wait3A_1433 = tpu.memref_slice %arg8[%dma_wait3A_1428, %dma_wait3A_1432] : memref<10x128xi32, #tpu.memory_space<vmem>> -> memref<1x128xi32, #tpu.memory_space<vmem>>
      %dma_wait3A_1434 = tpu.memref_squeeze %dma_wait3A_1433 : memref<1x128xi32, #tpu.memory_space<vmem>> -> memref<128xi32, #tpu.memory_space<vmem>>
      %dma_wait3A_1435 = arith.constant 0 : i32
      %dma_wait3A_1436 = arith.constant 0 : i32
      %dma_wait3A_1437 = tpu.memref_slice %arg12[%dma_wait3A_1435, %dma_wait3A_1436] : memref<10112x32xf32, #tpu.memory_space<vmem_shared>> -> memref<10112x32xf32, #tpu.memory_space<vmem_shared>>
      tpu.wait_indirect_dma semaphore(%arg16 : memref<!tpu.dma_semaphore, #tpu.memory_space<semaphore_mem>>) src(%dma_wait3A_1431 : memref<128x32xf32, #tpu.memory_space<vmem>>) dst(%dma_wait3A_1437 : memref<10112x32xf32, #tpu.memory_space<vmem_shared>>)
      %dma_wait3A_1438 = arith.constant 6 : i32
      %dma_wait3A_1439 = arith.constant 768 : i32
      %dma_wait3A_1440 = arith.constant 0 : i32
      %dma_wait3A_1441 = tpu.memref_slice %arg10[%dma_wait3A_1439, %dma_wait3A_1440] : memref<1280x32xf32, #tpu.memory_space<vmem>> -> memref<128x32xf32, #tpu.memory_space<vmem>>
      %dma_wait3A_1442 = arith.constant 0 : i32
      %dma_wait3A_1443 = tpu.memref_slice %arg8[%dma_wait3A_1438, %dma_wait3A_1442] : memref<10x128xi32, #tpu.memory_space<vmem>> -> memref<1x128xi32, #tpu.memory_space<vmem>>
      %dma_wait3A_1444 = tpu.memref_squeeze %dma_wait3A_1443 : memref<1x128xi32, #tpu.memory_space<vmem>> -> memref<128xi32, #tpu.memory_space<vmem>>
      %dma_wait3A_1445 = arith.constant 0 : i32
      %dma_wait3A_1446 = arith.constant 0 : i32
      %dma_wait3A_1447 = tpu.memref_slice %arg12[%dma_wait3A_1445, %dma_wait3A_1446] : memref<10112x32xf32, #tpu.memory_space<vmem_shared>> -> memref<10112x32xf32, #tpu.memory_space<vmem_shared>>
      tpu.wait_indirect_dma semaphore(%arg16 : memref<!tpu.dma_semaphore, #tpu.memory_space<semaphore_mem>>) src(%dma_wait3A_1441 : memref<128x32xf32, #tpu.memory_space<vmem>>) dst(%dma_wait3A_1447 : memref<10112x32xf32, #tpu.memory_space<vmem_shared>>)
      %dma_wait3A_1448 = arith.constant 7 : i32
      %dma_wait3A_1449 = arith.constant 896 : i32
      %dma_wait3A_1450 = arith.constant 0 : i32
      %dma_wait3A_1451 = tpu.memref_slice %arg10[%dma_wait3A_1449, %dma_wait3A_1450] : memref<1280x32xf32, #tpu.memory_space<vmem>> -> memref<128x32xf32, #tpu.memory_space<vmem>>
      %dma_wait3A_1452 = arith.constant 0 : i32
      %dma_wait3A_1453 = tpu.memref_slice %arg8[%dma_wait3A_1448, %dma_wait3A_1452] : memref<10x128xi32, #tpu.memory_space<vmem>> -> memref<1x128xi32, #tpu.memory_space<vmem>>
      %dma_wait3A_1454 = tpu.memref_squeeze %dma_wait3A_1453 : memref<1x128xi32, #tpu.memory_space<vmem>> -> memref<128xi32, #tpu.memory_space<vmem>>
      %dma_wait3A_1455 = arith.constant 0 : i32
      %dma_wait3A_1456 = arith.constant 0 : i32
      %dma_wait3A_1457 = tpu.memref_slice %arg12[%dma_wait3A_1455, %dma_wait3A_1456] : memref<10112x32xf32, #tpu.memory_space<vmem_shared>> -> memref<10112x32xf32, #tpu.memory_space<vmem_shared>>
      tpu.wait_indirect_dma semaphore(%arg16 : memref<!tpu.dma_semaphore, #tpu.memory_space<semaphore_mem>>) src(%dma_wait3A_1451 : memref<128x32xf32, #tpu.memory_space<vmem>>) dst(%dma_wait3A_1457 : memref<10112x32xf32, #tpu.memory_space<vmem_shared>>)
      %dma_wait3A_1458 = arith.constant 8 : i32
      %dma_wait3A_1459 = arith.constant 1024 : i32
      %dma_wait3A_1460 = arith.constant 0 : i32
      %dma_wait3A_1461 = tpu.memref_slice %arg10[%dma_wait3A_1459, %dma_wait3A_1460] : memref<1280x32xf32, #tpu.memory_space<vmem>> -> memref<128x32xf32, #tpu.memory_space<vmem>>
      %dma_wait3A_1462 = arith.constant 0 : i32
      %dma_wait3A_1463 = tpu.memref_slice %arg8[%dma_wait3A_1458, %dma_wait3A_1462] : memref<10x128xi32, #tpu.memory_space<vmem>> -> memref<1x128xi32, #tpu.memory_space<vmem>>
      %dma_wait3A_1464 = tpu.memref_squeeze %dma_wait3A_1463 : memref<1x128xi32, #tpu.memory_space<vmem>> -> memref<128xi32, #tpu.memory_space<vmem>>
      %dma_wait3A_1465 = arith.constant 0 : i32
      %dma_wait3A_1466 = arith.constant 0 : i32
      %dma_wait3A_1467 = tpu.memref_slice %arg12[%dma_wait3A_1465, %dma_wait3A_1466] : memref<10112x32xf32, #tpu.memory_space<vmem_shared>> -> memref<10112x32xf32, #tpu.memory_space<vmem_shared>>
      tpu.wait_indirect_dma semaphore(%arg16 : memref<!tpu.dma_semaphore, #tpu.memory_space<semaphore_mem>>) src(%dma_wait3A_1461 : memref<128x32xf32, #tpu.memory_space<vmem>>) dst(%dma_wait3A_1467 : memref<10112x32xf32, #tpu.memory_space<vmem_shared>>)
      %dma_wait3A_1468 = arith.constant 9 : i32
      %dma_wait3A_1469 = arith.constant 1152 : i32
      %dma_wait3A_1470 = arith.constant 0 : i32
      %dma_wait3A_1471 = tpu.memref_slice %arg10[%dma_wait3A_1469, %dma_wait3A_1470] : memref<1280x32xf32, #tpu.memory_space<vmem>> -> memref<128x32xf32, #tpu.memory_space<vmem>>
      %dma_wait3A_1472 = arith.constant 0 : i32
      %dma_wait3A_1473 = tpu.memref_slice %arg8[%dma_wait3A_1468, %dma_wait3A_1472] : memref<10x128xi32, #tpu.memory_space<vmem>> -> memref<1x128xi32, #tpu.memory_space<vmem>>
      %dma_wait3A_1474 = tpu.memref_squeeze %dma_wait3A_1473 : memref<1x128xi32, #tpu.memory_space<vmem>> -> memref<128xi32, #tpu.memory_space<vmem>>
      %dma_wait3A_1475 = arith.constant 0 : i32
      %dma_wait3A_1476 = arith.constant 0 : i32
      %dma_wait3A_1477 = tpu.memref_slice %arg12[%dma_wait3A_1475, %dma_wait3A_1476] : memref<10112x32xf32, #tpu.memory_space<vmem_shared>> -> memref<10112x32xf32, #tpu.memory_space<vmem_shared>>
      tpu.wait_indirect_dma semaphore(%arg16 : memref<!tpu.dma_semaphore, #tpu.memory_space<semaphore_mem>>) src(%dma_wait3A_1471 : memref<128x32xf32, #tpu.memory_space<vmem>>) dst(%dma_wait3A_1477 : memref<10112x32xf32, #tpu.memory_space<vmem_shared>>)
      %mul3A_1478 = arith.constant 2 : i32
      %mul3A_1479 = arith.muli %mul3A_1478, %scan3A_1271 : i32
      %add3A_1480 = arith.constant 0 : i32
      %add3A_1481 = arith.addi %mul3A_1479, %add3A_1480 : i32
      %add3A_1482 = arith.constant 2 : i32
      %add3A_1483 = arith.addi %add3A_1481, %add3A_1482 : i32
      %mul3A_1484 = arith.constant 10 : i32
      %mul3A_1485 = arith.muli %add3A_1483, %mul3A_1484 : i32
      %add3A_1486 = arith.addi %mul3A_2, %mul3A_1485 : i32
      "tpu.region"() ({
        %run_scoped3A = tpu.sem_alloc : memref<!tpu.dma_semaphore, #tpu.memory_space<semaphore_mem>>
        %dma_start3A_1902 = arith.constant 0 : i32
        %dma_start3A_1903 = tpu.memref_slice %arg3[%add3A_1486, %dma_start3A_1902] : memref<2560x128xi32, #tpu.memory_space<hbm>> -> memref<10x128xi32, #tpu.memory_space<hbm>>
        %dma_start3A_1904 = arith.constant 0 : i32
        %dma_start3A_1905 = tpu.memref_slice %arg3[%add3A_1486, %dma_start3A_1904] : memref<2560x128xi32, #tpu.memory_space<hbm>> -> memref<10x128xi32, #tpu.memory_space<hbm>>
        tpu.enqueue_dma source(%dma_start3A_1905 : memref<10x128xi32, #tpu.memory_space<hbm>>) target(%arg6 : memref<10x128xi32, #tpu.memory_space<vmem>>) target_semaphore(%run_scoped3A : memref<!tpu.dma_semaphore, #tpu.memory_space<semaphore_mem>>)
        %dma_wait3A_1906 = arith.constant 0 : i32
        %dma_wait3A_1907 = tpu.memref_slice %arg3[%add3A_1486, %dma_wait3A_1906] : memref<2560x128xi32, #tpu.memory_space<hbm>> -> memref<10x128xi32, #tpu.memory_space<hbm>>
        %dma_wait3A_1908 = arith.constant 0 : i32
        %dma_wait3A_1909 = tpu.memref_slice %arg3[%add3A_1486, %dma_wait3A_1908] : memref<2560x128xi32, #tpu.memory_space<hbm>> -> memref<10x128xi32, #tpu.memory_space<hbm>>
        tpu.wait_dma2 semaphore(%run_scoped3A : memref<!tpu.dma_semaphore, #tpu.memory_space<semaphore_mem>>) src(%dma_wait3A_1909 : memref<10x128xi32, #tpu.memory_space<hbm>>) dst(%arg6 : memref<10x128xi32, #tpu.memory_space<vmem>>)
        tpu.yield
      }) : () -> ()
      "tpu.region"() ({
        %run_scoped3A = tpu.sem_alloc : memref<!tpu.dma_semaphore, #tpu.memory_space<semaphore_mem>>
        %dma_start3A_1902 = arith.constant 0 : i32
        %dma_start3A_1903 = tpu.memref_slice %arg4[%add3A_1486, %dma_start3A_1902] : memref<2560x128xi32, #tpu.memory_space<hbm>> -> memref<10x128xi32, #tpu.memory_space<hbm>>
        %dma_start3A_1904 = arith.constant 0 : i32
        %dma_start3A_1905 = tpu.memref_slice %arg4[%add3A_1486, %dma_start3A_1904] : memref<2560x128xi32, #tpu.memory_space<hbm>> -> memref<10x128xi32, #tpu.memory_space<hbm>>
        tpu.enqueue_dma source(%dma_start3A_1905 : memref<10x128xi32, #tpu.memory_space<hbm>>) target(%arg8 : memref<10x128xi32, #tpu.memory_space<vmem>>) target_semaphore(%run_scoped3A : memref<!tpu.dma_semaphore, #tpu.memory_space<semaphore_mem>>)
        %dma_wait3A_1906 = arith.constant 0 : i32
        %dma_wait3A_1907 = tpu.memref_slice %arg4[%add3A_1486, %dma_wait3A_1906] : memref<2560x128xi32, #tpu.memory_space<hbm>> -> memref<10x128xi32, #tpu.memory_space<hbm>>
        %dma_wait3A_1908 = arith.constant 0 : i32
        %dma_wait3A_1909 = tpu.memref_slice %arg4[%add3A_1486, %dma_wait3A_1908] : memref<2560x128xi32, #tpu.memory_space<hbm>> -> memref<10x128xi32, #tpu.memory_space<hbm>>
        tpu.wait_dma2 semaphore(%run_scoped3A : memref<!tpu.dma_semaphore, #tpu.memory_space<semaphore_mem>>) src(%dma_wait3A_1909 : memref<10x128xi32, #tpu.memory_space<hbm>>) dst(%arg8 : memref<10x128xi32, #tpu.memory_space<vmem>>)
        tpu.yield
      }) : () -> ()
      %dma_start3A_1487 = arith.constant 0 : i32
      %dma_start3A_1488 = arith.constant 0 : i32
      %dma_start3A_1489 = arith.constant 0 : i32
      %dma_start3A_1490 = tpu.memref_slice %arg10[%dma_start3A_1488, %dma_start3A_1489] : memref<1280x32xf32, #tpu.memory_space<vmem>> -> memref<128x32xf32, #tpu.memory_space<vmem>>
      %dma_start3A_1491 = arith.constant 0 : i32
      %dma_start3A_1492 = tpu.memref_slice %arg6[%dma_start3A_1487, %dma_start3A_1491] : memref<10x128xi32, #tpu.memory_space<vmem>> -> memref<1x128xi32, #tpu.memory_space<vmem>>
      %dma_start3A_1493 = tpu.memref_squeeze %dma_start3A_1492 : memref<1x128xi32, #tpu.memory_space<vmem>> -> memref<128xi32, #tpu.memory_space<vmem>>
      %dma_start3A_1494 = arith.constant 0 : i32
      %dma_start3A_1495 = arith.constant 0 : i32
      %dma_start3A_1496 = tpu.memref_slice %arg13[%dma_start3A_1494, %dma_start3A_1495] : memref<10112x32xf32, #tpu.memory_space<vmem_shared>> -> memref<10112x32xf32, #tpu.memory_space<vmem_shared>>
      tpu.enqueue_indirect_dma source(%dma_start3A_1496 : memref<10112x32xf32, #tpu.memory_space<vmem_shared>>) target(%dma_start3A_1490 : memref<128x32xf32, #tpu.memory_space<vmem>>) offsets(%dma_start3A_1493 : memref<128xi32, #tpu.memory_space<vmem>>) semaphore(%arg14 : memref<!tpu.dma_semaphore, #tpu.memory_space<semaphore_mem>>)
      %dma_start3A_1497 = arith.constant 1 : i32
      %dma_start3A_1498 = arith.constant 128 : i32
      %dma_start3A_1499 = arith.constant 0 : i32
      %dma_start3A_1500 = tpu.memref_slice %arg10[%dma_start3A_1498, %dma_start3A_1499] : memref<1280x32xf32, #tpu.memory_space<vmem>> -> memref<128x32xf32, #tpu.memory_space<vmem>>
      %dma_start3A_1501 = arith.constant 0 : i32
      %dma_start3A_1502 = tpu.memref_slice %arg6[%dma_start3A_1497, %dma_start3A_1501] : memref<10x128xi32, #tpu.memory_space<vmem>> -> memref<1x128xi32, #tpu.memory_space<vmem>>
      %dma_start3A_1503 = tpu.memref_squeeze %dma_start3A_1502 : memref<1x128xi32, #tpu.memory_space<vmem>> -> memref<128xi32, #tpu.memory_space<vmem>>
      %dma_start3A_1504 = arith.constant 0 : i32
      %dma_start3A_1505 = arith.constant 0 : i32
      %dma_start3A_1506 = tpu.memref_slice %arg13[%dma_start3A_1504, %dma_start3A_1505] : memref<10112x32xf32, #tpu.memory_space<vmem_shared>> -> memref<10112x32xf32, #tpu.memory_space<vmem_shared>>
      tpu.enqueue_indirect_dma source(%dma_start3A_1506 : memref<10112x32xf32, #tpu.memory_space<vmem_shared>>) target(%dma_start3A_1500 : memref<128x32xf32, #tpu.memory_space<vmem>>) offsets(%dma_start3A_1503 : memref<128xi32, #tpu.memory_space<vmem>>) semaphore(%arg14 : memref<!tpu.dma_semaphore, #tpu.memory_space<semaphore_mem>>)
      %dma_start3A_1507 = arith.constant 2 : i32
      %dma_start3A_1508 = arith.constant 256 : i32
      %dma_start3A_1509 = arith.constant 0 : i32
      %dma_start3A_1510 = tpu.memref_slice %arg10[%dma_start3A_1508, %dma_start3A_1509] : memref<1280x32xf32, #tpu.memory_space<vmem>> -> memref<128x32xf32, #tpu.memory_space<vmem>>
      %dma_start3A_1511 = arith.constant 0 : i32
      %dma_start3A_1512 = tpu.memref_slice %arg6[%dma_start3A_1507, %dma_start3A_1511] : memref<10x128xi32, #tpu.memory_space<vmem>> -> memref<1x128xi32, #tpu.memory_space<vmem>>
      %dma_start3A_1513 = tpu.memref_squeeze %dma_start3A_1512 : memref<1x128xi32, #tpu.memory_space<vmem>> -> memref<128xi32, #tpu.memory_space<vmem>>
      %dma_start3A_1514 = arith.constant 0 : i32
      %dma_start3A_1515 = arith.constant 0 : i32
      %dma_start3A_1516 = tpu.memref_slice %arg13[%dma_start3A_1514, %dma_start3A_1515] : memref<10112x32xf32, #tpu.memory_space<vmem_shared>> -> memref<10112x32xf32, #tpu.memory_space<vmem_shared>>
      tpu.enqueue_indirect_dma source(%dma_start3A_1516 : memref<10112x32xf32, #tpu.memory_space<vmem_shared>>) target(%dma_start3A_1510 : memref<128x32xf32, #tpu.memory_space<vmem>>) offsets(%dma_start3A_1513 : memref<128xi32, #tpu.memory_space<vmem>>) semaphore(%arg14 : memref<!tpu.dma_semaphore, #tpu.memory_space<semaphore_mem>>)
      %dma_start3A_1517 = arith.constant 3 : i32
      %dma_start3A_1518 = arith.constant 384 : i32
      %dma_start3A_1519 = arith.constant 0 : i32
      %dma_start3A_1520 = tpu.memref_slice %arg10[%dma_start3A_1518, %dma_start3A_1519] : memref<1280x32xf32, #tpu.memory_space<vmem>> -> memref<128x32xf32, #tpu.memory_space<vmem>>
      %dma_start3A_1521 = arith.constant 0 : i32
      %dma_start3A_1522 = tpu.memref_slice %arg6[%dma_start3A_1517, %dma_start3A_1521] : memref<10x128xi32, #tpu.memory_space<vmem>> -> memref<1x128xi32, #tpu.memory_space<vmem>>
      %dma_start3A_1523 = tpu.memref_squeeze %dma_start3A_1522 : memref<1x128xi32, #tpu.memory_space<vmem>> -> memref<128xi32, #tpu.memory_space<vmem>>
      %dma_start3A_1524 = arith.constant 0 : i32
      %dma_start3A_1525 = arith.constant 0 : i32
      %dma_start3A_1526 = tpu.memref_slice %arg13[%dma_start3A_1524, %dma_start3A_1525] : memref<10112x32xf32, #tpu.memory_space<vmem_shared>> -> memref<10112x32xf32, #tpu.memory_space<vmem_shared>>
      tpu.enqueue_indirect_dma source(%dma_start3A_1526 : memref<10112x32xf32, #tpu.memory_space<vmem_shared>>) target(%dma_start3A_1520 : memref<128x32xf32, #tpu.memory_space<vmem>>) offsets(%dma_start3A_1523 : memref<128xi32, #tpu.memory_space<vmem>>) semaphore(%arg14 : memref<!tpu.dma_semaphore, #tpu.memory_space<semaphore_mem>>)
      %dma_start3A_1527 = arith.constant 4 : i32
      %dma_start3A_1528 = arith.constant 512 : i32
      %dma_start3A_1529 = arith.constant 0 : i32
      %dma_start3A_1530 = tpu.memref_slice %arg10[%dma_start3A_1528, %dma_start3A_1529] : memref<1280x32xf32, #tpu.memory_space<vmem>> -> memref<128x32xf32, #tpu.memory_space<vmem>>
      %dma_start3A_1531 = arith.constant 0 : i32
      %dma_start3A_1532 = tpu.memref_slice %arg6[%dma_start3A_1527, %dma_start3A_1531] : memref<10x128xi32, #tpu.memory_space<vmem>> -> memref<1x128xi32, #tpu.memory_space<vmem>>
      %dma_start3A_1533 = tpu.memref_squeeze %dma_start3A_1532 : memref<1x128xi32, #tpu.memory_space<vmem>> -> memref<128xi32, #tpu.memory_space<vmem>>
      %dma_start3A_1534 = arith.constant 0 : i32
      %dma_start3A_1535 = arith.constant 0 : i32
      %dma_start3A_1536 = tpu.memref_slice %arg13[%dma_start3A_1534, %dma_start3A_1535] : memref<10112x32xf32, #tpu.memory_space<vmem_shared>> -> memref<10112x32xf32, #tpu.memory_space<vmem_shared>>
      tpu.enqueue_indirect_dma source(%dma_start3A_1536 : memref<10112x32xf32, #tpu.memory_space<vmem_shared>>) target(%dma_start3A_1530 : memref<128x32xf32, #tpu.memory_space<vmem>>) offsets(%dma_start3A_1533 : memref<128xi32, #tpu.memory_space<vmem>>) semaphore(%arg14 : memref<!tpu.dma_semaphore, #tpu.memory_space<semaphore_mem>>)
      %dma_start3A_1537 = arith.constant 5 : i32
      %dma_start3A_1538 = arith.constant 640 : i32
      %dma_start3A_1539 = arith.constant 0 : i32
      %dma_start3A_1540 = tpu.memref_slice %arg10[%dma_start3A_1538, %dma_start3A_1539] : memref<1280x32xf32, #tpu.memory_space<vmem>> -> memref<128x32xf32, #tpu.memory_space<vmem>>
      %dma_start3A_1541 = arith.constant 0 : i32
      %dma_start3A_1542 = tpu.memref_slice %arg6[%dma_start3A_1537, %dma_start3A_1541] : memref<10x128xi32, #tpu.memory_space<vmem>> -> memref<1x128xi32, #tpu.memory_space<vmem>>
      %dma_start3A_1543 = tpu.memref_squeeze %dma_start3A_1542 : memref<1x128xi32, #tpu.memory_space<vmem>> -> memref<128xi32, #tpu.memory_space<vmem>>
      %dma_start3A_1544 = arith.constant 0 : i32
      %dma_start3A_1545 = arith.constant 0 : i32
      %dma_start3A_1546 = tpu.memref_slice %arg13[%dma_start3A_1544, %dma_start3A_1545] : memref<10112x32xf32, #tpu.memory_space<vmem_shared>> -> memref<10112x32xf32, #tpu.memory_space<vmem_shared>>
      tpu.enqueue_indirect_dma source(%dma_start3A_1546 : memref<10112x32xf32, #tpu.memory_space<vmem_shared>>) target(%dma_start3A_1540 : memref<128x32xf32, #tpu.memory_space<vmem>>) offsets(%dma_start3A_1543 : memref<128xi32, #tpu.memory_space<vmem>>) semaphore(%arg14 : memref<!tpu.dma_semaphore, #tpu.memory_space<semaphore_mem>>)
      %dma_start3A_1547 = arith.constant 6 : i32
      %dma_start3A_1548 = arith.constant 768 : i32
      %dma_start3A_1549 = arith.constant 0 : i32
      %dma_start3A_1550 = tpu.memref_slice %arg10[%dma_start3A_1548, %dma_start3A_1549] : memref<1280x32xf32, #tpu.memory_space<vmem>> -> memref<128x32xf32, #tpu.memory_space<vmem>>
      %dma_start3A_1551 = arith.constant 0 : i32
      %dma_start3A_1552 = tpu.memref_slice %arg6[%dma_start3A_1547, %dma_start3A_1551] : memref<10x128xi32, #tpu.memory_space<vmem>> -> memref<1x128xi32, #tpu.memory_space<vmem>>
      %dma_start3A_1553 = tpu.memref_squeeze %dma_start3A_1552 : memref<1x128xi32, #tpu.memory_space<vmem>> -> memref<128xi32, #tpu.memory_space<vmem>>
      %dma_start3A_1554 = arith.constant 0 : i32
      %dma_start3A_1555 = arith.constant 0 : i32
      %dma_start3A_1556 = tpu.memref_slice %arg13[%dma_start3A_1554, %dma_start3A_1555] : memref<10112x32xf32, #tpu.memory_space<vmem_shared>> -> memref<10112x32xf32, #tpu.memory_space<vmem_shared>>
      tpu.enqueue_indirect_dma source(%dma_start3A_1556 : memref<10112x32xf32, #tpu.memory_space<vmem_shared>>) target(%dma_start3A_1550 : memref<128x32xf32, #tpu.memory_space<vmem>>) offsets(%dma_start3A_1553 : memref<128xi32, #tpu.memory_space<vmem>>) semaphore(%arg14 : memref<!tpu.dma_semaphore, #tpu.memory_space<semaphore_mem>>)
      %dma_start3A_1557 = arith.constant 7 : i32
      %dma_start3A_1558 = arith.constant 896 : i32
      %dma_start3A_1559 = arith.constant 0 : i32
      %dma_start3A_1560 = tpu.memref_slice %arg10[%dma_start3A_1558, %dma_start3A_1559] : memref<1280x32xf32, #tpu.memory_space<vmem>> -> memref<128x32xf32, #tpu.memory_space<vmem>>
      %dma_start3A_1561 = arith.constant 0 : i32
      %dma_start3A_1562 = tpu.memref_slice %arg6[%dma_start3A_1557, %dma_start3A_1561] : memref<10x128xi32, #tpu.memory_space<vmem>> -> memref<1x128xi32, #tpu.memory_space<vmem>>
      %dma_start3A_1563 = tpu.memref_squeeze %dma_start3A_1562 : memref<1x128xi32, #tpu.memory_space<vmem>> -> memref<128xi32, #tpu.memory_space<vmem>>
      %dma_start3A_1564 = arith.constant 0 : i32
      %dma_start3A_1565 = arith.constant 0 : i32
      %dma_start3A_1566 = tpu.memref_slice %arg13[%dma_start3A_1564, %dma_start3A_1565] : memref<10112x32xf32, #tpu.memory_space<vmem_shared>> -> memref<10112x32xf32, #tpu.memory_space<vmem_shared>>
      tpu.enqueue_indirect_dma source(%dma_start3A_1566 : memref<10112x32xf32, #tpu.memory_space<vmem_shared>>) target(%dma_start3A_1560 : memref<128x32xf32, #tpu.memory_space<vmem>>) offsets(%dma_start3A_1563 : memref<128xi32, #tpu.memory_space<vmem>>) semaphore(%arg14 : memref<!tpu.dma_semaphore, #tpu.memory_space<semaphore_mem>>)
      %dma_start3A_1567 = arith.constant 8 : i32
      %dma_start3A_1568 = arith.constant 1024 : i32
      %dma_start3A_1569 = arith.constant 0 : i32
      %dma_start3A_1570 = tpu.memref_slice %arg10[%dma_start3A_1568, %dma_start3A_1569] : memref<1280x32xf32, #tpu.memory_space<vmem>> -> memref<128x32xf32, #tpu.memory_space<vmem>>
      %dma_start3A_1571 = arith.constant 0 : i32
      %dma_start3A_1572 = tpu.memref_slice %arg6[%dma_start3A_1567, %dma_start3A_1571] : memref<10x128xi32, #tpu.memory_space<vmem>> -> memref<1x128xi32, #tpu.memory_space<vmem>>
      %dma_start3A_1573 = tpu.memref_squeeze %dma_start3A_1572 : memref<1x128xi32, #tpu.memory_space<vmem>> -> memref<128xi32, #tpu.memory_space<vmem>>
      %dma_start3A_1574 = arith.constant 0 : i32
      %dma_start3A_1575 = arith.constant 0 : i32
      %dma_start3A_1576 = tpu.memref_slice %arg13[%dma_start3A_1574, %dma_start3A_1575] : memref<10112x32xf32, #tpu.memory_space<vmem_shared>> -> memref<10112x32xf32, #tpu.memory_space<vmem_shared>>
      tpu.enqueue_indirect_dma source(%dma_start3A_1576 : memref<10112x32xf32, #tpu.memory_space<vmem_shared>>) target(%dma_start3A_1570 : memref<128x32xf32, #tpu.memory_space<vmem>>) offsets(%dma_start3A_1573 : memref<128xi32, #tpu.memory_space<vmem>>) semaphore(%arg14 : memref<!tpu.dma_semaphore, #tpu.memory_space<semaphore_mem>>)
      %dma_start3A_1577 = arith.constant 9 : i32
      %dma_start3A_1578 = arith.constant 1152 : i32
      %dma_start3A_1579 = arith.constant 0 : i32
      %dma_start3A_1580 = tpu.memref_slice %arg10[%dma_start3A_1578, %dma_start3A_1579] : memref<1280x32xf32, #tpu.memory_space<vmem>> -> memref<128x32xf32, #tpu.memory_space<vmem>>
      %dma_start3A_1581 = arith.constant 0 : i32
      %dma_start3A_1582 = tpu.memref_slice %arg6[%dma_start3A_1577, %dma_start3A_1581] : memref<10x128xi32, #tpu.memory_space<vmem>> -> memref<1x128xi32, #tpu.memory_space<vmem>>
      %dma_start3A_1583 = tpu.memref_squeeze %dma_start3A_1582 : memref<1x128xi32, #tpu.memory_space<vmem>> -> memref<128xi32, #tpu.memory_space<vmem>>
      %dma_start3A_1584 = arith.constant 0 : i32
      %dma_start3A_1585 = arith.constant 0 : i32
      %dma_start3A_1586 = tpu.memref_slice %arg13[%dma_start3A_1584, %dma_start3A_1585] : memref<10112x32xf32, #tpu.memory_space<vmem_shared>> -> memref<10112x32xf32, #tpu.memory_space<vmem_shared>>
      tpu.enqueue_indirect_dma source(%dma_start3A_1586 : memref<10112x32xf32, #tpu.memory_space<vmem_shared>>) target(%dma_start3A_1580 : memref<128x32xf32, #tpu.memory_space<vmem>>) offsets(%dma_start3A_1583 : memref<128xi32, #tpu.memory_space<vmem>>) semaphore(%arg14 : memref<!tpu.dma_semaphore, #tpu.memory_space<semaphore_mem>>)
      %dma_wait3A_1587 = arith.constant 0 : i32
      %dma_wait3A_1588 = arith.constant 0 : i32
      %dma_wait3A_1589 = tpu.memref_slice %arg2[%dma_wait3A_1587, %dma_wait3A_1588] : memref<10112x64xf32, #tpu.memory_space<hbm>> -> memref<1280x32xf32, #tpu.memory_space<hbm>>
      %dma_wait3A_1590 = arith.constant 0 : i32
      %dma_wait3A_1591 = arith.constant 0 : i32
      %dma_wait3A_1592 = tpu.memref_slice %arg2[%dma_wait3A_1590, %dma_wait3A_1591] : memref<10112x64xf32, #tpu.memory_space<hbm>> -> memref<1280x32xf32, #tpu.memory_space<hbm>>
      tpu.wait_dma2 semaphore(%arg15 : memref<!tpu.dma_semaphore, #tpu.memory_space<semaphore_mem>>) src(%dma_wait3A_1592 : memref<1280x32xf32, #tpu.memory_space<hbm>>) dst(%arg11 : memref<1280x32xf32, #tpu.memory_space<vmem>>)
      %dma_start3A_1593 = arith.constant 0 : i32
      %dma_start3A_1594 = arith.constant 0 : i32
      %dma_start3A_1595 = arith.constant 0 : i32
      %dma_start3A_1596 = tpu.memref_slice %arg11[%dma_start3A_1594, %dma_start3A_1595] : memref<1280x32xf32, #tpu.memory_space<vmem>> -> memref<128x32xf32, #tpu.memory_space<vmem>>
      %dma_start3A_1597 = arith.constant 0 : i32
      %dma_start3A_1598 = tpu.memref_slice %arg9[%dma_start3A_1593, %dma_start3A_1597] : memref<10x128xi32, #tpu.memory_space<vmem>> -> memref<1x128xi32, #tpu.memory_space<vmem>>
      %dma_start3A_1599 = tpu.memref_squeeze %dma_start3A_1598 : memref<1x128xi32, #tpu.memory_space<vmem>> -> memref<128xi32, #tpu.memory_space<vmem>>
      %dma_start3A_1600 = arith.constant 0 : i32
      %dma_start3A_1601 = arith.constant 0 : i32
      %dma_start3A_1602 = tpu.memref_slice %arg12[%dma_start3A_1600, %dma_start3A_1601] : memref<10112x32xf32, #tpu.memory_space<vmem_shared>> -> memref<10112x32xf32, #tpu.memory_space<vmem_shared>>
      tpu.enqueue_indirect_dma source(%dma_start3A_1596 : memref<128x32xf32, #tpu.memory_space<vmem>>) target(%dma_start3A_1602 : memref<10112x32xf32, #tpu.memory_space<vmem_shared>>) offsets(%dma_start3A_1599 : memref<128xi32, #tpu.memory_space<vmem>>) semaphore(%arg16 : memref<!tpu.dma_semaphore, #tpu.memory_space<semaphore_mem>>) {add = true}
      %dma_start3A_1603 = arith.constant 1 : i32
      %dma_start3A_1604 = arith.constant 128 : i32
      %dma_start3A_1605 = arith.constant 0 : i32
      %dma_start3A_1606 = tpu.memref_slice %arg11[%dma_start3A_1604, %dma_start3A_1605] : memref<1280x32xf32, #tpu.memory_space<vmem>> -> memref<128x32xf32, #tpu.memory_space<vmem>>
      %dma_start3A_1607 = arith.constant 0 : i32
      %dma_start3A_1608 = tpu.memref_slice %arg9[%dma_start3A_1603, %dma_start3A_1607] : memref<10x128xi32, #tpu.memory_space<vmem>> -> memref<1x128xi32, #tpu.memory_space<vmem>>
      %dma_start3A_1609 = tpu.memref_squeeze %dma_start3A_1608 : memref<1x128xi32, #tpu.memory_space<vmem>> -> memref<128xi32, #tpu.memory_space<vmem>>
      %dma_start3A_1610 = arith.constant 0 : i32
      %dma_start3A_1611 = arith.constant 0 : i32
      %dma_start3A_1612 = tpu.memref_slice %arg12[%dma_start3A_1610, %dma_start3A_1611] : memref<10112x32xf32, #tpu.memory_space<vmem_shared>> -> memref<10112x32xf32, #tpu.memory_space<vmem_shared>>
      tpu.enqueue_indirect_dma source(%dma_start3A_1606 : memref<128x32xf32, #tpu.memory_space<vmem>>) target(%dma_start3A_1612 : memref<10112x32xf32, #tpu.memory_space<vmem_shared>>) offsets(%dma_start3A_1609 : memref<128xi32, #tpu.memory_space<vmem>>) semaphore(%arg16 : memref<!tpu.dma_semaphore, #tpu.memory_space<semaphore_mem>>) {add = true}
      %dma_start3A_1613 = arith.constant 2 : i32
      %dma_start3A_1614 = arith.constant 256 : i32
      %dma_start3A_1615 = arith.constant 0 : i32
      %dma_start3A_1616 = tpu.memref_slice %arg11[%dma_start3A_1614, %dma_start3A_1615] : memref<1280x32xf32, #tpu.memory_space<vmem>> -> memref<128x32xf32, #tpu.memory_space<vmem>>
      %dma_start3A_1617 = arith.constant 0 : i32
      %dma_start3A_1618 = tpu.memref_slice %arg9[%dma_start3A_1613, %dma_start3A_1617] : memref<10x128xi32, #tpu.memory_space<vmem>> -> memref<1x128xi32, #tpu.memory_space<vmem>>
      %dma_start3A_1619 = tpu.memref_squeeze %dma_start3A_1618 : memref<1x128xi32, #tpu.memory_space<vmem>> -> memref<128xi32, #tpu.memory_space<vmem>>
      %dma_start3A_1620 = arith.constant 0 : i32
      %dma_start3A_1621 = arith.constant 0 : i32
      %dma_start3A_1622 = tpu.memref_slice %arg12[%dma_start3A_1620, %dma_start3A_1621] : memref<10112x32xf32, #tpu.memory_space<vmem_shared>> -> memref<10112x32xf32, #tpu.memory_space<vmem_shared>>
      tpu.enqueue_indirect_dma source(%dma_start3A_1616 : memref<128x32xf32, #tpu.memory_space<vmem>>) target(%dma_start3A_1622 : memref<10112x32xf32, #tpu.memory_space<vmem_shared>>) offsets(%dma_start3A_1619 : memref<128xi32, #tpu.memory_space<vmem>>) semaphore(%arg16 : memref<!tpu.dma_semaphore, #tpu.memory_space<semaphore_mem>>) {add = true}
      %dma_start3A_1623 = arith.constant 3 : i32
      %dma_start3A_1624 = arith.constant 384 : i32
      %dma_start3A_1625 = arith.constant 0 : i32
      %dma_start3A_1626 = tpu.memref_slice %arg11[%dma_start3A_1624, %dma_start3A_1625] : memref<1280x32xf32, #tpu.memory_space<vmem>> -> memref<128x32xf32, #tpu.memory_space<vmem>>
      %dma_start3A_1627 = arith.constant 0 : i32
      %dma_start3A_1628 = tpu.memref_slice %arg9[%dma_start3A_1623, %dma_start3A_1627] : memref<10x128xi32, #tpu.memory_space<vmem>> -> memref<1x128xi32, #tpu.memory_space<vmem>>
      %dma_start3A_1629 = tpu.memref_squeeze %dma_start3A_1628 : memref<1x128xi32, #tpu.memory_space<vmem>> -> memref<128xi32, #tpu.memory_space<vmem>>
      %dma_start3A_1630 = arith.constant 0 : i32
      %dma_start3A_1631 = arith.constant 0 : i32
      %dma_start3A_1632 = tpu.memref_slice %arg12[%dma_start3A_1630, %dma_start3A_1631] : memref<10112x32xf32, #tpu.memory_space<vmem_shared>> -> memref<10112x32xf32, #tpu.memory_space<vmem_shared>>
      tpu.enqueue_indirect_dma source(%dma_start3A_1626 : memref<128x32xf32, #tpu.memory_space<vmem>>) target(%dma_start3A_1632 : memref<10112x32xf32, #tpu.memory_space<vmem_shared>>) offsets(%dma_start3A_1629 : memref<128xi32, #tpu.memory_space<vmem>>) semaphore(%arg16 : memref<!tpu.dma_semaphore, #tpu.memory_space<semaphore_mem>>) {add = true}
      %dma_start3A_1633 = arith.constant 4 : i32
      %dma_start3A_1634 = arith.constant 512 : i32
      %dma_start3A_1635 = arith.constant 0 : i32
      %dma_start3A_1636 = tpu.memref_slice %arg11[%dma_start3A_1634, %dma_start3A_1635] : memref<1280x32xf32, #tpu.memory_space<vmem>> -> memref<128x32xf32, #tpu.memory_space<vmem>>
      %dma_start3A_1637 = arith.constant 0 : i32
      %dma_start3A_1638 = tpu.memref_slice %arg9[%dma_start3A_1633, %dma_start3A_1637] : memref<10x128xi32, #tpu.memory_space<vmem>> -> memref<1x128xi32, #tpu.memory_space<vmem>>
      %dma_start3A_1639 = tpu.memref_squeeze %dma_start3A_1638 : memref<1x128xi32, #tpu.memory_space<vmem>> -> memref<128xi32, #tpu.memory_space<vmem>>
      %dma_start3A_1640 = arith.constant 0 : i32
      %dma_start3A_1641 = arith.constant 0 : i32
      %dma_start3A_1642 = tpu.memref_slice %arg12[%dma_start3A_1640, %dma_start3A_1641] : memref<10112x32xf32, #tpu.memory_space<vmem_shared>> -> memref<10112x32xf32, #tpu.memory_space<vmem_shared>>
      tpu.enqueue_indirect_dma source(%dma_start3A_1636 : memref<128x32xf32, #tpu.memory_space<vmem>>) target(%dma_start3A_1642 : memref<10112x32xf32, #tpu.memory_space<vmem_shared>>) offsets(%dma_start3A_1639 : memref<128xi32, #tpu.memory_space<vmem>>) semaphore(%arg16 : memref<!tpu.dma_semaphore, #tpu.memory_space<semaphore_mem>>) {add = true}
      %dma_start3A_1643 = arith.constant 5 : i32
      %dma_start3A_1644 = arith.constant 640 : i32
      %dma_start3A_1645 = arith.constant 0 : i32
      %dma_start3A_1646 = tpu.memref_slice %arg11[%dma_start3A_1644, %dma_start3A_1645] : memref<1280x32xf32, #tpu.memory_space<vmem>> -> memref<128x32xf32, #tpu.memory_space<vmem>>
      %dma_start3A_1647 = arith.constant 0 : i32
      %dma_start3A_1648 = tpu.memref_slice %arg9[%dma_start3A_1643, %dma_start3A_1647] : memref<10x128xi32, #tpu.memory_space<vmem>> -> memref<1x128xi32, #tpu.memory_space<vmem>>
      %dma_start3A_1649 = tpu.memref_squeeze %dma_start3A_1648 : memref<1x128xi32, #tpu.memory_space<vmem>> -> memref<128xi32, #tpu.memory_space<vmem>>
      %dma_start3A_1650 = arith.constant 0 : i32
      %dma_start3A_1651 = arith.constant 0 : i32
      %dma_start3A_1652 = tpu.memref_slice %arg12[%dma_start3A_1650, %dma_start3A_1651] : memref<10112x32xf32, #tpu.memory_space<vmem_shared>> -> memref<10112x32xf32, #tpu.memory_space<vmem_shared>>
      tpu.enqueue_indirect_dma source(%dma_start3A_1646 : memref<128x32xf32, #tpu.memory_space<vmem>>) target(%dma_start3A_1652 : memref<10112x32xf32, #tpu.memory_space<vmem_shared>>) offsets(%dma_start3A_1649 : memref<128xi32, #tpu.memory_space<vmem>>) semaphore(%arg16 : memref<!tpu.dma_semaphore, #tpu.memory_space<semaphore_mem>>) {add = true}
      %dma_start3A_1653 = arith.constant 6 : i32
      %dma_start3A_1654 = arith.constant 768 : i32
      %dma_start3A_1655 = arith.constant 0 : i32
      %dma_start3A_1656 = tpu.memref_slice %arg11[%dma_start3A_1654, %dma_start3A_1655] : memref<1280x32xf32, #tpu.memory_space<vmem>> -> memref<128x32xf32, #tpu.memory_space<vmem>>
      %dma_start3A_1657 = arith.constant 0 : i32
      %dma_start3A_1658 = tpu.memref_slice %arg9[%dma_start3A_1653, %dma_start3A_1657] : memref<10x128xi32, #tpu.memory_space<vmem>> -> memref<1x128xi32, #tpu.memory_space<vmem>>
      %dma_start3A_1659 = tpu.memref_squeeze %dma_start3A_1658 : memref<1x128xi32, #tpu.memory_space<vmem>> -> memref<128xi32, #tpu.memory_space<vmem>>
      %dma_start3A_1660 = arith.constant 0 : i32
      %dma_start3A_1661 = arith.constant 0 : i32
      %dma_start3A_1662 = tpu.memref_slice %arg12[%dma_start3A_1660, %dma_start3A_1661] : memref<10112x32xf32, #tpu.memory_space<vmem_shared>> -> memref<10112x32xf32, #tpu.memory_space<vmem_shared>>
      tpu.enqueue_indirect_dma source(%dma_start3A_1656 : memref<128x32xf32, #tpu.memory_space<vmem>>) target(%dma_start3A_1662 : memref<10112x32xf32, #tpu.memory_space<vmem_shared>>) offsets(%dma_start3A_1659 : memref<128xi32, #tpu.memory_space<vmem>>) semaphore(%arg16 : memref<!tpu.dma_semaphore, #tpu.memory_space<semaphore_mem>>) {add = true}
      %dma_start3A_1663 = arith.constant 7 : i32
      %dma_start3A_1664 = arith.constant 896 : i32
      %dma_start3A_1665 = arith.constant 0 : i32
      %dma_start3A_1666 = tpu.memref_slice %arg11[%dma_start3A_1664, %dma_start3A_1665] : memref<1280x32xf32, #tpu.memory_space<vmem>> -> memref<128x32xf32, #tpu.memory_space<vmem>>
      %dma_start3A_1667 = arith.constant 0 : i32
      %dma_start3A_1668 = tpu.memref_slice %arg9[%dma_start3A_1663, %dma_start3A_1667] : memref<10x128xi32, #tpu.memory_space<vmem>> -> memref<1x128xi32, #tpu.memory_space<vmem>>
      %dma_start3A_1669 = tpu.memref_squeeze %dma_start3A_1668 : memref<1x128xi32, #tpu.memory_space<vmem>> -> memref<128xi32, #tpu.memory_space<vmem>>
      %dma_start3A_1670 = arith.constant 0 : i32
      %dma_start3A_1671 = arith.constant 0 : i32
      %dma_start3A_1672 = tpu.memref_slice %arg12[%dma_start3A_1670, %dma_start3A_1671] : memref<10112x32xf32, #tpu.memory_space<vmem_shared>> -> memref<10112x32xf32, #tpu.memory_space<vmem_shared>>
      tpu.enqueue_indirect_dma source(%dma_start3A_1666 : memref<128x32xf32, #tpu.memory_space<vmem>>) target(%dma_start3A_1672 : memref<10112x32xf32, #tpu.memory_space<vmem_shared>>) offsets(%dma_start3A_1669 : memref<128xi32, #tpu.memory_space<vmem>>) semaphore(%arg16 : memref<!tpu.dma_semaphore, #tpu.memory_space<semaphore_mem>>) {add = true}
      %dma_start3A_1673 = arith.constant 8 : i32
      %dma_start3A_1674 = arith.constant 1024 : i32
      %dma_start3A_1675 = arith.constant 0 : i32
      %dma_start3A_1676 = tpu.memref_slice %arg11[%dma_start3A_1674, %dma_start3A_1675] : memref<1280x32xf32, #tpu.memory_space<vmem>> -> memref<128x32xf32, #tpu.memory_space<vmem>>
      %dma_start3A_1677 = arith.constant 0 : i32
      %dma_start3A_1678 = tpu.memref_slice %arg9[%dma_start3A_1673, %dma_start3A_1677] : memref<10x128xi32, #tpu.memory_space<vmem>> -> memref<1x128xi32, #tpu.memory_space<vmem>>
      %dma_start3A_1679 = tpu.memref_squeeze %dma_start3A_1678 : memref<1x128xi32, #tpu.memory_space<vmem>> -> memref<128xi32, #tpu.memory_space<vmem>>
      %dma_start3A_1680 = arith.constant 0 : i32
      %dma_start3A_1681 = arith.constant 0 : i32
      %dma_start3A_1682 = tpu.memref_slice %arg12[%dma_start3A_1680, %dma_start3A_1681] : memref<10112x32xf32, #tpu.memory_space<vmem_shared>> -> memref<10112x32xf32, #tpu.memory_space<vmem_shared>>
      tpu.enqueue_indirect_dma source(%dma_start3A_1676 : memref<128x32xf32, #tpu.memory_space<vmem>>) target(%dma_start3A_1682 : memref<10112x32xf32, #tpu.memory_space<vmem_shared>>) offsets(%dma_start3A_1679 : memref<128xi32, #tpu.memory_space<vmem>>) semaphore(%arg16 : memref<!tpu.dma_semaphore, #tpu.memory_space<semaphore_mem>>) {add = true}
      %dma_start3A_1683 = arith.constant 9 : i32
      %dma_start3A_1684 = arith.constant 1152 : i32
      %dma_start3A_1685 = arith.constant 0 : i32
      %dma_start3A_1686 = tpu.memref_slice %arg11[%dma_start3A_1684, %dma_start3A_1685] : memref<1280x32xf32, #tpu.memory_space<vmem>> -> memref<128x32xf32, #tpu.memory_space<vmem>>
      %dma_start3A_1687 = arith.constant 0 : i32
      %dma_start3A_1688 = tpu.memref_slice %arg9[%dma_start3A_1683, %dma_start3A_1687] : memref<10x128xi32, #tpu.memory_space<vmem>> -> memref<1x128xi32, #tpu.memory_space<vmem>>
      %dma_start3A_1689 = tpu.memref_squeeze %dma_start3A_1688 : memref<1x128xi32, #tpu.memory_space<vmem>> -> memref<128xi32, #tpu.memory_space<vmem>>
      %dma_start3A_1690 = arith.constant 0 : i32
      %dma_start3A_1691 = arith.constant 0 : i32
      %dma_start3A_1692 = tpu.memref_slice %arg12[%dma_start3A_1690, %dma_start3A_1691] : memref<10112x32xf32, #tpu.memory_space<vmem_shared>> -> memref<10112x32xf32, #tpu.memory_space<vmem_shared>>
      tpu.enqueue_indirect_dma source(%dma_start3A_1686 : memref<128x32xf32, #tpu.memory_space<vmem>>) target(%dma_start3A_1692 : memref<10112x32xf32, #tpu.memory_space<vmem_shared>>) offsets(%dma_start3A_1689 : memref<128xi32, #tpu.memory_space<vmem>>) semaphore(%arg16 : memref<!tpu.dma_semaphore, #tpu.memory_space<semaphore_mem>>) {add = true}
      %dma_wait3A_1693 = arith.constant 0 : i32
      %dma_wait3A_1694 = arith.constant 0 : i32
      %dma_wait3A_1695 = arith.constant 0 : i32
      %dma_wait3A_1696 = tpu.memref_slice %arg11[%dma_wait3A_1694, %dma_wait3A_1695] : memref<1280x32xf32, #tpu.memory_space<vmem>> -> memref<128x32xf32, #tpu.memory_space<vmem>>
      %dma_wait3A_1697 = arith.constant 0 : i32
      %dma_wait3A_1698 = tpu.memref_slice %arg9[%dma_wait3A_1693, %dma_wait3A_1697] : memref<10x128xi32, #tpu.memory_space<vmem>> -> memref<1x128xi32, #tpu.memory_space<vmem>>
      %dma_wait3A_1699 = tpu.memref_squeeze %dma_wait3A_1698 : memref<1x128xi32, #tpu.memory_space<vmem>> -> memref<128xi32, #tpu.memory_space<vmem>>
      %dma_wait3A_1700 = arith.constant 0 : i32
      %dma_wait3A_1701 = arith.constant 0 : i32
      %dma_wait3A_1702 = tpu.memref_slice %arg12[%dma_wait3A_1700, %dma_wait3A_1701] : memref<10112x32xf32, #tpu.memory_space<vmem_shared>> -> memref<10112x32xf32, #tpu.memory_space<vmem_shared>>
      tpu.wait_indirect_dma semaphore(%arg16 : memref<!tpu.dma_semaphore, #tpu.memory_space<semaphore_mem>>) src(%dma_wait3A_1696 : memref<128x32xf32, #tpu.memory_space<vmem>>) dst(%dma_wait3A_1702 : memref<10112x32xf32, #tpu.memory_space<vmem_shared>>)
      %dma_wait3A_1703 = arith.constant 1 : i32
      %dma_wait3A_1704 = arith.constant 128 : i32
      %dma_wait3A_1705 = arith.constant 0 : i32
      %dma_wait3A_1706 = tpu.memref_slice %arg11[%dma_wait3A_1704, %dma_wait3A_1705] : memref<1280x32xf32, #tpu.memory_space<vmem>> -> memref<128x32xf32, #tpu.memory_space<vmem>>
      %dma_wait3A_1707 = arith.constant 0 : i32
      %dma_wait3A_1708 = tpu.memref_slice %arg9[%dma_wait3A_1703, %dma_wait3A_1707] : memref<10x128xi32, #tpu.memory_space<vmem>> -> memref<1x128xi32, #tpu.memory_space<vmem>>
      %dma_wait3A_1709 = tpu.memref_squeeze %dma_wait3A_1708 : memref<1x128xi32, #tpu.memory_space<vmem>> -> memref<128xi32, #tpu.memory_space<vmem>>
      %dma_wait3A_1710 = arith.constant 0 : i32
      %dma_wait3A_1711 = arith.constant 0 : i32
      %dma_wait3A_1712 = tpu.memref_slice %arg12[%dma_wait3A_1710, %dma_wait3A_1711] : memref<10112x32xf32, #tpu.memory_space<vmem_shared>> -> memref<10112x32xf32, #tpu.memory_space<vmem_shared>>
      tpu.wait_indirect_dma semaphore(%arg16 : memref<!tpu.dma_semaphore, #tpu.memory_space<semaphore_mem>>) src(%dma_wait3A_1706 : memref<128x32xf32, #tpu.memory_space<vmem>>) dst(%dma_wait3A_1712 : memref<10112x32xf32, #tpu.memory_space<vmem_shared>>)
      %dma_wait3A_1713 = arith.constant 2 : i32
      %dma_wait3A_1714 = arith.constant 256 : i32
      %dma_wait3A_1715 = arith.constant 0 : i32
      %dma_wait3A_1716 = tpu.memref_slice %arg11[%dma_wait3A_1714, %dma_wait3A_1715] : memref<1280x32xf32, #tpu.memory_space<vmem>> -> memref<128x32xf32, #tpu.memory_space<vmem>>
      %dma_wait3A_1717 = arith.constant 0 : i32
      %dma_wait3A_1718 = tpu.memref_slice %arg9[%dma_wait3A_1713, %dma_wait3A_1717] : memref<10x128xi32, #tpu.memory_space<vmem>> -> memref<1x128xi32, #tpu.memory_space<vmem>>
      %dma_wait3A_1719 = tpu.memref_squeeze %dma_wait3A_1718 : memref<1x128xi32, #tpu.memory_space<vmem>> -> memref<128xi32, #tpu.memory_space<vmem>>
      %dma_wait3A_1720 = arith.constant 0 : i32
      %dma_wait3A_1721 = arith.constant 0 : i32
      %dma_wait3A_1722 = tpu.memref_slice %arg12[%dma_wait3A_1720, %dma_wait3A_1721] : memref<10112x32xf32, #tpu.memory_space<vmem_shared>> -> memref<10112x32xf32, #tpu.memory_space<vmem_shared>>
      tpu.wait_indirect_dma semaphore(%arg16 : memref<!tpu.dma_semaphore, #tpu.memory_space<semaphore_mem>>) src(%dma_wait3A_1716 : memref<128x32xf32, #tpu.memory_space<vmem>>) dst(%dma_wait3A_1722 : memref<10112x32xf32, #tpu.memory_space<vmem_shared>>)
      %dma_wait3A_1723 = arith.constant 3 : i32
      %dma_wait3A_1724 = arith.constant 384 : i32
      %dma_wait3A_1725 = arith.constant 0 : i32
      %dma_wait3A_1726 = tpu.memref_slice %arg11[%dma_wait3A_1724, %dma_wait3A_1725] : memref<1280x32xf32, #tpu.memory_space<vmem>> -> memref<128x32xf32, #tpu.memory_space<vmem>>
      %dma_wait3A_1727 = arith.constant 0 : i32
      %dma_wait3A_1728 = tpu.memref_slice %arg9[%dma_wait3A_1723, %dma_wait3A_1727] : memref<10x128xi32, #tpu.memory_space<vmem>> -> memref<1x128xi32, #tpu.memory_space<vmem>>
      %dma_wait3A_1729 = tpu.memref_squeeze %dma_wait3A_1728 : memref<1x128xi32, #tpu.memory_space<vmem>> -> memref<128xi32, #tpu.memory_space<vmem>>
      %dma_wait3A_1730 = arith.constant 0 : i32
      %dma_wait3A_1731 = arith.constant 0 : i32
      %dma_wait3A_1732 = tpu.memref_slice %arg12[%dma_wait3A_1730, %dma_wait3A_1731] : memref<10112x32xf32, #tpu.memory_space<vmem_shared>> -> memref<10112x32xf32, #tpu.memory_space<vmem_shared>>
      tpu.wait_indirect_dma semaphore(%arg16 : memref<!tpu.dma_semaphore, #tpu.memory_space<semaphore_mem>>) src(%dma_wait3A_1726 : memref<128x32xf32, #tpu.memory_space<vmem>>) dst(%dma_wait3A_1732 : memref<10112x32xf32, #tpu.memory_space<vmem_shared>>)
      %dma_wait3A_1733 = arith.constant 4 : i32
      %dma_wait3A_1734 = arith.constant 512 : i32
      %dma_wait3A_1735 = arith.constant 0 : i32
      %dma_wait3A_1736 = tpu.memref_slice %arg11[%dma_wait3A_1734, %dma_wait3A_1735] : memref<1280x32xf32, #tpu.memory_space<vmem>> -> memref<128x32xf32, #tpu.memory_space<vmem>>
      %dma_wait3A_1737 = arith.constant 0 : i32
      %dma_wait3A_1738 = tpu.memref_slice %arg9[%dma_wait3A_1733, %dma_wait3A_1737] : memref<10x128xi32, #tpu.memory_space<vmem>> -> memref<1x128xi32, #tpu.memory_space<vmem>>
      %dma_wait3A_1739 = tpu.memref_squeeze %dma_wait3A_1738 : memref<1x128xi32, #tpu.memory_space<vmem>> -> memref<128xi32, #tpu.memory_space<vmem>>
      %dma_wait3A_1740 = arith.constant 0 : i32
      %dma_wait3A_1741 = arith.constant 0 : i32
      %dma_wait3A_1742 = tpu.memref_slice %arg12[%dma_wait3A_1740, %dma_wait3A_1741] : memref<10112x32xf32, #tpu.memory_space<vmem_shared>> -> memref<10112x32xf32, #tpu.memory_space<vmem_shared>>
      tpu.wait_indirect_dma semaphore(%arg16 : memref<!tpu.dma_semaphore, #tpu.memory_space<semaphore_mem>>) src(%dma_wait3A_1736 : memref<128x32xf32, #tpu.memory_space<vmem>>) dst(%dma_wait3A_1742 : memref<10112x32xf32, #tpu.memory_space<vmem_shared>>)
      %dma_wait3A_1743 = arith.constant 5 : i32
      %dma_wait3A_1744 = arith.constant 640 : i32
      %dma_wait3A_1745 = arith.constant 0 : i32
      %dma_wait3A_1746 = tpu.memref_slice %arg11[%dma_wait3A_1744, %dma_wait3A_1745] : memref<1280x32xf32, #tpu.memory_space<vmem>> -> memref<128x32xf32, #tpu.memory_space<vmem>>
      %dma_wait3A_1747 = arith.constant 0 : i32
      %dma_wait3A_1748 = tpu.memref_slice %arg9[%dma_wait3A_1743, %dma_wait3A_1747] : memref<10x128xi32, #tpu.memory_space<vmem>> -> memref<1x128xi32, #tpu.memory_space<vmem>>
      %dma_wait3A_1749 = tpu.memref_squeeze %dma_wait3A_1748 : memref<1x128xi32, #tpu.memory_space<vmem>> -> memref<128xi32, #tpu.memory_space<vmem>>
      %dma_wait3A_1750 = arith.constant 0 : i32
      %dma_wait3A_1751 = arith.constant 0 : i32
      %dma_wait3A_1752 = tpu.memref_slice %arg12[%dma_wait3A_1750, %dma_wait3A_1751] : memref<10112x32xf32, #tpu.memory_space<vmem_shared>> -> memref<10112x32xf32, #tpu.memory_space<vmem_shared>>
      tpu.wait_indirect_dma semaphore(%arg16 : memref<!tpu.dma_semaphore, #tpu.memory_space<semaphore_mem>>) src(%dma_wait3A_1746 : memref<128x32xf32, #tpu.memory_space<vmem>>) dst(%dma_wait3A_1752 : memref<10112x32xf32, #tpu.memory_space<vmem_shared>>)
      %dma_wait3A_1753 = arith.constant 6 : i32
      %dma_wait3A_1754 = arith.constant 768 : i32
      %dma_wait3A_1755 = arith.constant 0 : i32
      %dma_wait3A_1756 = tpu.memref_slice %arg11[%dma_wait3A_1754, %dma_wait3A_1755] : memref<1280x32xf32, #tpu.memory_space<vmem>> -> memref<128x32xf32, #tpu.memory_space<vmem>>
      %dma_wait3A_1757 = arith.constant 0 : i32
      %dma_wait3A_1758 = tpu.memref_slice %arg9[%dma_wait3A_1753, %dma_wait3A_1757] : memref<10x128xi32, #tpu.memory_space<vmem>> -> memref<1x128xi32, #tpu.memory_space<vmem>>
      %dma_wait3A_1759 = tpu.memref_squeeze %dma_wait3A_1758 : memref<1x128xi32, #tpu.memory_space<vmem>> -> memref<128xi32, #tpu.memory_space<vmem>>
      %dma_wait3A_1760 = arith.constant 0 : i32
      %dma_wait3A_1761 = arith.constant 0 : i32
      %dma_wait3A_1762 = tpu.memref_slice %arg12[%dma_wait3A_1760, %dma_wait3A_1761] : memref<10112x32xf32, #tpu.memory_space<vmem_shared>> -> memref<10112x32xf32, #tpu.memory_space<vmem_shared>>
      tpu.wait_indirect_dma semaphore(%arg16 : memref<!tpu.dma_semaphore, #tpu.memory_space<semaphore_mem>>) src(%dma_wait3A_1756 : memref<128x32xf32, #tpu.memory_space<vmem>>) dst(%dma_wait3A_1762 : memref<10112x32xf32, #tpu.memory_space<vmem_shared>>)
      %dma_wait3A_1763 = arith.constant 7 : i32
      %dma_wait3A_1764 = arith.constant 896 : i32
      %dma_wait3A_1765 = arith.constant 0 : i32
      %dma_wait3A_1766 = tpu.memref_slice %arg11[%dma_wait3A_1764, %dma_wait3A_1765] : memref<1280x32xf32, #tpu.memory_space<vmem>> -> memref<128x32xf32, #tpu.memory_space<vmem>>
      %dma_wait3A_1767 = arith.constant 0 : i32
      %dma_wait3A_1768 = tpu.memref_slice %arg9[%dma_wait3A_1763, %dma_wait3A_1767] : memref<10x128xi32, #tpu.memory_space<vmem>> -> memref<1x128xi32, #tpu.memory_space<vmem>>
      %dma_wait3A_1769 = tpu.memref_squeeze %dma_wait3A_1768 : memref<1x128xi32, #tpu.memory_space<vmem>> -> memref<128xi32, #tpu.memory_space<vmem>>
      %dma_wait3A_1770 = arith.constant 0 : i32
      %dma_wait3A_1771 = arith.constant 0 : i32
      %dma_wait3A_1772 = tpu.memref_slice %arg12[%dma_wait3A_1770, %dma_wait3A_1771] : memref<10112x32xf32, #tpu.memory_space<vmem_shared>> -> memref<10112x32xf32, #tpu.memory_space<vmem_shared>>
      tpu.wait_indirect_dma semaphore(%arg16 : memref<!tpu.dma_semaphore, #tpu.memory_space<semaphore_mem>>) src(%dma_wait3A_1766 : memref<128x32xf32, #tpu.memory_space<vmem>>) dst(%dma_wait3A_1772 : memref<10112x32xf32, #tpu.memory_space<vmem_shared>>)
      %dma_wait3A_1773 = arith.constant 8 : i32
      %dma_wait3A_1774 = arith.constant 1024 : i32
      %dma_wait3A_1775 = arith.constant 0 : i32
      %dma_wait3A_1776 = tpu.memref_slice %arg11[%dma_wait3A_1774, %dma_wait3A_1775] : memref<1280x32xf32, #tpu.memory_space<vmem>> -> memref<128x32xf32, #tpu.memory_space<vmem>>
      %dma_wait3A_1777 = arith.constant 0 : i32
      %dma_wait3A_1778 = tpu.memref_slice %arg9[%dma_wait3A_1773, %dma_wait3A_1777] : memref<10x128xi32, #tpu.memory_space<vmem>> -> memref<1x128xi32, #tpu.memory_space<vmem>>
      %dma_wait3A_1779 = tpu.memref_squeeze %dma_wait3A_1778 : memref<1x128xi32, #tpu.memory_space<vmem>> -> memref<128xi32, #tpu.memory_space<vmem>>
      %dma_wait3A_1780 = arith.constant 0 : i32
      %dma_wait3A_1781 = arith.constant 0 : i32
      %dma_wait3A_1782 = tpu.memref_slice %arg12[%dma_wait3A_1780, %dma_wait3A_1781] : memref<10112x32xf32, #tpu.memory_space<vmem_shared>> -> memref<10112x32xf32, #tpu.memory_space<vmem_shared>>
      tpu.wait_indirect_dma semaphore(%arg16 : memref<!tpu.dma_semaphore, #tpu.memory_space<semaphore_mem>>) src(%dma_wait3A_1776 : memref<128x32xf32, #tpu.memory_space<vmem>>) dst(%dma_wait3A_1782 : memref<10112x32xf32, #tpu.memory_space<vmem_shared>>)
      %dma_wait3A_1783 = arith.constant 9 : i32
      %dma_wait3A_1784 = arith.constant 1152 : i32
      %dma_wait3A_1785 = arith.constant 0 : i32
      %dma_wait3A_1786 = tpu.memref_slice %arg11[%dma_wait3A_1784, %dma_wait3A_1785] : memref<1280x32xf32, #tpu.memory_space<vmem>> -> memref<128x32xf32, #tpu.memory_space<vmem>>
      %dma_wait3A_1787 = arith.constant 0 : i32
      %dma_wait3A_1788 = tpu.memref_slice %arg9[%dma_wait3A_1783, %dma_wait3A_1787] : memref<10x128xi32, #tpu.memory_space<vmem>> -> memref<1x128xi32, #tpu.memory_space<vmem>>
      %dma_wait3A_1789 = tpu.memref_squeeze %dma_wait3A_1788 : memref<1x128xi32, #tpu.memory_space<vmem>> -> memref<128xi32, #tpu.memory_space<vmem>>
      %dma_wait3A_1790 = arith.constant 0 : i32
      %dma_wait3A_1791 = arith.constant 0 : i32
      %dma_wait3A_1792 = tpu.memref_slice %arg12[%dma_wait3A_1790, %dma_wait3A_1791] : memref<10112x32xf32, #tpu.memory_space<vmem_shared>> -> memref<10112x32xf32, #tpu.memory_space<vmem_shared>>
      tpu.wait_indirect_dma semaphore(%arg16 : memref<!tpu.dma_semaphore, #tpu.memory_space<semaphore_mem>>) src(%dma_wait3A_1786 : memref<128x32xf32, #tpu.memory_space<vmem>>) dst(%dma_wait3A_1792 : memref<10112x32xf32, #tpu.memory_space<vmem_shared>>)
      %mul3A_1793 = arith.constant 2 : i32
      %mul3A_1794 = arith.muli %mul3A_1793, %scan3A_1271 : i32
      %add3A_1795 = arith.constant 1 : i32
      %add3A_1796 = arith.addi %mul3A_1794, %add3A_1795 : i32
      %add3A_1797 = arith.constant 2 : i32
      %add3A_1798 = arith.addi %add3A_1796, %add3A_1797 : i32
      %mul3A_1799 = arith.constant 10 : i32
      %mul3A_1800 = arith.muli %add3A_1798, %mul3A_1799 : i32
      %add3A_1801 = arith.addi %mul3A_2, %mul3A_1800 : i32
      "tpu.region"() ({
        %run_scoped3A = tpu.sem_alloc : memref<!tpu.dma_semaphore, #tpu.memory_space<semaphore_mem>>
        %dma_start3A_1902 = arith.constant 0 : i32
        %dma_start3A_1903 = tpu.memref_slice %arg3[%add3A_1801, %dma_start3A_1902] : memref<2560x128xi32, #tpu.memory_space<hbm>> -> memref<10x128xi32, #tpu.memory_space<hbm>>
        %dma_start3A_1904 = arith.constant 0 : i32
        %dma_start3A_1905 = tpu.memref_slice %arg3[%add3A_1801, %dma_start3A_1904] : memref<2560x128xi32, #tpu.memory_space<hbm>> -> memref<10x128xi32, #tpu.memory_space<hbm>>
        tpu.enqueue_dma source(%dma_start3A_1905 : memref<10x128xi32, #tpu.memory_space<hbm>>) target(%arg7 : memref<10x128xi32, #tpu.memory_space<vmem>>) target_semaphore(%run_scoped3A : memref<!tpu.dma_semaphore, #tpu.memory_space<semaphore_mem>>)
        %dma_wait3A_1906 = arith.constant 0 : i32
        %dma_wait3A_1907 = tpu.memref_slice %arg3[%add3A_1801, %dma_wait3A_1906] : memref<2560x128xi32, #tpu.memory_space<hbm>> -> memref<10x128xi32, #tpu.memory_space<hbm>>
        %dma_wait3A_1908 = arith.constant 0 : i32
        %dma_wait3A_1909 = tpu.memref_slice %arg3[%add3A_1801, %dma_wait3A_1908] : memref<2560x128xi32, #tpu.memory_space<hbm>> -> memref<10x128xi32, #tpu.memory_space<hbm>>
        tpu.wait_dma2 semaphore(%run_scoped3A : memref<!tpu.dma_semaphore, #tpu.memory_space<semaphore_mem>>) src(%dma_wait3A_1909 : memref<10x128xi32, #tpu.memory_space<hbm>>) dst(%arg7 : memref<10x128xi32, #tpu.memory_space<vmem>>)
        tpu.yield
      }) : () -> ()
      "tpu.region"() ({
        %run_scoped3A = tpu.sem_alloc : memref<!tpu.dma_semaphore, #tpu.memory_space<semaphore_mem>>
        %dma_start3A_1902 = arith.constant 0 : i32
        %dma_start3A_1903 = tpu.memref_slice %arg4[%add3A_1801, %dma_start3A_1902] : memref<2560x128xi32, #tpu.memory_space<hbm>> -> memref<10x128xi32, #tpu.memory_space<hbm>>
        %dma_start3A_1904 = arith.constant 0 : i32
        %dma_start3A_1905 = tpu.memref_slice %arg4[%add3A_1801, %dma_start3A_1904] : memref<2560x128xi32, #tpu.memory_space<hbm>> -> memref<10x128xi32, #tpu.memory_space<hbm>>
        tpu.enqueue_dma source(%dma_start3A_1905 : memref<10x128xi32, #tpu.memory_space<hbm>>) target(%arg9 : memref<10x128xi32, #tpu.memory_space<vmem>>) target_semaphore(%run_scoped3A : memref<!tpu.dma_semaphore, #tpu.memory_space<semaphore_mem>>)
        %dma_wait3A_1906 = arith.constant 0 : i32
        %dma_wait3A_1907 = tpu.memref_slice %arg4[%add3A_1801, %dma_wait3A_1906] : memref<2560x128xi32, #tpu.memory_space<hbm>> -> memref<10x128xi32, #tpu.memory_space<hbm>>
        %dma_wait3A_1908 = arith.constant 0 : i32
        %dma_wait3A_1909 = tpu.memref_slice %arg4[%add3A_1801, %dma_wait3A_1908] : memref<2560x128xi32, #tpu.memory_space<hbm>> -> memref<10x128xi32, #tpu.memory_space<hbm>>
        tpu.wait_dma2 semaphore(%run_scoped3A : memref<!tpu.dma_semaphore, #tpu.memory_space<semaphore_mem>>) src(%dma_wait3A_1909 : memref<10x128xi32, #tpu.memory_space<hbm>>) dst(%arg9 : memref<10x128xi32, #tpu.memory_space<vmem>>)
        tpu.yield
      }) : () -> ()
      %dma_start3A_1802 = arith.constant 0 : i32
      %dma_start3A_1803 = arith.constant 0 : i32
      %dma_start3A_1804 = arith.constant 0 : i32
      %dma_start3A_1805 = tpu.memref_slice %arg11[%dma_start3A_1803, %dma_start3A_1804] : memref<1280x32xf32, #tpu.memory_space<vmem>> -> memref<128x32xf32, #tpu.memory_space<vmem>>
      %dma_start3A_1806 = arith.constant 0 : i32
      %dma_start3A_1807 = tpu.memref_slice %arg7[%dma_start3A_1802, %dma_start3A_1806] : memref<10x128xi32, #tpu.memory_space<vmem>> -> memref<1x128xi32, #tpu.memory_space<vmem>>
      %dma_start3A_1808 = tpu.memref_squeeze %dma_start3A_1807 : memref<1x128xi32, #tpu.memory_space<vmem>> -> memref<128xi32, #tpu.memory_space<vmem>>
      %dma_start3A_1809 = arith.constant 0 : i32
      %dma_start3A_1810 = arith.constant 0 : i32
      %dma_start3A_1811 = tpu.memref_slice %arg13[%dma_start3A_1809, %dma_start3A_1810] : memref<10112x32xf32, #tpu.memory_space<vmem_shared>> -> memref<10112x32xf32, #tpu.memory_space<vmem_shared>>
      tpu.enqueue_indirect_dma source(%dma_start3A_1811 : memref<10112x32xf32, #tpu.memory_space<vmem_shared>>) target(%dma_start3A_1805 : memref<128x32xf32, #tpu.memory_space<vmem>>) offsets(%dma_start3A_1808 : memref<128xi32, #tpu.memory_space<vmem>>) semaphore(%arg15 : memref<!tpu.dma_semaphore, #tpu.memory_space<semaphore_mem>>)
      %dma_start3A_1812 = arith.constant 1 : i32
      %dma_start3A_1813 = arith.constant 128 : i32
      %dma_start3A_1814 = arith.constant 0 : i32
      %dma_start3A_1815 = tpu.memref_slice %arg11[%dma_start3A_1813, %dma_start3A_1814] : memref<1280x32xf32, #tpu.memory_space<vmem>> -> memref<128x32xf32, #tpu.memory_space<vmem>>
      %dma_start3A_1816 = arith.constant 0 : i32
      %dma_start3A_1817 = tpu.memref_slice %arg7[%dma_start3A_1812, %dma_start3A_1816] : memref<10x128xi32, #tpu.memory_space<vmem>> -> memref<1x128xi32, #tpu.memory_space<vmem>>
      %dma_start3A_1818 = tpu.memref_squeeze %dma_start3A_1817 : memref<1x128xi32, #tpu.memory_space<vmem>> -> memref<128xi32, #tpu.memory_space<vmem>>
      %dma_start3A_1819 = arith.constant 0 : i32
      %dma_start3A_1820 = arith.constant 0 : i32
      %dma_start3A_1821 = tpu.memref_slice %arg13[%dma_start3A_1819, %dma_start3A_1820] : memref<10112x32xf32, #tpu.memory_space<vmem_shared>> -> memref<10112x32xf32, #tpu.memory_space<vmem_shared>>
      tpu.enqueue_indirect_dma source(%dma_start3A_1821 : memref<10112x32xf32, #tpu.memory_space<vmem_shared>>) target(%dma_start3A_1815 : memref<128x32xf32, #tpu.memory_space<vmem>>) offsets(%dma_start3A_1818 : memref<128xi32, #tpu.memory_space<vmem>>) semaphore(%arg15 : memref<!tpu.dma_semaphore, #tpu.memory_space<semaphore_mem>>)
      %dma_start3A_1822 = arith.constant 2 : i32
      %dma_start3A_1823 = arith.constant 256 : i32
      %dma_start3A_1824 = arith.constant 0 : i32
      %dma_start3A_1825 = tpu.memref_slice %arg11[%dma_start3A_1823, %dma_start3A_1824] : memref<1280x32xf32, #tpu.memory_space<vmem>> -> memref<128x32xf32, #tpu.memory_space<vmem>>
      %dma_start3A_1826 = arith.constant 0 : i32
      %dma_start3A_1827 = tpu.memref_slice %arg7[%dma_start3A_1822, %dma_start3A_1826] : memref<10x128xi32, #tpu.memory_space<vmem>> -> memref<1x128xi32, #tpu.memory_space<vmem>>
      %dma_start3A_1828 = tpu.memref_squeeze %dma_start3A_1827 : memref<1x128xi32, #tpu.memory_space<vmem>> -> memref<128xi32, #tpu.memory_space<vmem>>
      %dma_start3A_1829 = arith.constant 0 : i32
      %dma_start3A_1830 = arith.constant 0 : i32
      %dma_start3A_1831 = tpu.memref_slice %arg13[%dma_start3A_1829, %dma_start3A_1830] : memref<10112x32xf32, #tpu.memory_space<vmem_shared>> -> memref<10112x32xf32, #tpu.memory_space<vmem_shared>>
      tpu.enqueue_indirect_dma source(%dma_start3A_1831 : memref<10112x32xf32, #tpu.memory_space<vmem_shared>>) target(%dma_start3A_1825 : memref<128x32xf32, #tpu.memory_space<vmem>>) offsets(%dma_start3A_1828 : memref<128xi32, #tpu.memory_space<vmem>>) semaphore(%arg15 : memref<!tpu.dma_semaphore, #tpu.memory_space<semaphore_mem>>)
      %dma_start3A_1832 = arith.constant 3 : i32
      %dma_start3A_1833 = arith.constant 384 : i32
      %dma_start3A_1834 = arith.constant 0 : i32
      %dma_start3A_1835 = tpu.memref_slice %arg11[%dma_start3A_1833, %dma_start3A_1834] : memref<1280x32xf32, #tpu.memory_space<vmem>> -> memref<128x32xf32, #tpu.memory_space<vmem>>
      %dma_start3A_1836 = arith.constant 0 : i32
      %dma_start3A_1837 = tpu.memref_slice %arg7[%dma_start3A_1832, %dma_start3A_1836] : memref<10x128xi32, #tpu.memory_space<vmem>> -> memref<1x128xi32, #tpu.memory_space<vmem>>
      %dma_start3A_1838 = tpu.memref_squeeze %dma_start3A_1837 : memref<1x128xi32, #tpu.memory_space<vmem>> -> memref<128xi32, #tpu.memory_space<vmem>>
      %dma_start3A_1839 = arith.constant 0 : i32
      %dma_start3A_1840 = arith.constant 0 : i32
      %dma_start3A_1841 = tpu.memref_slice %arg13[%dma_start3A_1839, %dma_start3A_1840] : memref<10112x32xf32, #tpu.memory_space<vmem_shared>> -> memref<10112x32xf32, #tpu.memory_space<vmem_shared>>
      tpu.enqueue_indirect_dma source(%dma_start3A_1841 : memref<10112x32xf32, #tpu.memory_space<vmem_shared>>) target(%dma_start3A_1835 : memref<128x32xf32, #tpu.memory_space<vmem>>) offsets(%dma_start3A_1838 : memref<128xi32, #tpu.memory_space<vmem>>) semaphore(%arg15 : memref<!tpu.dma_semaphore, #tpu.memory_space<semaphore_mem>>)
      %dma_start3A_1842 = arith.constant 4 : i32
      %dma_start3A_1843 = arith.constant 512 : i32
      %dma_start3A_1844 = arith.constant 0 : i32
      %dma_start3A_1845 = tpu.memref_slice %arg11[%dma_start3A_1843, %dma_start3A_1844] : memref<1280x32xf32, #tpu.memory_space<vmem>> -> memref<128x32xf32, #tpu.memory_space<vmem>>
      %dma_start3A_1846 = arith.constant 0 : i32
      %dma_start3A_1847 = tpu.memref_slice %arg7[%dma_start3A_1842, %dma_start3A_1846] : memref<10x128xi32, #tpu.memory_space<vmem>> -> memref<1x128xi32, #tpu.memory_space<vmem>>
      %dma_start3A_1848 = tpu.memref_squeeze %dma_start3A_1847 : memref<1x128xi32, #tpu.memory_space<vmem>> -> memref<128xi32, #tpu.memory_space<vmem>>
      %dma_start3A_1849 = arith.constant 0 : i32
      %dma_start3A_1850 = arith.constant 0 : i32
      %dma_start3A_1851 = tpu.memref_slice %arg13[%dma_start3A_1849, %dma_start3A_1850] : memref<10112x32xf32, #tpu.memory_space<vmem_shared>> -> memref<10112x32xf32, #tpu.memory_space<vmem_shared>>
      tpu.enqueue_indirect_dma source(%dma_start3A_1851 : memref<10112x32xf32, #tpu.memory_space<vmem_shared>>) target(%dma_start3A_1845 : memref<128x32xf32, #tpu.memory_space<vmem>>) offsets(%dma_start3A_1848 : memref<128xi32, #tpu.memory_space<vmem>>) semaphore(%arg15 : memref<!tpu.dma_semaphore, #tpu.memory_space<semaphore_mem>>)
      %dma_start3A_1852 = arith.constant 5 : i32
      %dma_start3A_1853 = arith.constant 640 : i32
      %dma_start3A_1854 = arith.constant 0 : i32
      %dma_start3A_1855 = tpu.memref_slice %arg11[%dma_start3A_1853, %dma_start3A_1854] : memref<1280x32xf32, #tpu.memory_space<vmem>> -> memref<128x32xf32, #tpu.memory_space<vmem>>
      %dma_start3A_1856 = arith.constant 0 : i32
      %dma_start3A_1857 = tpu.memref_slice %arg7[%dma_start3A_1852, %dma_start3A_1856] : memref<10x128xi32, #tpu.memory_space<vmem>> -> memref<1x128xi32, #tpu.memory_space<vmem>>
      %dma_start3A_1858 = tpu.memref_squeeze %dma_start3A_1857 : memref<1x128xi32, #tpu.memory_space<vmem>> -> memref<128xi32, #tpu.memory_space<vmem>>
      %dma_start3A_1859 = arith.constant 0 : i32
      %dma_start3A_1860 = arith.constant 0 : i32
      %dma_start3A_1861 = tpu.memref_slice %arg13[%dma_start3A_1859, %dma_start3A_1860] : memref<10112x32xf32, #tpu.memory_space<vmem_shared>> -> memref<10112x32xf32, #tpu.memory_space<vmem_shared>>
      tpu.enqueue_indirect_dma source(%dma_start3A_1861 : memref<10112x32xf32, #tpu.memory_space<vmem_shared>>) target(%dma_start3A_1855 : memref<128x32xf32, #tpu.memory_space<vmem>>) offsets(%dma_start3A_1858 : memref<128xi32, #tpu.memory_space<vmem>>) semaphore(%arg15 : memref<!tpu.dma_semaphore, #tpu.memory_space<semaphore_mem>>)
      %dma_start3A_1862 = arith.constant 6 : i32
      %dma_start3A_1863 = arith.constant 768 : i32
      %dma_start3A_1864 = arith.constant 0 : i32
      %dma_start3A_1865 = tpu.memref_slice %arg11[%dma_start3A_1863, %dma_start3A_1864] : memref<1280x32xf32, #tpu.memory_space<vmem>> -> memref<128x32xf32, #tpu.memory_space<vmem>>
      %dma_start3A_1866 = arith.constant 0 : i32
      %dma_start3A_1867 = tpu.memref_slice %arg7[%dma_start3A_1862, %dma_start3A_1866] : memref<10x128xi32, #tpu.memory_space<vmem>> -> memref<1x128xi32, #tpu.memory_space<vmem>>
      %dma_start3A_1868 = tpu.memref_squeeze %dma_start3A_1867 : memref<1x128xi32, #tpu.memory_space<vmem>> -> memref<128xi32, #tpu.memory_space<vmem>>
      %dma_start3A_1869 = arith.constant 0 : i32
      %dma_start3A_1870 = arith.constant 0 : i32
      %dma_start3A_1871 = tpu.memref_slice %arg13[%dma_start3A_1869, %dma_start3A_1870] : memref<10112x32xf32, #tpu.memory_space<vmem_shared>> -> memref<10112x32xf32, #tpu.memory_space<vmem_shared>>
      tpu.enqueue_indirect_dma source(%dma_start3A_1871 : memref<10112x32xf32, #tpu.memory_space<vmem_shared>>) target(%dma_start3A_1865 : memref<128x32xf32, #tpu.memory_space<vmem>>) offsets(%dma_start3A_1868 : memref<128xi32, #tpu.memory_space<vmem>>) semaphore(%arg15 : memref<!tpu.dma_semaphore, #tpu.memory_space<semaphore_mem>>)
      %dma_start3A_1872 = arith.constant 7 : i32
      %dma_start3A_1873 = arith.constant 896 : i32
      %dma_start3A_1874 = arith.constant 0 : i32
      %dma_start3A_1875 = tpu.memref_slice %arg11[%dma_start3A_1873, %dma_start3A_1874] : memref<1280x32xf32, #tpu.memory_space<vmem>> -> memref<128x32xf32, #tpu.memory_space<vmem>>
      %dma_start3A_1876 = arith.constant 0 : i32
      %dma_start3A_1877 = tpu.memref_slice %arg7[%dma_start3A_1872, %dma_start3A_1876] : memref<10x128xi32, #tpu.memory_space<vmem>> -> memref<1x128xi32, #tpu.memory_space<vmem>>
      %dma_start3A_1878 = tpu.memref_squeeze %dma_start3A_1877 : memref<1x128xi32, #tpu.memory_space<vmem>> -> memref<128xi32, #tpu.memory_space<vmem>>
      %dma_start3A_1879 = arith.constant 0 : i32
      %dma_start3A_1880 = arith.constant 0 : i32
      %dma_start3A_1881 = tpu.memref_slice %arg13[%dma_start3A_1879, %dma_start3A_1880] : memref<10112x32xf32, #tpu.memory_space<vmem_shared>> -> memref<10112x32xf32, #tpu.memory_space<vmem_shared>>
      tpu.enqueue_indirect_dma source(%dma_start3A_1881 : memref<10112x32xf32, #tpu.memory_space<vmem_shared>>) target(%dma_start3A_1875 : memref<128x32xf32, #tpu.memory_space<vmem>>) offsets(%dma_start3A_1878 : memref<128xi32, #tpu.memory_space<vmem>>) semaphore(%arg15 : memref<!tpu.dma_semaphore, #tpu.memory_space<semaphore_mem>>)
      %dma_start3A_1882 = arith.constant 8 : i32
      %dma_start3A_1883 = arith.constant 1024 : i32
      %dma_start3A_1884 = arith.constant 0 : i32
      %dma_start3A_1885 = tpu.memref_slice %arg11[%dma_start3A_1883, %dma_start3A_1884] : memref<1280x32xf32, #tpu.memory_space<vmem>> -> memref<128x32xf32, #tpu.memory_space<vmem>>
      %dma_start3A_1886 = arith.constant 0 : i32
      %dma_start3A_1887 = tpu.memref_slice %arg7[%dma_start3A_1882, %dma_start3A_1886] : memref<10x128xi32, #tpu.memory_space<vmem>> -> memref<1x128xi32, #tpu.memory_space<vmem>>
      %dma_start3A_1888 = tpu.memref_squeeze %dma_start3A_1887 : memref<1x128xi32, #tpu.memory_space<vmem>> -> memref<128xi32, #tpu.memory_space<vmem>>
      %dma_start3A_1889 = arith.constant 0 : i32
      %dma_start3A_1890 = arith.constant 0 : i32
      %dma_start3A_1891 = tpu.memref_slice %arg13[%dma_start3A_1889, %dma_start3A_1890] : memref<10112x32xf32, #tpu.memory_space<vmem_shared>> -> memref<10112x32xf32, #tpu.memory_space<vmem_shared>>
      tpu.enqueue_indirect_dma source(%dma_start3A_1891 : memref<10112x32xf32, #tpu.memory_space<vmem_shared>>) target(%dma_start3A_1885 : memref<128x32xf32, #tpu.memory_space<vmem>>) offsets(%dma_start3A_1888 : memref<128xi32, #tpu.memory_space<vmem>>) semaphore(%arg15 : memref<!tpu.dma_semaphore, #tpu.memory_space<semaphore_mem>>)
      %dma_start3A_1892 = arith.constant 9 : i32
      %dma_start3A_1893 = arith.constant 1152 : i32
      %dma_start3A_1894 = arith.constant 0 : i32
      %dma_start3A_1895 = tpu.memref_slice %arg11[%dma_start3A_1893, %dma_start3A_1894] : memref<1280x32xf32, #tpu.memory_space<vmem>> -> memref<128x32xf32, #tpu.memory_space<vmem>>
      %dma_start3A_1896 = arith.constant 0 : i32
      %dma_start3A_1897 = tpu.memref_slice %arg7[%dma_start3A_1892, %dma_start3A_1896] : memref<10x128xi32, #tpu.memory_space<vmem>> -> memref<1x128xi32, #tpu.memory_space<vmem>>
      %dma_start3A_1898 = tpu.memref_squeeze %dma_start3A_1897 : memref<1x128xi32, #tpu.memory_space<vmem>> -> memref<128xi32, #tpu.memory_space<vmem>>
      %dma_start3A_1899 = arith.constant 0 : i32
      %dma_start3A_1900 = arith.constant 0 : i32
      %dma_start3A_1901 = tpu.memref_slice %arg13[%dma_start3A_1899, %dma_start3A_1900] : memref<10112x32xf32, #tpu.memory_space<vmem_shared>> -> memref<10112x32xf32, #tpu.memory_space<vmem_shared>>
      tpu.enqueue_indirect_dma source(%dma_start3A_1901 : memref<10112x32xf32, #tpu.memory_space<vmem_shared>>) target(%dma_start3A_1895 : memref<128x32xf32, #tpu.memory_space<vmem>>) offsets(%dma_start3A_1898 : memref<128xi32, #tpu.memory_space<vmem>>) semaphore(%arg15 : memref<!tpu.dma_semaphore, #tpu.memory_space<semaphore_mem>>)
    }
    %scan3A_853 = arith.constant 3 : i32
    %dma_wait3A_854 = arith.constant 0 : i32
    %dma_wait3A_855 = arith.constant 0 : i32
    %dma_wait3A_856 = tpu.memref_slice %arg2[%dma_wait3A_854, %dma_wait3A_855] : memref<10112x64xf32, #tpu.memory_space<hbm>> -> memref<1280x32xf32, #tpu.memory_space<hbm>>
    %dma_wait3A_857 = arith.constant 0 : i32
    %dma_wait3A_858 = arith.constant 0 : i32
    %dma_wait3A_859 = tpu.memref_slice %arg2[%dma_wait3A_857, %dma_wait3A_858] : memref<10112x64xf32, #tpu.memory_space<hbm>> -> memref<1280x32xf32, #tpu.memory_space<hbm>>
    tpu.wait_dma2 semaphore(%arg14 : memref<!tpu.dma_semaphore, #tpu.memory_space<semaphore_mem>>) src(%dma_wait3A_859 : memref<1280x32xf32, #tpu.memory_space<hbm>>) dst(%arg10 : memref<1280x32xf32, #tpu.memory_space<vmem>>)
    %dma_start3A_860 = arith.constant 0 : i32
    %dma_start3A_861 = arith.constant 0 : i32
    %dma_start3A_862 = arith.constant 0 : i32
    %dma_start3A_863 = tpu.memref_slice %arg10[%dma_start3A_861, %dma_start3A_862] : memref<1280x32xf32, #tpu.memory_space<vmem>> -> memref<128x32xf32, #tpu.memory_space<vmem>>
    %dma_start3A_864 = arith.constant 0 : i32
    %dma_start3A_865 = tpu.memref_slice %arg8[%dma_start3A_860, %dma_start3A_864] : memref<10x128xi32, #tpu.memory_space<vmem>> -> memref<1x128xi32, #tpu.memory_space<vmem>>
    %dma_start3A_866 = tpu.memref_squeeze %dma_start3A_865 : memref<1x128xi32, #tpu.memory_space<vmem>> -> memref<128xi32, #tpu.memory_space<vmem>>
    %dma_start3A_867 = arith.constant 0 : i32
    %dma_start3A_868 = arith.constant 0 : i32
    %dma_start3A_869 = tpu.memref_slice %arg12[%dma_start3A_867, %dma_start3A_868] : memref<10112x32xf32, #tpu.memory_space<vmem_shared>> -> memref<10112x32xf32, #tpu.memory_space<vmem_shared>>
    tpu.enqueue_indirect_dma source(%dma_start3A_863 : memref<128x32xf32, #tpu.memory_space<vmem>>) target(%dma_start3A_869 : memref<10112x32xf32, #tpu.memory_space<vmem_shared>>) offsets(%dma_start3A_866 : memref<128xi32, #tpu.memory_space<vmem>>) semaphore(%arg16 : memref<!tpu.dma_semaphore, #tpu.memory_space<semaphore_mem>>) {add = true}
    %dma_start3A_870 = arith.constant 1 : i32
    %dma_start3A_871 = arith.constant 128 : i32
    %dma_start3A_872 = arith.constant 0 : i32
    %dma_start3A_873 = tpu.memref_slice %arg10[%dma_start3A_871, %dma_start3A_872] : memref<1280x32xf32, #tpu.memory_space<vmem>> -> memref<128x32xf32, #tpu.memory_space<vmem>>
    %dma_start3A_874 = arith.constant 0 : i32
    %dma_start3A_875 = tpu.memref_slice %arg8[%dma_start3A_870, %dma_start3A_874] : memref<10x128xi32, #tpu.memory_space<vmem>> -> memref<1x128xi32, #tpu.memory_space<vmem>>
    %dma_start3A_876 = tpu.memref_squeeze %dma_start3A_875 : memref<1x128xi32, #tpu.memory_space<vmem>> -> memref<128xi32, #tpu.memory_space<vmem>>
    %dma_start3A_877 = arith.constant 0 : i32
    %dma_start3A_878 = arith.constant 0 : i32
    %dma_start3A_879 = tpu.memref_slice %arg12[%dma_start3A_877, %dma_start3A_878] : memref<10112x32xf32, #tpu.memory_space<vmem_shared>> -> memref<10112x32xf32, #tpu.memory_space<vmem_shared>>
    tpu.enqueue_indirect_dma source(%dma_start3A_873 : memref<128x32xf32, #tpu.memory_space<vmem>>) target(%dma_start3A_879 : memref<10112x32xf32, #tpu.memory_space<vmem_shared>>) offsets(%dma_start3A_876 : memref<128xi32, #tpu.memory_space<vmem>>) semaphore(%arg16 : memref<!tpu.dma_semaphore, #tpu.memory_space<semaphore_mem>>) {add = true}
    %dma_start3A_880 = arith.constant 2 : i32
    %dma_start3A_881 = arith.constant 256 : i32
    %dma_start3A_882 = arith.constant 0 : i32
    %dma_start3A_883 = tpu.memref_slice %arg10[%dma_start3A_881, %dma_start3A_882] : memref<1280x32xf32, #tpu.memory_space<vmem>> -> memref<128x32xf32, #tpu.memory_space<vmem>>
    %dma_start3A_884 = arith.constant 0 : i32
    %dma_start3A_885 = tpu.memref_slice %arg8[%dma_start3A_880, %dma_start3A_884] : memref<10x128xi32, #tpu.memory_space<vmem>> -> memref<1x128xi32, #tpu.memory_space<vmem>>
    %dma_start3A_886 = tpu.memref_squeeze %dma_start3A_885 : memref<1x128xi32, #tpu.memory_space<vmem>> -> memref<128xi32, #tpu.memory_space<vmem>>
    %dma_start3A_887 = arith.constant 0 : i32
    %dma_start3A_888 = arith.constant 0 : i32
    %dma_start3A_889 = tpu.memref_slice %arg12[%dma_start3A_887, %dma_start3A_888] : memref<10112x32xf32, #tpu.memory_space<vmem_shared>> -> memref<10112x32xf32, #tpu.memory_space<vmem_shared>>
    tpu.enqueue_indirect_dma source(%dma_start3A_883 : memref<128x32xf32, #tpu.memory_space<vmem>>) target(%dma_start3A_889 : memref<10112x32xf32, #tpu.memory_space<vmem_shared>>) offsets(%dma_start3A_886 : memref<128xi32, #tpu.memory_space<vmem>>) semaphore(%arg16 : memref<!tpu.dma_semaphore, #tpu.memory_space<semaphore_mem>>) {add = true}
    %dma_start3A_890 = arith.constant 3 : i32
    %dma_start3A_891 = arith.constant 384 : i32
    %dma_start3A_892 = arith.constant 0 : i32
    %dma_start3A_893 = tpu.memref_slice %arg10[%dma_start3A_891, %dma_start3A_892] : memref<1280x32xf32, #tpu.memory_space<vmem>> -> memref<128x32xf32, #tpu.memory_space<vmem>>
    %dma_start3A_894 = arith.constant 0 : i32
    %dma_start3A_895 = tpu.memref_slice %arg8[%dma_start3A_890, %dma_start3A_894] : memref<10x128xi32, #tpu.memory_space<vmem>> -> memref<1x128xi32, #tpu.memory_space<vmem>>
    %dma_start3A_896 = tpu.memref_squeeze %dma_start3A_895 : memref<1x128xi32, #tpu.memory_space<vmem>> -> memref<128xi32, #tpu.memory_space<vmem>>
    %dma_start3A_897 = arith.constant 0 : i32
    %dma_start3A_898 = arith.constant 0 : i32
    %dma_start3A_899 = tpu.memref_slice %arg12[%dma_start3A_897, %dma_start3A_898] : memref<10112x32xf32, #tpu.memory_space<vmem_shared>> -> memref<10112x32xf32, #tpu.memory_space<vmem_shared>>
    tpu.enqueue_indirect_dma source(%dma_start3A_893 : memref<128x32xf32, #tpu.memory_space<vmem>>) target(%dma_start3A_899 : memref<10112x32xf32, #tpu.memory_space<vmem_shared>>) offsets(%dma_start3A_896 : memref<128xi32, #tpu.memory_space<vmem>>) semaphore(%arg16 : memref<!tpu.dma_semaphore, #tpu.memory_space<semaphore_mem>>) {add = true}
    %dma_start3A_900 = arith.constant 4 : i32
    %dma_start3A_901 = arith.constant 512 : i32
    %dma_start3A_902 = arith.constant 0 : i32
    %dma_start3A_903 = tpu.memref_slice %arg10[%dma_start3A_901, %dma_start3A_902] : memref<1280x32xf32, #tpu.memory_space<vmem>> -> memref<128x32xf32, #tpu.memory_space<vmem>>
    %dma_start3A_904 = arith.constant 0 : i32
    %dma_start3A_905 = tpu.memref_slice %arg8[%dma_start3A_900, %dma_start3A_904] : memref<10x128xi32, #tpu.memory_space<vmem>> -> memref<1x128xi32, #tpu.memory_space<vmem>>
    %dma_start3A_906 = tpu.memref_squeeze %dma_start3A_905 : memref<1x128xi32, #tpu.memory_space<vmem>> -> memref<128xi32, #tpu.memory_space<vmem>>
    %dma_start3A_907 = arith.constant 0 : i32
    %dma_start3A_908 = arith.constant 0 : i32
    %dma_start3A_909 = tpu.memref_slice %arg12[%dma_start3A_907, %dma_start3A_908] : memref<10112x32xf32, #tpu.memory_space<vmem_shared>> -> memref<10112x32xf32, #tpu.memory_space<vmem_shared>>
    tpu.enqueue_indirect_dma source(%dma_start3A_903 : memref<128x32xf32, #tpu.memory_space<vmem>>) target(%dma_start3A_909 : memref<10112x32xf32, #tpu.memory_space<vmem_shared>>) offsets(%dma_start3A_906 : memref<128xi32, #tpu.memory_space<vmem>>) semaphore(%arg16 : memref<!tpu.dma_semaphore, #tpu.memory_space<semaphore_mem>>) {add = true}
    %dma_start3A_910 = arith.constant 5 : i32
    %dma_start3A_911 = arith.constant 640 : i32
    %dma_start3A_912 = arith.constant 0 : i32
    %dma_start3A_913 = tpu.memref_slice %arg10[%dma_start3A_911, %dma_start3A_912] : memref<1280x32xf32, #tpu.memory_space<vmem>> -> memref<128x32xf32, #tpu.memory_space<vmem>>
    %dma_start3A_914 = arith.constant 0 : i32
    %dma_start3A_915 = tpu.memref_slice %arg8[%dma_start3A_910, %dma_start3A_914] : memref<10x128xi32, #tpu.memory_space<vmem>> -> memref<1x128xi32, #tpu.memory_space<vmem>>
    %dma_start3A_916 = tpu.memref_squeeze %dma_start3A_915 : memref<1x128xi32, #tpu.memory_space<vmem>> -> memref<128xi32, #tpu.memory_space<vmem>>
    %dma_start3A_917 = arith.constant 0 : i32
    %dma_start3A_918 = arith.constant 0 : i32
    %dma_start3A_919 = tpu.memref_slice %arg12[%dma_start3A_917, %dma_start3A_918] : memref<10112x32xf32, #tpu.memory_space<vmem_shared>> -> memref<10112x32xf32, #tpu.memory_space<vmem_shared>>
    tpu.enqueue_indirect_dma source(%dma_start3A_913 : memref<128x32xf32, #tpu.memory_space<vmem>>) target(%dma_start3A_919 : memref<10112x32xf32, #tpu.memory_space<vmem_shared>>) offsets(%dma_start3A_916 : memref<128xi32, #tpu.memory_space<vmem>>) semaphore(%arg16 : memref<!tpu.dma_semaphore, #tpu.memory_space<semaphore_mem>>) {add = true}
    %dma_start3A_920 = arith.constant 6 : i32
    %dma_start3A_921 = arith.constant 768 : i32
    %dma_start3A_922 = arith.constant 0 : i32
    %dma_start3A_923 = tpu.memref_slice %arg10[%dma_start3A_921, %dma_start3A_922] : memref<1280x32xf32, #tpu.memory_space<vmem>> -> memref<128x32xf32, #tpu.memory_space<vmem>>
    %dma_start3A_924 = arith.constant 0 : i32
    %dma_start3A_925 = tpu.memref_slice %arg8[%dma_start3A_920, %dma_start3A_924] : memref<10x128xi32, #tpu.memory_space<vmem>> -> memref<1x128xi32, #tpu.memory_space<vmem>>
    %dma_start3A_926 = tpu.memref_squeeze %dma_start3A_925 : memref<1x128xi32, #tpu.memory_space<vmem>> -> memref<128xi32, #tpu.memory_space<vmem>>
    %dma_start3A_927 = arith.constant 0 : i32
    %dma_start3A_928 = arith.constant 0 : i32
    %dma_start3A_929 = tpu.memref_slice %arg12[%dma_start3A_927, %dma_start3A_928] : memref<10112x32xf32, #tpu.memory_space<vmem_shared>> -> memref<10112x32xf32, #tpu.memory_space<vmem_shared>>
    tpu.enqueue_indirect_dma source(%dma_start3A_923 : memref<128x32xf32, #tpu.memory_space<vmem>>) target(%dma_start3A_929 : memref<10112x32xf32, #tpu.memory_space<vmem_shared>>) offsets(%dma_start3A_926 : memref<128xi32, #tpu.memory_space<vmem>>) semaphore(%arg16 : memref<!tpu.dma_semaphore, #tpu.memory_space<semaphore_mem>>) {add = true}
    %dma_start3A_930 = arith.constant 7 : i32
    %dma_start3A_931 = arith.constant 896 : i32
    %dma_start3A_932 = arith.constant 0 : i32
    %dma_start3A_933 = tpu.memref_slice %arg10[%dma_start3A_931, %dma_start3A_932] : memref<1280x32xf32, #tpu.memory_space<vmem>> -> memref<128x32xf32, #tpu.memory_space<vmem>>
    %dma_start3A_934 = arith.constant 0 : i32
    %dma_start3A_935 = tpu.memref_slice %arg8[%dma_start3A_930, %dma_start3A_934] : memref<10x128xi32, #tpu.memory_space<vmem>> -> memref<1x128xi32, #tpu.memory_space<vmem>>
    %dma_start3A_936 = tpu.memref_squeeze %dma_start3A_935 : memref<1x128xi32, #tpu.memory_space<vmem>> -> memref<128xi32, #tpu.memory_space<vmem>>
    %dma_start3A_937 = arith.constant 0 : i32
    %dma_start3A_938 = arith.constant 0 : i32
    %dma_start3A_939 = tpu.memref_slice %arg12[%dma_start3A_937, %dma_start3A_938] : memref<10112x32xf32, #tpu.memory_space<vmem_shared>> -> memref<10112x32xf32, #tpu.memory_space<vmem_shared>>
    tpu.enqueue_indirect_dma source(%dma_start3A_933 : memref<128x32xf32, #tpu.memory_space<vmem>>) target(%dma_start3A_939 : memref<10112x32xf32, #tpu.memory_space<vmem_shared>>) offsets(%dma_start3A_936 : memref<128xi32, #tpu.memory_space<vmem>>) semaphore(%arg16 : memref<!tpu.dma_semaphore, #tpu.memory_space<semaphore_mem>>) {add = true}
    %dma_start3A_940 = arith.constant 8 : i32
    %dma_start3A_941 = arith.constant 1024 : i32
    %dma_start3A_942 = arith.constant 0 : i32
    %dma_start3A_943 = tpu.memref_slice %arg10[%dma_start3A_941, %dma_start3A_942] : memref<1280x32xf32, #tpu.memory_space<vmem>> -> memref<128x32xf32, #tpu.memory_space<vmem>>
    %dma_start3A_944 = arith.constant 0 : i32
    %dma_start3A_945 = tpu.memref_slice %arg8[%dma_start3A_940, %dma_start3A_944] : memref<10x128xi32, #tpu.memory_space<vmem>> -> memref<1x128xi32, #tpu.memory_space<vmem>>
    %dma_start3A_946 = tpu.memref_squeeze %dma_start3A_945 : memref<1x128xi32, #tpu.memory_space<vmem>> -> memref<128xi32, #tpu.memory_space<vmem>>
    %dma_start3A_947 = arith.constant 0 : i32
    %dma_start3A_948 = arith.constant 0 : i32
    %dma_start3A_949 = tpu.memref_slice %arg12[%dma_start3A_947, %dma_start3A_948] : memref<10112x32xf32, #tpu.memory_space<vmem_shared>> -> memref<10112x32xf32, #tpu.memory_space<vmem_shared>>
    tpu.enqueue_indirect_dma source(%dma_start3A_943 : memref<128x32xf32, #tpu.memory_space<vmem>>) target(%dma_start3A_949 : memref<10112x32xf32, #tpu.memory_space<vmem_shared>>) offsets(%dma_start3A_946 : memref<128xi32, #tpu.memory_space<vmem>>) semaphore(%arg16 : memref<!tpu.dma_semaphore, #tpu.memory_space<semaphore_mem>>) {add = true}
    %dma_start3A_950 = arith.constant 9 : i32
    %dma_start3A_951 = arith.constant 1152 : i32
    %dma_start3A_952 = arith.constant 0 : i32
    %dma_start3A_953 = tpu.memref_slice %arg10[%dma_start3A_951, %dma_start3A_952] : memref<1280x32xf32, #tpu.memory_space<vmem>> -> memref<128x32xf32, #tpu.memory_space<vmem>>
    %dma_start3A_954 = arith.constant 0 : i32
    %dma_start3A_955 = tpu.memref_slice %arg8[%dma_start3A_950, %dma_start3A_954] : memref<10x128xi32, #tpu.memory_space<vmem>> -> memref<1x128xi32, #tpu.memory_space<vmem>>
    %dma_start3A_956 = tpu.memref_squeeze %dma_start3A_955 : memref<1x128xi32, #tpu.memory_space<vmem>> -> memref<128xi32, #tpu.memory_space<vmem>>
    %dma_start3A_957 = arith.constant 0 : i32
    %dma_start3A_958 = arith.constant 0 : i32
    %dma_start3A_959 = tpu.memref_slice %arg12[%dma_start3A_957, %dma_start3A_958] : memref<10112x32xf32, #tpu.memory_space<vmem_shared>> -> memref<10112x32xf32, #tpu.memory_space<vmem_shared>>
    tpu.enqueue_indirect_dma source(%dma_start3A_953 : memref<128x32xf32, #tpu.memory_space<vmem>>) target(%dma_start3A_959 : memref<10112x32xf32, #tpu.memory_space<vmem_shared>>) offsets(%dma_start3A_956 : memref<128xi32, #tpu.memory_space<vmem>>) semaphore(%arg16 : memref<!tpu.dma_semaphore, #tpu.memory_space<semaphore_mem>>) {add = true}
    %dma_wait3A_960 = arith.constant 0 : i32
    %dma_wait3A_961 = arith.constant 0 : i32
    %dma_wait3A_962 = arith.constant 0 : i32
    %dma_wait3A_963 = tpu.memref_slice %arg10[%dma_wait3A_961, %dma_wait3A_962] : memref<1280x32xf32, #tpu.memory_space<vmem>> -> memref<128x32xf32, #tpu.memory_space<vmem>>
    %dma_wait3A_964 = arith.constant 0 : i32
    %dma_wait3A_965 = tpu.memref_slice %arg8[%dma_wait3A_960, %dma_wait3A_964] : memref<10x128xi32, #tpu.memory_space<vmem>> -> memref<1x128xi32, #tpu.memory_space<vmem>>
    %dma_wait3A_966 = tpu.memref_squeeze %dma_wait3A_965 : memref<1x128xi32, #tpu.memory_space<vmem>> -> memref<128xi32, #tpu.memory_space<vmem>>
    %dma_wait3A_967 = arith.constant 0 : i32
    %dma_wait3A_968 = arith.constant 0 : i32
    %dma_wait3A_969 = tpu.memref_slice %arg12[%dma_wait3A_967, %dma_wait3A_968] : memref<10112x32xf32, #tpu.memory_space<vmem_shared>> -> memref<10112x32xf32, #tpu.memory_space<vmem_shared>>
    tpu.wait_indirect_dma semaphore(%arg16 : memref<!tpu.dma_semaphore, #tpu.memory_space<semaphore_mem>>) src(%dma_wait3A_963 : memref<128x32xf32, #tpu.memory_space<vmem>>) dst(%dma_wait3A_969 : memref<10112x32xf32, #tpu.memory_space<vmem_shared>>)
    %dma_wait3A_970 = arith.constant 1 : i32
    %dma_wait3A_971 = arith.constant 128 : i32
    %dma_wait3A_972 = arith.constant 0 : i32
    %dma_wait3A_973 = tpu.memref_slice %arg10[%dma_wait3A_971, %dma_wait3A_972] : memref<1280x32xf32, #tpu.memory_space<vmem>> -> memref<128x32xf32, #tpu.memory_space<vmem>>
    %dma_wait3A_974 = arith.constant 0 : i32
    %dma_wait3A_975 = tpu.memref_slice %arg8[%dma_wait3A_970, %dma_wait3A_974] : memref<10x128xi32, #tpu.memory_space<vmem>> -> memref<1x128xi32, #tpu.memory_space<vmem>>
    %dma_wait3A_976 = tpu.memref_squeeze %dma_wait3A_975 : memref<1x128xi32, #tpu.memory_space<vmem>> -> memref<128xi32, #tpu.memory_space<vmem>>
    %dma_wait3A_977 = arith.constant 0 : i32
    %dma_wait3A_978 = arith.constant 0 : i32
    %dma_wait3A_979 = tpu.memref_slice %arg12[%dma_wait3A_977, %dma_wait3A_978] : memref<10112x32xf32, #tpu.memory_space<vmem_shared>> -> memref<10112x32xf32, #tpu.memory_space<vmem_shared>>
    tpu.wait_indirect_dma semaphore(%arg16 : memref<!tpu.dma_semaphore, #tpu.memory_space<semaphore_mem>>) src(%dma_wait3A_973 : memref<128x32xf32, #tpu.memory_space<vmem>>) dst(%dma_wait3A_979 : memref<10112x32xf32, #tpu.memory_space<vmem_shared>>)
    %dma_wait3A_980 = arith.constant 2 : i32
    %dma_wait3A_981 = arith.constant 256 : i32
    %dma_wait3A_982 = arith.constant 0 : i32
    %dma_wait3A_983 = tpu.memref_slice %arg10[%dma_wait3A_981, %dma_wait3A_982] : memref<1280x32xf32, #tpu.memory_space<vmem>> -> memref<128x32xf32, #tpu.memory_space<vmem>>
    %dma_wait3A_984 = arith.constant 0 : i32
    %dma_wait3A_985 = tpu.memref_slice %arg8[%dma_wait3A_980, %dma_wait3A_984] : memref<10x128xi32, #tpu.memory_space<vmem>> -> memref<1x128xi32, #tpu.memory_space<vmem>>
    %dma_wait3A_986 = tpu.memref_squeeze %dma_wait3A_985 : memref<1x128xi32, #tpu.memory_space<vmem>> -> memref<128xi32, #tpu.memory_space<vmem>>
    %dma_wait3A_987 = arith.constant 0 : i32
    %dma_wait3A_988 = arith.constant 0 : i32
    %dma_wait3A_989 = tpu.memref_slice %arg12[%dma_wait3A_987, %dma_wait3A_988] : memref<10112x32xf32, #tpu.memory_space<vmem_shared>> -> memref<10112x32xf32, #tpu.memory_space<vmem_shared>>
    tpu.wait_indirect_dma semaphore(%arg16 : memref<!tpu.dma_semaphore, #tpu.memory_space<semaphore_mem>>) src(%dma_wait3A_983 : memref<128x32xf32, #tpu.memory_space<vmem>>) dst(%dma_wait3A_989 : memref<10112x32xf32, #tpu.memory_space<vmem_shared>>)
    %dma_wait3A_990 = arith.constant 3 : i32
    %dma_wait3A_991 = arith.constant 384 : i32
    %dma_wait3A_992 = arith.constant 0 : i32
    %dma_wait3A_993 = tpu.memref_slice %arg10[%dma_wait3A_991, %dma_wait3A_992] : memref<1280x32xf32, #tpu.memory_space<vmem>> -> memref<128x32xf32, #tpu.memory_space<vmem>>
    %dma_wait3A_994 = arith.constant 0 : i32
    %dma_wait3A_995 = tpu.memref_slice %arg8[%dma_wait3A_990, %dma_wait3A_994] : memref<10x128xi32, #tpu.memory_space<vmem>> -> memref<1x128xi32, #tpu.memory_space<vmem>>
    %dma_wait3A_996 = tpu.memref_squeeze %dma_wait3A_995 : memref<1x128xi32, #tpu.memory_space<vmem>> -> memref<128xi32, #tpu.memory_space<vmem>>
    %dma_wait3A_997 = arith.constant 0 : i32
    %dma_wait3A_998 = arith.constant 0 : i32
    %dma_wait3A_999 = tpu.memref_slice %arg12[%dma_wait3A_997, %dma_wait3A_998] : memref<10112x32xf32, #tpu.memory_space<vmem_shared>> -> memref<10112x32xf32, #tpu.memory_space<vmem_shared>>
    tpu.wait_indirect_dma semaphore(%arg16 : memref<!tpu.dma_semaphore, #tpu.memory_space<semaphore_mem>>) src(%dma_wait3A_993 : memref<128x32xf32, #tpu.memory_space<vmem>>) dst(%dma_wait3A_999 : memref<10112x32xf32, #tpu.memory_space<vmem_shared>>)
    %dma_wait3A_1000 = arith.constant 4 : i32
    %dma_wait3A_1001 = arith.constant 512 : i32
    %dma_wait3A_1002 = arith.constant 0 : i32
    %dma_wait3A_1003 = tpu.memref_slice %arg10[%dma_wait3A_1001, %dma_wait3A_1002] : memref<1280x32xf32, #tpu.memory_space<vmem>> -> memref<128x32xf32, #tpu.memory_space<vmem>>
    %dma_wait3A_1004 = arith.constant 0 : i32
    %dma_wait3A_1005 = tpu.memref_slice %arg8[%dma_wait3A_1000, %dma_wait3A_1004] : memref<10x128xi32, #tpu.memory_space<vmem>> -> memref<1x128xi32, #tpu.memory_space<vmem>>
    %dma_wait3A_1006 = tpu.memref_squeeze %dma_wait3A_1005 : memref<1x128xi32, #tpu.memory_space<vmem>> -> memref<128xi32, #tpu.memory_space<vmem>>
    %dma_wait3A_1007 = arith.constant 0 : i32
    %dma_wait3A_1008 = arith.constant 0 : i32
    %dma_wait3A_1009 = tpu.memref_slice %arg12[%dma_wait3A_1007, %dma_wait3A_1008] : memref<10112x32xf32, #tpu.memory_space<vmem_shared>> -> memref<10112x32xf32, #tpu.memory_space<vmem_shared>>
    tpu.wait_indirect_dma semaphore(%arg16 : memref<!tpu.dma_semaphore, #tpu.memory_space<semaphore_mem>>) src(%dma_wait3A_1003 : memref<128x32xf32, #tpu.memory_space<vmem>>) dst(%dma_wait3A_1009 : memref<10112x32xf32, #tpu.memory_space<vmem_shared>>)
    %dma_wait3A_1010 = arith.constant 5 : i32
    %dma_wait3A_1011 = arith.constant 640 : i32
    %dma_wait3A_1012 = arith.constant 0 : i32
    %dma_wait3A_1013 = tpu.memref_slice %arg10[%dma_wait3A_1011, %dma_wait3A_1012] : memref<1280x32xf32, #tpu.memory_space<vmem>> -> memref<128x32xf32, #tpu.memory_space<vmem>>
    %dma_wait3A_1014 = arith.constant 0 : i32
    %dma_wait3A_1015 = tpu.memref_slice %arg8[%dma_wait3A_1010, %dma_wait3A_1014] : memref<10x128xi32, #tpu.memory_space<vmem>> -> memref<1x128xi32, #tpu.memory_space<vmem>>
    %dma_wait3A_1016 = tpu.memref_squeeze %dma_wait3A_1015 : memref<1x128xi32, #tpu.memory_space<vmem>> -> memref<128xi32, #tpu.memory_space<vmem>>
    %dma_wait3A_1017 = arith.constant 0 : i32
    %dma_wait3A_1018 = arith.constant 0 : i32
    %dma_wait3A_1019 = tpu.memref_slice %arg12[%dma_wait3A_1017, %dma_wait3A_1018] : memref<10112x32xf32, #tpu.memory_space<vmem_shared>> -> memref<10112x32xf32, #tpu.memory_space<vmem_shared>>
    tpu.wait_indirect_dma semaphore(%arg16 : memref<!tpu.dma_semaphore, #tpu.memory_space<semaphore_mem>>) src(%dma_wait3A_1013 : memref<128x32xf32, #tpu.memory_space<vmem>>) dst(%dma_wait3A_1019 : memref<10112x32xf32, #tpu.memory_space<vmem_shared>>)
    %dma_wait3A_1020 = arith.constant 6 : i32
    %dma_wait3A_1021 = arith.constant 768 : i32
    %dma_wait3A_1022 = arith.constant 0 : i32
    %dma_wait3A_1023 = tpu.memref_slice %arg10[%dma_wait3A_1021, %dma_wait3A_1022] : memref<1280x32xf32, #tpu.memory_space<vmem>> -> memref<128x32xf32, #tpu.memory_space<vmem>>
    %dma_wait3A_1024 = arith.constant 0 : i32
    %dma_wait3A_1025 = tpu.memref_slice %arg8[%dma_wait3A_1020, %dma_wait3A_1024] : memref<10x128xi32, #tpu.memory_space<vmem>> -> memref<1x128xi32, #tpu.memory_space<vmem>>
    %dma_wait3A_1026 = tpu.memref_squeeze %dma_wait3A_1025 : memref<1x128xi32, #tpu.memory_space<vmem>> -> memref<128xi32, #tpu.memory_space<vmem>>
    %dma_wait3A_1027 = arith.constant 0 : i32
    %dma_wait3A_1028 = arith.constant 0 : i32
    %dma_wait3A_1029 = tpu.memref_slice %arg12[%dma_wait3A_1027, %dma_wait3A_1028] : memref<10112x32xf32, #tpu.memory_space<vmem_shared>> -> memref<10112x32xf32, #tpu.memory_space<vmem_shared>>
    tpu.wait_indirect_dma semaphore(%arg16 : memref<!tpu.dma_semaphore, #tpu.memory_space<semaphore_mem>>) src(%dma_wait3A_1023 : memref<128x32xf32, #tpu.memory_space<vmem>>) dst(%dma_wait3A_1029 : memref<10112x32xf32, #tpu.memory_space<vmem_shared>>)
    %dma_wait3A_1030 = arith.constant 7 : i32
    %dma_wait3A_1031 = arith.constant 896 : i32
    %dma_wait3A_1032 = arith.constant 0 : i32
    %dma_wait3A_1033 = tpu.memref_slice %arg10[%dma_wait3A_1031, %dma_wait3A_1032] : memref<1280x32xf32, #tpu.memory_space<vmem>> -> memref<128x32xf32, #tpu.memory_space<vmem>>
    %dma_wait3A_1034 = arith.constant 0 : i32
    %dma_wait3A_1035 = tpu.memref_slice %arg8[%dma_wait3A_1030, %dma_wait3A_1034] : memref<10x128xi32, #tpu.memory_space<vmem>> -> memref<1x128xi32, #tpu.memory_space<vmem>>
    %dma_wait3A_1036 = tpu.memref_squeeze %dma_wait3A_1035 : memref<1x128xi32, #tpu.memory_space<vmem>> -> memref<128xi32, #tpu.memory_space<vmem>>
    %dma_wait3A_1037 = arith.constant 0 : i32
    %dma_wait3A_1038 = arith.constant 0 : i32
    %dma_wait3A_1039 = tpu.memref_slice %arg12[%dma_wait3A_1037, %dma_wait3A_1038] : memref<10112x32xf32, #tpu.memory_space<vmem_shared>> -> memref<10112x32xf32, #tpu.memory_space<vmem_shared>>
    tpu.wait_indirect_dma semaphore(%arg16 : memref<!tpu.dma_semaphore, #tpu.memory_space<semaphore_mem>>) src(%dma_wait3A_1033 : memref<128x32xf32, #tpu.memory_space<vmem>>) dst(%dma_wait3A_1039 : memref<10112x32xf32, #tpu.memory_space<vmem_shared>>)
    %dma_wait3A_1040 = arith.constant 8 : i32
    %dma_wait3A_1041 = arith.constant 1024 : i32
    %dma_wait3A_1042 = arith.constant 0 : i32
    %dma_wait3A_1043 = tpu.memref_slice %arg10[%dma_wait3A_1041, %dma_wait3A_1042] : memref<1280x32xf32, #tpu.memory_space<vmem>> -> memref<128x32xf32, #tpu.memory_space<vmem>>
    %dma_wait3A_1044 = arith.constant 0 : i32
    %dma_wait3A_1045 = tpu.memref_slice %arg8[%dma_wait3A_1040, %dma_wait3A_1044] : memref<10x128xi32, #tpu.memory_space<vmem>> -> memref<1x128xi32, #tpu.memory_space<vmem>>
    %dma_wait3A_1046 = tpu.memref_squeeze %dma_wait3A_1045 : memref<1x128xi32, #tpu.memory_space<vmem>> -> memref<128xi32, #tpu.memory_space<vmem>>
    %dma_wait3A_1047 = arith.constant 0 : i32
    %dma_wait3A_1048 = arith.constant 0 : i32
    %dma_wait3A_1049 = tpu.memref_slice %arg12[%dma_wait3A_1047, %dma_wait3A_1048] : memref<10112x32xf32, #tpu.memory_space<vmem_shared>> -> memref<10112x32xf32, #tpu.memory_space<vmem_shared>>
    tpu.wait_indirect_dma semaphore(%arg16 : memref<!tpu.dma_semaphore, #tpu.memory_space<semaphore_mem>>) src(%dma_wait3A_1043 : memref<128x32xf32, #tpu.memory_space<vmem>>) dst(%dma_wait3A_1049 : memref<10112x32xf32, #tpu.memory_space<vmem_shared>>)
    %dma_wait3A_1050 = arith.constant 9 : i32
    %dma_wait3A_1051 = arith.constant 1152 : i32
    %dma_wait3A_1052 = arith.constant 0 : i32
    %dma_wait3A_1053 = tpu.memref_slice %arg10[%dma_wait3A_1051, %dma_wait3A_1052] : memref<1280x32xf32, #tpu.memory_space<vmem>> -> memref<128x32xf32, #tpu.memory_space<vmem>>
    %dma_wait3A_1054 = arith.constant 0 : i32
    %dma_wait3A_1055 = tpu.memref_slice %arg8[%dma_wait3A_1050, %dma_wait3A_1054] : memref<10x128xi32, #tpu.memory_space<vmem>> -> memref<1x128xi32, #tpu.memory_space<vmem>>
    %dma_wait3A_1056 = tpu.memref_squeeze %dma_wait3A_1055 : memref<1x128xi32, #tpu.memory_space<vmem>> -> memref<128xi32, #tpu.memory_space<vmem>>
    %dma_wait3A_1057 = arith.constant 0 : i32
    %dma_wait3A_1058 = arith.constant 0 : i32
    %dma_wait3A_1059 = tpu.memref_slice %arg12[%dma_wait3A_1057, %dma_wait3A_1058] : memref<10112x32xf32, #tpu.memory_space<vmem_shared>> -> memref<10112x32xf32, #tpu.memory_space<vmem_shared>>
    tpu.wait_indirect_dma semaphore(%arg16 : memref<!tpu.dma_semaphore, #tpu.memory_space<semaphore_mem>>) src(%dma_wait3A_1053 : memref<128x32xf32, #tpu.memory_space<vmem>>) dst(%dma_wait3A_1059 : memref<10112x32xf32, #tpu.memory_space<vmem_shared>>)
    %dma_wait3A_1060 = arith.constant 0 : i32
    %dma_wait3A_1061 = arith.constant 0 : i32
    %dma_wait3A_1062 = tpu.memref_slice %arg2[%dma_wait3A_1060, %dma_wait3A_1061] : memref<10112x64xf32, #tpu.memory_space<hbm>> -> memref<1280x32xf32, #tpu.memory_space<hbm>>
    %dma_wait3A_1063 = arith.constant 0 : i32
    %dma_wait3A_1064 = arith.constant 0 : i32
    %dma_wait3A_1065 = tpu.memref_slice %arg2[%dma_wait3A_1063, %dma_wait3A_1064] : memref<10112x64xf32, #tpu.memory_space<hbm>> -> memref<1280x32xf32, #tpu.memory_space<hbm>>
    tpu.wait_dma2 semaphore(%arg15 : memref<!tpu.dma_semaphore, #tpu.memory_space<semaphore_mem>>) src(%dma_wait3A_1065 : memref<1280x32xf32, #tpu.memory_space<hbm>>) dst(%arg11 : memref<1280x32xf32, #tpu.memory_space<vmem>>)
    %dma_start3A_1066 = arith.constant 0 : i32
    %dma_start3A_1067 = arith.constant 0 : i32
    %dma_start3A_1068 = arith.constant 0 : i32
    %dma_start3A_1069 = tpu.memref_slice %arg11[%dma_start3A_1067, %dma_start3A_1068] : memref<1280x32xf32, #tpu.memory_space<vmem>> -> memref<128x32xf32, #tpu.memory_space<vmem>>
    %dma_start3A_1070 = arith.constant 0 : i32
    %dma_start3A_1071 = tpu.memref_slice %arg9[%dma_start3A_1066, %dma_start3A_1070] : memref<10x128xi32, #tpu.memory_space<vmem>> -> memref<1x128xi32, #tpu.memory_space<vmem>>
    %dma_start3A_1072 = tpu.memref_squeeze %dma_start3A_1071 : memref<1x128xi32, #tpu.memory_space<vmem>> -> memref<128xi32, #tpu.memory_space<vmem>>
    %dma_start3A_1073 = arith.constant 0 : i32
    %dma_start3A_1074 = arith.constant 0 : i32
    %dma_start3A_1075 = tpu.memref_slice %arg12[%dma_start3A_1073, %dma_start3A_1074] : memref<10112x32xf32, #tpu.memory_space<vmem_shared>> -> memref<10112x32xf32, #tpu.memory_space<vmem_shared>>
    tpu.enqueue_indirect_dma source(%dma_start3A_1069 : memref<128x32xf32, #tpu.memory_space<vmem>>) target(%dma_start3A_1075 : memref<10112x32xf32, #tpu.memory_space<vmem_shared>>) offsets(%dma_start3A_1072 : memref<128xi32, #tpu.memory_space<vmem>>) semaphore(%arg16 : memref<!tpu.dma_semaphore, #tpu.memory_space<semaphore_mem>>) {add = true}
    %dma_start3A_1076 = arith.constant 1 : i32
    %dma_start3A_1077 = arith.constant 128 : i32
    %dma_start3A_1078 = arith.constant 0 : i32
    %dma_start3A_1079 = tpu.memref_slice %arg11[%dma_start3A_1077, %dma_start3A_1078] : memref<1280x32xf32, #tpu.memory_space<vmem>> -> memref<128x32xf32, #tpu.memory_space<vmem>>
    %dma_start3A_1080 = arith.constant 0 : i32
    %dma_start3A_1081 = tpu.memref_slice %arg9[%dma_start3A_1076, %dma_start3A_1080] : memref<10x128xi32, #tpu.memory_space<vmem>> -> memref<1x128xi32, #tpu.memory_space<vmem>>
    %dma_start3A_1082 = tpu.memref_squeeze %dma_start3A_1081 : memref<1x128xi32, #tpu.memory_space<vmem>> -> memref<128xi32, #tpu.memory_space<vmem>>
    %dma_start3A_1083 = arith.constant 0 : i32
    %dma_start3A_1084 = arith.constant 0 : i32
    %dma_start3A_1085 = tpu.memref_slice %arg12[%dma_start3A_1083, %dma_start3A_1084] : memref<10112x32xf32, #tpu.memory_space<vmem_shared>> -> memref<10112x32xf32, #tpu.memory_space<vmem_shared>>
    tpu.enqueue_indirect_dma source(%dma_start3A_1079 : memref<128x32xf32, #tpu.memory_space<vmem>>) target(%dma_start3A_1085 : memref<10112x32xf32, #tpu.memory_space<vmem_shared>>) offsets(%dma_start3A_1082 : memref<128xi32, #tpu.memory_space<vmem>>) semaphore(%arg16 : memref<!tpu.dma_semaphore, #tpu.memory_space<semaphore_mem>>) {add = true}
    %dma_start3A_1086 = arith.constant 2 : i32
    %dma_start3A_1087 = arith.constant 256 : i32
    %dma_start3A_1088 = arith.constant 0 : i32
    %dma_start3A_1089 = tpu.memref_slice %arg11[%dma_start3A_1087, %dma_start3A_1088] : memref<1280x32xf32, #tpu.memory_space<vmem>> -> memref<128x32xf32, #tpu.memory_space<vmem>>
    %dma_start3A_1090 = arith.constant 0 : i32
    %dma_start3A_1091 = tpu.memref_slice %arg9[%dma_start3A_1086, %dma_start3A_1090] : memref<10x128xi32, #tpu.memory_space<vmem>> -> memref<1x128xi32, #tpu.memory_space<vmem>>
    %dma_start3A_1092 = tpu.memref_squeeze %dma_start3A_1091 : memref<1x128xi32, #tpu.memory_space<vmem>> -> memref<128xi32, #tpu.memory_space<vmem>>
    %dma_start3A_1093 = arith.constant 0 : i32
    %dma_start3A_1094 = arith.constant 0 : i32
    %dma_start3A_1095 = tpu.memref_slice %arg12[%dma_start3A_1093, %dma_start3A_1094] : memref<10112x32xf32, #tpu.memory_space<vmem_shared>> -> memref<10112x32xf32, #tpu.memory_space<vmem_shared>>
    tpu.enqueue_indirect_dma source(%dma_start3A_1089 : memref<128x32xf32, #tpu.memory_space<vmem>>) target(%dma_start3A_1095 : memref<10112x32xf32, #tpu.memory_space<vmem_shared>>) offsets(%dma_start3A_1092 : memref<128xi32, #tpu.memory_space<vmem>>) semaphore(%arg16 : memref<!tpu.dma_semaphore, #tpu.memory_space<semaphore_mem>>) {add = true}
    %dma_start3A_1096 = arith.constant 3 : i32
    %dma_start3A_1097 = arith.constant 384 : i32
    %dma_start3A_1098 = arith.constant 0 : i32
    %dma_start3A_1099 = tpu.memref_slice %arg11[%dma_start3A_1097, %dma_start3A_1098] : memref<1280x32xf32, #tpu.memory_space<vmem>> -> memref<128x32xf32, #tpu.memory_space<vmem>>
    %dma_start3A_1100 = arith.constant 0 : i32
    %dma_start3A_1101 = tpu.memref_slice %arg9[%dma_start3A_1096, %dma_start3A_1100] : memref<10x128xi32, #tpu.memory_space<vmem>> -> memref<1x128xi32, #tpu.memory_space<vmem>>
    %dma_start3A_1102 = tpu.memref_squeeze %dma_start3A_1101 : memref<1x128xi32, #tpu.memory_space<vmem>> -> memref<128xi32, #tpu.memory_space<vmem>>
    %dma_start3A_1103 = arith.constant 0 : i32
    %dma_start3A_1104 = arith.constant 0 : i32
    %dma_start3A_1105 = tpu.memref_slice %arg12[%dma_start3A_1103, %dma_start3A_1104] : memref<10112x32xf32, #tpu.memory_space<vmem_shared>> -> memref<10112x32xf32, #tpu.memory_space<vmem_shared>>
    tpu.enqueue_indirect_dma source(%dma_start3A_1099 : memref<128x32xf32, #tpu.memory_space<vmem>>) target(%dma_start3A_1105 : memref<10112x32xf32, #tpu.memory_space<vmem_shared>>) offsets(%dma_start3A_1102 : memref<128xi32, #tpu.memory_space<vmem>>) semaphore(%arg16 : memref<!tpu.dma_semaphore, #tpu.memory_space<semaphore_mem>>) {add = true}
    %dma_start3A_1106 = arith.constant 4 : i32
    %dma_start3A_1107 = arith.constant 512 : i32
    %dma_start3A_1108 = arith.constant 0 : i32
    %dma_start3A_1109 = tpu.memref_slice %arg11[%dma_start3A_1107, %dma_start3A_1108] : memref<1280x32xf32, #tpu.memory_space<vmem>> -> memref<128x32xf32, #tpu.memory_space<vmem>>
    %dma_start3A_1110 = arith.constant 0 : i32
    %dma_start3A_1111 = tpu.memref_slice %arg9[%dma_start3A_1106, %dma_start3A_1110] : memref<10x128xi32, #tpu.memory_space<vmem>> -> memref<1x128xi32, #tpu.memory_space<vmem>>
    %dma_start3A_1112 = tpu.memref_squeeze %dma_start3A_1111 : memref<1x128xi32, #tpu.memory_space<vmem>> -> memref<128xi32, #tpu.memory_space<vmem>>
    %dma_start3A_1113 = arith.constant 0 : i32
    %dma_start3A_1114 = arith.constant 0 : i32
    %dma_start3A_1115 = tpu.memref_slice %arg12[%dma_start3A_1113, %dma_start3A_1114] : memref<10112x32xf32, #tpu.memory_space<vmem_shared>> -> memref<10112x32xf32, #tpu.memory_space<vmem_shared>>
    tpu.enqueue_indirect_dma source(%dma_start3A_1109 : memref<128x32xf32, #tpu.memory_space<vmem>>) target(%dma_start3A_1115 : memref<10112x32xf32, #tpu.memory_space<vmem_shared>>) offsets(%dma_start3A_1112 : memref<128xi32, #tpu.memory_space<vmem>>) semaphore(%arg16 : memref<!tpu.dma_semaphore, #tpu.memory_space<semaphore_mem>>) {add = true}
    %dma_start3A_1116 = arith.constant 5 : i32
    %dma_start3A_1117 = arith.constant 640 : i32
    %dma_start3A_1118 = arith.constant 0 : i32
    %dma_start3A_1119 = tpu.memref_slice %arg11[%dma_start3A_1117, %dma_start3A_1118] : memref<1280x32xf32, #tpu.memory_space<vmem>> -> memref<128x32xf32, #tpu.memory_space<vmem>>
    %dma_start3A_1120 = arith.constant 0 : i32
    %dma_start3A_1121 = tpu.memref_slice %arg9[%dma_start3A_1116, %dma_start3A_1120] : memref<10x128xi32, #tpu.memory_space<vmem>> -> memref<1x128xi32, #tpu.memory_space<vmem>>
    %dma_start3A_1122 = tpu.memref_squeeze %dma_start3A_1121 : memref<1x128xi32, #tpu.memory_space<vmem>> -> memref<128xi32, #tpu.memory_space<vmem>>
    %dma_start3A_1123 = arith.constant 0 : i32
    %dma_start3A_1124 = arith.constant 0 : i32
    %dma_start3A_1125 = tpu.memref_slice %arg12[%dma_start3A_1123, %dma_start3A_1124] : memref<10112x32xf32, #tpu.memory_space<vmem_shared>> -> memref<10112x32xf32, #tpu.memory_space<vmem_shared>>
    tpu.enqueue_indirect_dma source(%dma_start3A_1119 : memref<128x32xf32, #tpu.memory_space<vmem>>) target(%dma_start3A_1125 : memref<10112x32xf32, #tpu.memory_space<vmem_shared>>) offsets(%dma_start3A_1122 : memref<128xi32, #tpu.memory_space<vmem>>) semaphore(%arg16 : memref<!tpu.dma_semaphore, #tpu.memory_space<semaphore_mem>>) {add = true}
    %dma_start3A_1126 = arith.constant 6 : i32
    %dma_start3A_1127 = arith.constant 768 : i32
    %dma_start3A_1128 = arith.constant 0 : i32
    %dma_start3A_1129 = tpu.memref_slice %arg11[%dma_start3A_1127, %dma_start3A_1128] : memref<1280x32xf32, #tpu.memory_space<vmem>> -> memref<128x32xf32, #tpu.memory_space<vmem>>
    %dma_start3A_1130 = arith.constant 0 : i32
    %dma_start3A_1131 = tpu.memref_slice %arg9[%dma_start3A_1126, %dma_start3A_1130] : memref<10x128xi32, #tpu.memory_space<vmem>> -> memref<1x128xi32, #tpu.memory_space<vmem>>
    %dma_start3A_1132 = tpu.memref_squeeze %dma_start3A_1131 : memref<1x128xi32, #tpu.memory_space<vmem>> -> memref<128xi32, #tpu.memory_space<vmem>>
    %dma_start3A_1133 = arith.constant 0 : i32
    %dma_start3A_1134 = arith.constant 0 : i32
    %dma_start3A_1135 = tpu.memref_slice %arg12[%dma_start3A_1133, %dma_start3A_1134] : memref<10112x32xf32, #tpu.memory_space<vmem_shared>> -> memref<10112x32xf32, #tpu.memory_space<vmem_shared>>
    tpu.enqueue_indirect_dma source(%dma_start3A_1129 : memref<128x32xf32, #tpu.memory_space<vmem>>) target(%dma_start3A_1135 : memref<10112x32xf32, #tpu.memory_space<vmem_shared>>) offsets(%dma_start3A_1132 : memref<128xi32, #tpu.memory_space<vmem>>) semaphore(%arg16 : memref<!tpu.dma_semaphore, #tpu.memory_space<semaphore_mem>>) {add = true}
    %dma_start3A_1136 = arith.constant 7 : i32
    %dma_start3A_1137 = arith.constant 896 : i32
    %dma_start3A_1138 = arith.constant 0 : i32
    %dma_start3A_1139 = tpu.memref_slice %arg11[%dma_start3A_1137, %dma_start3A_1138] : memref<1280x32xf32, #tpu.memory_space<vmem>> -> memref<128x32xf32, #tpu.memory_space<vmem>>
    %dma_start3A_1140 = arith.constant 0 : i32
    %dma_start3A_1141 = tpu.memref_slice %arg9[%dma_start3A_1136, %dma_start3A_1140] : memref<10x128xi32, #tpu.memory_space<vmem>> -> memref<1x128xi32, #tpu.memory_space<vmem>>
    %dma_start3A_1142 = tpu.memref_squeeze %dma_start3A_1141 : memref<1x128xi32, #tpu.memory_space<vmem>> -> memref<128xi32, #tpu.memory_space<vmem>>
    %dma_start3A_1143 = arith.constant 0 : i32
    %dma_start3A_1144 = arith.constant 0 : i32
    %dma_start3A_1145 = tpu.memref_slice %arg12[%dma_start3A_1143, %dma_start3A_1144] : memref<10112x32xf32, #tpu.memory_space<vmem_shared>> -> memref<10112x32xf32, #tpu.memory_space<vmem_shared>>
    tpu.enqueue_indirect_dma source(%dma_start3A_1139 : memref<128x32xf32, #tpu.memory_space<vmem>>) target(%dma_start3A_1145 : memref<10112x32xf32, #tpu.memory_space<vmem_shared>>) offsets(%dma_start3A_1142 : memref<128xi32, #tpu.memory_space<vmem>>) semaphore(%arg16 : memref<!tpu.dma_semaphore, #tpu.memory_space<semaphore_mem>>) {add = true}
    %dma_start3A_1146 = arith.constant 8 : i32
    %dma_start3A_1147 = arith.constant 1024 : i32
    %dma_start3A_1148 = arith.constant 0 : i32
    %dma_start3A_1149 = tpu.memref_slice %arg11[%dma_start3A_1147, %dma_start3A_1148] : memref<1280x32xf32, #tpu.memory_space<vmem>> -> memref<128x32xf32, #tpu.memory_space<vmem>>
    %dma_start3A_1150 = arith.constant 0 : i32
    %dma_start3A_1151 = tpu.memref_slice %arg9[%dma_start3A_1146, %dma_start3A_1150] : memref<10x128xi32, #tpu.memory_space<vmem>> -> memref<1x128xi32, #tpu.memory_space<vmem>>
    %dma_start3A_1152 = tpu.memref_squeeze %dma_start3A_1151 : memref<1x128xi32, #tpu.memory_space<vmem>> -> memref<128xi32, #tpu.memory_space<vmem>>
    %dma_start3A_1153 = arith.constant 0 : i32
    %dma_start3A_1154 = arith.constant 0 : i32
    %dma_start3A_1155 = tpu.memref_slice %arg12[%dma_start3A_1153, %dma_start3A_1154] : memref<10112x32xf32, #tpu.memory_space<vmem_shared>> -> memref<10112x32xf32, #tpu.memory_space<vmem_shared>>
    tpu.enqueue_indirect_dma source(%dma_start3A_1149 : memref<128x32xf32, #tpu.memory_space<vmem>>) target(%dma_start3A_1155 : memref<10112x32xf32, #tpu.memory_space<vmem_shared>>) offsets(%dma_start3A_1152 : memref<128xi32, #tpu.memory_space<vmem>>) semaphore(%arg16 : memref<!tpu.dma_semaphore, #tpu.memory_space<semaphore_mem>>) {add = true}
    %dma_start3A_1156 = arith.constant 9 : i32
    %dma_start3A_1157 = arith.constant 1152 : i32
    %dma_start3A_1158 = arith.constant 0 : i32
    %dma_start3A_1159 = tpu.memref_slice %arg11[%dma_start3A_1157, %dma_start3A_1158] : memref<1280x32xf32, #tpu.memory_space<vmem>> -> memref<128x32xf32, #tpu.memory_space<vmem>>
    %dma_start3A_1160 = arith.constant 0 : i32
    %dma_start3A_1161 = tpu.memref_slice %arg9[%dma_start3A_1156, %dma_start3A_1160] : memref<10x128xi32, #tpu.memory_space<vmem>> -> memref<1x128xi32, #tpu.memory_space<vmem>>
    %dma_start3A_1162 = tpu.memref_squeeze %dma_start3A_1161 : memref<1x128xi32, #tpu.memory_space<vmem>> -> memref<128xi32, #tpu.memory_space<vmem>>
    %dma_start3A_1163 = arith.constant 0 : i32
    %dma_start3A_1164 = arith.constant 0 : i32
    %dma_start3A_1165 = tpu.memref_slice %arg12[%dma_start3A_1163, %dma_start3A_1164] : memref<10112x32xf32, #tpu.memory_space<vmem_shared>> -> memref<10112x32xf32, #tpu.memory_space<vmem_shared>>
    tpu.enqueue_indirect_dma source(%dma_start3A_1159 : memref<128x32xf32, #tpu.memory_space<vmem>>) target(%dma_start3A_1165 : memref<10112x32xf32, #tpu.memory_space<vmem_shared>>) offsets(%dma_start3A_1162 : memref<128xi32, #tpu.memory_space<vmem>>) semaphore(%arg16 : memref<!tpu.dma_semaphore, #tpu.memory_space<semaphore_mem>>) {add = true}
    %dma_wait3A_1166 = arith.constant 0 : i32
    %dma_wait3A_1167 = arith.constant 0 : i32
    %dma_wait3A_1168 = arith.constant 0 : i32
    %dma_wait3A_1169 = tpu.memref_slice %arg11[%dma_wait3A_1167, %dma_wait3A_1168] : memref<1280x32xf32, #tpu.memory_space<vmem>> -> memref<128x32xf32, #tpu.memory_space<vmem>>
    %dma_wait3A_1170 = arith.constant 0 : i32
    %dma_wait3A_1171 = tpu.memref_slice %arg9[%dma_wait3A_1166, %dma_wait3A_1170] : memref<10x128xi32, #tpu.memory_space<vmem>> -> memref<1x128xi32, #tpu.memory_space<vmem>>
    %dma_wait3A_1172 = tpu.memref_squeeze %dma_wait3A_1171 : memref<1x128xi32, #tpu.memory_space<vmem>> -> memref<128xi32, #tpu.memory_space<vmem>>
    %dma_wait3A_1173 = arith.constant 0 : i32
    %dma_wait3A_1174 = arith.constant 0 : i32
    %dma_wait3A_1175 = tpu.memref_slice %arg12[%dma_wait3A_1173, %dma_wait3A_1174] : memref<10112x32xf32, #tpu.memory_space<vmem_shared>> -> memref<10112x32xf32, #tpu.memory_space<vmem_shared>>
    tpu.wait_indirect_dma semaphore(%arg16 : memref<!tpu.dma_semaphore, #tpu.memory_space<semaphore_mem>>) src(%dma_wait3A_1169 : memref<128x32xf32, #tpu.memory_space<vmem>>) dst(%dma_wait3A_1175 : memref<10112x32xf32, #tpu.memory_space<vmem_shared>>)
    %dma_wait3A_1176 = arith.constant 1 : i32
    %dma_wait3A_1177 = arith.constant 128 : i32
    %dma_wait3A_1178 = arith.constant 0 : i32
    %dma_wait3A_1179 = tpu.memref_slice %arg11[%dma_wait3A_1177, %dma_wait3A_1178] : memref<1280x32xf32, #tpu.memory_space<vmem>> -> memref<128x32xf32, #tpu.memory_space<vmem>>
    %dma_wait3A_1180 = arith.constant 0 : i32
    %dma_wait3A_1181 = tpu.memref_slice %arg9[%dma_wait3A_1176, %dma_wait3A_1180] : memref<10x128xi32, #tpu.memory_space<vmem>> -> memref<1x128xi32, #tpu.memory_space<vmem>>
    %dma_wait3A_1182 = tpu.memref_squeeze %dma_wait3A_1181 : memref<1x128xi32, #tpu.memory_space<vmem>> -> memref<128xi32, #tpu.memory_space<vmem>>
    %dma_wait3A_1183 = arith.constant 0 : i32
    %dma_wait3A_1184 = arith.constant 0 : i32
    %dma_wait3A_1185 = tpu.memref_slice %arg12[%dma_wait3A_1183, %dma_wait3A_1184] : memref<10112x32xf32, #tpu.memory_space<vmem_shared>> -> memref<10112x32xf32, #tpu.memory_space<vmem_shared>>
    tpu.wait_indirect_dma semaphore(%arg16 : memref<!tpu.dma_semaphore, #tpu.memory_space<semaphore_mem>>) src(%dma_wait3A_1179 : memref<128x32xf32, #tpu.memory_space<vmem>>) dst(%dma_wait3A_1185 : memref<10112x32xf32, #tpu.memory_space<vmem_shared>>)
    %dma_wait3A_1186 = arith.constant 2 : i32
    %dma_wait3A_1187 = arith.constant 256 : i32
    %dma_wait3A_1188 = arith.constant 0 : i32
    %dma_wait3A_1189 = tpu.memref_slice %arg11[%dma_wait3A_1187, %dma_wait3A_1188] : memref<1280x32xf32, #tpu.memory_space<vmem>> -> memref<128x32xf32, #tpu.memory_space<vmem>>
    %dma_wait3A_1190 = arith.constant 0 : i32
    %dma_wait3A_1191 = tpu.memref_slice %arg9[%dma_wait3A_1186, %dma_wait3A_1190] : memref<10x128xi32, #tpu.memory_space<vmem>> -> memref<1x128xi32, #tpu.memory_space<vmem>>
    %dma_wait3A_1192 = tpu.memref_squeeze %dma_wait3A_1191 : memref<1x128xi32, #tpu.memory_space<vmem>> -> memref<128xi32, #tpu.memory_space<vmem>>
    %dma_wait3A_1193 = arith.constant 0 : i32
    %dma_wait3A_1194 = arith.constant 0 : i32
    %dma_wait3A_1195 = tpu.memref_slice %arg12[%dma_wait3A_1193, %dma_wait3A_1194] : memref<10112x32xf32, #tpu.memory_space<vmem_shared>> -> memref<10112x32xf32, #tpu.memory_space<vmem_shared>>
    tpu.wait_indirect_dma semaphore(%arg16 : memref<!tpu.dma_semaphore, #tpu.memory_space<semaphore_mem>>) src(%dma_wait3A_1189 : memref<128x32xf32, #tpu.memory_space<vmem>>) dst(%dma_wait3A_1195 : memref<10112x32xf32, #tpu.memory_space<vmem_shared>>)
    %dma_wait3A_1196 = arith.constant 3 : i32
    %dma_wait3A_1197 = arith.constant 384 : i32
    %dma_wait3A_1198 = arith.constant 0 : i32
    %dma_wait3A_1199 = tpu.memref_slice %arg11[%dma_wait3A_1197, %dma_wait3A_1198] : memref<1280x32xf32, #tpu.memory_space<vmem>> -> memref<128x32xf32, #tpu.memory_space<vmem>>
    %dma_wait3A_1200 = arith.constant 0 : i32
    %dma_wait3A_1201 = tpu.memref_slice %arg9[%dma_wait3A_1196, %dma_wait3A_1200] : memref<10x128xi32, #tpu.memory_space<vmem>> -> memref<1x128xi32, #tpu.memory_space<vmem>>
    %dma_wait3A_1202 = tpu.memref_squeeze %dma_wait3A_1201 : memref<1x128xi32, #tpu.memory_space<vmem>> -> memref<128xi32, #tpu.memory_space<vmem>>
    %dma_wait3A_1203 = arith.constant 0 : i32
    %dma_wait3A_1204 = arith.constant 0 : i32
    %dma_wait3A_1205 = tpu.memref_slice %arg12[%dma_wait3A_1203, %dma_wait3A_1204] : memref<10112x32xf32, #tpu.memory_space<vmem_shared>> -> memref<10112x32xf32, #tpu.memory_space<vmem_shared>>
    tpu.wait_indirect_dma semaphore(%arg16 : memref<!tpu.dma_semaphore, #tpu.memory_space<semaphore_mem>>) src(%dma_wait3A_1199 : memref<128x32xf32, #tpu.memory_space<vmem>>) dst(%dma_wait3A_1205 : memref<10112x32xf32, #tpu.memory_space<vmem_shared>>)
    %dma_wait3A_1206 = arith.constant 4 : i32
    %dma_wait3A_1207 = arith.constant 512 : i32
    %dma_wait3A_1208 = arith.constant 0 : i32
    %dma_wait3A_1209 = tpu.memref_slice %arg11[%dma_wait3A_1207, %dma_wait3A_1208] : memref<1280x32xf32, #tpu.memory_space<vmem>> -> memref<128x32xf32, #tpu.memory_space<vmem>>
    %dma_wait3A_1210 = arith.constant 0 : i32
    %dma_wait3A_1211 = tpu.memref_slice %arg9[%dma_wait3A_1206, %dma_wait3A_1210] : memref<10x128xi32, #tpu.memory_space<vmem>> -> memref<1x128xi32, #tpu.memory_space<vmem>>
    %dma_wait3A_1212 = tpu.memref_squeeze %dma_wait3A_1211 : memref<1x128xi32, #tpu.memory_space<vmem>> -> memref<128xi32, #tpu.memory_space<vmem>>
    %dma_wait3A_1213 = arith.constant 0 : i32
    %dma_wait3A_1214 = arith.constant 0 : i32
    %dma_wait3A_1215 = tpu.memref_slice %arg12[%dma_wait3A_1213, %dma_wait3A_1214] : memref<10112x32xf32, #tpu.memory_space<vmem_shared>> -> memref<10112x32xf32, #tpu.memory_space<vmem_shared>>
    tpu.wait_indirect_dma semaphore(%arg16 : memref<!tpu.dma_semaphore, #tpu.memory_space<semaphore_mem>>) src(%dma_wait3A_1209 : memref<128x32xf32, #tpu.memory_space<vmem>>) dst(%dma_wait3A_1215 : memref<10112x32xf32, #tpu.memory_space<vmem_shared>>)
    %dma_wait3A_1216 = arith.constant 5 : i32
    %dma_wait3A_1217 = arith.constant 640 : i32
    %dma_wait3A_1218 = arith.constant 0 : i32
    %dma_wait3A_1219 = tpu.memref_slice %arg11[%dma_wait3A_1217, %dma_wait3A_1218] : memref<1280x32xf32, #tpu.memory_space<vmem>> -> memref<128x32xf32, #tpu.memory_space<vmem>>
    %dma_wait3A_1220 = arith.constant 0 : i32
    %dma_wait3A_1221 = tpu.memref_slice %arg9[%dma_wait3A_1216, %dma_wait3A_1220] : memref<10x128xi32, #tpu.memory_space<vmem>> -> memref<1x128xi32, #tpu.memory_space<vmem>>
    %dma_wait3A_1222 = tpu.memref_squeeze %dma_wait3A_1221 : memref<1x128xi32, #tpu.memory_space<vmem>> -> memref<128xi32, #tpu.memory_space<vmem>>
    %dma_wait3A_1223 = arith.constant 0 : i32
    %dma_wait3A_1224 = arith.constant 0 : i32
    %dma_wait3A_1225 = tpu.memref_slice %arg12[%dma_wait3A_1223, %dma_wait3A_1224] : memref<10112x32xf32, #tpu.memory_space<vmem_shared>> -> memref<10112x32xf32, #tpu.memory_space<vmem_shared>>
    tpu.wait_indirect_dma semaphore(%arg16 : memref<!tpu.dma_semaphore, #tpu.memory_space<semaphore_mem>>) src(%dma_wait3A_1219 : memref<128x32xf32, #tpu.memory_space<vmem>>) dst(%dma_wait3A_1225 : memref<10112x32xf32, #tpu.memory_space<vmem_shared>>)
    %dma_wait3A_1226 = arith.constant 6 : i32
    %dma_wait3A_1227 = arith.constant 768 : i32
    %dma_wait3A_1228 = arith.constant 0 : i32
    %dma_wait3A_1229 = tpu.memref_slice %arg11[%dma_wait3A_1227, %dma_wait3A_1228] : memref<1280x32xf32, #tpu.memory_space<vmem>> -> memref<128x32xf32, #tpu.memory_space<vmem>>
    %dma_wait3A_1230 = arith.constant 0 : i32
    %dma_wait3A_1231 = tpu.memref_slice %arg9[%dma_wait3A_1226, %dma_wait3A_1230] : memref<10x128xi32, #tpu.memory_space<vmem>> -> memref<1x128xi32, #tpu.memory_space<vmem>>
    %dma_wait3A_1232 = tpu.memref_squeeze %dma_wait3A_1231 : memref<1x128xi32, #tpu.memory_space<vmem>> -> memref<128xi32, #tpu.memory_space<vmem>>
    %dma_wait3A_1233 = arith.constant 0 : i32
    %dma_wait3A_1234 = arith.constant 0 : i32
    %dma_wait3A_1235 = tpu.memref_slice %arg12[%dma_wait3A_1233, %dma_wait3A_1234] : memref<10112x32xf32, #tpu.memory_space<vmem_shared>> -> memref<10112x32xf32, #tpu.memory_space<vmem_shared>>
    tpu.wait_indirect_dma semaphore(%arg16 : memref<!tpu.dma_semaphore, #tpu.memory_space<semaphore_mem>>) src(%dma_wait3A_1229 : memref<128x32xf32, #tpu.memory_space<vmem>>) dst(%dma_wait3A_1235 : memref<10112x32xf32, #tpu.memory_space<vmem_shared>>)
    %dma_wait3A_1236 = arith.constant 7 : i32
    %dma_wait3A_1237 = arith.constant 896 : i32
    %dma_wait3A_1238 = arith.constant 0 : i32
    %dma_wait3A_1239 = tpu.memref_slice %arg11[%dma_wait3A_1237, %dma_wait3A_1238] : memref<1280x32xf32, #tpu.memory_space<vmem>> -> memref<128x32xf32, #tpu.memory_space<vmem>>
    %dma_wait3A_1240 = arith.constant 0 : i32
    %dma_wait3A_1241 = tpu.memref_slice %arg9[%dma_wait3A_1236, %dma_wait3A_1240] : memref<10x128xi32, #tpu.memory_space<vmem>> -> memref<1x128xi32, #tpu.memory_space<vmem>>
    %dma_wait3A_1242 = tpu.memref_squeeze %dma_wait3A_1241 : memref<1x128xi32, #tpu.memory_space<vmem>> -> memref<128xi32, #tpu.memory_space<vmem>>
    %dma_wait3A_1243 = arith.constant 0 : i32
    %dma_wait3A_1244 = arith.constant 0 : i32
    %dma_wait3A_1245 = tpu.memref_slice %arg12[%dma_wait3A_1243, %dma_wait3A_1244] : memref<10112x32xf32, #tpu.memory_space<vmem_shared>> -> memref<10112x32xf32, #tpu.memory_space<vmem_shared>>
    tpu.wait_indirect_dma semaphore(%arg16 : memref<!tpu.dma_semaphore, #tpu.memory_space<semaphore_mem>>) src(%dma_wait3A_1239 : memref<128x32xf32, #tpu.memory_space<vmem>>) dst(%dma_wait3A_1245 : memref<10112x32xf32, #tpu.memory_space<vmem_shared>>)
    %dma_wait3A_1246 = arith.constant 8 : i32
    %dma_wait3A_1247 = arith.constant 1024 : i32
    %dma_wait3A_1248 = arith.constant 0 : i32
    %dma_wait3A_1249 = tpu.memref_slice %arg11[%dma_wait3A_1247, %dma_wait3A_1248] : memref<1280x32xf32, #tpu.memory_space<vmem>> -> memref<128x32xf32, #tpu.memory_space<vmem>>
    %dma_wait3A_1250 = arith.constant 0 : i32
    %dma_wait3A_1251 = tpu.memref_slice %arg9[%dma_wait3A_1246, %dma_wait3A_1250] : memref<10x128xi32, #tpu.memory_space<vmem>> -> memref<1x128xi32, #tpu.memory_space<vmem>>
    %dma_wait3A_1252 = tpu.memref_squeeze %dma_wait3A_1251 : memref<1x128xi32, #tpu.memory_space<vmem>> -> memref<128xi32, #tpu.memory_space<vmem>>
    %dma_wait3A_1253 = arith.constant 0 : i32
    %dma_wait3A_1254 = arith.constant 0 : i32
    %dma_wait3A_1255 = tpu.memref_slice %arg12[%dma_wait3A_1253, %dma_wait3A_1254] : memref<10112x32xf32, #tpu.memory_space<vmem_shared>> -> memref<10112x32xf32, #tpu.memory_space<vmem_shared>>
    tpu.wait_indirect_dma semaphore(%arg16 : memref<!tpu.dma_semaphore, #tpu.memory_space<semaphore_mem>>) src(%dma_wait3A_1249 : memref<128x32xf32, #tpu.memory_space<vmem>>) dst(%dma_wait3A_1255 : memref<10112x32xf32, #tpu.memory_space<vmem_shared>>)
    %dma_wait3A_1256 = arith.constant 9 : i32
    %dma_wait3A_1257 = arith.constant 1152 : i32
    %dma_wait3A_1258 = arith.constant 0 : i32
    %dma_wait3A_1259 = tpu.memref_slice %arg11[%dma_wait3A_1257, %dma_wait3A_1258] : memref<1280x32xf32, #tpu.memory_space<vmem>> -> memref<128x32xf32, #tpu.memory_space<vmem>>
    %dma_wait3A_1260 = arith.constant 0 : i32
    %dma_wait3A_1261 = tpu.memref_slice %arg9[%dma_wait3A_1256, %dma_wait3A_1260] : memref<10x128xi32, #tpu.memory_space<vmem>> -> memref<1x128xi32, #tpu.memory_space<vmem>>
    %dma_wait3A_1262 = tpu.memref_squeeze %dma_wait3A_1261 : memref<1x128xi32, #tpu.memory_space<vmem>> -> memref<128xi32, #tpu.memory_space<vmem>>
    %dma_wait3A_1263 = arith.constant 0 : i32
    %dma_wait3A_1264 = arith.constant 0 : i32
    %dma_wait3A_1265 = tpu.memref_slice %arg12[%dma_wait3A_1263, %dma_wait3A_1264] : memref<10112x32xf32, #tpu.memory_space<vmem_shared>> -> memref<10112x32xf32, #tpu.memory_space<vmem_shared>>
    tpu.wait_indirect_dma semaphore(%arg16 : memref<!tpu.dma_semaphore, #tpu.memory_space<semaphore_mem>>) src(%dma_wait3A_1259 : memref<128x32xf32, #tpu.memory_space<vmem>>) dst(%dma_wait3A_1265 : memref<10112x32xf32, #tpu.memory_space<vmem_shared>>)
    %barrier3A_1266 = arith.constant 0 : index
    tpu.barrier barrier_id(%barrier3A_1266)
    %mul3A_1267 = arith.constant 632 : i32
    %mul3A_1268 = arith.muli %arg1, %mul3A_1267 : i32
    %mul3A_1269 = arith.constant 632 : i32
    %mul3A_1270 = arith.muli %arg1, %mul3A_1269 : i32
    "tpu.region"() ({
      %run_scoped3A = tpu.sem_alloc : memref<!tpu.dma_semaphore, #tpu.memory_space<semaphore_mem>>
      %dma_start3A_1271 = arith.constant 32 : i32
      %dma_start3A_1272 = tpu.memref_slice %arg5[%arg0, %mul3A_1270, %dma_start3A_1271] : memref<2x10112x64xf32, #tpu.memory_space<hbm>> -> memref<1x632x32xf32, #tpu.memory_space<hbm>>
      %dma_start3A_1273 = tpu.memref_squeeze %dma_start3A_1272 : memref<1x632x32xf32, #tpu.memory_space<hbm>> -> memref<632x32xf32, #tpu.memory_space<hbm>>
      %dma_start3A_1274 = arith.constant 0 : i32
      %dma_start3A_1275 = tpu.memref_slice %arg12[%mul3A_1268, %dma_start3A_1274] : memref<10112x32xf32, #tpu.memory_space<vmem_shared>> -> memref<632x32xf32, #tpu.memory_space<vmem_shared>>
      tpu.enqueue_dma source(%dma_start3A_1275 : memref<632x32xf32, #tpu.memory_space<vmem_shared>>) target(%dma_start3A_1273 : memref<632x32xf32, #tpu.memory_space<hbm>>) target_semaphore(%run_scoped3A : memref<!tpu.dma_semaphore, #tpu.memory_space<semaphore_mem>>)
      %dma_wait3A_1276 = arith.constant 32 : i32
      %dma_wait3A_1277 = tpu.memref_slice %arg5[%arg0, %mul3A_1270, %dma_wait3A_1276] : memref<2x10112x64xf32, #tpu.memory_space<hbm>> -> memref<1x632x32xf32, #tpu.memory_space<hbm>>
      %dma_wait3A_1278 = tpu.memref_squeeze %dma_wait3A_1277 : memref<1x632x32xf32, #tpu.memory_space<hbm>> -> memref<632x32xf32, #tpu.memory_space<hbm>>
      %dma_wait3A_1279 = arith.constant 0 : i32
      %dma_wait3A_1280 = tpu.memref_slice %arg12[%mul3A_1268, %dma_wait3A_1279] : memref<10112x32xf32, #tpu.memory_space<vmem_shared>> -> memref<632x32xf32, #tpu.memory_space<vmem_shared>>
      tpu.wait_dma2 semaphore(%run_scoped3A : memref<!tpu.dma_semaphore, #tpu.memory_space<semaphore_mem>>) src(%dma_wait3A_1280 : memref<632x32xf32, #tpu.memory_space<vmem_shared>>) dst(%dma_wait3A_1278 : memref<632x32xf32, #tpu.memory_space<hbm>>)
      tpu.yield
    }) : () -> ()
    return
  }
}

module attributes {stable_mosaic.version = 14 : i64} {
  func.func @_head_body(%arg0: i32, %arg1: memref<2000x128xf32, #tpu.memory_space<vmem>>, %arg2: memref<128x64xf32, #tpu.memory_space<vmem>>, %arg3: memref<1x64xf32, #tpu.memory_space<vmem>>, %arg4: memref<64x64xf32, #tpu.memory_space<vmem>>, %arg5: memref<1x64xf32, #tpu.memory_space<vmem>>, %arg6: memref<2000x64xf32, #tpu.memory_space<vmem>>) attributes {dimension_semantics = [#tpu.dimension_semantics<arbitrary>], iteration_bounds = array<i64: 5>, scalar_prefetch = 0 : i64, scratch_operands = 0 : i64, tpu.core_type = #tpu.core_type<tc>, window_params = [{transform_indices = @transform_0, window_bounds = array<i64: 2000, 128>}, {pipeline_mode = #tpu.pipeline_mode<synchronous>, transform_indices = @transform_1, window_bounds = array<i64: 128, 64>}, {pipeline_mode = #tpu.pipeline_mode<synchronous>, transform_indices = @transform_2, window_bounds = array<i64: 1, 64>}, {pipeline_mode = #tpu.pipeline_mode<synchronous>, transform_indices = @transform_3, window_bounds = array<i64: 64, 64>}, {pipeline_mode = #tpu.pipeline_mode<synchronous>, transform_indices = @transform_4, window_bounds = array<i64: 1, 64>}, {transform_indices = @transform_5, window_bounds = array<i64: 2000, 64>}]} {
    %get3A = arith.constant 0 : index
    %get3A_0 = arith.constant 0 : index
    %get3A_1 = vector.load %arg1[%get3A, %get3A_0] : memref<2000x128xf32, #tpu.memory_space<vmem>>, vector<2000x128xf32>
    %get3A_2 = arith.constant 0 : index
    %get3A_3 = arith.constant 0 : index
    %get3A_4 = vector.load %arg2[%get3A_2, %get3A_3] : memref<128x64xf32, #tpu.memory_space<vmem>>, vector<128x64xf32>
    %dot_general3A = arith.constant dense<0.000000e+00> : vector<2000x64xf32>
    %dot_general3A_5 = tpu.matmul %get3A_1, %get3A_4, %dot_general3A {dimension_numbers = #tpu.dot_dimension_numbers<[1], [0], [0], [1], [0, 0, 1, 1], [], []>, transpose_lhs_hint = false} : vector<2000x128xf32>, vector<128x64xf32>, vector<2000x64xf32> -> vector<2000x64xf32>
    %get3A_6 = arith.constant 0 : index
    %get3A_7 = arith.constant 0 : index
    %get3A_8 = vector.load %arg3[%get3A_6, %get3A_7] : memref<1x64xf32, #tpu.memory_space<vmem>>, vector<1x64xf32>
    %add3A = vector.broadcast %get3A_8 : vector<1x64xf32> to vector<2000x64xf32>
    %add3A_9 = arith.addf %dot_general3A_5, %add3A : vector<2000x64xf32>
    %max3A = arith.constant 0.000000e+00 : f32
    %max3A_10 = vector.broadcast %max3A : f32 to vector<2000x64xf32>
    %max3A_11 = arith.maximumf %add3A_9, %max3A_10 : vector<2000x64xf32>
    %get3A_12 = arith.constant 0 : index
    %get3A_13 = arith.constant 0 : index
    %get3A_14 = vector.load %arg4[%get3A_12, %get3A_13] : memref<64x64xf32, #tpu.memory_space<vmem>>, vector<64x64xf32>
    %dot_general3A_15 = arith.constant dense<0.000000e+00> : vector<2000x64xf32>
    %dot_general3A_16 = tpu.matmul %max3A_11, %get3A_14, %dot_general3A_15 {dimension_numbers = #tpu.dot_dimension_numbers<[1], [0], [0], [1], [0, 0, 1, 1], [], []>, transpose_lhs_hint = false} : vector<2000x64xf32>, vector<64x64xf32>, vector<2000x64xf32> -> vector<2000x64xf32>
    %get3A_17 = arith.constant 0 : index
    %get3A_18 = arith.constant 0 : index
    %get3A_19 = vector.load %arg5[%get3A_17, %get3A_18] : memref<1x64xf32, #tpu.memory_space<vmem>>, vector<1x64xf32>
    %add3A_20 = vector.broadcast %get3A_19 : vector<1x64xf32> to vector<2000x64xf32>
    %add3A_21 = arith.addf %dot_general3A_16, %add3A_20 : vector<2000x64xf32>
    %max3A_22 = arith.constant 0.000000e+00 : f32
    %max3A_23 = vector.broadcast %max3A_22 : f32 to vector<2000x64xf32>
    %max3A_24 = arith.maximumf %add3A_21, %max3A_23 : vector<2000x64xf32>
    %swap3A = arith.constant 0 : index
    %swap3A_25 = arith.constant 0 : index
    %swap3A_26 = vector.load %arg6[%swap3A, %swap3A_25] : memref<2000x64xf32, #tpu.memory_space<vmem>>, vector<2000x64xf32>
    tpu.vector_store %arg6[%swap3A, %swap3A_25], %max3A_24 {strides = array<i32>} : memref<2000x64xf32, #tpu.memory_space<vmem>>, vector<2000x64xf32>,
    return
  }
  func.func @transform_0(%arg0: i32) -> (i32, i32) {
    %c0_i32 = arith.constant 0 : i32
    %c0_i32_0 = arith.constant 0 : i32
    return %arg0, %c0_i32 : i32, i32
  }
  func.func @transform_1(%arg0: i32) -> (i32, i32) {
    %c0_i32 = arith.constant 0 : i32
    %c0_i32_0 = arith.constant 0 : i32
    %c0_i32_1 = arith.constant 0 : i32
    return %c0_i32, %c0_i32_0 : i32, i32
  }
  func.func @transform_2(%arg0: i32) -> (i32, i32) {
    %c0_i32 = arith.constant 0 : i32
    %c0_i32_0 = arith.constant 0 : i32
    %c0_i32_1 = arith.constant 0 : i32
    return %c0_i32, %c0_i32_0 : i32, i32
  }
  func.func @transform_3(%arg0: i32) -> (i32, i32) {
    %c0_i32 = arith.constant 0 : i32
    %c0_i32_0 = arith.constant 0 : i32
    %c0_i32_1 = arith.constant 0 : i32
    return %c0_i32, %c0_i32_0 : i32, i32
  }
  func.func @transform_4(%arg0: i32) -> (i32, i32) {
    %c0_i32 = arith.constant 0 : i32
    %c0_i32_0 = arith.constant 0 : i32
    %c0_i32_1 = arith.constant 0 : i32
    return %c0_i32, %c0_i32_0 : i32, i32
  }
  func.func @transform_5(%arg0: i32) -> (i32, i32) {
    %c0_i32 = arith.constant 0 : i32
    %c0_i32_0 = arith.constant 0 : i32
    return %arg0, %c0_i32 : i32, i32
  }
}

module attributes {stable_mosaic.version = 14 : i64} {
  func.func @_tail_body(%arg0: i32, %arg1: i32, %arg2: memref<1x1x2000xi32, #tpu.memory_space<vmem>>, %arg3: memref<2000x64xf32, #tpu.memory_space<vmem>>, %arg4: memref<1x2000x64xf32, #tpu.memory_space<vmem>>, %arg5: memref<1x2000x64xf32, #tpu.memory_space<vmem>>, %arg6: memref<64x64xf32, #tpu.memory_space<vmem>>, %arg7: memref<1x64xf32, #tpu.memory_space<vmem>>, %arg8: memref<64x64xf32, #tpu.memory_space<vmem>>, %arg9: memref<1x64xf32, #tpu.memory_space<vmem>>, %arg10: memref<64x64xf32, #tpu.memory_space<vmem>>, %arg11: memref<1x64xf32, #tpu.memory_space<vmem>>, %arg12: memref<64x64xf32, #tpu.memory_space<vmem>>, %arg13: memref<1x64xf32, #tpu.memory_space<vmem>>, %arg14: memref<64x64xf32, #tpu.memory_space<vmem>>, %arg15: memref<1x64xf32, #tpu.memory_space<vmem>>, %arg16: memref<64x64xf32, #tpu.memory_space<vmem>>, %arg17: memref<1x64xf32, #tpu.memory_space<vmem>>, %arg18: memref<64x2xf32, #tpu.memory_space<vmem>>, %arg19: memref<1x2xf32, #tpu.memory_space<vmem>>, %arg20: memref<8x2xf32, #tpu.memory_space<vmem>>, %arg21: memref<8x64xf32, #tpu.memory_space<vmem>>, %arg22: memref<10000x64xf32, #tpu.memory_space<vmem>>, %arg23: memref<10000x64xf32, #tpu.memory_space<vmem>>, %arg24: memref<8x64xf32, #tpu.memory_space<vmem>>, %arg25: memref<8x64xf32, #tpu.memory_space<vmem>>, %arg26: memref<8x64xf32, #tpu.memory_space<vmem>>) attributes {dimension_semantics = [#tpu.dimension_semantics<arbitrary>, #tpu.dimension_semantics<arbitrary>], iteration_bounds = array<i64: 2, 5>, scalar_prefetch = 0 : i64, scratch_operands = 5 : i64, tpu.core_type = #tpu.core_type<tc>, window_params = [{transform_indices = @transform_0, window_bounds = array<i64: 1, 1, 2000>}, {transform_indices = @transform_1, window_bounds = array<i64: 2000, 64>}, {transform_indices = @transform_2, window_bounds = array<i64: 1, 2000, 64>}, {transform_indices = @transform_3, window_bounds = array<i64: 1, 2000, 64>}, {pipeline_mode = #tpu.pipeline_mode<synchronous>, transform_indices = @transform_4, window_bounds = array<i64: 64, 64>}, {pipeline_mode = #tpu.pipeline_mode<synchronous>, transform_indices = @transform_5, window_bounds = array<i64: 1, 64>}, {pipeline_mode = #tpu.pipeline_mode<synchronous>, transform_indices = @transform_6, window_bounds = array<i64: 64, 64>}, {pipeline_mode = #tpu.pipeline_mode<synchronous>, transform_indices = @transform_7, window_bounds = array<i64: 1, 64>}, {pipeline_mode = #tpu.pipeline_mode<synchronous>, transform_indices = @transform_8, window_bounds = array<i64: 64, 64>}, {pipeline_mode = #tpu.pipeline_mode<synchronous>, transform_indices = @transform_9, window_bounds = array<i64: 1, 64>}, {pipeline_mode = #tpu.pipeline_mode<synchronous>, transform_indices = @transform_10, window_bounds = array<i64: 64, 64>}, {pipeline_mode = #tpu.pipeline_mode<synchronous>, transform_indices = @transform_11, window_bounds = array<i64: 1, 64>}, {pipeline_mode = #tpu.pipeline_mode<synchronous>, transform_indices = @transform_12, window_bounds = array<i64: 64, 64>}, {pipeline_mode = #tpu.pipeline_mode<synchronous>, transform_indices = @transform_13, window_bounds = array<i64: 1, 64>}, {pipeline_mode = #tpu.pipeline_mode<synchronous>, transform_indices = @transform_14, window_bounds = array<i64: 64, 64>}, {pipeline_mode = #tpu.pipeline_mode<synchronous>, transform_indices = @transform_15, window_bounds = array<i64: 1, 64>}, {pipeline_mode = #tpu.pipeline_mode<synchronous>, transform_indices = @transform_16, window_bounds = array<i64: 64, 2>}, {pipeline_mode = #tpu.pipeline_mode<synchronous>, transform_indices = @transform_17, window_bounds = array<i64: 1, 2>}, {pipeline_mode = #tpu.pipeline_mode<synchronous>, transform_indices = @transform_18, window_bounds = array<i64: 8, 2>}, {pipeline_mode = #tpu.pipeline_mode<synchronous>, transform_indices = @transform_19, window_bounds = array<i64: 8, 64>}]} {
    %get3A = arith.constant 0 : index
    %get3A_0 = arith.constant 0 : index
    %get3A_1 = arith.constant 0 : index
    %get3A_2 = vector.load %arg2[%get3A, %get3A_0, %get3A_1] : memref<1x1x2000xi32, #tpu.memory_space<vmem>>, vector<1x1x2000xi32>
    %get3A_3 = vector.shape_cast %get3A_2 : vector<1x1x2000xi32> to vector<2000xi32>
    %broadcast_in_dim3A = vector.shape_cast %get3A_3 : vector<2000xi32> to vector<2000x1xi32>
    %iota3A = tpu.iota {dimensions = array<i32: 1>} : vector<2000x8xi32>
    %eq3A = vector.broadcast %broadcast_in_dim3A : vector<2000x1xi32> to vector<2000x8xi32>
    %eq3A_4 = arith.cmpi eq, %eq3A, %iota3A : vector<2000x8xi32>
    %eq3A_5 = arith.constant 0 : i32
    %eq3A_6 = arith.cmpi eq, %arg0, %eq3A_5 : i32
    %convert_element_type3A = arith.extui %eq3A_6 : i1 to i32
    %cond3A = arith.constant 0 : i32
    %cond3A_7 = arith.cmpi ne, %convert_element_type3A, %cond3A : i32
    scf.if %cond3A_7 {
      %get3A_13 = arith.constant 0 : index
      %get3A_14 = arith.constant 0 : index
      %get3A_15 = arith.constant 0 : index
      %get3A_16 = vector.load %arg4[%get3A_13, %get3A_14, %get3A_15] : memref<1x2000x64xf32, #tpu.memory_space<vmem>>, vector<1x2000x64xf32>
      %get3A_17 = vector.shape_cast %get3A_16 : vector<1x2000x64xf32> to vector<2000x64xf32>
      %get3A_18 = arith.constant 0 : index
      %get3A_19 = arith.constant 0 : index
      %get3A_20 = arith.constant 0 : index
      %get3A_21 = vector.load %arg5[%get3A_18, %get3A_19, %get3A_20] : memref<1x2000x64xf32, #tpu.memory_space<vmem>>, vector<1x2000x64xf32>
      %get3A_22 = vector.shape_cast %get3A_21 : vector<1x2000x64xf32> to vector<2000x64xf32>
      %add3A = arith.addf %get3A_17, %get3A_22 : vector<2000x64xf32>
      %get3A_23 = arith.constant 0 : index
      %get3A_24 = arith.constant 0 : index
      %get3A_25 = vector.load %arg3[%get3A_23, %get3A_24] : memref<2000x64xf32, #tpu.memory_space<vmem>>, vector<2000x64xf32>
      %sub3A = arith.subf %add3A, %get3A_25 : vector<2000x64xf32>
      %get3A_26 = arith.constant 0 : index
      %get3A_27 = arith.constant 0 : index
      %get3A_28 = vector.load %arg6[%get3A_26, %get3A_27] : memref<64x64xf32, #tpu.memory_space<vmem>>, vector<64x64xf32>
      %dot_general3A = arith.constant dense<0.000000e+00> : vector<2000x64xf32>
      %dot_general3A_29 = tpu.matmul %sub3A, %get3A_28, %dot_general3A {dimension_numbers = #tpu.dot_dimension_numbers<[1], [0], [0], [1], [0, 0, 1, 1], [], []>, transpose_lhs_hint = false} : vector<2000x64xf32>, vector<64x64xf32>, vector<2000x64xf32> -> vector<2000x64xf32>
      %get3A_30 = arith.constant 0 : index
      %get3A_31 = arith.constant 0 : index
      %get3A_32 = vector.load %arg7[%get3A_30, %get3A_31] : memref<1x64xf32, #tpu.memory_space<vmem>>, vector<1x64xf32>
      %add3A_33 = vector.broadcast %get3A_32 : vector<1x64xf32> to vector<2000x64xf32>
      %add3A_34 = arith.addf %dot_general3A_29, %add3A_33 : vector<2000x64xf32>
      %max3A = arith.constant 0.000000e+00 : f32
      %max3A_35 = vector.broadcast %max3A : f32 to vector<2000x64xf32>
      %max3A_36 = arith.maximumf %add3A_34, %max3A_35 : vector<2000x64xf32>
      %get3A_37 = arith.constant 0 : index
      %get3A_38 = arith.constant 0 : index
      %get3A_39 = vector.load %arg8[%get3A_37, %get3A_38] : memref<64x64xf32, #tpu.memory_space<vmem>>, vector<64x64xf32>
      %dot_general3A_40 = arith.constant dense<0.000000e+00> : vector<2000x64xf32>
      %dot_general3A_41 = tpu.matmul %max3A_36, %get3A_39, %dot_general3A_40 {dimension_numbers = #tpu.dot_dimension_numbers<[1], [0], [0], [1], [0, 0, 1, 1], [], []>, transpose_lhs_hint = false} : vector<2000x64xf32>, vector<64x64xf32>, vector<2000x64xf32> -> vector<2000x64xf32>
      %get3A_42 = arith.constant 0 : index
      %get3A_43 = arith.constant 0 : index
      %get3A_44 = vector.load %arg9[%get3A_42, %get3A_43] : memref<1x64xf32, #tpu.memory_space<vmem>>, vector<1x64xf32>
      %add3A_45 = vector.broadcast %get3A_44 : vector<1x64xf32> to vector<2000x64xf32>
      %add3A_46 = arith.addf %dot_general3A_41, %add3A_45 : vector<2000x64xf32>
      %get3A_47 = arith.constant 0 : index
      %get3A_48 = arith.constant 0 : index
      %get3A_49 = vector.load %arg10[%get3A_47, %get3A_48] : memref<64x64xf32, #tpu.memory_space<vmem>>, vector<64x64xf32>
      %dot_general3A_50 = arith.constant dense<0.000000e+00> : vector<2000x64xf32>
      %dot_general3A_51 = tpu.matmul %add3A_46, %get3A_49, %dot_general3A_50 {dimension_numbers = #tpu.dot_dimension_numbers<[1], [0], [0], [1], [0, 0, 1, 1], [], []>, transpose_lhs_hint = false} : vector<2000x64xf32>, vector<64x64xf32>, vector<2000x64xf32> -> vector<2000x64xf32>
      %get3A_52 = arith.constant 0 : index
      %get3A_53 = arith.constant 0 : index
      %get3A_54 = vector.load %arg11[%get3A_52, %get3A_53] : memref<1x64xf32, #tpu.memory_space<vmem>>, vector<1x64xf32>
      %add3A_55 = vector.broadcast %get3A_54 : vector<1x64xf32> to vector<2000x64xf32>
      %add3A_56 = arith.addf %dot_general3A_51, %add3A_55 : vector<2000x64xf32>
      %get3A_57 = arith.constant 0 : index
      %get3A_58 = arith.constant 0 : index
      %get3A_59 = vector.load %arg12[%get3A_57, %get3A_58] : memref<64x64xf32, #tpu.memory_space<vmem>>, vector<64x64xf32>
      %dot_general3A_60 = arith.constant dense<0.000000e+00> : vector<2000x64xf32>
      %dot_general3A_61 = tpu.matmul %add3A_56, %get3A_59, %dot_general3A_60 {dimension_numbers = #tpu.dot_dimension_numbers<[1], [0], [0], [1], [0, 0, 1, 1], [], []>, transpose_lhs_hint = false} : vector<2000x64xf32>, vector<64x64xf32>, vector<2000x64xf32> -> vector<2000x64xf32>
      %get3A_62 = arith.constant 0 : index
      %get3A_63 = arith.constant 0 : index
      %get3A_64 = vector.load %arg13[%get3A_62, %get3A_63] : memref<1x64xf32, #tpu.memory_space<vmem>>, vector<1x64xf32>
      %add3A_65 = vector.broadcast %get3A_64 : vector<1x64xf32> to vector<2000x64xf32>
      %add3A_66 = arith.addf %dot_general3A_61, %add3A_65 : vector<2000x64xf32>
      %tanh3A = math.tanh %add3A_66 : vector<2000x64xf32>
      %get3A_67 = arith.constant 0 : index
      %get3A_68 = arith.constant 0 : index
      %get3A_69 = vector.load %arg14[%get3A_67, %get3A_68] : memref<64x64xf32, #tpu.memory_space<vmem>>, vector<64x64xf32>
      %dot_general3A_70 = arith.constant dense<0.000000e+00> : vector<2000x64xf32>
      %dot_general3A_71 = tpu.matmul %add3A_56, %get3A_69, %dot_general3A_70 {dimension_numbers = #tpu.dot_dimension_numbers<[1], [0], [0], [1], [0, 0, 1, 1], [], []>, transpose_lhs_hint = false} : vector<2000x64xf32>, vector<64x64xf32>, vector<2000x64xf32> -> vector<2000x64xf32>
      %get3A_72 = arith.constant 0 : index
      %get3A_73 = arith.constant 0 : index
      %get3A_74 = vector.load %arg15[%get3A_72, %get3A_73] : memref<1x64xf32, #tpu.memory_space<vmem>>, vector<1x64xf32>
      %add3A_75 = vector.broadcast %get3A_74 : vector<1x64xf32> to vector<2000x64xf32>
      %add3A_76 = arith.addf %dot_general3A_71, %add3A_75 : vector<2000x64xf32>
      %logistic3A = arith.negf %add3A_76 : vector<2000x64xf32>
      %logistic3A_77 = math.exp %logistic3A : vector<2000x64xf32>
      %logistic3A_78 = arith.constant 1.000000e+00 : f32
      %logistic3A_79 = vector.broadcast %logistic3A_78 : f32 to vector<2000x64xf32>
      %logistic3A_80 = arith.addf %logistic3A_79, %logistic3A_77 : vector<2000x64xf32>
      %logistic3A_81 = arith.divf %logistic3A_79, %logistic3A_80 : vector<2000x64xf32>
      %mul3A = arith.mulf %tanh3A, %logistic3A_81 : vector<2000x64xf32>
      %get3A_82 = arith.constant 0 : index
      %get3A_83 = arith.constant 0 : index
      %get3A_84 = vector.load %arg16[%get3A_82, %get3A_83] : memref<64x64xf32, #tpu.memory_space<vmem>>, vector<64x64xf32>
      %dot_general3A_85 = arith.constant dense<0.000000e+00> : vector<2000x64xf32>
      %dot_general3A_86 = tpu.matmul %mul3A, %get3A_84, %dot_general3A_85 {dimension_numbers = #tpu.dot_dimension_numbers<[1], [0], [0], [1], [0, 0, 1, 1], [], []>, transpose_lhs_hint = false} : vector<2000x64xf32>, vector<64x64xf32>, vector<2000x64xf32> -> vector<2000x64xf32>
      %get3A_87 = arith.constant 0 : index
      %get3A_88 = arith.constant 0 : index
      %get3A_89 = vector.load %arg17[%get3A_87, %get3A_88] : memref<1x64xf32, #tpu.memory_space<vmem>>, vector<1x64xf32>
      %add3A_90 = vector.broadcast %get3A_89 : vector<1x64xf32> to vector<2000x64xf32>
      %add3A_91 = arith.addf %dot_general3A_86, %add3A_90 : vector<2000x64xf32>
      %mul3A_92 = arith.constant 2000 : i32
      %mul3A_93 = arith.muli %arg1, %mul3A_92 : i32
      %swap3A = arith.index_cast %mul3A_93 : i32 to index
      %swap3A_94 = arith.constant 0 : index
      %swap3A_95 = vector.load %arg22[%swap3A, %swap3A_94] : memref<10000x64xf32, #tpu.memory_space<vmem>>, vector<2000x64xf32>
      tpu.vector_store %arg22[%swap3A, %swap3A_94], %add3A_56 {strides = array<i32>} : memref<10000x64xf32, #tpu.memory_space<vmem>>, vector<2000x64xf32>,
      %mul3A_96 = arith.constant 2000 : i32
      %mul3A_97 = arith.muli %arg1, %mul3A_96 : i32
      %swap3A_98 = arith.index_cast %mul3A_97 : i32 to index
      %swap3A_99 = arith.constant 0 : index
      %swap3A_100 = vector.load %arg23[%swap3A_98, %swap3A_99] : memref<10000x64xf32, #tpu.memory_space<vmem>>, vector<2000x64xf32>
      tpu.vector_store %arg23[%swap3A_98, %swap3A_99], %add3A_91 {strides = array<i32>} : memref<10000x64xf32, #tpu.memory_space<vmem>>, vector<2000x64xf32>,
      %eq3A_101 = arith.constant 0 : i32
      %eq3A_102 = arith.cmpi eq, %arg1, %eq3A_101 : i32
      %convert_element_type3A_103 = arith.extui %eq3A_102 : i1 to i32
      %cond3A_104 = arith.constant 0 : i32
      %cond3A_105 = arith.cmpi ne, %convert_element_type3A_103, %cond3A_104 : i32
      scf.if %cond3A_105 {
        %broadcast_in_dim3A_246 = arith.constant -1.000000e+30 : f32
        %broadcast_in_dim3A_247 = vector.broadcast %broadcast_in_dim3A_246 : f32 to vector<8x64xf32>
        %swap3A_248 = arith.constant 0 : index
        %swap3A_249 = arith.constant 0 : index
        %swap3A_250 = vector.load %arg24[%swap3A_248, %swap3A_249] : memref<8x64xf32, #tpu.memory_space<vmem>>, vector<8x64xf32>
        tpu.vector_store %arg24[%swap3A_248, %swap3A_249], %broadcast_in_dim3A_247 {strides = array<i32>} : memref<8x64xf32, #tpu.memory_space<vmem>>, vector<8x64xf32>,
      } else {
      }
      %slice3A = vector.extract_strided_slice %eq3A_4 {offsets = [0, 0], sizes = [2000, 1], strides = [1, 1]} : vector<2000x8xi1> to vector<2000x1xi1>
      %jit3A = arith.constant -1.000000e+30 : f32
      %broadcast_in_dim3A_106 = vector.shape_cast %slice3A : vector<2000x1xi1> to vector<2000x1xi1>
      %broadcast_in_dim3A_107 = vector.broadcast %broadcast_in_dim3A_106 : vector<2000x1xi1> to vector<2000x64xi1>
      %broadcast_in_dim3A_108 = vector.broadcast %jit3A : f32 to vector<2000x64xf32>
      %select_n3A = arith.select %broadcast_in_dim3A_107, %add3A_91, %broadcast_in_dim3A_108 : vector<2000x64xi1>, vector<2000x64xf32>
      %reduce_max3A = arith.constant dense<0xFF800000> : vector<64xf32>
      %reduce_max3A_109 = vector.multi_reduction <maximumf>, %select_n3A, %reduce_max3A [0] : vector<2000x64xf32> to vector<64xf32>
      %get3A_110 = arith.constant 0 : index
      %get3A_111 = arith.constant 0 : index
      %get3A_112 = vector.load %arg24[%get3A_110, %get3A_111] : memref<8x64xf32, #tpu.memory_space<vmem>>, vector<1x64xf32>
      %get3A_113 = vector.shape_cast %get3A_112 : vector<1x64xf32> to vector<64xf32>
      %max3A_114 = arith.maximumf %get3A_113, %reduce_max3A_109 : vector<64xf32>
      %swap3A_115 = arith.constant 0 : index
      %swap3A_116 = arith.constant 0 : index
      %swap3A_117 = vector.load %arg24[%swap3A_115, %swap3A_116] : memref<8x64xf32, #tpu.memory_space<vmem>>, vector<1x64xf32>
      %swap3A_118 = vector.shape_cast %swap3A_117 : vector<1x64xf32> to vector<64xf32>
      %swap3A_119 = vector.shape_cast %max3A_114 : vector<64xf32> to vector<1x64xf32>
      tpu.vector_store %arg24[%swap3A_115, %swap3A_116], %swap3A_119 {strides = array<i32>} : memref<8x64xf32, #tpu.memory_space<vmem>>, vector<1x64xf32>,
      %slice3A_120 = vector.extract_strided_slice %eq3A_4 {offsets = [0, 1], sizes = [2000, 1], strides = [1, 1]} : vector<2000x8xi1> to vector<2000x1xi1>
      %jit3A_121 = arith.constant -1.000000e+30 : f32
      %broadcast_in_dim3A_122 = vector.shape_cast %slice3A_120 : vector<2000x1xi1> to vector<2000x1xi1>
      %broadcast_in_dim3A_123 = vector.broadcast %broadcast_in_dim3A_122 : vector<2000x1xi1> to vector<2000x64xi1>
      %broadcast_in_dim3A_124 = vector.broadcast %jit3A_121 : f32 to vector<2000x64xf32>
      %select_n3A_125 = arith.select %broadcast_in_dim3A_123, %add3A_91, %broadcast_in_dim3A_124 : vector<2000x64xi1>, vector<2000x64xf32>
      %reduce_max3A_126 = arith.constant dense<0xFF800000> : vector<64xf32>
      %reduce_max3A_127 = vector.multi_reduction <maximumf>, %select_n3A_125, %reduce_max3A_126 [0] : vector<2000x64xf32> to vector<64xf32>
      %get3A_128 = arith.constant 1 : index
      %get3A_129 = arith.constant 0 : index
      %get3A_130 = vector.load %arg24[%get3A_128, %get3A_129] : memref<8x64xf32, #tpu.memory_space<vmem>>, vector<1x64xf32>
      %get3A_131 = vector.shape_cast %get3A_130 : vector<1x64xf32> to vector<64xf32>
      %max3A_132 = arith.maximumf %get3A_131, %reduce_max3A_127 : vector<64xf32>
      %swap3A_133 = arith.constant 1 : index
      %swap3A_134 = arith.constant 0 : index
      %swap3A_135 = vector.load %arg24[%swap3A_133, %swap3A_134] : memref<8x64xf32, #tpu.memory_space<vmem>>, vector<1x64xf32>
      %swap3A_136 = vector.shape_cast %swap3A_135 : vector<1x64xf32> to vector<64xf32>
      %swap3A_137 = vector.shape_cast %max3A_132 : vector<64xf32> to vector<1x64xf32>
      tpu.vector_store %arg24[%swap3A_133, %swap3A_134], %swap3A_137 {strides = array<i32>} : memref<8x64xf32, #tpu.memory_space<vmem>>, vector<1x64xf32>,
      %slice3A_138 = vector.extract_strided_slice %eq3A_4 {offsets = [0, 2], sizes = [2000, 1], strides = [1, 1]} : vector<2000x8xi1> to vector<2000x1xi1>
      %jit3A_139 = arith.constant -1.000000e+30 : f32
      %broadcast_in_dim3A_140 = vector.shape_cast %slice3A_138 : vector<2000x1xi1> to vector<2000x1xi1>
      %broadcast_in_dim3A_141 = vector.broadcast %broadcast_in_dim3A_140 : vector<2000x1xi1> to vector<2000x64xi1>
      %broadcast_in_dim3A_142 = vector.broadcast %jit3A_139 : f32 to vector<2000x64xf32>
      %select_n3A_143 = arith.select %broadcast_in_dim3A_141, %add3A_91, %broadcast_in_dim3A_142 : vector<2000x64xi1>, vector<2000x64xf32>
      %reduce_max3A_144 = arith.constant dense<0xFF800000> : vector<64xf32>
      %reduce_max3A_145 = vector.multi_reduction <maximumf>, %select_n3A_143, %reduce_max3A_144 [0] : vector<2000x64xf32> to vector<64xf32>
      %get3A_146 = arith.constant 2 : index
      %get3A_147 = arith.constant 0 : index
      %get3A_148 = vector.load %arg24[%get3A_146, %get3A_147] : memref<8x64xf32, #tpu.memory_space<vmem>>, vector<1x64xf32>
      %get3A_149 = vector.shape_cast %get3A_148 : vector<1x64xf32> to vector<64xf32>
      %max3A_150 = arith.maximumf %get3A_149, %reduce_max3A_145 : vector<64xf32>
      %swap3A_151 = arith.constant 2 : index
      %swap3A_152 = arith.constant 0 : index
      %swap3A_153 = vector.load %arg24[%swap3A_151, %swap3A_152] : memref<8x64xf32, #tpu.memory_space<vmem>>, vector<1x64xf32>
      %swap3A_154 = vector.shape_cast %swap3A_153 : vector<1x64xf32> to vector<64xf32>
      %swap3A_155 = vector.shape_cast %max3A_150 : vector<64xf32> to vector<1x64xf32>
      tpu.vector_store %arg24[%swap3A_151, %swap3A_152], %swap3A_155 {strides = array<i32>} : memref<8x64xf32, #tpu.memory_space<vmem>>, vector<1x64xf32>,
      %slice3A_156 = vector.extract_strided_slice %eq3A_4 {offsets = [0, 3], sizes = [2000, 1], strides = [1, 1]} : vector<2000x8xi1> to vector<2000x1xi1>
      %jit3A_157 = arith.constant -1.000000e+30 : f32
      %broadcast_in_dim3A_158 = vector.shape_cast %slice3A_156 : vector<2000x1xi1> to vector<2000x1xi1>
      %broadcast_in_dim3A_159 = vector.broadcast %broadcast_in_dim3A_158 : vector<2000x1xi1> to vector<2000x64xi1>
      %broadcast_in_dim3A_160 = vector.broadcast %jit3A_157 : f32 to vector<2000x64xf32>
      %select_n3A_161 = arith.select %broadcast_in_dim3A_159, %add3A_91, %broadcast_in_dim3A_160 : vector<2000x64xi1>, vector<2000x64xf32>
      %reduce_max3A_162 = arith.constant dense<0xFF800000> : vector<64xf32>
      %reduce_max3A_163 = vector.multi_reduction <maximumf>, %select_n3A_161, %reduce_max3A_162 [0] : vector<2000x64xf32> to vector<64xf32>
      %get3A_164 = arith.constant 3 : index
      %get3A_165 = arith.constant 0 : index
      %get3A_166 = vector.load %arg24[%get3A_164, %get3A_165] : memref<8x64xf32, #tpu.memory_space<vmem>>, vector<1x64xf32>
      %get3A_167 = vector.shape_cast %get3A_166 : vector<1x64xf32> to vector<64xf32>
      %max3A_168 = arith.maximumf %get3A_167, %reduce_max3A_163 : vector<64xf32>
      %swap3A_169 = arith.constant 3 : index
      %swap3A_170 = arith.constant 0 : index
      %swap3A_171 = vector.load %arg24[%swap3A_169, %swap3A_170] : memref<8x64xf32, #tpu.memory_space<vmem>>, vector<1x64xf32>
      %swap3A_172 = vector.shape_cast %swap3A_171 : vector<1x64xf32> to vector<64xf32>
      %swap3A_173 = vector.shape_cast %max3A_168 : vector<64xf32> to vector<1x64xf32>
      tpu.vector_store %arg24[%swap3A_169, %swap3A_170], %swap3A_173 {strides = array<i32>} : memref<8x64xf32, #tpu.memory_space<vmem>>, vector<1x64xf32>,
      %slice3A_174 = vector.extract_strided_slice %eq3A_4 {offsets = [0, 4], sizes = [2000, 1], strides = [1, 1]} : vector<2000x8xi1> to vector<2000x1xi1>
      %jit3A_175 = arith.constant -1.000000e+30 : f32
      %broadcast_in_dim3A_176 = vector.shape_cast %slice3A_174 : vector<2000x1xi1> to vector<2000x1xi1>
      %broadcast_in_dim3A_177 = vector.broadcast %broadcast_in_dim3A_176 : vector<2000x1xi1> to vector<2000x64xi1>
      %broadcast_in_dim3A_178 = vector.broadcast %jit3A_175 : f32 to vector<2000x64xf32>
      %select_n3A_179 = arith.select %broadcast_in_dim3A_177, %add3A_91, %broadcast_in_dim3A_178 : vector<2000x64xi1>, vector<2000x64xf32>
      %reduce_max3A_180 = arith.constant dense<0xFF800000> : vector<64xf32>
      %reduce_max3A_181 = vector.multi_reduction <maximumf>, %select_n3A_179, %reduce_max3A_180 [0] : vector<2000x64xf32> to vector<64xf32>
      %get3A_182 = arith.constant 4 : index
      %get3A_183 = arith.constant 0 : index
      %get3A_184 = vector.load %arg24[%get3A_182, %get3A_183] : memref<8x64xf32, #tpu.memory_space<vmem>>, vector<1x64xf32>
      %get3A_185 = vector.shape_cast %get3A_184 : vector<1x64xf32> to vector<64xf32>
      %max3A_186 = arith.maximumf %get3A_185, %reduce_max3A_181 : vector<64xf32>
      %swap3A_187 = arith.constant 4 : index
      %swap3A_188 = arith.constant 0 : index
      %swap3A_189 = vector.load %arg24[%swap3A_187, %swap3A_188] : memref<8x64xf32, #tpu.memory_space<vmem>>, vector<1x64xf32>
      %swap3A_190 = vector.shape_cast %swap3A_189 : vector<1x64xf32> to vector<64xf32>
      %swap3A_191 = vector.shape_cast %max3A_186 : vector<64xf32> to vector<1x64xf32>
      tpu.vector_store %arg24[%swap3A_187, %swap3A_188], %swap3A_191 {strides = array<i32>} : memref<8x64xf32, #tpu.memory_space<vmem>>, vector<1x64xf32>,
      %slice3A_192 = vector.extract_strided_slice %eq3A_4 {offsets = [0, 5], sizes = [2000, 1], strides = [1, 1]} : vector<2000x8xi1> to vector<2000x1xi1>
      %jit3A_193 = arith.constant -1.000000e+30 : f32
      %broadcast_in_dim3A_194 = vector.shape_cast %slice3A_192 : vector<2000x1xi1> to vector<2000x1xi1>
      %broadcast_in_dim3A_195 = vector.broadcast %broadcast_in_dim3A_194 : vector<2000x1xi1> to vector<2000x64xi1>
      %broadcast_in_dim3A_196 = vector.broadcast %jit3A_193 : f32 to vector<2000x64xf32>
      %select_n3A_197 = arith.select %broadcast_in_dim3A_195, %add3A_91, %broadcast_in_dim3A_196 : vector<2000x64xi1>, vector<2000x64xf32>
      %reduce_max3A_198 = arith.constant dense<0xFF800000> : vector<64xf32>
      %reduce_max3A_199 = vector.multi_reduction <maximumf>, %select_n3A_197, %reduce_max3A_198 [0] : vector<2000x64xf32> to vector<64xf32>
      %get3A_200 = arith.constant 5 : index
      %get3A_201 = arith.constant 0 : index
      %get3A_202 = vector.load %arg24[%get3A_200, %get3A_201] : memref<8x64xf32, #tpu.memory_space<vmem>>, vector<1x64xf32>
      %get3A_203 = vector.shape_cast %get3A_202 : vector<1x64xf32> to vector<64xf32>
      %max3A_204 = arith.maximumf %get3A_203, %reduce_max3A_199 : vector<64xf32>
      %swap3A_205 = arith.constant 5 : index
      %swap3A_206 = arith.constant 0 : index
      %swap3A_207 = vector.load %arg24[%swap3A_205, %swap3A_206] : memref<8x64xf32, #tpu.memory_space<vmem>>, vector<1x64xf32>
      %swap3A_208 = vector.shape_cast %swap3A_207 : vector<1x64xf32> to vector<64xf32>
      %swap3A_209 = vector.shape_cast %max3A_204 : vector<64xf32> to vector<1x64xf32>
      tpu.vector_store %arg24[%swap3A_205, %swap3A_206], %swap3A_209 {strides = array<i32>} : memref<8x64xf32, #tpu.memory_space<vmem>>, vector<1x64xf32>,
      %slice3A_210 = vector.extract_strided_slice %eq3A_4 {offsets = [0, 6], sizes = [2000, 1], strides = [1, 1]} : vector<2000x8xi1> to vector<2000x1xi1>
      %jit3A_211 = arith.constant -1.000000e+30 : f32
      %broadcast_in_dim3A_212 = vector.shape_cast %slice3A_210 : vector<2000x1xi1> to vector<2000x1xi1>
      %broadcast_in_dim3A_213 = vector.broadcast %broadcast_in_dim3A_212 : vector<2000x1xi1> to vector<2000x64xi1>
      %broadcast_in_dim3A_214 = vector.broadcast %jit3A_211 : f32 to vector<2000x64xf32>
      %select_n3A_215 = arith.select %broadcast_in_dim3A_213, %add3A_91, %broadcast_in_dim3A_214 : vector<2000x64xi1>, vector<2000x64xf32>
      %reduce_max3A_216 = arith.constant dense<0xFF800000> : vector<64xf32>
      %reduce_max3A_217 = vector.multi_reduction <maximumf>, %select_n3A_215, %reduce_max3A_216 [0] : vector<2000x64xf32> to vector<64xf32>
      %get3A_218 = arith.constant 6 : index
      %get3A_219 = arith.constant 0 : index
      %get3A_220 = vector.load %arg24[%get3A_218, %get3A_219] : memref<8x64xf32, #tpu.memory_space<vmem>>, vector<1x64xf32>
      %get3A_221 = vector.shape_cast %get3A_220 : vector<1x64xf32> to vector<64xf32>
      %max3A_222 = arith.maximumf %get3A_221, %reduce_max3A_217 : vector<64xf32>
      %swap3A_223 = arith.constant 6 : index
      %swap3A_224 = arith.constant 0 : index
      %swap3A_225 = vector.load %arg24[%swap3A_223, %swap3A_224] : memref<8x64xf32, #tpu.memory_space<vmem>>, vector<1x64xf32>
      %swap3A_226 = vector.shape_cast %swap3A_225 : vector<1x64xf32> to vector<64xf32>
      %swap3A_227 = vector.shape_cast %max3A_222 : vector<64xf32> to vector<1x64xf32>
      tpu.vector_store %arg24[%swap3A_223, %swap3A_224], %swap3A_227 {strides = array<i32>} : memref<8x64xf32, #tpu.memory_space<vmem>>, vector<1x64xf32>,
      %slice3A_228 = vector.extract_strided_slice %eq3A_4 {offsets = [0, 7], sizes = [2000, 1], strides = [1, 1]} : vector<2000x8xi1> to vector<2000x1xi1>
      %jit3A_229 = arith.constant -1.000000e+30 : f32
      %broadcast_in_dim3A_230 = vector.shape_cast %slice3A_228 : vector<2000x1xi1> to vector<2000x1xi1>
      %broadcast_in_dim3A_231 = vector.broadcast %broadcast_in_dim3A_230 : vector<2000x1xi1> to vector<2000x64xi1>
      %broadcast_in_dim3A_232 = vector.broadcast %jit3A_229 : f32 to vector<2000x64xf32>
      %select_n3A_233 = arith.select %broadcast_in_dim3A_231, %add3A_91, %broadcast_in_dim3A_232 : vector<2000x64xi1>, vector<2000x64xf32>
      %reduce_max3A_234 = arith.constant dense<0xFF800000> : vector<64xf32>
      %reduce_max3A_235 = vector.multi_reduction <maximumf>, %select_n3A_233, %reduce_max3A_234 [0] : vector<2000x64xf32> to vector<64xf32>
      %get3A_236 = arith.constant 7 : index
      %get3A_237 = arith.constant 0 : index
      %get3A_238 = vector.load %arg24[%get3A_236, %get3A_237] : memref<8x64xf32, #tpu.memory_space<vmem>>, vector<1x64xf32>
      %get3A_239 = vector.shape_cast %get3A_238 : vector<1x64xf32> to vector<64xf32>
      %max3A_240 = arith.maximumf %get3A_239, %reduce_max3A_235 : vector<64xf32>
      %swap3A_241 = arith.constant 7 : index
      %swap3A_242 = arith.constant 0 : index
      %swap3A_243 = vector.load %arg24[%swap3A_241, %swap3A_242] : memref<8x64xf32, #tpu.memory_space<vmem>>, vector<1x64xf32>
      %swap3A_244 = vector.shape_cast %swap3A_243 : vector<1x64xf32> to vector<64xf32>
      %swap3A_245 = vector.shape_cast %max3A_240 : vector<64xf32> to vector<1x64xf32>
      tpu.vector_store %arg24[%swap3A_241, %swap3A_242], %swap3A_245 {strides = array<i32>} : memref<8x64xf32, #tpu.memory_space<vmem>>, vector<1x64xf32>,
    } else {
    }
    %eq3A_8 = arith.constant 1 : i32
    %eq3A_9 = arith.cmpi eq, %arg0, %eq3A_8 : i32
    %convert_element_type3A_10 = arith.extui %eq3A_9 : i1 to i32
    %cond3A_11 = arith.constant 0 : i32
    %cond3A_12 = arith.cmpi ne, %convert_element_type3A_10, %cond3A_11 : i32
    scf.if %cond3A_12 {
      %eq3A_13 = arith.constant 0 : i32
      %eq3A_14 = arith.cmpi eq, %arg1, %eq3A_13 : i32
      %convert_element_type3A_15 = arith.extui %eq3A_14 : i1 to i32
      %cond3A_16 = arith.constant 0 : i32
      %cond3A_17 = arith.cmpi ne, %convert_element_type3A_15, %cond3A_16 : i32
      scf.if %cond3A_17 {
        %broadcast_in_dim3A_55 = arith.constant 0.000000e+00 : f32
        %broadcast_in_dim3A_56 = vector.broadcast %broadcast_in_dim3A_55 : f32 to vector<8x64xf32>
        %swap3A_57 = arith.constant 0 : index
        %swap3A_58 = arith.constant 0 : index
        %swap3A_59 = vector.load %arg25[%swap3A_57, %swap3A_58] : memref<8x64xf32, #tpu.memory_space<vmem>>, vector<8x64xf32>
        tpu.vector_store %arg25[%swap3A_57, %swap3A_58], %broadcast_in_dim3A_56 {strides = array<i32>} : memref<8x64xf32, #tpu.memory_space<vmem>>, vector<8x64xf32>,
        %broadcast_in_dim3A_60 = arith.constant 0.000000e+00 : f32
        %broadcast_in_dim3A_61 = vector.broadcast %broadcast_in_dim3A_60 : f32 to vector<8x64xf32>
        %swap3A_62 = arith.constant 0 : index
        %swap3A_63 = arith.constant 0 : index
        %swap3A_64 = vector.load %arg26[%swap3A_62, %swap3A_63] : memref<8x64xf32, #tpu.memory_space<vmem>>, vector<8x64xf32>
        tpu.vector_store %arg26[%swap3A_62, %swap3A_63], %broadcast_in_dim3A_61 {strides = array<i32>} : memref<8x64xf32, #tpu.memory_space<vmem>>, vector<8x64xf32>,
      } else {
      }
      %convert_element_type3A_18 = arith.extui %eq3A_4 : vector<2000x8xi1> to vector<2000x8xi32>
      %convert_element_type3A_19 = arith.sitofp %convert_element_type3A_18 : vector<2000x8xi32> to vector<2000x8xf32>
      %mul3A = arith.constant 2000 : i32
      %mul3A_20 = arith.muli %arg1, %mul3A : i32
      %get3A_21 = arith.index_cast %mul3A_20 : i32 to index
      %get3A_22 = arith.constant 0 : index
      %get3A_23 = vector.load %arg22[%get3A_21, %get3A_22] : memref<10000x64xf32, #tpu.memory_space<vmem>>, vector<2000x64xf32>
      %mul3A_24 = arith.constant 2000 : i32
      %mul3A_25 = arith.muli %arg1, %mul3A_24 : i32
      %get3A_26 = arith.index_cast %mul3A_25 : i32 to index
      %get3A_27 = arith.constant 0 : index
      %get3A_28 = vector.load %arg23[%get3A_26, %get3A_27] : memref<10000x64xf32, #tpu.memory_space<vmem>>, vector<2000x64xf32>
      %get3A_29 = arith.constant 0 : index
      %get3A_30 = arith.constant 0 : index
      %get3A_31 = vector.load %arg24[%get3A_29, %get3A_30] : memref<8x64xf32, #tpu.memory_space<vmem>>, vector<8x64xf32>
      %dot_general3A = arith.constant dense<0.000000e+00> : vector<2000x64xf32>
      %dot_general3A_32 = tpu.matmul %convert_element_type3A_19, %get3A_31, %dot_general3A {dimension_numbers = #tpu.dot_dimension_numbers<[1], [0], [0], [1], [0, 0, 1, 1], [], []>, transpose_lhs_hint = false} : vector<2000x8xf32>, vector<8x64xf32>, vector<2000x64xf32> -> vector<2000x64xf32>
      %sub3A = arith.subf %get3A_28, %dot_general3A_32 : vector<2000x64xf32>
      %exp3A = math.exp %sub3A : vector<2000x64xf32>
      %get3A_33 = arith.constant 0 : index
      %get3A_34 = arith.constant 0 : index
      %get3A_35 = vector.load %arg26[%get3A_33, %get3A_34] : memref<8x64xf32, #tpu.memory_space<vmem>>, vector<8x64xf32>
      %dot_general3A_36 = arith.constant dense<0.000000e+00> : vector<8x64xf32>
      %dot_general3A_37 = tpu.matmul %convert_element_type3A_19, %exp3A, %dot_general3A_36 {dimension_numbers = #tpu.dot_dimension_numbers<[0], [0], [1], [1], [0, 1, 1, 1], [], []>, transpose_lhs_hint = false} : vector<2000x8xf32>, vector<2000x64xf32>, vector<8x64xf32> -> vector<8x64xf32>
      %add3A = arith.addf %get3A_35, %dot_general3A_37 : vector<8x64xf32>
      %swap3A = arith.constant 0 : index
      %swap3A_38 = arith.constant 0 : index
      %swap3A_39 = vector.load %arg26[%swap3A, %swap3A_38] : memref<8x64xf32, #tpu.memory_space<vmem>>, vector<8x64xf32>
      tpu.vector_store %arg26[%swap3A, %swap3A_38], %add3A {strides = array<i32>} : memref<8x64xf32, #tpu.memory_space<vmem>>, vector<8x64xf32>,
      %get3A_40 = arith.constant 0 : index
      %get3A_41 = arith.constant 0 : index
      %get3A_42 = vector.load %arg25[%get3A_40, %get3A_41] : memref<8x64xf32, #tpu.memory_space<vmem>>, vector<8x64xf32>
      %mul3A_43 = arith.mulf %get3A_23, %exp3A : vector<2000x64xf32>
      %dot_general3A_44 = arith.constant dense<0.000000e+00> : vector<8x64xf32>
      %dot_general3A_45 = tpu.matmul %convert_element_type3A_19, %mul3A_43, %dot_general3A_44 {dimension_numbers = #tpu.dot_dimension_numbers<[0], [0], [1], [1], [0, 1, 1, 1], [], []>, transpose_lhs_hint = false} : vector<2000x8xf32>, vector<2000x64xf32>, vector<8x64xf32> -> vector<8x64xf32>
      %add3A_46 = arith.addf %get3A_42, %dot_general3A_45 : vector<8x64xf32>
      %swap3A_47 = arith.constant 0 : index
      %swap3A_48 = arith.constant 0 : index
      %swap3A_49 = vector.load %arg25[%swap3A_47, %swap3A_48] : memref<8x64xf32, #tpu.memory_space<vmem>>, vector<8x64xf32>
      tpu.vector_store %arg25[%swap3A_47, %swap3A_48], %add3A_46 {strides = array<i32>} : memref<8x64xf32, #tpu.memory_space<vmem>>, vector<8x64xf32>,
      %eq3A_50 = arith.constant 4 : i32
      %eq3A_51 = arith.cmpi eq, %arg1, %eq3A_50 : i32
      %convert_element_type3A_52 = arith.extui %eq3A_51 : i1 to i32
      %cond3A_53 = arith.constant 0 : i32
      %cond3A_54 = arith.cmpi ne, %convert_element_type3A_52, %cond3A_53 : i32
      scf.if %cond3A_54 {
        %get3A_55 = arith.constant 0 : index
        %get3A_56 = arith.constant 0 : index
        %get3A_57 = vector.load %arg25[%get3A_55, %get3A_56] : memref<8x64xf32, #tpu.memory_space<vmem>>, vector<8x64xf32>
        %get3A_58 = arith.constant 0 : index
        %get3A_59 = arith.constant 0 : index
        %get3A_60 = vector.load %arg26[%get3A_58, %get3A_59] : memref<8x64xf32, #tpu.memory_space<vmem>>, vector<8x64xf32>
        %add3A_61 = arith.constant 1.000000e-16 : f32
        %add3A_62 = vector.broadcast %add3A_61 : f32 to vector<8x64xf32>
        %add3A_63 = arith.addf %get3A_60, %add3A_62 : vector<8x64xf32>
        %div3A = arith.divf %get3A_57, %add3A_63 : vector<8x64xf32>
        %swap3A_64 = arith.constant 0 : index
        %swap3A_65 = arith.constant 0 : index
        %swap3A_66 = vector.load %arg21[%swap3A_64, %swap3A_65] : memref<8x64xf32, #tpu.memory_space<vmem>>, vector<8x64xf32>
        tpu.vector_store %arg21[%swap3A_64, %swap3A_65], %div3A {strides = array<i32>} : memref<8x64xf32, #tpu.memory_space<vmem>>, vector<8x64xf32>,
        %get3A_67 = arith.constant 0 : index
        %get3A_68 = arith.constant 0 : index
        %get3A_69 = vector.load %arg18[%get3A_67, %get3A_68] : memref<64x2xf32, #tpu.memory_space<vmem>>, vector<64x2xf32>
        %dot_general3A_70 = arith.constant dense<0.000000e+00> : vector<8x2xf32>
        %dot_general3A_71 = tpu.matmul %div3A, %get3A_69, %dot_general3A_70 {dimension_numbers = #tpu.dot_dimension_numbers<[1], [0], [0], [1], [0, 0, 1, 1], [], []>, transpose_lhs_hint = false} : vector<8x64xf32>, vector<64x2xf32>, vector<8x2xf32> -> vector<8x2xf32>
        %get3A_72 = arith.constant 0 : index
        %get3A_73 = arith.constant 0 : index
        %get3A_74 = vector.load %arg19[%get3A_72, %get3A_73] : memref<1x2xf32, #tpu.memory_space<vmem>>, vector<1x2xf32>
        %add3A_75 = vector.broadcast %get3A_74 : vector<1x2xf32> to vector<8x2xf32>
        %add3A_76 = arith.addf %dot_general3A_71, %add3A_75 : vector<8x2xf32>
        %swap3A_77 = arith.constant 0 : index
        %swap3A_78 = arith.constant 0 : index
        %swap3A_79 = vector.load %arg20[%swap3A_77, %swap3A_78] : memref<8x2xf32, #tpu.memory_space<vmem>>, vector<8x2xf32>
        tpu.vector_store %arg20[%swap3A_77, %swap3A_78], %add3A_76 {strides = array<i32>} : memref<8x2xf32, #tpu.memory_space<vmem>>, vector<8x2xf32>,
      } else {
      }
    } else {
    }
    return
  }
  func.func @transform_0(%arg0: i32, %arg1: i32) -> (i32, i32, i32) {
    %c0_i32 = arith.constant 0 : i32
    %c0_i32_0 = arith.constant 0 : i32
    %c0_i32_1 = arith.constant 0 : i32
    return %arg1, %c0_i32, %c0_i32_0 : i32, i32, i32
  }
  func.func @transform_1(%arg0: i32, %arg1: i32) -> (i32, i32) {
    %sub3A = arith.constant 1 : i32
    %sub3A_0 = arith.subi %sub3A, %arg0 : i32
    %mul3A = arith.muli %arg1, %sub3A_0 : i32
    %c0_i32 = arith.constant 0 : i32
    %c0_i32_1 = arith.constant 0 : i32
    return %mul3A, %c0_i32 : i32, i32
  }
  func.func @transform_2(%arg0: i32, %arg1: i32) -> (i32, i32, i32) {
    %sub3A = arith.constant 1 : i32
    %sub3A_0 = arith.subi %sub3A, %arg0 : i32
    %mul3A = arith.muli %arg1, %sub3A_0 : i32
    %c0_i32 = arith.constant 0 : i32
    %c0_i32_1 = arith.constant 0 : i32
    %c0_i32_2 = arith.constant 0 : i32
    return %c0_i32, %mul3A, %c0_i32_1 : i32, i32, i32
  }
  func.func @transform_3(%arg0: i32, %arg1: i32) -> (i32, i32, i32) {
    %sub3A = arith.constant 1 : i32
    %sub3A_0 = arith.subi %sub3A, %arg0 : i32
    %mul3A = arith.muli %arg1, %sub3A_0 : i32
    %c1_i32 = arith.constant 1 : i32
    %c0_i32 = arith.constant 0 : i32
    %c0_i32_1 = arith.constant 0 : i32
    return %c1_i32, %mul3A, %c0_i32 : i32, i32, i32
  }
  func.func @transform_4(%arg0: i32, %arg1: i32) -> (i32, i32) {
    %c0_i32 = arith.constant 0 : i32
    %c0_i32_0 = arith.constant 0 : i32
    %c0_i32_1 = arith.constant 0 : i32
    return %c0_i32, %c0_i32_0 : i32, i32
  }
  func.func @transform_5(%arg0: i32, %arg1: i32) -> (i32, i32) {
    %c0_i32 = arith.constant 0 : i32
    %c0_i32_0 = arith.constant 0 : i32
    %c0_i32_1 = arith.constant 0 : i32
    return %c0_i32, %c0_i32_0 : i32, i32
  }
  func.func @transform_6(%arg0: i32, %arg1: i32) -> (i32, i32) {
    %c0_i32 = arith.constant 0 : i32
    %c0_i32_0 = arith.constant 0 : i32
    %c0_i32_1 = arith.constant 0 : i32
    return %c0_i32, %c0_i32_0 : i32, i32
  }
  func.func @transform_7(%arg0: i32, %arg1: i32) -> (i32, i32) {
    %c0_i32 = arith.constant 0 : i32
    %c0_i32_0 = arith.constant 0 : i32
    %c0_i32_1 = arith.constant 0 : i32
    return %c0_i32, %c0_i32_0 : i32, i32
  }
  func.func @transform_8(%arg0: i32, %arg1: i32) -> (i32, i32) {
    %c0_i32 = arith.constant 0 : i32
    %c0_i32_0 = arith.constant 0 : i32
    %c0_i32_1 = arith.constant 0 : i32
    return %c0_i32, %c0_i32_0 : i32, i32
  }
  func.func @transform_9(%arg0: i32, %arg1: i32) -> (i32, i32) {
    %c0_i32 = arith.constant 0 : i32
    %c0_i32_0 = arith.constant 0 : i32
    %c0_i32_1 = arith.constant 0 : i32
    return %c0_i32, %c0_i32_0 : i32, i32
  }
  func.func @transform_10(%arg0: i32, %arg1: i32) -> (i32, i32) {
    %c0_i32 = arith.constant 0 : i32
    %c0_i32_0 = arith.constant 0 : i32
    %c0_i32_1 = arith.constant 0 : i32
    return %c0_i32, %c0_i32_0 : i32, i32
  }
  func.func @transform_11(%arg0: i32, %arg1: i32) -> (i32, i32) {
    %c0_i32 = arith.constant 0 : i32
    %c0_i32_0 = arith.constant 0 : i32
    %c0_i32_1 = arith.constant 0 : i32
    return %c0_i32, %c0_i32_0 : i32, i32
  }
  func.func @transform_12(%arg0: i32, %arg1: i32) -> (i32, i32) {
    %c0_i32 = arith.constant 0 : i32
    %c0_i32_0 = arith.constant 0 : i32
    %c0_i32_1 = arith.constant 0 : i32
    return %c0_i32, %c0_i32_0 : i32, i32
  }
  func.func @transform_13(%arg0: i32, %arg1: i32) -> (i32, i32) {
    %c0_i32 = arith.constant 0 : i32
    %c0_i32_0 = arith.constant 0 : i32
    %c0_i32_1 = arith.constant 0 : i32
    return %c0_i32, %c0_i32_0 : i32, i32
  }
  func.func @transform_14(%arg0: i32, %arg1: i32) -> (i32, i32) {
    %c0_i32 = arith.constant 0 : i32
    %c0_i32_0 = arith.constant 0 : i32
    %c0_i32_1 = arith.constant 0 : i32
    return %c0_i32, %c0_i32_0 : i32, i32
  }
  func.func @transform_15(%arg0: i32, %arg1: i32) -> (i32, i32) {
    %c0_i32 = arith.constant 0 : i32
    %c0_i32_0 = arith.constant 0 : i32
    %c0_i32_1 = arith.constant 0 : i32
    return %c0_i32, %c0_i32_0 : i32, i32
  }
  func.func @transform_16(%arg0: i32, %arg1: i32) -> (i32, i32) {
    %c0_i32 = arith.constant 0 : i32
    %c0_i32_0 = arith.constant 0 : i32
    %c0_i32_1 = arith.constant 0 : i32
    return %c0_i32, %c0_i32_0 : i32, i32
  }
  func.func @transform_17(%arg0: i32, %arg1: i32) -> (i32, i32) {
    %c0_i32 = arith.constant 0 : i32
    %c0_i32_0 = arith.constant 0 : i32
    %c0_i32_1 = arith.constant 0 : i32
    return %c0_i32, %c0_i32_0 : i32, i32
  }
  func.func @transform_18(%arg0: i32, %arg1: i32) -> (i32, i32) {
    %c0_i32 = arith.constant 0 : i32
    %c0_i32_0 = arith.constant 0 : i32
    %c0_i32_1 = arith.constant 0 : i32
    return %c0_i32, %c0_i32_0 : i32, i32
  }
  func.func @transform_19(%arg0: i32, %arg1: i32) -> (i32, i32) {
    %c0_i32 = arith.constant 0 : i32
    %c0_i32_0 = arith.constant 0 : i32
    %c0_i32_1 = arith.constant 0 : i32
    return %c0_i32, %c0_i32_0 : i32, i32
  }
}

</mosaic_0001>

<sc_bundles>
// kernel: kernel.5.cloned.1.call-start
scs
__scs_entry_jumppad:
0x0: {  	(pc) =	sbr.rel $0x88, $3  }
0x1: {  	(tag) =	ssettag $0x0;
	lr =	simm.s32 $0x1  }
0x2: {  	[smem:$0x3F8C] =	sst lr;
	_ =	strace $0xD0000000  }
0x3: {  	_ = 	snop  }
0x4: {  	_ = 	snop  }
0x5: {  	_ = 	snop  }
0x6: {  	_ = 	snop  }
0x7: {  	_ = 	snop  }
__scs_overlays_trampoline_lowered:
0x8: {  	[smem:$0x3F9B] =	sst s0  }
0x9: {  	[smem:$0x3F9C] =	sst s1  }
0xa: {  	[smem:$0x3F9D] =	sst s2  }
0xb: {  	[smem:$0x3F9E] =	sst s3  }
0xc: {  	[smem:$0x3F9F] =	sst s4  }
0xd: {  	[smem:$0x3FA0] =	sst s5  }
0xe: {  	[smem:$0x3FA1] =	sst s6  }
0xf: {  	[smem:$0x3FA2] =	sst s7  }
0x10: {  	[smem:$0x3FA3] =	sst s8  }
0x11: {  	[smem:$0x3FA4] =	sst s9;
	s0 =	simm.s32 @!p0 $0x0  }
0x12: {  	s1 =	sld [smem:$0x3F8A];
	s0 =	simm.s32 @p0 $0x1  }
0x13: {  	[smem:$0x3FA5] =	sst s0;
	s0 =	simm.s32 @!p1 $0x0  }
0x14: {  	s2 =	sld [smem:$0x3F89];
	s0 =	simm.s32 @p1 $0x1  }
0x15: {  	[smem:$0x3FA6] =	sst s0;
	s0 =	simm.s32 @!p2 $0x0  }
0x16: {  	s3 =	sld [smem:$0x3FDB];
	s0 =	simm.s32 @p2 $0x1  }
0x17: {  	s4 =	simm.s32 $0x1BF5;
	[smem:$0x3FA8] =	sst s0  }
0x18: {  	s0 =	sld [smem:$0x3F8B];
	_ =	swait.ge [sflag:s4], $0x0  }
0x19: {  	s7 =	sld [smem:$0x3F8C]  }
0x1a: {  	s8 =	sadd.s32 $0xFFFFE003, lr  }
0x1b: {  	s9 =	sadd.s32 $0xFFFFFEF7, lr;
	s5 =	simm.s32 $0xFFFFFFFF;
	p2 =	slt.u32 s8, $0xFFFFF086  }
0x1c: {  	p1 =	slt.u32 s9, $0xF7A;
	s5 =	simm.s32 @!p2 $0x0  }
0x1d: {  	s5 =	simm.s32 @p1 $0x1;
	p0 =	seq.s32 s7, s2  }
0x1e: {  	s7 =	smul.u32 @!p0 $0xF7A, s2;
	p2 =	seq.s32 @!p0 s5, $0x0  }
0x1f: {  	s9 =	smul.u32 $0xF7A, s1;
	s8 =	simm.s32 @!p0 $0x1BF5;
	p2 =	por !p2, p0  }
0x20: {  	[sflag:s8] =	ssyncset.s32 @!p0 $0xFFFFF086;
	s6 =	sadd.s32 @!p0 s3, s7;
	s7 =	simm.s32 @!p0 $0x108  }
0x21: {  	s3 =	sadd.s32 s3, s9;
	s6 =	sadd.s32 @!p0 $0x88, s6;
	s7 =	simm.s32 @p2 $0x1082  }
0x22: {  	[simem:s7], [sflag:s8] =	dma.local @!p0 [hbm:s6], $0xF7A  }
0x23: {  	s9 =	sor.u32 $0xD0000000, s2;
	s6 =	simm.s32 $0x108;
	_ =	swait.ge @!p0 [sflag:s8], $0x0  }
0x24: {  	s3 =	sadd.s32 $0x88, s3;
	s6 =	simm.s32 @!p1 $0x1082;
	[sflag:s4] =	ssyncset.s32 $0xFFFFF086  }
0x25: {  	[simem:s6], [sflag:s4] =	dma.local [hbm:s3], $0xF7A  }
0x26: {  	[smem:$0x3F8C] =	sst s1;
	(tag) =	ssettag s2;
	_ =	strace s9  }
0x27: {  	s1 =	sld [smem:$0x3F9C]  }
0x28: {  	s2 =	sld [smem:$0x3F9D]  }
0x29: {  	s4 =	sld [smem:$0x3F9F]  }
0x2a: {  	p0 =	seq.s32 s5, $0x0;
	s5 =	sld [smem:$0x3FA0]  }
0x2b: {  	s6 =	sld [smem:$0x3FA1]  }
0x2c: {  	s7 =	sld [smem:$0x3FA2]  }
0x2d: {  	s3 =	simm.s32 $0x108;
	s8 =	sld [smem:$0x3FA3]  }
0x2e: {  	s3 =	simm.s32 @!p0 $0x1082;
	s9 =	sld [smem:$0x3FA4]  }
0x2f: {  	lr =	sadd.s32 s0, s3;
	s0 =	sld [smem:$0x3F9B]  }
0x30: {  	s3 =	sld [smem:$0x3F9E]  }
0x31: {  	[smem:$0x3FA7] =	sst s10  }
0x32: {  	s10 =	sld [smem:$0x3FA5];
	_ =	sdelay $0x3  }
0x33: {  	p0 =	seq.s32 s10, $0x1;
	s10 =	sld [smem:$0x3FA7];
	_ =	sdelay $0x3  }
0x34: {  	[smem:$0x3FA7] =	sst s10  }
0x35: {  	s10 =	sld [smem:$0x3FA6];
	_ =	sdelay $0x3  }
0x36: {  	p1 =	seq.s32 s10, $0x1;
	s10 =	sld [smem:$0x3FA7];
	_ =	sdelay $0x3  }
0x37: {  	[smem:$0x3FA7] =	sst s10  }
0x38: {  	s10 =	sld [smem:$0x3FA8]  }
0x39: {  	_ = 	snop;
	(pc) =	sbr.ind lr, $3  }
0x3a: {  	_ = 	snop  }
0x3b: {  	_ = 	snop  }
0x3c: {  	p2 =	seq.s32 s10, $0x1;
	s10 =	sld [smem:$0x3FA7]  }
0x3d: {  	_ =	shalt  }
0x3e: {  	_ =	shalt  }
0x3f: {  	_ =	shalt  }
0x40: {  	_ =	shalt  }
0x41: {  	_ =	shalt  }
0x42: {  	_ =	shalt  }
0x43: {  	_ =	shalt  }
0x44: {  	_ =	shalt  }
0x45: {  	_ =	shalt  }
0x46: {  	_ =	shalt  }
0x47: {  	_ =	shalt  }
0x48: {  	_ =	shalt  }
0x49: {  	_ =	shalt  }
0x4a: {  	_ =	shalt  }
0x4b: {  	_ =	shalt  }
0x4c: {  	_ =	shalt  }
0x4d: {  	_ =	shalt  }
0x4e: {  	_ =	shalt  }
0x4f: {  	_ =	shalt  }
0x50: {  	_ =	shalt  }
0x51: {  	_ =	shalt  }
0x52: {  	_ =	shalt  }
0x53: {  	_ =	shalt  }
0x54: {  	_ =	shalt  }
0x55: {  	_ =	shalt  }
0x56: {  	_ =	shalt  }
0x57: {  	_ =	shalt  }
0x58: {  	_ =	shalt  }
0x59: {  	_ =	shalt  }
0x5a: {  	_ =	shalt  }
0x5b: {  	_ =	shalt  }
0x5c: {  	_ =	shalt  }
0x5d: {  	_ =	shalt  }
0x5e: {  	_ =	shalt  }
0x5f: {  	_ =	shalt  }
0x60: {  	_ =	shalt  }
0x61: {  	_ =	shalt  }
0x62: {  	_ =	shalt  }
0x63: {  	_ =	shalt  }
0x64: {  	_ =	shalt  }
0x65: {  	_ =	shalt  }
0x66: {  	_ =	shalt  }
0x67: {  	_ =	shalt  }
0x68: {  	_ =	shalt  }
0x69: {  	_ =	shalt  }
0x6a: {  	_ =	shalt  }
0x6b: {  	_ =	shalt  }
0x6c: {  	_ =	shalt  }
0x6d: {  	_ =	shalt  }
0x6e: {  	_ =	shalt  }
0x6f: {  	_ =	shalt  }
0x70: {  	_ =	shalt  }
0x71: {  	_ =	shalt  }
0x72: {  	_ =	shalt  }
0x73: {  	_ =	shalt  }
0x74: {  	_ =	shalt  }
0x75: {  	_ =	shalt  }
0x76: {  	_ =	shalt  }
0x77: {  	_ =	shalt  }
0x78: {  	_ =	shalt  }
0x79: {  	_ =	shalt  }
0x7a: {  	_ =	shalt  }
0x7b: {  	_ =	shalt  }
0x7c: {  	_ =	shalt  }
0x7d: {  	_ =	shalt  }
0x7e: {  	_ =	shalt  }
0x7f: {  	_ =	shalt  }
0x80: {  	_ =	shalt  }
0x81: {  	_ =	shalt  }
0x82: {  	_ =	shalt  }
0x83: {  	_ =	shalt  }
0x84: {  	_ =	shalt  }
0x85: {  	_ =	shalt  }
0x86: {  	_ =	shalt  }
0x87: {  	_ =	shalt  }
.Lfunc_end0:
.L_simem_size_0:
called_computation_lowered:
.L_overlay_start_0:
0x88: {  	s2 =	sld [smem:$0x3FD9]  }
0x89: {  	s3 =	sld [smem:$0x3FFE];
	_ =	sdelay $0x1  }
0x8a: {  	s1 =	srdreg.scid  }
0x8b: {  	s0 =	sand.u32 $0x1, s1  }
0x8c: {  	s16 =	sshll.u32 s0, $0xA;
	s2 =	sadd.s32 s3, s2  }
0x8d: {  	s2 =	sadd.s32 s2, s16  }
0x8e: {  	[smem:$0x3FB3] =	sst s2  }
0x8f: {  	_ = 	snop  }
0x90: {  	(tm) =	ssettm $0x1  }
0x91: {  	s17 =	sld [smem:$0x3FFB];
	_ =	sdelay $0x3  }
0x92: {  	_ =	strace s17  }
0x93: {  	s2 =	sld [smem:$0x3FFC];
	_ =	sdelay $0x3  }
0x94: {  	_ =	strace s2  }
0x95: {  	s2 =	sld [smem:$0x3FFD];
	_ =	sdelay $0x3  }
0x96: {  	_ =	strace s2  }
0x97: {  	_ =	strace $0x8FFFFFFF  }
0x98: {  	s18 =	sld [smem:$0x3FDB];
	_ =	sdelay $0x1  }
0x99: {  	s19 =	simm.s32 $_scs_section_size  }
0x9a: {  	s4 =	simm.s32 $_size__tile_overlayer_lowered;
	s5 =	simm.s32 $_tile_overlayer_lowered  }
0x9b: {  	s22 =	simm.s32 $0x1BFF;
	s21 =	sshll.u32 s5, $0x1;
	s2 =	sadd.s32 s19, s18  }
0x9c: {  	s6 =	simm.s32 $0x0;
	s20 =	sshll.u32 s4, $0x1;
	s4 =	sadd.s32 s21, s2  }
0x9d: {  	[timem:s6], [sflag:s22] =	dma.local [hbm:s4], s20  }
0x9e: {  	_ =	swait.ge [sflag:s22], s20  }
0x9f: {  	s3 =	ssub.s32 $0x0, s20;
	[sflag:s22] =	ssyncset.done $0x0  }
0xa0: {  	[sflag:s22] =	ssyncadd.s32 s3;
	_ =	sdelay $0x1  }
0xa1: {  	s23 =	simm.s32 $0x1B8B  }
0xa2: {  	_ =	swait.ge [sflag:s23], $0x1  }
0xa3: {  	[sflag:s23] =	ssyncset.done $0x0  }
0xa4: {  	s25 =	simm.s32 $0x1B8E;
	s24 =	sld [smem:$0x3FFE];
	[sflag:s23] =	ssyncadd.s32 $0xFFFFFFFF  }
0xa5: {  	s26 =	simm.s32 $execute0_lowered;
	[smem:$0x3FD2] =	sst s25  }
0xa6: {  	s4 =	sshll.u32 s26, $0x1;
	_ =	strace $0x80000046;
	[dreg:$0x1] =	wrdreg $0xFFFFFFFF  }
0xa7: {  	s28 =	simm.s32 $_size_execute0_lowered;
	s2 =	sadd.s32 s2, s4;
	[dreg:$0x0] =	wrdreg $0x0  }
0xa8: {  	s4 =	sshll.u32 s28, $0x1;
	[dreg:$0x2] =	wrdreg s2  }
0xa9: {  	[dreg:$0x3] =	wrdreg s4  }
0xaa: {  	[dreg:$0x4] =	wrdreg $0xC0  }
0xab: {  	_ =	task [dreg:s6], $0x5FFFF  }
0xac: {  	[dreg:$0x1] =	wrdreg $0xFFFFFFFF  }
0xad: {  	[dreg:$0x0] =	wrdreg $0x60  }
0xae: {  	[dreg:$0x2] =	wrdreg s24  }
0xaf: {  	[dreg:$0x3] =	wrdreg $0x154000  }
0xb0: {  	[dreg:$0x4] =	wrdreg $0x1A3000  }
0xb1: {  	[dreg:$0x5] =	wrdreg $0x9  }
0xb2: {  	_ =	task.clear_ibuf [dreg:s6], $0x6FFFF;
	_ =	strace $0x90000046  }
0xb3: {  	s29 =	simm.s32 $0x9;
	_ =	strace $0x80000048  }
0xb4: {  	_ =	swait.ge [sflag:s29], $0x1  }
0xb5: {  	[sflag:s29] =	ssyncadd.s32 $0xFFFFFFFF  }
0xb6: {  	_ =	strace $0x90000048  }
0xb7: {  	_ =	sfence  }
0xb8: {  	s30 =	sld [smem:$0x0];
	_ =	sdelay $0x2  }
0xb9: {  	s31 =	sshll.u32 s1, $0xD;
	s1 =	sshrl.u32 s1, $0x2  }
0xba: {  	s3 =	sand.u32 $0x4000, s31;
	s1 =	sadd.s32 s1, s30  }
0xbb: {  	s0 =	sor.u32 s3, s0;
	s1 =	sshll.u32 s1, $0x11  }
0xbc: {  	s0 =	sor.u32 s1, s0  }
0xbd: {  	s0 =	sadd.s32 $0x8F2B, s0  }
0xbe: {  	[sflag:s0] =	ssyncadd.remote.s32 $0x1  }
0xbf: {  	_ =	sfence.sel $0xFFFF  }
0xc0: {  	[dreg:$0x0] =	wrdreg $0xFFFFFFFF;
	(pc) =	sbr.abs _section_cstart, $3  }
0xc1: {  	[dreg:$0x1] =	wrdreg $0xFFFFFFFF  }
0xc2: {  	_ =	task.clear_ibuf [dreg:s6], $0x2FFFF;
	_ =	strace $0x9FFFFFFF  }
0xc3: {  	(tm) =	ssettm $0x7FFFFFFF  }
tec
execute0_lowered:
.L_overlay_start_1:
0x0: {  	(tag) =	ssettag $0x1  }
0x1: {  	s0 =	rddreg [dreg:$0x0]  }
0x2: {  	s2 =	rddreg [dreg:$0x1]  }
0x3: {  	s3 =	rddreg [dreg:$0x2];
	s13 =	stileid.u32  }
0x4: {  	s1 =	srdreg.scid;
	s4 =	simm.s32 $0x0;
	s5 =	smul.u32 $0x9E00, s13  }
0x5: {  	s29 =	simm.s32 $0x700;
	s30 =	simm.s32 $0x880;
	s12 =	smul.u32 $0x4F00, s13  }
0x6: {  	s1 =	sand.u32 $0x1, s1;
	[smem:$0x7FF] =	sst s4;
	s18 =	smul.u32 $0x50, s13  }
0x7: {  	s8 =	sadd.s32 $0x20200, s0;
	s14 =	sshll.u32 s13, $0x6;
	s6 =	smul.u32 $0x9E000, s1  }
0x8: {  	_ =	strace $0x80000047;
	s9 =	ssub.s32 $0x2, s1;
	s11 =	sshll.u32 s1, $0x4  }
0x9: {  	s26 =	sor.u32 $0x1C04, s14;
	s1 =	smul.u32 $0x500, s1;
	s7 =	sshrl.u32 s5, $0x3  }
0xa: {  	s10 =	sshrl.u32 s9, $0x1;
	s31 =	sor.u32 s13, s11;
	s11 =	sadd.s32 s12, s2  }
0xb: {  	s16 =	sadd.s32 s12, s3;
	s13 =	simm.s32 $0x580;
	[dreg:$0xa] =	wrdreg s26  }
0xc: {  	s7 =	sadd.s32 s7, s0;
	s5 =	sadd.s32 s5, s6;
	s6 =	sadd.s32 $0x16200, s0  }
0xd: {  	s28 =	ssub.s32 s9, s10;
	[dreg:$0x8] =	wrdreg s11;
	s9 =	smul.u32 $0x500, s31  }
0xe: {  	[dreg:$0xb] =	wrdreg s16;
	s1 =	sadd.s32 s18, s1;
	s15 =	sadd.s32 $0x2600, s7  }
0xf: {  	s5 =	sshrl.u32 s5, $0x3;
	s7 =	sadd.s32 $0x2604, s7;
	[dreg:$0x9] =	wrdreg s15  }
0x10: {  	s23 =	sshll.u32 s1, $0x4;
	s24 =	smax.u32 s28, $0x1;
	[dreg:$0x11] =	wrdreg s7  }
0x11: {  	s0 =	sadd.s32 s5, s0;
	s19 =	sadd.s32 s8, s9;
	[dreg:$0x13] =	wrdreg s24  }
0x12: {  	s17 =	sor.u32 $0xA0, s9;
	s9 =	sadd.s32 s6, s9;
	[dreg:$0xc] =	wrdreg s19  }
0x13: {  	s25 =	sadd.s32 $0x1E0, s23;
	[dreg:$0xd] =	wrdreg s9;
	s20 =	sadd.s32 s8, s17  }
0x14: {  	s5 =	simm.s32 $0x680;
	s21 =	sadd.s32 s6, s17;
	[dreg:$0xe] =	wrdreg s20  }
0x15: {  	s15 =	simm.s32 $0x780;
	s22 =	sadd.s32 $0x2A200, s0;
	[dreg:$0xf] =	wrdreg s21  }
0x16: {  	s0 =	sadd.s32 $0x2A204, s0;
	s28 =	sadd.s32 s25, s8;
	[dreg:$0x10] =	wrdreg s22  }
0x17: {  	s1 =	sadd.s32 s25, s6;
	s25 =	simm.s32 $0x80;
	[dreg:$0x12] =	wrdreg s0  }
0x18: {  	s17 =	simm.s32 $0x900;
	s19 =	simm.s32 $0x3;
	[dreg:$0x4] =	wrdreg s28  }
0x19: {  	s0 =	sadd.s32 $0x140, s23;
	[dreg:$0x5] =	wrdreg s1;
	s20 =	simm.s32 $0x1  }
0x1a: {  	s22 =	simm.s32 $0x4;
	s21 =	simm.s32 $0x500;
	s31 =	sadd.s32 s0, s8  }
0x1b: {  	s1 =	simm.s32 $0x0;
	s0 =	sadd.s32 s0, s6;
	[dreg:$0x6] =	wrdreg s31  }
0x1c: {  	s8 =	simm.s32 $0x800;
	[dreg:$0x7] =	wrdreg s0;
	s0 =	simm.s32 $0x8  }
.LBB2_1:
0x1d: {  	[dreg:$0x14] =	wrdreg s1  }
0x1e: {  	s24 =	rddreg [dreg:$0x8]  }
0x1f: {  	s16 =	rddreg [dreg:$0x9];
	s14 =	sshrl.u32 s24, $0x3  }
0x20: {  	[dreg:$0x15] =	wrdreg s14  }
0x21: {  	[spmem:s14@s22], [sflag:s26] =	dma.strided [hbm:s16@s0], $0x9E0, s20, $0x4   }
0x22: {  	_ =	swait.ge [sflag:s22], $0x9E0  }
0x23: {  	s28 =	rddreg [dreg:$0xb]  }
0x24: {  	[sflag:s22] =	ssyncset.done $0x0;
	s18 =	sshrl.u32 s28, $0x3  }
0x25: {  	[sflag:s22] =	ssyncadd.s32 $0xFFFFF620;
	[dreg:$0x16] =	wrdreg s18  }
0x26: {  	[spmem:s18@s22], [sflag:s26] =	dma.strided [hbm:s16@s0], $0x9E0, s20, $0x4   }
0x27: {  	_ =	swait.ge [sflag:s22], $0x9E0  }
0x28: {  	[sflag:s22] =	ssyncset.done $0x0  }
0x29: {  	[sflag:s22] =	ssyncadd.s32 $0xFFFFF620  }
0x2a: {  	[bflag:$0x0] =	sbarrier.arrive $0xFFFF  }
0x2b: {  	s20 =	rddreg [dreg:$0xc]  }
0x2c: {  	[tilespmem:s4], [sflag:$0x4] =	stream.linear.gather [hbm4b:s20+s4], $0x500, $0x38;
	[tilespmem:$0x1F200] =	vst v63  }
0x2d: {  	_ =	swait.ge [sflag:s22], $0x500  }
0x2e: {  	[sflag:s22] =	ssyncset.done $0x0  }
0x2f: {  	s0 =	simm.s32 $0xA00;
	s23 =	rddreg [dreg:$0xd];
	[sflag:s22] =	ssyncadd.s32 $0xFFFFFB00  }
0x30: {  	[tilespmem:s0], [sflag:$0x4] =	stream.linear.gather [hbm4b:s23+s4], $0x500, $0x38;
	[tilespmem:$0x1F200] =	vst v63  }
0x31: {  	_ =	swait.ge [sflag:s22], $0x500  }
0x32: {  	[sflag:s22] =	ssyncset.done $0x0  }
0x33: {  	s9 =	simm.s32 $0x1400;
	[sflag:s22] =	ssyncadd.s32 $0xFFFFFB00  }
0x34: {  	[tilespmem:s9], [sflag:$0x1] =	stream.indirect.gather [spmem:s3], $0x20, s4, s25, $0xb8;
	[tilespmem:$0x1F200] =	vst v63  }
0x35: {  	s11 =	simm.s32 $0x2400  }
0x36: {  	[tilespmem:s11], [sflag:$0x1] =	stream.indirect.gather [spmem:s3], $0x20, s25, s25, $0xb8;
	[tilespmem:$0x1F200] =	vst v63  }
0x37: {  	s7 =	simm.s32 $0x3400;
	s26 =	simm.s32 $0x100  }
0x38: {  	[tilespmem:s7], [sflag:$0x1] =	stream.indirect.gather [spmem:s3], $0x20, s26, s25, $0xb8;
	[tilespmem:$0x1F200] =	vst v63  }
0x39: {  	s16 =	simm.s32 $0x4400;
	s23 =	simm.s32 $0x180  }
0x3a: {  	[tilespmem:s16], [sflag:$0x1] =	stream.indirect.gather [spmem:s3], $0x20, s23, s25, $0xb8;
	[tilespmem:$0x1F200] =	vst v63  }
0x3b: {  	s1 =	simm.s32 $0x5400;
	s31 =	simm.s32 $0x200  }
0x3c: {  	[tilespmem:s1], [sflag:$0x1] =	stream.indirect.gather [spmem:s3], $0x20, s31, s25, $0xb8;
	[tilespmem:$0x1F200] =	vst v63  }
0x3d: {  	s10 =	simm.s32 $0x6400;
	s6 =	simm.s32 $0x280  }
0x3e: {  	[tilespmem:s10], [sflag:$0x1] =	stream.indirect.gather [spmem:s3], $0x20, s6, s25, $0xb8;
	[tilespmem:$0x1F200] =	vst v63  }
0x3f: {  	s12 =	simm.s32 $0x300;
	s6 =	simm.s32 $0x7400  }
0x40: {  	[tilespmem:s6], [sflag:$0x1] =	stream.indirect.gather [spmem:s3], $0x20, s12, s25, $0xb8;
	[tilespmem:$0x1F200] =	vst v63  }
0x41: {  	s14 =	simm.s32 $0x380;
	s12 =	simm.s32 $0x8400  }
0x42: {  	[tilespmem:s12], [sflag:$0x1] =	stream.indirect.gather [spmem:s3], $0x20, s14, s25, $0xb8;
	[tilespmem:$0x1F200] =	vst v63  }
0x43: {  	s24 =	simm.s32 $0x400;
	s18 =	simm.s32 $0x9400  }
0x44: {  	[tilespmem:s18], [sflag:$0x1] =	stream.indirect.gather [spmem:s3], $0x20, s24, s25, $0xb8;
	[tilespmem:$0x1F200] =	vst v63  }
0x45: {  	s28 =	simm.s32 $0x480;
	s20 =	simm.s32 $0xA400  }
0x46: {  	[tilespmem:s20], [sflag:$0x1] =	stream.indirect.gather [spmem:s3], $0x20, s28, s25, $0xb8;
	[tilespmem:$0x1F200] =	vst v63  }
0x47: {  	s28 =	rddreg [dreg:$0xe]  }
0x48: {  	[tilespmem:s21], [sflag:$0x4] =	stream.linear.gather [hbm4b:s28+s4], $0x500, $0x38;
	[tilespmem:$0x1F200] =	vst v63  }
0x49: {  	_ =	swait.ge [sflag:s22], $0x500  }
0x4a: {  	[sflag:s22] =	ssyncset.done $0x0  }
0x4b: {  	s28 =	simm.s32 $0xF00;
	s24 =	rddreg [dreg:$0xf];
	[sflag:s22] =	ssyncadd.s32 $0xFFFFFB00  }
0x4c: {  	[tilespmem:s28], [sflag:$0x4] =	stream.linear.gather [hbm4b:s24+s4], $0x500, $0x38;
	[tilespmem:$0x1F200] =	vst v63  }
0x4d: {  	_ =	swait.ge [sflag:s22], $0x500  }
0x4e: {  	[sflag:s22] =	ssyncset.done $0x0  }
0x4f: {  	s28 =	simm.s32 $0xB400;
	[sflag:s22] =	ssyncadd.s32 $0xFFFFFB00  }
0x50: {  	[tilespmem:s28], [sflag:$0x2] =	stream.indirect.gather [spmem:s3], $0x20, s21, s25, $0xb8;
	[tilespmem:$0x1F200] =	vst v63  }
0x51: {  	s28 =	simm.s32 $0xC400  }
0x52: {  	[tilespmem:s28], [sflag:$0x2] =	stream.indirect.gather [spmem:s3], $0x20, s13, s25, $0xb8;
	[tilespmem:$0x1F200] =	vst v63  }
0x53: {  	s24 =	simm.s32 $0x600;
	s28 =	simm.s32 $0xD400  }
0x54: {  	[tilespmem:s28], [sflag:$0x2] =	stream.indirect.gather [spmem:s3], $0x20, s24, s25, $0xb8;
	[tilespmem:$0x1F200] =	vst v63  }
0x55: {  	s24 =	simm.s32 $0xE400  }
0x56: {  	[tilespmem:s24], [sflag:$0x2] =	stream.indirect.gather [spmem:s3], $0x20, s5, s25, $0xb8;
	[tilespmem:$0x1F200] =	vst v63  }
0x57: {  	s28 =	simm.s32 $0xF400  }
0x58: {  	[tilespmem:s28], [sflag:$0x2] =	stream.indirect.gather [spmem:s3], $0x20, s29, s25, $0xb8;
	[tilespmem:$0x1F200] =	vst v63  }
0x59: {  	s13 =	simm.s32 $0x10400  }
0x5a: {  	[tilespmem:s13], [sflag:$0x2] =	stream.indirect.gather [spmem:s3], $0x20, s15, s25, $0xb8;
	[tilespmem:$0x1F200] =	vst v63  }
0x5b: {  	s24 =	simm.s32 $0x11400  }
0x5c: {  	[tilespmem:s24], [sflag:$0x2] =	stream.indirect.gather [spmem:s3], $0x20, s8, s25, $0xb8;
	[tilespmem:$0x1F200] =	vst v63  }
0x5d: {  	s28 =	simm.s32 $0x12400  }
0x5e: {  	[tilespmem:s28], [sflag:$0x2] =	stream.indirect.gather [spmem:s3], $0x20, s30, s25, $0xb8;
	[tilespmem:$0x1F200] =	vst v63  }
0x5f: {  	s8 =	simm.s32 $0x13400  }
0x60: {  	[tilespmem:s8], [sflag:$0x2] =	stream.indirect.gather [spmem:s3], $0x20, s17, s25, $0xb8;
	[tilespmem:$0x1F200] =	vst v63  }
0x61: {  	s14 =	simm.s32 $0x1;
	s13 =	simm.s32 $0x980;
	s28 =	simm.s32 $0x14400  }
0x62: {  	[tilespmem:s28], [sflag:$0x2] =	stream.indirect.gather [spmem:s3], $0x20, s13, s25, $0xb8;
	[tilespmem:$0x1F200] =	vst v63  }
0x63: {  	_ =	swait.ge [sflag:s14], $0xA000  }
0x64: {  	[sflag:s14] =	ssyncset.done $0x0  }
0x65: {  	[sflag:s14] =	ssyncadd.s32 $0xFFFF6000  }
0x66: {  	[spmem:s2] =	stream.indirect.scatter.add.f32 [tilespmem:s9], [sflag:$0x3], $0x20, s0, s25, $0xb8;
	[tilespmem:$0x1F200] =	vst v63  }
0x67: {  	s14 =	simm.s32 $0xA80  }
0x68: {  	[spmem:s2] =	stream.indirect.scatter.add.f32 [tilespmem:s11], [sflag:$0x3], $0x20, s14, s25, $0xb8;
	[tilespmem:$0x1F200] =	vst v63  }
0x69: {  	s17 =	simm.s32 $0xB00  }
0x6a: {  	[spmem:s2] =	stream.indirect.scatter.add.f32 [tilespmem:s7], [sflag:$0x3], $0x20, s17, s25, $0xb8;
	[tilespmem:$0x1F200] =	vst v63  }
0x6b: {  	s24 =	simm.s32 $0xB80  }
0x6c: {  	[spmem:s2] =	stream.indirect.scatter.add.f32 [tilespmem:s16], [sflag:$0x3], $0x20, s24, s25, $0xb8;
	[tilespmem:$0x1F200] =	vst v63  }
0x6d: {  	s8 =	simm.s32 $0xC00  }
0x6e: {  	[spmem:s2] =	stream.indirect.scatter.add.f32 [tilespmem:s1], [sflag:$0x3], $0x20, s8, s25, $0xb8;
	[tilespmem:$0x1F200] =	vst v63  }
0x6f: {  	s13 =	simm.s32 $0xC80  }
0x70: {  	[spmem:s2] =	stream.indirect.scatter.add.f32 [tilespmem:s10], [sflag:$0x3], $0x20, s13, s25, $0xb8;
	[tilespmem:$0x1F200] =	vst v63  }
0x71: {  	s14 =	simm.s32 $0xD00  }
0x72: {  	[spmem:s2] =	stream.indirect.scatter.add.f32 [tilespmem:s6], [sflag:$0x3], $0x20, s14, s25, $0xb8;
	[tilespmem:$0x1F200] =	vst v63  }
0x73: {  	s17 =	simm.s32 $0xD80  }
0x74: {  	[spmem:s2] =	stream.indirect.scatter.add.f32 [tilespmem:s12], [sflag:$0x3], $0x20, s17, s25, $0xb8;
	[tilespmem:$0x1F200] =	vst v63  }
0x75: {  	s24 =	simm.s32 $0xE00  }
0x76: {  	[spmem:s2] =	stream.indirect.scatter.add.f32 [tilespmem:s18], [sflag:$0x3], $0x20, s24, s25, $0xb8;
	[tilespmem:$0x1F200] =	vst v63  }
0x77: {  	s8 =	simm.s32 $0xE80  }
0x78: {  	[spmem:s2] =	stream.indirect.scatter.add.f32 [tilespmem:s20], [sflag:$0x3], $0x20, s8, s25, $0xb8;
	[tilespmem:$0x1F200] =	vst v63  }
0x79: {  	_ =	swait.ge [sflag:s19], $0x1000  }
0x7a: {  	[sflag:s19] =	ssyncset.done $0x0  }
0x7b: {  	[sflag:s19] =	ssyncadd.s32 $0xFFFFF000  }
0x7c: {  	_ =	swait.ge [sflag:s19], $0x1000  }
0x7d: {  	[sflag:s19] =	ssyncset.done $0x0  }
0x7e: {  	[sflag:s19] =	ssyncadd.s32 $0xFFFFF000  }
0x7f: {  	_ =	swait.ge [sflag:s19], $0x1000  }
0x80: {  	[sflag:s19] =	ssyncset.done $0x0  }
0x81: {  	[sflag:s19] =	ssyncadd.s32 $0xFFFFF000  }
0x82: {  	_ =	swait.ge [sflag:s19], $0x1000  }
0x83: {  	[sflag:s19] =	ssyncset.done $0x0  }
0x84: {  	[sflag:s19] =	ssyncadd.s32 $0xFFFFF000  }
0x85: {  	_ =	swait.ge [sflag:s19], $0x1000  }
0x86: {  	[sflag:s19] =	ssyncset.done $0x0  }
0x87: {  	[sflag:s19] =	ssyncadd.s32 $0xFFFFF000  }
0x88: {  	_ =	swait.ge [sflag:s19], $0x1000  }
0x89: {  	[sflag:s19] =	ssyncset.done $0x0  }
0x8a: {  	[sflag:s19] =	ssyncadd.s32 $0xFFFFF000  }
0x8b: {  	_ =	swait.ge [sflag:s19], $0x1000  }
0x8c: {  	[sflag:s19] =	ssyncset.done $0x0  }
0x8d: {  	[sflag:s19] =	ssyncadd.s32 $0xFFFFF000  }
0x8e: {  	_ =	swait.ge [sflag:s19], $0x1000  }
0x8f: {  	[sflag:s19] =	ssyncset.done $0x0  }
0x90: {  	[sflag:s19] =	ssyncadd.s32 $0xFFFFF000  }
0x91: {  	_ =	swait.ge [sflag:s19], $0x1000  }
0x92: {  	[sflag:s19] =	ssyncset.done $0x0  }
0x93: {  	[sflag:s19] =	ssyncadd.s32 $0xFFFFF000  }
0x94: {  	_ =	swait.ge [sflag:s19], $0x1000  }
0x95: {  	[sflag:s19] =	ssyncset.done $0x0;
	s14 =	rddreg [dreg:$0x6]  }
0x96: {  	[sflag:s19] =	ssyncadd.s32 $0xFFFFF000;
	s13 =	sadd.s32 $0x0, s14  }
0x97: {  	[tilespmem:s4], [sflag:$0x4] =	stream.linear.gather [hbm4b:s13+s4], $0x500, $0x38;
	[tilespmem:$0x1F200] =	vst v63  }
0x98: {  	_ =	swait.ge [sflag:s22], $0x500  }
0x99: {  	[sflag:s22] =	ssyncset.done $0x0;
	s13 =	rddreg [dreg:$0x7]  }
0x9a: {  	[sflag:s22] =	ssyncadd.s32 $0xFFFFFB00;
	s17 =	sadd.s32 $0x0, s13  }
0x9b: {  	[tilespmem:s0], [sflag:$0x4] =	stream.linear.gather [hbm4b:s17+s4], $0x500, $0x38;
	[tilespmem:$0x1F200] =	vst v63  }
0x9c: {  	_ =	swait.ge [sflag:s22], $0x500  }
0x9d: {  	[sflag:s22] =	ssyncset.done $0x0  }
0x9e: {  	[sflag:s22] =	ssyncadd.s32 $0xFFFFFB00  }
0x9f: {  	[tilespmem:s9], [sflag:$0x1] =	stream.indirect.gather [spmem:s3], $0x20, s4, s25, $0xb8;
	[tilespmem:$0x1F200] =	vst v63  }
0xa0: {  	_ = 	snop  }
0xa1: {  	[tilespmem:s11], [sflag:$0x1] =	stream.indirect.gather [spmem:s3], $0x20, s25, s25, $0xb8;
	[tilespmem:$0x1F200] =	vst v63  }
0xa2: {  	_ = 	snop  }
0xa3: {  	[tilespmem:s7], [sflag:$0x1] =	stream.indirect.gather [spmem:s3], $0x20, s26, s25, $0xb8;
	[tilespmem:$0x1F200] =	vst v63  }
0xa4: {  	_ = 	snop  }
0xa5: {  	[tilespmem:s16], [sflag:$0x1] =	stream.indirect.gather [spmem:s3], $0x20, s23, s25, $0xb8;
	[tilespmem:$0x1F200] =	vst v63  }
0xa6: {  	_ = 	snop  }
0xa7: {  	[tilespmem:s1], [sflag:$0x1] =	stream.indirect.gather [spmem:s3], $0x20, s31, s25, $0xb8;
	[tilespmem:$0x1F200] =	vst v63  }
0xa8: {  	s1 =	simm.s32 $0x280  }
0xa9: {  	[tilespmem:s10], [sflag:$0x1] =	stream.indirect.gather [spmem:s3], $0x20, s1, s25, $0xb8;
	[tilespmem:$0x1F200] =	vst v63  }
0xaa: {  	s5 =	simm.s32 $0x300  }
0xab: {  	[tilespmem:s6], [sflag:$0x1] =	stream.indirect.gather [spmem:s3], $0x20, s5, s25, $0xb8;
	[tilespmem:$0x1F200] =	vst v63  }
0xac: {  	s8 =	simm.s32 $0x380  }
0xad: {  	[tilespmem:s12], [sflag:$0x1] =	stream.indirect.gather [spmem:s3], $0x20, s8, s25, $0xb8;
	[tilespmem:$0x1F200] =	vst v63  }
0xae: {  	s10 =	simm.s32 $0x400  }
0xaf: {  	[tilespmem:s18], [sflag:$0x1] =	stream.indirect.gather [spmem:s3], $0x20, s10, s25, $0xb8;
	[tilespmem:$0x1F200] =	vst v63  }
0xb0: {  	s16 =	simm.s32 $0x2;
	s12 =	simm.s32 $0x480  }
0xb1: {  	[tilespmem:s20], [sflag:$0x1] =	stream.indirect.gather [spmem:s3], $0x20, s12, s25, $0xb8;
	[tilespmem:$0x1F200] =	vst v63  }
0xb2: {  	_ =	swait.ge [sflag:s16], $0xA000  }
0xb3: {  	[sflag:s16] =	ssyncset.done $0x0  }
0xb4: {  	s8 =	simm.s32 $0xF00;
	s12 =	simm.s32 $0xB400;
	[sflag:s16] =	ssyncadd.s32 $0xFFFF6000  }
0xb5: {  	[spmem:s2] =	stream.indirect.scatter.add.f32 [tilespmem:s12], [sflag:$0x3], $0x20, s8, s25, $0xb8;
	[tilespmem:$0x1F200] =	vst v63  }
0xb6: {  	s17 =	simm.s32 $0xF80;
	s16 =	simm.s32 $0xC400  }
0xb7: {  	[spmem:s2] =	stream.indirect.scatter.add.f32 [tilespmem:s16], [sflag:$0x3], $0x20, s17, s25, $0xb8;
	[tilespmem:$0x1F200] =	vst v63  }
0xb8: {  	s23 =	simm.s32 $0xD400;
	s18 =	simm.s32 $0x1000  }
0xb9: {  	[spmem:s2] =	stream.indirect.scatter.add.f32 [tilespmem:s23], [sflag:$0x3], $0x20, s18, s25, $0xb8;
	[tilespmem:$0x1F200] =	vst v63  }
0xba: {  	s24 =	simm.s32 $0x1080;
	s17 =	simm.s32 $0xE400  }
0xbb: {  	[spmem:s2] =	stream.indirect.scatter.add.f32 [tilespmem:s17], [sflag:$0x3], $0x20, s24, s25, $0xb8;
	[tilespmem:$0x1F200] =	vst v63  }
0xbc: {  	s26 =	simm.s32 $0x1100;
	s18 =	simm.s32 $0xF400  }
0xbd: {  	[spmem:s2] =	stream.indirect.scatter.add.f32 [tilespmem:s18], [sflag:$0x3], $0x20, s26, s25, $0xb8;
	[tilespmem:$0x1F200] =	vst v63  }
0xbe: {  	s15 =	simm.s32 $0x10400;
	s5 =	simm.s32 $0x1180  }
0xbf: {  	[spmem:s2] =	stream.indirect.scatter.add.f32 [tilespmem:s15], [sflag:$0x3], $0x20, s5, s25, $0xb8;
	[tilespmem:$0x1F200] =	vst v63  }
0xc0: {  	s24 =	simm.s32 $0x1200;
	s26 =	simm.s32 $0x11400  }
0xc1: {  	[spmem:s2] =	stream.indirect.scatter.add.f32 [tilespmem:s26], [sflag:$0x3], $0x20, s24, s25, $0xb8;
	[tilespmem:$0x1F200] =	vst v63  }
0xc2: {  	s31 =	simm.s32 $0x12400;
	s5 =	simm.s32 $0x1280  }
0xc3: {  	[spmem:s2] =	stream.indirect.scatter.add.f32 [tilespmem:s31], [sflag:$0x3], $0x20, s5, s25, $0xb8;
	[tilespmem:$0x1F200] =	vst v63  }
0xc4: {  	s24 =	simm.s32 $0x1300;
	s5 =	simm.s32 $0x13400  }
0xc5: {  	[spmem:s2] =	stream.indirect.scatter.add.f32 [tilespmem:s5], [sflag:$0x3], $0x20, s24, s25, $0xb8;
	[tilespmem:$0x1F200] =	vst v63  }
0xc6: {  	s24 =	simm.s32 $0x1380  }
0xc7: {  	[spmem:s2] =	stream.indirect.scatter.add.f32 [tilespmem:s28], [sflag:$0x3], $0x20, s24, s25, $0xb8;
	[tilespmem:$0x1F200] =	vst v63  }
0xc8: {  	_ =	swait.ge [sflag:s19], $0x1000  }
0xc9: {  	[sflag:s19] =	ssyncset.done $0x0  }
0xca: {  	[sflag:s19] =	ssyncadd.s32 $0xFFFFF000  }
0xcb: {  	_ =	swait.ge [sflag:s19], $0x1000  }
0xcc: {  	[sflag:s19] =	ssyncset.done $0x0  }
0xcd: {  	[sflag:s19] =	ssyncadd.s32 $0xFFFFF000  }
0xce: {  	_ =	swait.ge [sflag:s19], $0x1000  }
0xcf: {  	[sflag:s19] =	ssyncset.done $0x0  }
0xd0: {  	[sflag:s19] =	ssyncadd.s32 $0xFFFFF000  }
0xd1: {  	_ =	swait.ge [sflag:s19], $0x1000  }
0xd2: {  	[sflag:s19] =	ssyncset.done $0x0  }
0xd3: {  	[sflag:s19] =	ssyncadd.s32 $0xFFFFF000  }
0xd4: {  	_ =	swait.ge [sflag:s19], $0x1000  }
0xd5: {  	[sflag:s19] =	ssyncset.done $0x0  }
0xd6: {  	[sflag:s19] =	ssyncadd.s32 $0xFFFFF000  }
0xd7: {  	_ =	swait.ge [sflag:s19], $0x1000  }
0xd8: {  	[sflag:s19] =	ssyncset.done $0x0  }
0xd9: {  	[sflag:s19] =	ssyncadd.s32 $0xFFFFF000  }
0xda: {  	_ =	swait.ge [sflag:s19], $0x1000  }
0xdb: {  	[sflag:s19] =	ssyncset.done $0x0  }
0xdc: {  	[sflag:s19] =	ssyncadd.s32 $0xFFFFF000  }
0xdd: {  	_ =	swait.ge [sflag:s19], $0x1000  }
0xde: {  	[sflag:s19] =	ssyncset.done $0x0  }
0xdf: {  	[sflag:s19] =	ssyncadd.s32 $0xFFFFF000  }
0xe0: {  	_ =	swait.ge [sflag:s19], $0x1000  }
0xe1: {  	[sflag:s19] =	ssyncset.done $0x0  }
0xe2: {  	[sflag:s19] =	ssyncadd.s32 $0xFFFFF000  }
0xe3: {  	_ =	swait.ge [sflag:s19], $0x1000  }
0xe4: {  	[sflag:s19] =	ssyncset.done $0x0;
	s28 =	rddreg [dreg:$0x4]  }
0xe5: {  	[sflag:s19] =	ssyncadd.s32 $0xFFFFF000;
	s0 =	sadd.s32 $0x0, s28  }
0xe6: {  	[tilespmem:s21], [sflag:$0x4] =	stream.linear.gather [hbm4b:s0+s4], $0x500, $0x38;
	[tilespmem:$0x1F200] =	vst v63  }
0xe7: {  	_ =	swait.ge [sflag:s22], $0x500  }
0xe8: {  	[sflag:s22] =	ssyncset.done $0x0;
	s24 =	rddreg [dreg:$0x5]  }
0xe9: {  	[sflag:s22] =	ssyncadd.s32 $0xFFFFFB00;
	s28 =	sadd.s32 $0x0, s24  }
0xea: {  	[tilespmem:s8], [sflag:$0x4] =	stream.linear.gather [hbm4b:s28+s4], $0x500, $0x38;
	[tilespmem:$0x1F200] =	vst v63  }
0xeb: {  	_ =	swait.ge [sflag:s22], $0x500  }
0xec: {  	[sflag:s22] =	ssyncset.done $0x0  }
0xed: {  	[sflag:s22] =	ssyncadd.s32 $0xFFFFFB00  }
0xee: {  	[tilespmem:s12], [sflag:$0x2] =	stream.indirect.gather [spmem:s3], $0x20, s21, s25, $0xb8;
	[tilespmem:$0x1F200] =	vst v63  }
0xef: {  	s29 =	simm.s32 $0x580  }
0xf0: {  	[tilespmem:s16], [sflag:$0x2] =	stream.indirect.gather [spmem:s3], $0x20, s29, s25, $0xb8;
	[tilespmem:$0x1F200] =	vst v63  }
0xf1: {  	s28 =	simm.s32 $0x600  }
0xf2: {  	[tilespmem:s23], [sflag:$0x2] =	stream.indirect.gather [spmem:s3], $0x20, s28, s25, $0xb8;
	[tilespmem:$0x1F200] =	vst v63  }
0xf3: {  	s30 =	simm.s32 $0x780;
	s9 =	simm.s32 $0x680  }
0xf4: {  	[tilespmem:s17], [sflag:$0x2] =	stream.indirect.gather [spmem:s3], $0x20, s9, s25, $0xb8;
	[tilespmem:$0x1F200] =	vst v63  }
0xf5: {  	s11 =	simm.s32 $0x780;
	s7 =	simm.s32 $0x700;
	s1 =	simm.s32 $0x900  }
0xf6: {  	[tilespmem:s18], [sflag:$0x2] =	stream.indirect.gather [spmem:s3], $0x20, s7, s25, $0xb8;
	[tilespmem:$0x1F200] =	vst v63  }
0xf7: {  	s6 =	simm.s32 $0x800;
	s10 =	simm.s32 $0x880;
	s20 =	simm.s32 $0x1  }
0xf8: {  	[tilespmem:s15], [sflag:$0x2] =	stream.indirect.gather [spmem:s3], $0x20, s11, s25, $0xb8;
	[tilespmem:$0x1F200] =	vst v63  }
0xf9: {  	s0 =	smov.u32 s14;
	s14 =	smov.u32 s13;
	s24 =	simm.s32 $0x140  }
0xfa: {  	[tilespmem:s26], [sflag:$0x2] =	stream.indirect.gather [spmem:s3], $0x20, s6, s25, $0xb8;
	[tilespmem:$0x1F200] =	vst v63  }
0xfb: {  	s8 =	simm.s32 $0x680;
	s29 =	simm.s32 $0x600;
	s23 =	simm.s32 $0x800  }
0xfc: {  	[tilespmem:s31], [sflag:$0x2] =	stream.indirect.gather [spmem:s3], $0x20, s10, s25, $0xb8;
	[tilespmem:$0x1F200] =	vst v63  }
0xfd: {  	s17 =	simm.s32 $0x700;
	s15 =	simm.s32 $0x880;
	s31 =	simm.s32 $0x900  }
0xfe: {  	[tilespmem:s5], [sflag:$0x2] =	stream.indirect.gather [spmem:s3], $0x20, s1, s25, $0xb8;
	[tilespmem:$0x1F200] =	vst v63  }
.LBB2_2:
0xff: {  	s1 =	simm.s32 $0x980;
	s5 =	simm.s32 $0x14400  }
0x100: {  	[tilespmem:s5], [sflag:$0x2] =	stream.indirect.gather [spmem:s3], $0x20, s1, s25, $0xb8;
	[tilespmem:$0x1F200] =	vst v63  }
0x101: {  	_ =	swait.ge [sflag:s20], $0xA000  }
0x102: {  	[sflag:s20] =	ssyncset.done $0x0  }
0x103: {  	s13 =	simm.s32 $0xA00;
	s9 =	simm.s32 $0x1400;
	[sflag:s20] =	ssyncadd.s32 $0xFFFF6000  }
0x104: {  	[spmem:s2] =	stream.indirect.scatter.add.f32 [tilespmem:s9], [sflag:$0x3], $0x20, s13, s25, $0xb8;
	[tilespmem:$0x1F200] =	vst v63  }
0x105: {  	s11 =	simm.s32 $0x2400;
	s6 =	simm.s32 $0xA80  }
0x106: {  	[spmem:s2] =	stream.indirect.scatter.add.f32 [tilespmem:s11], [sflag:$0x3], $0x20, s6, s25, $0xb8;
	[tilespmem:$0x1F200] =	vst v63  }
0x107: {  	s16 =	simm.s32 $0x3400;
	s7 =	simm.s32 $0xB00  }
0x108: {  	[spmem:s2] =	stream.indirect.scatter.add.f32 [tilespmem:s16], [sflag:$0x3], $0x20, s7, s25, $0xb8;
	[tilespmem:$0x1F200] =	vst v63  }
0x109: {  	s10 =	simm.s32 $0xB80;
	s7 =	simm.s32 $0x4400  }
0x10a: {  	[spmem:s2] =	stream.indirect.scatter.add.f32 [tilespmem:s7], [sflag:$0x3], $0x20, s10, s25, $0xb8;
	[tilespmem:$0x1F200] =	vst v63  }
0x10b: {  	s1 =	simm.s32 $0x5400;
	s6 =	simm.s32 $0xC00  }
0x10c: {  	[spmem:s2] =	stream.indirect.scatter.add.f32 [tilespmem:s1], [sflag:$0x3], $0x20, s6, s25, $0xb8;
	[tilespmem:$0x1F200] =	vst v63  }
0x10d: {  	s12 =	simm.s32 $0xC80;
	s10 =	simm.s32 $0x6400  }
0x10e: {  	[spmem:s2] =	stream.indirect.scatter.add.f32 [tilespmem:s10], [sflag:$0x3], $0x20, s12, s25, $0xb8;
	[tilespmem:$0x1F200] =	vst v63  }
0x10f: {  	s6 =	simm.s32 $0x7400;
	s12 =	simm.s32 $0xD00  }
0x110: {  	[spmem:s2] =	stream.indirect.scatter.add.f32 [tilespmem:s6], [sflag:$0x3], $0x20, s12, s25, $0xb8;
	[tilespmem:$0x1F200] =	vst v63  }
0x111: {  	s18 =	simm.s32 $0xD80;
	s12 =	simm.s32 $0x8400  }
0x112: {  	[spmem:s2] =	stream.indirect.scatter.add.f32 [tilespmem:s12], [sflag:$0x3], $0x20, s18, s25, $0xb8;
	[tilespmem:$0x1F200] =	vst v63  }
0x113: {  	s21 =	simm.s32 $0xE00;
	s18 =	simm.s32 $0x9400  }
0x114: {  	[spmem:s2] =	stream.indirect.scatter.add.f32 [tilespmem:s18], [sflag:$0x3], $0x20, s21, s25, $0xb8;
	[tilespmem:$0x1F200] =	vst v63  }
0x115: {  	s28 =	simm.s32 $0xE80;
	s21 =	simm.s32 $0xA400  }
0x116: {  	[spmem:s2] =	stream.indirect.scatter.add.f32 [tilespmem:s21], [sflag:$0x3], $0x20, s28, s25, $0xb8;
	[tilespmem:$0x1F200] =	vst v63  }
0x117: {  	_ =	swait.ge [sflag:s19], $0x1000  }
0x118: {  	[sflag:s19] =	ssyncset.done $0x0  }
0x119: {  	[sflag:s19] =	ssyncadd.s32 $0xFFFFF000  }
0x11a: {  	_ =	swait.ge [sflag:s19], $0x1000  }
0x11b: {  	[sflag:s19] =	ssyncset.done $0x0  }
0x11c: {  	[sflag:s19] =	ssyncadd.s32 $0xFFFFF000  }
0x11d: {  	_ =	swait.ge [sflag:s19], $0x1000  }
0x11e: {  	[sflag:s19] =	ssyncset.done $0x0  }
0x11f: {  	[sflag:s19] =	ssyncadd.s32 $0xFFFFF000  }
0x120: {  	_ =	swait.ge [sflag:s19], $0x1000  }
0x121: {  	[sflag:s19] =	ssyncset.done $0x0  }
0x122: {  	[sflag:s19] =	ssyncadd.s32 $0xFFFFF000  }
0x123: {  	_ =	swait.ge [sflag:s19], $0x1000  }
0x124: {  	[sflag:s19] =	ssyncset.done $0x0  }
0x125: {  	[sflag:s19] =	ssyncadd.s32 $0xFFFFF000  }
0x126: {  	_ =	swait.ge [sflag:s19], $0x1000  }
0x127: {  	[sflag:s19] =	ssyncset.done $0x0  }
0x128: {  	[sflag:s19] =	ssyncadd.s32 $0xFFFFF000  }
0x129: {  	_ =	swait.ge [sflag:s19], $0x1000  }
0x12a: {  	[sflag:s19] =	ssyncset.done $0x0  }
0x12b: {  	[sflag:s19] =	ssyncadd.s32 $0xFFFFF000  }
0x12c: {  	_ =	swait.ge [sflag:s19], $0x1000  }
0x12d: {  	[sflag:s19] =	ssyncset.done $0x0  }
0x12e: {  	[sflag:s19] =	ssyncadd.s32 $0xFFFFF000  }
0x12f: {  	_ =	swait.ge [sflag:s19], $0x1000  }
0x130: {  	[sflag:s19] =	ssyncset.done $0x0  }
0x131: {  	[sflag:s19] =	ssyncadd.s32 $0xFFFFF000  }
0x132: {  	_ =	swait.ge [sflag:s19], $0x1000  }
0x133: {  	s26 =	smov.u32 s24;
	[sflag:s19] =	ssyncset.done $0x0  }
0x134: {  	s28 =	sadd.s32 s26, s0;
	[sflag:s19] =	ssyncadd.s32 $0xFFFFF000  }
0x135: {  	[tilespmem:s4], [sflag:$0x4] =	stream.linear.gather [hbm4b:s28+s4], $0x500, $0x38;
	[tilespmem:$0x1F200] =	vst v63  }
0x136: {  	_ =	swait.ge [sflag:s22], $0x500  }
0x137: {  	[sflag:s22] =	ssyncset.done $0x0  }
0x138: {  	s28 =	sadd.s32 s26, s14;
	[sflag:s22] =	ssyncadd.s32 $0xFFFFFB00  }
0x139: {  	[tilespmem:s13], [sflag:$0x4] =	stream.linear.gather [hbm4b:s28+s4], $0x500, $0x38;
	[tilespmem:$0x1F200] =	vst v63  }
0x13a: {  	_ =	swait.ge [sflag:s22], $0x500  }
0x13b: {  	[sflag:s22] =	ssyncset.done $0x0  }
0x13c: {  	[sflag:s22] =	ssyncadd.s32 $0xFFFFFB00  }
0x13d: {  	[tilespmem:s9], [sflag:$0x1] =	stream.indirect.gather [spmem:s3], $0x20, s4, s25, $0xb8;
	[tilespmem:$0x1F200] =	vst v63  }
0x13e: {  	_ = 	snop  }
0x13f: {  	[tilespmem:s11], [sflag:$0x1] =	stream.indirect.gather [spmem:s3], $0x20, s25, s25, $0xb8;
	[tilespmem:$0x1F200] =	vst v63  }
0x140: {  	s13 =	simm.s32 $0x100  }
0x141: {  	[tilespmem:s16], [sflag:$0x1] =	stream.indirect.gather [spmem:s3], $0x20, s13, s25, $0xb8;
	[tilespmem:$0x1F200] =	vst v63  }
0x142: {  	s16 =	simm.s32 $0x180  }
0x143: {  	[tilespmem:s7], [sflag:$0x1] =	stream.indirect.gather [spmem:s3], $0x20, s16, s25, $0xb8;
	[tilespmem:$0x1F200] =	vst v63  }
0x144: {  	s9 =	simm.s32 $0x200  }
0x145: {  	[tilespmem:s1], [sflag:$0x1] =	stream.indirect.gather [spmem:s3], $0x20, s9, s25, $0xb8;
	[tilespmem:$0x1F200] =	vst v63  }
0x146: {  	s11 =	simm.s32 $0x280  }
0x147: {  	[tilespmem:s10], [sflag:$0x1] =	stream.indirect.gather [spmem:s3], $0x20, s11, s25, $0xb8;
	[tilespmem:$0x1F200] =	vst v63  }
0x148: {  	s13 =	simm.s32 $0x300  }
0x149: {  	[tilespmem:s6], [sflag:$0x1] =	stream.indirect.gather [spmem:s3], $0x20, s13, s25, $0xb8;
	[tilespmem:$0x1F200] =	vst v63  }
0x14a: {  	s16 =	simm.s32 $0x380  }
0x14b: {  	[tilespmem:s12], [sflag:$0x1] =	stream.indirect.gather [spmem:s3], $0x20, s16, s25, $0xb8;
	[tilespmem:$0x1F200] =	vst v63  }
0x14c: {  	s6 =	simm.s32 $0x400  }
0x14d: {  	[tilespmem:s18], [sflag:$0x1] =	stream.indirect.gather [spmem:s3], $0x20, s6, s25, $0xb8;
	[tilespmem:$0x1F200] =	vst v63  }
0x14e: {  	s7 =	simm.s32 $0x480;
	s9 =	simm.s32 $0x2  }
0x14f: {  	[tilespmem:s21], [sflag:$0x1] =	stream.indirect.gather [spmem:s3], $0x20, s7, s25, $0xb8;
	[tilespmem:$0x1F200] =	vst v63  }
0x150: {  	_ =	swait.ge [sflag:s9], $0xA000  }
0x151: {  	[sflag:s9] =	ssyncset.done $0x0  }
0x152: {  	s1 =	simm.s32 $0xF00;
	s6 =	simm.s32 $0xB400;
	[sflag:s9] =	ssyncadd.s32 $0xFFFF6000  }
0x153: {  	[spmem:s2] =	stream.indirect.scatter.add.f32 [tilespmem:s6], [sflag:$0x3], $0x20, s1, s25, $0xb8;
	[tilespmem:$0x1F200] =	vst v63  }
0x154: {  	s10 =	simm.s32 $0xF80;
	s7 =	simm.s32 $0xC400  }
0x155: {  	[spmem:s2] =	stream.indirect.scatter.add.f32 [tilespmem:s7], [sflag:$0x3], $0x20, s10, s25, $0xb8;
	[tilespmem:$0x1F200] =	vst v63  }
0x156: {  	s11 =	simm.s32 $0x1000;
	s9 =	simm.s32 $0xD400  }
0x157: {  	[spmem:s2] =	stream.indirect.scatter.add.f32 [tilespmem:s9], [sflag:$0x3], $0x20, s11, s25, $0xb8;
	[tilespmem:$0x1F200] =	vst v63  }
0x158: {  	s12 =	simm.s32 $0x1080;
	s10 =	simm.s32 $0xE400  }
0x159: {  	[spmem:s2] =	stream.indirect.scatter.add.f32 [tilespmem:s10], [sflag:$0x3], $0x20, s12, s25, $0xb8;
	[tilespmem:$0x1F200] =	vst v63  }
0x15a: {  	s13 =	simm.s32 $0x1100;
	s11 =	simm.s32 $0xF400  }
0x15b: {  	[spmem:s2] =	stream.indirect.scatter.add.f32 [tilespmem:s11], [sflag:$0x3], $0x20, s13, s25, $0xb8;
	[tilespmem:$0x1F200] =	vst v63  }
0x15c: {  	s16 =	simm.s32 $0x1180;
	s12 =	simm.s32 $0x10400  }
0x15d: {  	[spmem:s2] =	stream.indirect.scatter.add.f32 [tilespmem:s12], [sflag:$0x3], $0x20, s16, s25, $0xb8;
	[tilespmem:$0x1F200] =	vst v63  }
0x15e: {  	s18 =	simm.s32 $0x1200;
	s13 =	simm.s32 $0x11400  }
0x15f: {  	[spmem:s2] =	stream.indirect.scatter.add.f32 [tilespmem:s13], [sflag:$0x3], $0x20, s18, s25, $0xb8;
	[tilespmem:$0x1F200] =	vst v63  }
0x160: {  	s16 =	simm.s32 $0x12400;
	s18 =	simm.s32 $0x1280  }
0x161: {  	[spmem:s2] =	stream.indirect.scatter.add.f32 [tilespmem:s16], [sflag:$0x3], $0x20, s18, s25, $0xb8;
	[tilespmem:$0x1F200] =	vst v63  }
0x162: {  	s28 =	simm.s32 $0x1300;
	s18 =	simm.s32 $0x13400  }
0x163: {  	[spmem:s2] =	stream.indirect.scatter.add.f32 [tilespmem:s18], [sflag:$0x3], $0x20, s28, s25, $0xb8;
	[tilespmem:$0x1F200] =	vst v63  }
0x164: {  	s28 =	simm.s32 $0x1380  }
0x165: {  	[spmem:s2] =	stream.indirect.scatter.add.f32 [tilespmem:s5], [sflag:$0x3], $0x20, s28, s25, $0xb8;
	[tilespmem:$0x1F200] =	vst v63  }
0x166: {  	_ =	swait.ge [sflag:s19], $0x1000  }
0x167: {  	[sflag:s19] =	ssyncset.done $0x0  }
0x168: {  	[sflag:s19] =	ssyncadd.s32 $0xFFFFF000  }
0x169: {  	_ =	swait.ge [sflag:s19], $0x1000  }
0x16a: {  	[sflag:s19] =	ssyncset.done $0x0  }
0x16b: {  	[sflag:s19] =	ssyncadd.s32 $0xFFFFF000  }
0x16c: {  	_ =	swait.ge [sflag:s19], $0x1000  }
0x16d: {  	[sflag:s19] =	ssyncset.done $0x0  }
0x16e: {  	[sflag:s19] =	ssyncadd.s32 $0xFFFFF000  }
0x16f: {  	_ =	swait.ge [sflag:s19], $0x1000  }
0x170: {  	[sflag:s19] =	ssyncset.done $0x0  }
0x171: {  	[sflag:s19] =	ssyncadd.s32 $0xFFFFF000  }
0x172: {  	_ =	swait.ge [sflag:s19], $0x1000  }
0x173: {  	[sflag:s19] =	ssyncset.done $0x0  }
0x174: {  	[sflag:s19] =	ssyncadd.s32 $0xFFFFF000  }
0x175: {  	_ =	swait.ge [sflag:s19], $0x1000  }
0x176: {  	[sflag:s19] =	ssyncset.done $0x0  }
0x177: {  	[sflag:s19] =	ssyncadd.s32 $0xFFFFF000  }
0x178: {  	_ =	swait.ge [sflag:s19], $0x1000  }
0x179: {  	[sflag:s19] =	ssyncset.done $0x0  }
0x17a: {  	[sflag:s19] =	ssyncadd.s32 $0xFFFFF000  }
0x17b: {  	_ =	swait.ge [sflag:s19], $0x1000  }
0x17c: {  	[sflag:s19] =	ssyncset.done $0x0  }
0x17d: {  	[sflag:s19] =	ssyncadd.s32 $0xFFFFF000  }
0x17e: {  	_ =	swait.ge [sflag:s19], $0x1000  }
0x17f: {  	[sflag:s19] =	ssyncset.done $0x0  }
0x180: {  	[sflag:s19] =	ssyncadd.s32 $0xFFFFF000  }
0x181: {  	_ =	swait.ge [sflag:s19], $0x1000  }
0x182: {  	[sflag:s19] =	ssyncset.done $0x0;
	s5 =	rddreg [dreg:$0x4]  }
0x183: {  	s21 =	simm.s32 $0x500;
	[sflag:s19] =	ssyncadd.s32 $0xFFFFF000;
	s28 =	sadd.s32 s26, s5  }
0x184: {  	[tilespmem:s21], [sflag:$0x4] =	stream.linear.gather [hbm4b:s28+s4], $0x500, $0x38;
	[tilespmem:$0x1F200] =	vst v63  }
0x185: {  	s28 =	rddreg [dreg:$0x5];
	_ =	swait.ge [sflag:s22], $0x500  }
0x186: {  	[sflag:s22] =	ssyncset.done $0x0  }
0x187: {  	s26 =	sadd.s32 s26, s28;
	[sflag:s22] =	ssyncadd.s32 $0xFFFFFB00  }
0x188: {  	[tilespmem:s1], [sflag:$0x4] =	stream.linear.gather [hbm4b:s26+s4], $0x500, $0x38;
	[tilespmem:$0x1F200] =	vst v63  }
0x189: {  	_ =	swait.ge [sflag:s22], $0x500  }
0x18a: {  	[sflag:s22] =	ssyncset.done $0x0  }
0x18b: {  	[sflag:s22] =	ssyncadd.s32 $0xFFFFFB00  }
0x18c: {  	[tilespmem:s6], [sflag:$0x2] =	stream.indirect.gather [spmem:s3], $0x20, s21, s25, $0xb8;
	[tilespmem:$0x1F200] =	vst v63  }
0x18d: {  	s26 =	simm.s32 $0x580  }
0x18e: {  	[tilespmem:s7], [sflag:$0x2] =	stream.indirect.gather [spmem:s3], $0x20, s26, s25, $0xb8;
	[tilespmem:$0x1F200] =	vst v63  }
0x18f: {  	_ = 	snop  }
0x190: {  	[tilespmem:s9], [sflag:$0x2] =	stream.indirect.gather [spmem:s3], $0x20, s29, s25, $0xb8;
	[tilespmem:$0x1F200] =	vst v63  }
0x191: {  	_ = 	snop  }
0x192: {  	[tilespmem:s10], [sflag:$0x2] =	stream.indirect.gather [spmem:s3], $0x20, s8, s25, $0xb8;
	[tilespmem:$0x1F200] =	vst v63  }
0x193: {  	_ = 	snop  }
0x194: {  	[tilespmem:s11], [sflag:$0x2] =	stream.indirect.gather [spmem:s3], $0x20, s17, s25, $0xb8;
	[tilespmem:$0x1F200] =	vst v63  }
0x195: {  	_ = 	snop  }
0x196: {  	[tilespmem:s12], [sflag:$0x2] =	stream.indirect.gather [spmem:s3], $0x20, s30, s25, $0xb8;
	[tilespmem:$0x1F200] =	vst v63  }
0x197: {  	p0 =	sne.s32 s24, $0x280  }
0x198: {  	[tilespmem:s13], [sflag:$0x2] =	stream.indirect.gather [spmem:s3], $0x20, s23, s25, $0xb8;
	[tilespmem:$0x1F200] =	vst v63  }
.Ltmp0:
0x199: {  	_ = 	snop;
	(pc) =	sbr.rel @p0 .LBB2_2-.Ltmp0, $4  }
0x19a: {  	_ = 	snop  }
0x19b: {  	[tilespmem:s16], [sflag:$0x2] =	stream.indirect.gather [spmem:s3], $0x20, s15, s25, $0xb8;
	[tilespmem:$0x1F200] =	vst v63  }
0x19c: {  	s24 =	sadd.s32 $0x140, s24  }
0x19d: {  	[tilespmem:s18], [sflag:$0x2] =	stream.indirect.gather [spmem:s3], $0x20, s31, s25, $0xb8;
	[tilespmem:$0x1F200] =	vst v63  }
0x19e: {  	s5 =	simm.s32 $0x980;
	s1 =	simm.s32 $0x14400  }
0x19f: {  	[tilespmem:s1], [sflag:$0x2] =	stream.indirect.gather [spmem:s3], $0x20, s5, s25, $0xb8;
	[tilespmem:$0x1F200] =	vst v63  }
0x1a0: {  	_ =	swait.ge [sflag:s20], $0xA000  }
0x1a1: {  	[sflag:s20] =	ssyncset.done $0x0  }
0x1a2: {  	s6 =	simm.s32 $0xA00;
	s11 =	simm.s32 $0x1400;
	[sflag:s20] =	ssyncadd.s32 $0xFFFF6000  }
0x1a3: {  	[spmem:s2] =	stream.indirect.scatter.add.f32 [tilespmem:s11], [sflag:$0x3], $0x20, s6, s25, $0xb8;
	[tilespmem:$0x1F200] =	vst v63  }
0x1a4: {  	s12 =	simm.s32 $0x2400;
	s13 =	simm.s32 $0xA80  }
0x1a5: {  	[spmem:s2] =	stream.indirect.scatter.add.f32 [tilespmem:s12], [sflag:$0x3], $0x20, s13, s25, $0xb8;
	[tilespmem:$0x1F200] =	vst v63  }
0x1a6: {  	s15 =	simm.s32 $0x3400;
	s16 =	simm.s32 $0xB00  }
0x1a7: {  	[spmem:s2] =	stream.indirect.scatter.add.f32 [tilespmem:s15], [sflag:$0x3], $0x20, s16, s25, $0xb8;
	[tilespmem:$0x1F200] =	vst v63  }
0x1a8: {  	s17 =	simm.s32 $0x4400;
	s18 =	simm.s32 $0xB80  }
0x1a9: {  	[spmem:s2] =	stream.indirect.scatter.add.f32 [tilespmem:s17], [sflag:$0x3], $0x20, s18, s25, $0xb8;
	[tilespmem:$0x1F200] =	vst v63  }
0x1aa: {  	s23 =	simm.s32 $0x5400;
	s24 =	simm.s32 $0xC00  }
0x1ab: {  	[spmem:s2] =	stream.indirect.scatter.add.f32 [tilespmem:s23], [sflag:$0x3], $0x20, s24, s25, $0xb8;
	[tilespmem:$0x1F200] =	vst v63  }
0x1ac: {  	s26 =	simm.s32 $0x6400;
	s29 =	simm.s32 $0xC80  }
0x1ad: {  	[spmem:s2] =	stream.indirect.scatter.add.f32 [tilespmem:s26], [sflag:$0x3], $0x20, s29, s25, $0xb8;
	[tilespmem:$0x1F200] =	vst v63  }
0x1ae: {  	s30 =	simm.s32 $0x7400;
	s31 =	simm.s32 $0xD00  }
0x1af: {  	[spmem:s2] =	stream.indirect.scatter.add.f32 [tilespmem:s30], [sflag:$0x3], $0x20, s31, s25, $0xb8;
	[tilespmem:$0x1F200] =	vst v63  }
0x1b0: {  	s7 =	simm.s32 $0x8400;
	s8 =	simm.s32 $0xD80  }
0x1b1: {  	[spmem:s2] =	stream.indirect.scatter.add.f32 [tilespmem:s7], [sflag:$0x3], $0x20, s8, s25, $0xb8;
	[tilespmem:$0x1F200] =	vst v63  }
0x1b2: {  	s9 =	simm.s32 $0x9400;
	s10 =	simm.s32 $0xE00  }
0x1b3: {  	[spmem:s2] =	stream.indirect.scatter.add.f32 [tilespmem:s9], [sflag:$0x3], $0x20, s10, s25, $0xb8;
	[tilespmem:$0x1F200] =	vst v63  }
0x1b4: {  	s11 =	simm.s32 $0xA400;
	s12 =	simm.s32 $0xE80  }
0x1b5: {  	[spmem:s2] =	stream.indirect.scatter.add.f32 [tilespmem:s11], [sflag:$0x3], $0x20, s12, s25, $0xb8;
	[tilespmem:$0x1F200] =	vst v63  }
0x1b6: {  	_ =	swait.ge [sflag:s19], $0x1000  }
0x1b7: {  	[sflag:s19] =	ssyncset.done $0x0  }
0x1b8: {  	[sflag:s19] =	ssyncadd.s32 $0xFFFFF000  }
0x1b9: {  	_ =	swait.ge [sflag:s19], $0x1000  }
0x1ba: {  	[sflag:s19] =	ssyncset.done $0x0  }
0x1bb: {  	[sflag:s19] =	ssyncadd.s32 $0xFFFFF000  }
0x1bc: {  	_ =	swait.ge [sflag:s19], $0x1000  }
0x1bd: {  	[sflag:s19] =	ssyncset.done $0x0  }
0x1be: {  	[sflag:s19] =	ssyncadd.s32 $0xFFFFF000  }
0x1bf: {  	_ =	swait.ge [sflag:s19], $0x1000  }
0x1c0: {  	[sflag:s19] =	ssyncset.done $0x0  }
0x1c1: {  	[sflag:s19] =	ssyncadd.s32 $0xFFFFF000  }
0x1c2: {  	_ =	swait.ge [sflag:s19], $0x1000  }
0x1c3: {  	[sflag:s19] =	ssyncset.done $0x0  }
0x1c4: {  	[sflag:s19] =	ssyncadd.s32 $0xFFFFF000  }
0x1c5: {  	_ =	swait.ge [sflag:s19], $0x1000  }
0x1c6: {  	[sflag:s19] =	ssyncset.done $0x0  }
0x1c7: {  	[sflag:s19] =	ssyncadd.s32 $0xFFFFF000  }
0x1c8: {  	_ =	swait.ge [sflag:s19], $0x1000  }
0x1c9: {  	[sflag:s19] =	ssyncset.done $0x0  }
0x1ca: {  	[sflag:s19] =	ssyncadd.s32 $0xFFFFF000  }
0x1cb: {  	_ =	swait.ge [sflag:s19], $0x1000  }
0x1cc: {  	[sflag:s19] =	ssyncset.done $0x0  }
0x1cd: {  	[sflag:s19] =	ssyncadd.s32 $0xFFFFF000  }
0x1ce: {  	_ =	swait.ge [sflag:s19], $0x1000  }
0x1cf: {  	[sflag:s19] =	ssyncset.done $0x0  }
0x1d0: {  	[sflag:s19] =	ssyncadd.s32 $0xFFFFF000  }
0x1d1: {  	_ =	swait.ge [sflag:s19], $0x1000  }
0x1d2: {  	[sflag:s19] =	ssyncset.done $0x0  }
0x1d3: {  	s17 =	simm.s32 $0x2;
	[sflag:s19] =	ssyncadd.s32 $0xFFFFF000  }
0x1d4: {  	_ =	swait.ge [sflag:s17], $0xA000  }
0x1d5: {  	[sflag:s17] =	ssyncset.done $0x0  }
0x1d6: {  	s13 =	simm.s32 $0xB400;
	s7 =	simm.s32 $0xF00;
	[sflag:s17] =	ssyncadd.s32 $0xFFFF6000  }
0x1d7: {  	[spmem:s2] =	stream.indirect.scatter.add.f32 [tilespmem:s13], [sflag:$0x3], $0x20, s7, s25, $0xb8;
	[tilespmem:$0x1F200] =	vst v63  }
0x1d8: {  	s15 =	simm.s32 $0xC400;
	s18 =	simm.s32 $0xF80  }
0x1d9: {  	[spmem:s2] =	stream.indirect.scatter.add.f32 [tilespmem:s15], [sflag:$0x3], $0x20, s18, s25, $0xb8;
	[tilespmem:$0x1F200] =	vst v63  }
0x1da: {  	s23 =	simm.s32 $0xD400;
	s24 =	simm.s32 $0x1000  }
0x1db: {  	[spmem:s2] =	stream.indirect.scatter.add.f32 [tilespmem:s23], [sflag:$0x3], $0x20, s24, s25, $0xb8;
	[tilespmem:$0x1F200] =	vst v63  }
0x1dc: {  	s26 =	simm.s32 $0xE400;
	s29 =	simm.s32 $0x1080  }
0x1dd: {  	[spmem:s2] =	stream.indirect.scatter.add.f32 [tilespmem:s26], [sflag:$0x3], $0x20, s29, s25, $0xb8;
	[tilespmem:$0x1F200] =	vst v63  }
0x1de: {  	s30 =	simm.s32 $0xF400;
	s31 =	simm.s32 $0x1100  }
0x1df: {  	[spmem:s2] =	stream.indirect.scatter.add.f32 [tilespmem:s30], [sflag:$0x3], $0x20, s31, s25, $0xb8;
	[tilespmem:$0x1F200] =	vst v63  }
0x1e0: {  	s8 =	simm.s32 $0x1180;
	s7 =	simm.s32 $0x10400  }
0x1e1: {  	[spmem:s2] =	stream.indirect.scatter.add.f32 [tilespmem:s7], [sflag:$0x3], $0x20, s8, s25, $0xb8;
	[tilespmem:$0x1F200] =	vst v63  }
0x1e2: {  	s9 =	simm.s32 $0x11400;
	s10 =	simm.s32 $0x1200  }
0x1e3: {  	[spmem:s2] =	stream.indirect.scatter.add.f32 [tilespmem:s9], [sflag:$0x3], $0x20, s10, s25, $0xb8;
	[tilespmem:$0x1F200] =	vst v63  }
0x1e4: {  	s11 =	simm.s32 $0x12400;
	s12 =	simm.s32 $0x1280  }
0x1e5: {  	[spmem:s2] =	stream.indirect.scatter.add.f32 [tilespmem:s11], [sflag:$0x3], $0x20, s12, s25, $0xb8;
	[tilespmem:$0x1F200] =	vst v63  }
0x1e6: {  	s13 =	simm.s32 $0x13400;
	s15 =	simm.s32 $0x1300  }
0x1e7: {  	[spmem:s2] =	stream.indirect.scatter.add.f32 [tilespmem:s13], [sflag:$0x3], $0x20, s15, s25, $0xb8;
	[tilespmem:$0x1F200] =	vst v63  }
0x1e8: {  	s5 =	simm.s32 $0x14400;
	s18 =	simm.s32 $0x1380  }
0x1e9: {  	[spmem:s2] =	stream.indirect.scatter.add.f32 [tilespmem:s5], [sflag:$0x3], $0x20, s18, s25, $0xb8;
	[tilespmem:$0x1F200] =	vst v63  }
0x1ea: {  	_ =	swait.ge [sflag:s19], $0x1000  }
0x1eb: {  	[sflag:s19] =	ssyncset.done $0x0  }
0x1ec: {  	[sflag:s19] =	ssyncadd.s32 $0xFFFFF000  }
0x1ed: {  	_ =	swait.ge [sflag:s19], $0x1000  }
0x1ee: {  	[sflag:s19] =	ssyncset.done $0x0  }
0x1ef: {  	[sflag:s19] =	ssyncadd.s32 $0xFFFFF000  }
0x1f0: {  	_ =	swait.ge [sflag:s19], $0x1000  }
0x1f1: {  	[sflag:s19] =	ssyncset.done $0x0  }
0x1f2: {  	[sflag:s19] =	ssyncadd.s32 $0xFFFFF000  }
0x1f3: {  	_ =	swait.ge [sflag:s19], $0x1000  }
0x1f4: {  	[sflag:s19] =	ssyncset.done $0x0  }
0x1f5: {  	[sflag:s19] =	ssyncadd.s32 $0xFFFFF000  }
0x1f6: {  	_ =	swait.ge [sflag:s19], $0x1000  }
0x1f7: {  	[sflag:s19] =	ssyncset.done $0x0  }
0x1f8: {  	[sflag:s19] =	ssyncadd.s32 $0xFFFFF000  }
0x1f9: {  	_ =	swait.ge [sflag:s19], $0x1000  }
0x1fa: {  	[sflag:s19] =	ssyncset.done $0x0  }
0x1fb: {  	[sflag:s19] =	ssyncadd.s32 $0xFFFFF000  }
0x1fc: {  	_ =	swait.ge [sflag:s19], $0x1000  }
0x1fd: {  	[sflag:s19] =	ssyncset.done $0x0  }
0x1fe: {  	[sflag:s19] =	ssyncadd.s32 $0xFFFFF000  }
0x1ff: {  	_ =	swait.ge [sflag:s19], $0x1000  }
0x200: {  	[sflag:s19] =	ssyncset.done $0x0  }
0x201: {  	[sflag:s19] =	ssyncadd.s32 $0xFFFFF000  }
0x202: {  	_ =	swait.ge [sflag:s19], $0x1000  }
0x203: {  	[sflag:s19] =	ssyncset.done $0x0  }
0x204: {  	[sflag:s19] =	ssyncadd.s32 $0xFFFFF000  }
0x205: {  	_ =	swait.ge [sflag:s19], $0x1000  }
0x206: {  	[sflag:s19] =	ssyncset.done $0x0  }
0x207: {  	[sflag:s19] =	ssyncadd.s32 $0xFFFFF000  }
0x208: {  	[bflag:$0x0] =	sbarrier.arrive $0xFFFF  }
0x209: {  	s24 =	rddreg [dreg:$0xa]  }
0x20a: {  	s26 =	rddreg [dreg:$0x10]  }
0x20b: {  	s13 =	simm.s32 $0x8;
	s23 =	rddreg [dreg:$0x15]  }
0x20c: {  	[hbm:s26@s13], [sflag:s24] =	dma.strided [spmem:s23@s22], $0x9E0, s20, $0x4   }
0x20d: {  	_ =	swait.ge [sflag:s22], $0x9E0  }
0x20e: {  	[sflag:s22] =	ssyncset.done $0x0  }
0x20f: {  	s29 =	rddreg [dreg:$0x11];
	[sflag:s22] =	ssyncadd.s32 $0xFFFFF620  }
0x210: {  	[spmem:s23@s22], [sflag:s24] =	dma.strided [hbm:s29@s13], $0x9E0, s20, $0x4   }
0x211: {  	_ =	swait.ge [sflag:s22], $0x9E0  }
0x212: {  	[sflag:s22] =	ssyncset.done $0x0  }
0x213: {  	s30 =	rddreg [dreg:$0x16];
	[sflag:s22] =	ssyncadd.s32 $0xFFFFF620  }
0x214: {  	[spmem:s30@s22], [sflag:s24] =	dma.strided [hbm:s29@s13], $0x9E0, s20, $0x4   }
0x215: {  	_ =	swait.ge [sflag:s22], $0x9E0  }
0x216: {  	[sflag:s22] =	ssyncset.done $0x0  }
0x217: {  	[sflag:s22] =	ssyncadd.s32 $0xFFFFF620  }
0x218: {  	[bflag:$0x0] =	sbarrier.arrive $0xFFFF  }
0x219: {  	s31 =	simm.s32 $0x0;
	s7 =	rddreg [dreg:$0xc]  }
0x21a: {  	[tilespmem:s31], [sflag:$0x4] =	stream.linear.gather [hbm4b:s7+s31], $0x500, $0x38;
	[tilespmem:$0x1F200] =	vst v63  }
0x21b: {  	_ =	swait.ge [sflag:s22], $0x500  }
0x21c: {  	[sflag:s22] =	ssyncset.done $0x0  }
0x21d: {  	s15 =	simm.s32 $0xA00;
	s8 =	rddreg [dreg:$0xd];
	[sflag:s22] =	ssyncadd.s32 $0xFFFFFB00  }
0x21e: {  	[tilespmem:s15], [sflag:$0x4] =	stream.linear.gather [hbm4b:s8+s31], $0x500, $0x38;
	[tilespmem:$0x1F200] =	vst v63  }
0x21f: {  	_ =	swait.ge [sflag:s22], $0x500  }
0x220: {  	[sflag:s22] =	ssyncset.done $0x0  }
0x221: {  	s12 =	simm.s32 $0x1400;
	[sflag:s22] =	ssyncadd.s32 $0xFFFFFB00  }
0x222: {  	[tilespmem:s12], [sflag:$0x1] =	stream.indirect.gather [spmem:s3], $0x20, s31, s25, $0xb8;
	[tilespmem:$0x1F200] =	vst v63  }
0x223: {  	s13 =	simm.s32 $0x2400  }
0x224: {  	[tilespmem:s13], [sflag:$0x1] =	stream.indirect.gather [spmem:s3], $0x20, s25, s25, $0xb8;
	[tilespmem:$0x1F200] =	vst v63  }
0x225: {  	s1 =	simm.s32 $0x3400;
	s9 =	simm.s32 $0x100  }
0x226: {  	[tilespmem:s1], [sflag:$0x1] =	stream.indirect.gather [spmem:s3], $0x20, s9, s25, $0xb8;
	[tilespmem:$0x1F200] =	vst v63  }
0x227: {  	s10 =	simm.s32 $0x180;
	s5 =	simm.s32 $0x4400  }
0x228: {  	[tilespmem:s5], [sflag:$0x1] =	stream.indirect.gather [spmem:s3], $0x20, s10, s25, $0xb8;
	[tilespmem:$0x1F200] =	vst v63  }
0x229: {  	s6 =	simm.s32 $0x5400;
	s11 =	simm.s32 $0x200  }
0x22a: {  	[tilespmem:s6], [sflag:$0x1] =	stream.indirect.gather [spmem:s3], $0x20, s11, s25, $0xb8;
	[tilespmem:$0x1F200] =	vst v63  }
0x22b: {  	s7 =	simm.s32 $0x6400;
	s8 =	simm.s32 $0x280  }
0x22c: {  	[tilespmem:s7], [sflag:$0x1] =	stream.indirect.gather [spmem:s3], $0x20, s8, s25, $0xb8;
	[tilespmem:$0x1F200] =	vst v63  }
0x22d: {  	s9 =	simm.s32 $0x300;
	s8 =	simm.s32 $0x7400  }
0x22e: {  	[tilespmem:s8], [sflag:$0x1] =	stream.indirect.gather [spmem:s3], $0x20, s9, s25, $0xb8;
	[tilespmem:$0x1F200] =	vst v63  }
0x22f: {  	s10 =	simm.s32 $0x380;
	s9 =	simm.s32 $0x8400  }
0x230: {  	[tilespmem:s9], [sflag:$0x1] =	stream.indirect.gather [spmem:s3], $0x20, s10, s25, $0xb8;
	[tilespmem:$0x1F200] =	vst v63  }
0x231: {  	s11 =	simm.s32 $0x400;
	s10 =	simm.s32 $0x9400  }
0x232: {  	[tilespmem:s10], [sflag:$0x1] =	stream.indirect.gather [spmem:s3], $0x20, s11, s25, $0xb8;
	[tilespmem:$0x1F200] =	vst v63  }
0x233: {  	s18 =	simm.s32 $0x480;
	s11 =	simm.s32 $0xA400  }
0x234: {  	[tilespmem:s11], [sflag:$0x1] =	stream.indirect.gather [spmem:s3], $0x20, s18, s25, $0xb8;
	[tilespmem:$0x1F200] =	vst v63  }
0x235: {  	s18 =	rddreg [dreg:$0xe]  }
0x236: {  	[tilespmem:s21], [sflag:$0x4] =	stream.linear.gather [hbm4b:s18+s31], $0x500, $0x38;
	[tilespmem:$0x1F200] =	vst v63  }
0x237: {  	_ =	swait.ge [sflag:s22], $0x500  }
0x238: {  	[sflag:s22] =	ssyncset.done $0x0  }
0x239: {  	s16 =	simm.s32 $0xF00;
	s23 =	rddreg [dreg:$0xf];
	[sflag:s22] =	ssyncadd.s32 $0xFFFFFB00  }
0x23a: {  	[tilespmem:s16], [sflag:$0x4] =	stream.linear.gather [hbm4b:s23+s31], $0x500, $0x38;
	[tilespmem:$0x1F200] =	vst v63  }
0x23b: {  	_ =	swait.ge [sflag:s22], $0x500  }
0x23c: {  	[sflag:s22] =	ssyncset.done $0x0  }
0x23d: {  	s24 =	simm.s32 $0xB400;
	[sflag:s22] =	ssyncadd.s32 $0xFFFFFB00  }
0x23e: {  	[tilespmem:s24], [sflag:$0x2] =	stream.indirect.gather [spmem:s3], $0x20, s21, s25, $0xb8;
	[tilespmem:$0x1F200] =	vst v63  }
0x23f: {  	s26 =	simm.s32 $0x580;
	s29 =	simm.s32 $0xC400  }
0x240: {  	[tilespmem:s29], [sflag:$0x2] =	stream.indirect.gather [spmem:s3], $0x20, s26, s25, $0xb8;
	[tilespmem:$0x1F200] =	vst v63  }
0x241: {  	s30 =	simm.s32 $0x600;
	s31 =	simm.s32 $0xD400  }
0x242: {  	[tilespmem:s31], [sflag:$0x2] =	stream.indirect.gather [spmem:s3], $0x20, s30, s25, $0xb8;
	[tilespmem:$0x1F200] =	vst v63  }
0x243: {  	s18 =	simm.s32 $0xE400;
	s23 =	simm.s32 $0x680  }
0x244: {  	[tilespmem:s18], [sflag:$0x2] =	stream.indirect.gather [spmem:s3], $0x20, s23, s25, $0xb8;
	[tilespmem:$0x1F200] =	vst v63  }
0x245: {  	s24 =	simm.s32 $0x700;
	s31 =	simm.s32 $0xF400  }
0x246: {  	[tilespmem:s31], [sflag:$0x2] =	stream.indirect.gather [spmem:s3], $0x20, s24, s25, $0xb8;
	[tilespmem:$0x1F200] =	vst v63  }
0x247: {  	s26 =	simm.s32 $0x780;
	s23 =	simm.s32 $0x10400  }
0x248: {  	[tilespmem:s23], [sflag:$0x2] =	stream.indirect.gather [spmem:s3], $0x20, s26, s25, $0xb8;
	[tilespmem:$0x1F200] =	vst v63  }
0x249: {  	s29 =	simm.s32 $0x800;
	s26 =	simm.s32 $0x11400  }
0x24a: {  	[tilespmem:s26], [sflag:$0x2] =	stream.indirect.gather [spmem:s3], $0x20, s29, s25, $0xb8;
	[tilespmem:$0x1F200] =	vst v63  }
0x24b: {  	s30 =	simm.s32 $0x880;
	s29 =	simm.s32 $0x12400  }
0x24c: {  	[tilespmem:s29], [sflag:$0x2] =	stream.indirect.gather [spmem:s3], $0x20, s30, s25, $0xb8;
	[tilespmem:$0x1F200] =	vst v63  }
0x24d: {  	s24 =	simm.s32 $0x900;
	s30 =	simm.s32 $0x13400  }
0x24e: {  	[tilespmem:s30], [sflag:$0x2] =	stream.indirect.gather [spmem:s3], $0x20, s24, s25, $0xb8;
	[tilespmem:$0x1F200] =	vst v63  }
0x24f: {  	s16 =	simm.s32 $0x980;
	s24 =	simm.s32 $0x14400  }
0x250: {  	[tilespmem:s24], [sflag:$0x2] =	stream.indirect.gather [spmem:s3], $0x20, s16, s25, $0xb8;
	[tilespmem:$0x1F200] =	vst v63  }
0x251: {  	_ =	swait.ge [sflag:s20], $0xA000  }
0x252: {  	[sflag:s20] =	ssyncset.done $0x0  }
0x253: {  	[sflag:s20] =	ssyncadd.s32 $0xFFFF6000  }
0x254: {  	[spmem:s2] =	stream.indirect.scatter.add.f32 [tilespmem:s12], [sflag:$0x3], $0x20, s15, s25, $0xb8;
	[tilespmem:$0x1F200] =	vst v63  }
0x255: {  	s24 =	simm.s32 $0xA80  }
0x256: {  	[spmem:s2] =	stream.indirect.scatter.add.f32 [tilespmem:s13], [sflag:$0x3], $0x20, s24, s25, $0xb8;
	[tilespmem:$0x1F200] =	vst v63  }
0x257: {  	s24 =	simm.s32 $0xB00  }
0x258: {  	[spmem:s2] =	stream.indirect.scatter.add.f32 [tilespmem:s1], [sflag:$0x3], $0x20, s24, s25, $0xb8;
	[tilespmem:$0x1F200] =	vst v63  }
0x259: {  	s24 =	simm.s32 $0xB80  }
0x25a: {  	[spmem:s2] =	stream.indirect.scatter.add.f32 [tilespmem:s5], [sflag:$0x3], $0x20, s24, s25, $0xb8;
	[tilespmem:$0x1F200] =	vst v63  }
0x25b: {  	s24 =	simm.s32 $0xC00  }
0x25c: {  	[spmem:s2] =	stream.indirect.scatter.add.f32 [tilespmem:s6], [sflag:$0x3], $0x20, s24, s25, $0xb8;
	[tilespmem:$0x1F200] =	vst v63  }
0x25d: {  	s24 =	simm.s32 $0xC80  }
0x25e: {  	[spmem:s2] =	stream.indirect.scatter.add.f32 [tilespmem:s7], [sflag:$0x3], $0x20, s24, s25, $0xb8;
	[tilespmem:$0x1F200] =	vst v63  }
0x25f: {  	s24 =	simm.s32 $0xD00  }
0x260: {  	[spmem:s2] =	stream.indirect.scatter.add.f32 [tilespmem:s8], [sflag:$0x3], $0x20, s24, s25, $0xb8;
	[tilespmem:$0x1F200] =	vst v63  }
0x261: {  	s24 =	simm.s32 $0xD80  }
0x262: {  	[spmem:s2] =	stream.indirect.scatter.add.f32 [tilespmem:s9], [sflag:$0x3], $0x20, s24, s25, $0xb8;
	[tilespmem:$0x1F200] =	vst v63  }
0x263: {  	s24 =	simm.s32 $0xE00  }
0x264: {  	[spmem:s2] =	stream.indirect.scatter.add.f32 [tilespmem:s10], [sflag:$0x3], $0x20, s24, s25, $0xb8;
	[tilespmem:$0x1F200] =	vst v63  }
0x265: {  	s24 =	simm.s32 $0xE80  }
0x266: {  	[spmem:s2] =	stream.indirect.scatter.add.f32 [tilespmem:s11], [sflag:$0x3], $0x20, s24, s25, $0xb8;
	[tilespmem:$0x1F200] =	vst v63  }
0x267: {  	_ =	swait.ge [sflag:s19], $0x1000  }
0x268: {  	[sflag:s19] =	ssyncset.done $0x0  }
0x269: {  	[sflag:s19] =	ssyncadd.s32 $0xFFFFF000  }
0x26a: {  	_ =	swait.ge [sflag:s19], $0x1000  }
0x26b: {  	[sflag:s19] =	ssyncset.done $0x0  }
0x26c: {  	[sflag:s19] =	ssyncadd.s32 $0xFFFFF000  }
0x26d: {  	_ =	swait.ge [sflag:s19], $0x1000  }
0x26e: {  	[sflag:s19] =	ssyncset.done $0x0  }
0x26f: {  	[sflag:s19] =	ssyncadd.s32 $0xFFFFF000  }
0x270: {  	_ =	swait.ge [sflag:s19], $0x1000  }
0x271: {  	[sflag:s19] =	ssyncset.done $0x0  }
0x272: {  	[sflag:s19] =	ssyncadd.s32 $0xFFFFF000  }
0x273: {  	_ =	swait.ge [sflag:s19], $0x1000  }
0x274: {  	[sflag:s19] =	ssyncset.done $0x0  }
0x275: {  	[sflag:s19] =	ssyncadd.s32 $0xFFFFF000  }
0x276: {  	_ =	swait.ge [sflag:s19], $0x1000  }
0x277: {  	[sflag:s19] =	ssyncset.done $0x0  }
0x278: {  	[sflag:s19] =	ssyncadd.s32 $0xFFFFF000  }
0x279: {  	_ =	swait.ge [sflag:s19], $0x1000  }
0x27a: {  	[sflag:s19] =	ssyncset.done $0x0  }
0x27b: {  	[sflag:s19] =	ssyncadd.s32 $0xFFFFF000  }
0x27c: {  	_ =	swait.ge [sflag:s19], $0x1000  }
0x27d: {  	[sflag:s19] =	ssyncset.done $0x0  }
0x27e: {  	[sflag:s19] =	ssyncadd.s32 $0xFFFFF000  }
0x27f: {  	_ =	swait.ge [sflag:s19], $0x1000  }
0x280: {  	[sflag:s19] =	ssyncset.done $0x0  }
0x281: {  	[sflag:s19] =	ssyncadd.s32 $0xFFFFF000  }
0x282: {  	_ =	swait.ge [sflag:s19], $0x1000  }
0x283: {  	[sflag:s19] =	ssyncset.done $0x0  }
0x284: {  	s0 =	sadd.s32 $0x0, s0;
	[sflag:s19] =	ssyncadd.s32 $0xFFFFF000  }
0x285: {  	[tilespmem:s4], [sflag:$0x4] =	stream.linear.gather [hbm4b:s0+s4], $0x500, $0x38;
	[tilespmem:$0x1F200] =	vst v63  }
0x286: {  	_ =	swait.ge [sflag:s22], $0x500  }
0x287: {  	[sflag:s22] =	ssyncset.done $0x0  }
0x288: {  	s14 =	sadd.s32 $0x0, s14;
	s15 =	simm.s32 $0xA00;
	[sflag:s22] =	ssyncadd.s32 $0xFFFFFB00  }
0x289: {  	[tilespmem:s15], [sflag:$0x4] =	stream.linear.gather [hbm4b:s14+s4], $0x500, $0x38;
	[tilespmem:$0x1F200] =	vst v63  }
0x28a: {  	_ =	swait.ge [sflag:s22], $0x500  }
0x28b: {  	[sflag:s22] =	ssyncset.done $0x0  }
0x28c: {  	s12 =	simm.s32 $0x1400;
	[sflag:s22] =	ssyncadd.s32 $0xFFFFFB00  }
0x28d: {  	[tilespmem:s12], [sflag:$0x1] =	stream.indirect.gather [spmem:s3], $0x20, s4, s25, $0xb8;
	[tilespmem:$0x1F200] =	vst v63  }
0x28e: {  	s13 =	simm.s32 $0x2400  }
0x28f: {  	[tilespmem:s13], [sflag:$0x1] =	stream.indirect.gather [spmem:s3], $0x20, s25, s25, $0xb8;
	[tilespmem:$0x1F200] =	vst v63  }
0x290: {  	s1 =	simm.s32 $0x3400;
	s15 =	simm.s32 $0x100  }
0x291: {  	[tilespmem:s1], [sflag:$0x1] =	stream.indirect.gather [spmem:s3], $0x20, s15, s25, $0xb8;
	[tilespmem:$0x1F200] =	vst v63  }
0x292: {  	s16 =	simm.s32 $0x180;
	s5 =	simm.s32 $0x4400  }
0x293: {  	[tilespmem:s5], [sflag:$0x1] =	stream.indirect.gather [spmem:s3], $0x20, s16, s25, $0xb8;
	[tilespmem:$0x1F200] =	vst v63  }
0x294: {  	s6 =	simm.s32 $0x5400;
	s24 =	simm.s32 $0x200  }
0x295: {  	[tilespmem:s6], [sflag:$0x1] =	stream.indirect.gather [spmem:s3], $0x20, s24, s25, $0xb8;
	[tilespmem:$0x1F200] =	vst v63  }
0x296: {  	s7 =	simm.s32 $0x6400;
	s0 =	simm.s32 $0x280  }
0x297: {  	[tilespmem:s7], [sflag:$0x1] =	stream.indirect.gather [spmem:s3], $0x20, s0, s25, $0xb8;
	[tilespmem:$0x1F200] =	vst v63  }
0x298: {  	s8 =	simm.s32 $0x7400;
	s5 =	simm.s32 $0x300  }
0x299: {  	[tilespmem:s8], [sflag:$0x1] =	stream.indirect.gather [spmem:s3], $0x20, s5, s25, $0xb8;
	[tilespmem:$0x1F200] =	vst v63  }
0x29a: {  	s9 =	simm.s32 $0x8400;
	s6 =	simm.s32 $0x380  }
0x29b: {  	[tilespmem:s9], [sflag:$0x1] =	stream.indirect.gather [spmem:s3], $0x20, s6, s25, $0xb8;
	[tilespmem:$0x1F200] =	vst v63  }
0x29c: {  	s10 =	simm.s32 $0x9400;
	s7 =	simm.s32 $0x400  }
0x29d: {  	[tilespmem:s10], [sflag:$0x1] =	stream.indirect.gather [spmem:s3], $0x20, s7, s25, $0xb8;
	[tilespmem:$0x1F200] =	vst v63  }
0x29e: {  	s11 =	simm.s32 $0xA400;
	s8 =	simm.s32 $0x480  }
0x29f: {  	[tilespmem:s11], [sflag:$0x1] =	stream.indirect.gather [spmem:s3], $0x20, s8, s25, $0xb8;
	[tilespmem:$0x1F200] =	vst v63  }
0x2a0: {  	_ =	swait.ge [sflag:s17], $0xA000  }
0x2a1: {  	[sflag:s17] =	ssyncset.done $0x0  }
0x2a2: {  	s15 =	simm.s32 $0xF00;
	s9 =	simm.s32 $0xB400;
	[sflag:s17] =	ssyncadd.s32 $0xFFFF6000  }
0x2a3: {  	[spmem:s2] =	stream.indirect.scatter.add.f32 [tilespmem:s9], [sflag:$0x3], $0x20, s15, s25, $0xb8;
	[tilespmem:$0x1F200] =	vst v63  }
0x2a4: {  	s10 =	simm.s32 $0xF80;
	s11 =	simm.s32 $0xC400  }
0x2a5: {  	[spmem:s2] =	stream.indirect.scatter.add.f32 [tilespmem:s11], [sflag:$0x3], $0x20, s10, s25, $0xb8;
	[tilespmem:$0x1F200] =	vst v63  }
0x2a6: {  	s14 =	simm.s32 $0x1000;
	s12 =	simm.s32 $0xD400  }
0x2a7: {  	[spmem:s2] =	stream.indirect.scatter.add.f32 [tilespmem:s12], [sflag:$0x3], $0x20, s14, s25, $0xb8;
	[tilespmem:$0x1F200] =	vst v63  }
0x2a8: {  	s16 =	simm.s32 $0x1080  }
0x2a9: {  	[spmem:s2] =	stream.indirect.scatter.add.f32 [tilespmem:s18], [sflag:$0x3], $0x20, s16, s25, $0xb8;
	[tilespmem:$0x1F200] =	vst v63  }
0x2aa: {  	s17 =	simm.s32 $0x1100  }
0x2ab: {  	[spmem:s2] =	stream.indirect.scatter.add.f32 [tilespmem:s31], [sflag:$0x3], $0x20, s17, s25, $0xb8;
	[tilespmem:$0x1F200] =	vst v63  }
0x2ac: {  	s18 =	simm.s32 $0x1180  }
0x2ad: {  	[spmem:s2] =	stream.indirect.scatter.add.f32 [tilespmem:s23], [sflag:$0x3], $0x20, s18, s25, $0xb8;
	[tilespmem:$0x1F200] =	vst v63  }
0x2ae: {  	s24 =	simm.s32 $0x1200  }
0x2af: {  	[spmem:s2] =	stream.indirect.scatter.add.f32 [tilespmem:s26], [sflag:$0x3], $0x20, s24, s25, $0xb8;
	[tilespmem:$0x1F200] =	vst v63  }
0x2b0: {  	s26 =	simm.s32 $0x1280  }
0x2b1: {  	[spmem:s2] =	stream.indirect.scatter.add.f32 [tilespmem:s29], [sflag:$0x3], $0x20, s26, s25, $0xb8;
	[tilespmem:$0x1F200] =	vst v63  }
0x2b2: {  	s31 =	simm.s32 $0x1300  }
0x2b3: {  	[spmem:s2] =	stream.indirect.scatter.add.f32 [tilespmem:s30], [sflag:$0x3], $0x20, s31, s25, $0xb8;
	[tilespmem:$0x1F200] =	vst v63  }
0x2b4: {  	s0 =	simm.s32 $0x1380;
	s14 =	simm.s32 $0x14400  }
0x2b5: {  	[spmem:s2] =	stream.indirect.scatter.add.f32 [tilespmem:s14], [sflag:$0x3], $0x20, s0, s25, $0xb8;
	[tilespmem:$0x1F200] =	vst v63  }
0x2b6: {  	_ =	swait.ge [sflag:s19], $0x1000  }
0x2b7: {  	[sflag:s19] =	ssyncset.done $0x0  }
0x2b8: {  	[sflag:s19] =	ssyncadd.s32 $0xFFFFF000  }
0x2b9: {  	_ =	swait.ge [sflag:s19], $0x1000  }
0x2ba: {  	[sflag:s19] =	ssyncset.done $0x0  }
0x2bb: {  	[sflag:s19] =	ssyncadd.s32 $0xFFFFF000  }
0x2bc: {  	_ =	swait.ge [sflag:s19], $0x1000  }
0x2bd: {  	[sflag:s19] =	ssyncset.done $0x0  }
0x2be: {  	[sflag:s19] =	ssyncadd.s32 $0xFFFFF000  }
0x2bf: {  	_ =	swait.ge [sflag:s19], $0x1000  }
0x2c0: {  	[sflag:s19] =	ssyncset.done $0x0  }
0x2c1: {  	[sflag:s19] =	ssyncadd.s32 $0xFFFFF000  }
0x2c2: {  	_ =	swait.ge [sflag:s19], $0x1000  }
0x2c3: {  	[sflag:s19] =	ssyncset.done $0x0  }
0x2c4: {  	[sflag:s19] =	ssyncadd.s32 $0xFFFFF000  }
0x2c5: {  	_ =	swait.ge [sflag:s19], $0x1000  }
0x2c6: {  	[sflag:s19] =	ssyncset.done $0x0  }
0x2c7: {  	[sflag:s19] =	ssyncadd.s32 $0xFFFFF000  }
0x2c8: {  	_ =	swait.ge [sflag:s19], $0x1000  }
0x2c9: {  	[sflag:s19] =	ssyncset.done $0x0  }
0x2ca: {  	[sflag:s19] =	ssyncadd.s32 $0xFFFFF000  }
0x2cb: {  	_ =	swait.ge [sflag:s19], $0x1000  }
0x2cc: {  	[sflag:s19] =	ssyncset.done $0x0  }
0x2cd: {  	[sflag:s19] =	ssyncadd.s32 $0xFFFFF000  }
0x2ce: {  	_ =	swait.ge [sflag:s19], $0x1000  }
0x2cf: {  	[sflag:s19] =	ssyncset.done $0x0  }
0x2d0: {  	[sflag:s19] =	ssyncadd.s32 $0xFFFFF000  }
0x2d1: {  	_ =	swait.ge [sflag:s19], $0x1000  }
0x2d2: {  	[sflag:s19] =	ssyncset.done $0x0;
	s16 =	rddreg [dreg:$0x4]  }
0x2d3: {  	[sflag:s19] =	ssyncadd.s32 $0xFFFFF000;
	s17 =	sadd.s32 $0x0, s16  }
0x2d4: {  	[tilespmem:s21], [sflag:$0x4] =	stream.linear.gather [hbm4b:s17+s4], $0x500, $0x38;
	[tilespmem:$0x1F200] =	vst v63  }
0x2d5: {  	_ =	swait.ge [sflag:s22], $0x500  }
0x2d6: {  	[sflag:s22] =	ssyncset.done $0x0  }
0x2d7: {  	s18 =	sadd.s32 $0x0, s28;
	[sflag:s22] =	ssyncadd.s32 $0xFFFFFB00  }
0x2d8: {  	[tilespmem:s15], [sflag:$0x4] =	stream.linear.gather [hbm4b:s18+s4], $0x500, $0x38;
	[tilespmem:$0x1F200] =	vst v63  }
0x2d9: {  	_ =	swait.ge [sflag:s22], $0x500  }
0x2da: {  	[sflag:s22] =	ssyncset.done $0x0  }
0x2db: {  	s13 =	simm.s32 $0xB400;
	[sflag:s22] =	ssyncadd.s32 $0xFFFFFB00  }
0x2dc: {  	[tilespmem:s13], [sflag:$0x2] =	stream.indirect.gather [spmem:s3], $0x20, s21, s25, $0xb8;
	[tilespmem:$0x1F200] =	vst v63  }
0x2dd: {  	s5 =	simm.s32 $0xC400;
	s21 =	simm.s32 $0x580  }
0x2de: {  	[tilespmem:s5], [sflag:$0x2] =	stream.indirect.gather [spmem:s3], $0x20, s21, s25, $0xb8;
	[tilespmem:$0x1F200] =	vst v63  }
0x2df: {  	s6 =	simm.s32 $0xD400;
	s23 =	simm.s32 $0x600  }
0x2e0: {  	[tilespmem:s6], [sflag:$0x2] =	stream.indirect.gather [spmem:s3], $0x20, s23, s25, $0xb8;
	[tilespmem:$0x1F200] =	vst v63  }
0x2e1: {  	s7 =	simm.s32 $0xE400;
	s24 =	simm.s32 $0x680  }
0x2e2: {  	[tilespmem:s7], [sflag:$0x2] =	stream.indirect.gather [spmem:s3], $0x20, s24, s25, $0xb8;
	[tilespmem:$0x1F200] =	vst v63  }
0x2e3: {  	s8 =	simm.s32 $0xF400;
	s26 =	simm.s32 $0x700  }
0x2e4: {  	[tilespmem:s8], [sflag:$0x2] =	stream.indirect.gather [spmem:s3], $0x20, s26, s25, $0xb8;
	[tilespmem:$0x1F200] =	vst v63  }
0x2e5: {  	s9 =	simm.s32 $0x10400;
	s28 =	simm.s32 $0x780  }
0x2e6: {  	[tilespmem:s9], [sflag:$0x2] =	stream.indirect.gather [spmem:s3], $0x20, s28, s25, $0xb8;
	[tilespmem:$0x1F200] =	vst v63  }
0x2e7: {  	s10 =	simm.s32 $0x11400;
	s29 =	simm.s32 $0x800  }
0x2e8: {  	[tilespmem:s10], [sflag:$0x2] =	stream.indirect.gather [spmem:s3], $0x20, s29, s25, $0xb8;
	[tilespmem:$0x1F200] =	vst v63  }
0x2e9: {  	s11 =	simm.s32 $0x12400;
	s30 =	simm.s32 $0x880  }
0x2ea: {  	[tilespmem:s11], [sflag:$0x2] =	stream.indirect.gather [spmem:s3], $0x20, s30, s25, $0xb8;
	[tilespmem:$0x1F200] =	vst v63  }
0x2eb: {  	s12 =	simm.s32 $0x13400;
	s31 =	simm.s32 $0x900;
	s24 =	simm.s32 $0x140  }
0x2ec: {  	[tilespmem:s12], [sflag:$0x2] =	stream.indirect.gather [spmem:s3], $0x20, s31, s25, $0xb8;
	[tilespmem:$0x1F200] =	vst v63  }
.LBB2_4:
0x2ed: {  	s0 =	simm.s32 $0x980;
	s16 =	simm.s32 $0x14400  }
0x2ee: {  	[tilespmem:s16], [sflag:$0x2] =	stream.indirect.gather [spmem:s3], $0x20, s0, s25, $0xb8;
	[tilespmem:$0x1F200] =	vst v63  }
0x2ef: {  	_ =	swait.ge [sflag:s20], $0xA000  }
0x2f0: {  	[sflag:s20] =	ssyncset.done $0x0  }
0x2f1: {  	s9 =	simm.s32 $0xA00;
	s11 =	simm.s32 $0x1400;
	[sflag:s20] =	ssyncadd.s32 $0xFFFF6000  }
0x2f2: {  	[spmem:s2] =	stream.indirect.scatter.add.f32 [tilespmem:s11], [sflag:$0x3], $0x20, s9, s25, $0xb8;
	[tilespmem:$0x1F200] =	vst v63  }
0x2f3: {  	s14 =	simm.s32 $0x2400;
	s17 =	simm.s32 $0xA80  }
0x2f4: {  	[spmem:s2] =	stream.indirect.scatter.add.f32 [tilespmem:s14], [sflag:$0x3], $0x20, s17, s25, $0xb8;
	[tilespmem:$0x1F200] =	vst v63  }
0x2f5: {  	s7 =	simm.s32 $0x3400;
	s18 =	simm.s32 $0xB00  }
0x2f6: {  	[spmem:s2] =	stream.indirect.scatter.add.f32 [tilespmem:s7], [sflag:$0x3], $0x20, s18, s25, $0xb8;
	[tilespmem:$0x1F200] =	vst v63  }
0x2f7: {  	s29 =	simm.s32 $0x4400;
	s20 =	simm.s32 $0xB80  }
0x2f8: {  	[spmem:s2] =	stream.indirect.scatter.add.f32 [tilespmem:s29], [sflag:$0x3], $0x20, s20, s25, $0xb8;
	[tilespmem:$0x1F200] =	vst v63  }
0x2f9: {  	s15 =	simm.s32 $0x5400;
	s21 =	simm.s32 $0xC00  }
0x2fa: {  	[spmem:s2] =	stream.indirect.scatter.add.f32 [tilespmem:s15], [sflag:$0x3], $0x20, s21, s25, $0xb8;
	[tilespmem:$0x1F200] =	vst v63  }
0x2fb: {  	s31 =	simm.s32 $0x6400;
	s23 =	simm.s32 $0xC80  }
0x2fc: {  	[spmem:s2] =	stream.indirect.scatter.add.f32 [tilespmem:s31], [sflag:$0x3], $0x20, s23, s25, $0xb8;
	[tilespmem:$0x1F200] =	vst v63  }
0x2fd: {  	s8 =	simm.s32 $0x7400;
	s1 =	simm.s32 $0xD00  }
0x2fe: {  	[spmem:s2] =	stream.indirect.scatter.add.f32 [tilespmem:s8], [sflag:$0x3], $0x20, s1, s25, $0xb8;
	[tilespmem:$0x1F200] =	vst v63  }
0x2ff: {  	s5 =	simm.s32 $0xD80;
	s17 =	simm.s32 $0x8400  }
0x300: {  	[spmem:s2] =	stream.indirect.scatter.add.f32 [tilespmem:s17], [sflag:$0x3], $0x20, s5, s25, $0xb8;
	[tilespmem:$0x1F200] =	vst v63  }
0x301: {  	s30 =	simm.s32 $0x9400;
	s6 =	simm.s32 $0xE00  }
0x302: {  	[spmem:s2] =	stream.indirect.scatter.add.f32 [tilespmem:s30], [sflag:$0x3], $0x20, s6, s25, $0xb8;
	[tilespmem:$0x1F200] =	vst v63  }
0x303: {  	s10 =	simm.s32 $0xE80;
	s20 =	simm.s32 $0xA400  }
0x304: {  	[spmem:s2] =	stream.indirect.scatter.add.f32 [tilespmem:s20], [sflag:$0x3], $0x20, s10, s25, $0xb8;
	[tilespmem:$0x1F200] =	vst v63  }
0x305: {  	_ =	swait.ge [sflag:s19], $0x1000  }
0x306: {  	[sflag:s19] =	ssyncset.done $0x0  }
0x307: {  	[sflag:s19] =	ssyncadd.s32 $0xFFFFF000  }
0x308: {  	_ =	swait.ge [sflag:s19], $0x1000  }
0x309: {  	[sflag:s19] =	ssyncset.done $0x0  }
0x30a: {  	[sflag:s19] =	ssyncadd.s32 $0xFFFFF000  }
0x30b: {  	_ =	swait.ge [sflag:s19], $0x1000  }
0x30c: {  	[sflag:s19] =	ssyncset.done $0x0  }
0x30d: {  	[sflag:s19] =	ssyncadd.s32 $0xFFFFF000  }
0x30e: {  	_ =	swait.ge [sflag:s19], $0x1000  }
0x30f: {  	[sflag:s19] =	ssyncset.done $0x0  }
0x310: {  	[sflag:s19] =	ssyncadd.s32 $0xFFFFF000  }
0x311: {  	_ =	swait.ge [sflag:s19], $0x1000  }
0x312: {  	[sflag:s19] =	ssyncset.done $0x0  }
0x313: {  	[sflag:s19] =	ssyncadd.s32 $0xFFFFF000  }
0x314: {  	_ =	swait.ge [sflag:s19], $0x1000  }
0x315: {  	[sflag:s19] =	ssyncset.done $0x0  }
0x316: {  	[sflag:s19] =	ssyncadd.s32 $0xFFFFF000  }
0x317: {  	_ =	swait.ge [sflag:s19], $0x1000  }
0x318: {  	[sflag:s19] =	ssyncset.done $0x0  }
0x319: {  	[sflag:s19] =	ssyncadd.s32 $0xFFFFF000  }
0x31a: {  	_ =	swait.ge [sflag:s19], $0x1000  }
0x31b: {  	[sflag:s19] =	ssyncset.done $0x0  }
0x31c: {  	[sflag:s19] =	ssyncadd.s32 $0xFFFFF000  }
0x31d: {  	_ =	swait.ge [sflag:s19], $0x1000  }
0x31e: {  	[sflag:s19] =	ssyncset.done $0x0  }
0x31f: {  	[sflag:s19] =	ssyncadd.s32 $0xFFFFF000  }
0x320: {  	_ =	swait.ge [sflag:s19], $0x1000  }
0x321: {  	s26 =	smov.u32 s24;
	[sflag:s19] =	ssyncset.done $0x0;
	s12 =	rddreg [dreg:$0x6]  }
0x322: {  	[sflag:s19] =	ssyncadd.s32 $0xFFFFF000;
	s28 =	sadd.s32 s26, s12  }
0x323: {  	[tilespmem:s4], [sflag:$0x4] =	stream.linear.gather [hbm4b:s28+s4], $0x500, $0x38;
	[tilespmem:$0x1F200] =	vst v63  }
0x324: {  	_ =	swait.ge [sflag:s22], $0x500  }
0x325: {  	[sflag:s22] =	ssyncset.done $0x0;
	s13 =	rddreg [dreg:$0x7]  }
0x326: {  	[sflag:s22] =	ssyncadd.s32 $0xFFFFFB00;
	s28 =	sadd.s32 s26, s13  }
0x327: {  	[tilespmem:s9], [sflag:$0x4] =	stream.linear.gather [hbm4b:s28+s4], $0x500, $0x38;
	[tilespmem:$0x1F200] =	vst v63  }
0x328: {  	_ =	swait.ge [sflag:s22], $0x500  }
0x329: {  	[sflag:s22] =	ssyncset.done $0x0  }
0x32a: {  	[sflag:s22] =	ssyncadd.s32 $0xFFFFFB00  }
0x32b: {  	[tilespmem:s11], [sflag:$0x1] =	stream.indirect.gather [spmem:s3], $0x20, s4, s25, $0xb8;
	[tilespmem:$0x1F200] =	vst v63  }
0x32c: {  	_ = 	snop  }
0x32d: {  	[tilespmem:s14], [sflag:$0x1] =	stream.indirect.gather [spmem:s3], $0x20, s25, s25, $0xb8;
	[tilespmem:$0x1F200] =	vst v63  }
0x32e: {  	s14 =	simm.s32 $0x100  }
0x32f: {  	[tilespmem:s7], [sflag:$0x1] =	stream.indirect.gather [spmem:s3], $0x20, s14, s25, $0xb8;
	[tilespmem:$0x1F200] =	vst v63  }
0x330: {  	s18 =	simm.s32 $0x180  }
0x331: {  	[tilespmem:s29], [sflag:$0x1] =	stream.indirect.gather [spmem:s3], $0x20, s18, s25, $0xb8;
	[tilespmem:$0x1F200] =	vst v63  }
0x332: {  	s21 =	simm.s32 $0x200  }
0x333: {  	[tilespmem:s15], [sflag:$0x1] =	stream.indirect.gather [spmem:s3], $0x20, s21, s25, $0xb8;
	[tilespmem:$0x1F200] =	vst v63  }
0x334: {  	s23 =	simm.s32 $0x280  }
0x335: {  	[tilespmem:s31], [sflag:$0x1] =	stream.indirect.gather [spmem:s3], $0x20, s23, s25, $0xb8;
	[tilespmem:$0x1F200] =	vst v63  }
0x336: {  	s4 =	simm.s32 $0x300  }
0x337: {  	[tilespmem:s8], [sflag:$0x1] =	stream.indirect.gather [spmem:s3], $0x20, s4, s25, $0xb8;
	[tilespmem:$0x1F200] =	vst v63  }
0x338: {  	s5 =	simm.s32 $0x380  }
0x339: {  	[tilespmem:s17], [sflag:$0x1] =	stream.indirect.gather [spmem:s3], $0x20, s5, s25, $0xb8;
	[tilespmem:$0x1F200] =	vst v63  }
0x33a: {  	s7 =	simm.s32 $0x400  }
0x33b: {  	[tilespmem:s30], [sflag:$0x1] =	stream.indirect.gather [spmem:s3], $0x20, s7, s25, $0xb8;
	[tilespmem:$0x1F200] =	vst v63  }
0x33c: {  	s9 =	simm.s32 $0x2;
	s8 =	simm.s32 $0x480  }
0x33d: {  	[tilespmem:s20], [sflag:$0x1] =	stream.indirect.gather [spmem:s3], $0x20, s8, s25, $0xb8;
	[tilespmem:$0x1F200] =	vst v63  }
0x33e: {  	_ =	swait.ge [sflag:s9], $0xA000  }
0x33f: {  	[sflag:s9] =	ssyncset.done $0x0  }
0x340: {  	s0 =	simm.s32 $0xB400;
	s13 =	simm.s32 $0xF00;
	[sflag:s9] =	ssyncadd.s32 $0xFFFF6000  }
0x341: {  	[spmem:s2] =	stream.indirect.scatter.add.f32 [tilespmem:s0], [sflag:$0x3], $0x20, s13, s25, $0xb8;
	[tilespmem:$0x1F200] =	vst v63  }
0x342: {  	s4 =	simm.s32 $0xC400;
	s5 =	simm.s32 $0xF80  }
0x343: {  	[spmem:s2] =	stream.indirect.scatter.add.f32 [tilespmem:s4], [sflag:$0x3], $0x20, s5, s25, $0xb8;
	[tilespmem:$0x1F200] =	vst v63  }
0x344: {  	s11 =	simm.s32 $0x1000;
	s5 =	simm.s32 $0xD400  }
0x345: {  	[spmem:s2] =	stream.indirect.scatter.add.f32 [tilespmem:s5], [sflag:$0x3], $0x20, s11, s25, $0xb8;
	[tilespmem:$0x1F200] =	vst v63  }
0x346: {  	s29 =	simm.s32 $0xE400;
	s15 =	simm.s32 $0x1080  }
0x347: {  	[spmem:s2] =	stream.indirect.scatter.add.f32 [tilespmem:s29], [sflag:$0x3], $0x20, s15, s25, $0xb8;
	[tilespmem:$0x1F200] =	vst v63  }
0x348: {  	s17 =	simm.s32 $0x1100;
	s15 =	simm.s32 $0xF400  }
0x349: {  	[spmem:s2] =	stream.indirect.scatter.add.f32 [tilespmem:s15], [sflag:$0x3], $0x20, s17, s25, $0xb8;
	[tilespmem:$0x1F200] =	vst v63  }
0x34a: {  	s23 =	simm.s32 $0x1180;
	s8 =	simm.s32 $0x10400  }
0x34b: {  	[spmem:s2] =	stream.indirect.scatter.add.f32 [tilespmem:s8], [sflag:$0x3], $0x20, s23, s25, $0xb8;
	[tilespmem:$0x1F200] =	vst v63  }
0x34c: {  	s30 =	simm.s32 $0x11400;
	s9 =	simm.s32 $0x1200  }
0x34d: {  	[spmem:s2] =	stream.indirect.scatter.add.f32 [tilespmem:s30], [sflag:$0x3], $0x20, s9, s25, $0xb8;
	[tilespmem:$0x1F200] =	vst v63  }
0x34e: {  	s11 =	simm.s32 $0x1280;
	s9 =	simm.s32 $0x12400  }
0x34f: {  	[spmem:s2] =	stream.indirect.scatter.add.f32 [tilespmem:s9], [sflag:$0x3], $0x20, s11, s25, $0xb8;
	[tilespmem:$0x1F200] =	vst v63  }
0x350: {  	s17 =	simm.s32 $0x1300;
	s23 =	simm.s32 $0x13400  }
0x351: {  	[spmem:s2] =	stream.indirect.scatter.add.f32 [tilespmem:s23], [sflag:$0x3], $0x20, s17, s25, $0xb8;
	[tilespmem:$0x1F200] =	vst v63  }
0x352: {  	s11 =	simm.s32 $0x1380  }
0x353: {  	[spmem:s2] =	stream.indirect.scatter.add.f32 [tilespmem:s16], [sflag:$0x3], $0x20, s11, s25, $0xb8;
	[tilespmem:$0x1F200] =	vst v63  }
0x354: {  	_ =	swait.ge [sflag:s19], $0x1000  }
0x355: {  	[sflag:s19] =	ssyncset.done $0x0  }
0x356: {  	[sflag:s19] =	ssyncadd.s32 $0xFFFFF000  }
0x357: {  	_ =	swait.ge [sflag:s19], $0x1000  }
0x358: {  	[sflag:s19] =	ssyncset.done $0x0  }
0x359: {  	[sflag:s19] =	ssyncadd.s32 $0xFFFFF000  }
0x35a: {  	_ =	swait.ge [sflag:s19], $0x1000  }
0x35b: {  	[sflag:s19] =	ssyncset.done $0x0  }
0x35c: {  	[sflag:s19] =	ssyncadd.s32 $0xFFFFF000  }
0x35d: {  	_ =	swait.ge [sflag:s19], $0x1000  }
0x35e: {  	[sflag:s19] =	ssyncset.done $0x0  }
0x35f: {  	[sflag:s19] =	ssyncadd.s32 $0xFFFFF000  }
0x360: {  	_ =	swait.ge [sflag:s19], $0x1000  }
0x361: {  	[sflag:s19] =	ssyncset.done $0x0  }
0x362: {  	[sflag:s19] =	ssyncadd.s32 $0xFFFFF000  }
0x363: {  	_ =	swait.ge [sflag:s19], $0x1000  }
0x364: {  	[sflag:s19] =	ssyncset.done $0x0  }
0x365: {  	[sflag:s19] =	ssyncadd.s32 $0xFFFFF000  }
0x366: {  	_ =	swait.ge [sflag:s19], $0x1000  }
0x367: {  	[sflag:s19] =	ssyncset.done $0x0  }
0x368: {  	[sflag:s19] =	ssyncadd.s32 $0xFFFFF000  }
0x369: {  	_ =	swait.ge [sflag:s19], $0x1000  }
0x36a: {  	[sflag:s19] =	ssyncset.done $0x0  }
0x36b: {  	[sflag:s19] =	ssyncadd.s32 $0xFFFFF000  }
0x36c: {  	_ =	swait.ge [sflag:s19], $0x1000  }
0x36d: {  	[sflag:s19] =	ssyncset.done $0x0  }
0x36e: {  	[sflag:s19] =	ssyncadd.s32 $0xFFFFF000  }
0x36f: {  	_ =	swait.ge [sflag:s19], $0x1000  }
0x370: {  	s14 =	simm.s32 $0x0;
	[sflag:s19] =	ssyncset.done $0x0;
	s16 =	rddreg [dreg:$0x4]  }
0x371: {  	s17 =	simm.s32 $0x500;
	[sflag:s19] =	ssyncadd.s32 $0xFFFFF000;
	s28 =	sadd.s32 s26, s16  }
0x372: {  	[tilespmem:s17], [sflag:$0x4] =	stream.linear.gather [hbm4b:s28+s14], $0x500, $0x38;
	[tilespmem:$0x1F200] =	vst v63  }
0x373: {  	_ =	swait.ge [sflag:s22], $0x500  }
0x374: {  	[sflag:s22] =	ssyncset.done $0x0;
	s16 =	rddreg [dreg:$0x5]  }
0x375: {  	[sflag:s22] =	ssyncadd.s32 $0xFFFFFB00;
	s26 =	sadd.s32 s26, s16  }
0x376: {  	[tilespmem:s13], [sflag:$0x4] =	stream.linear.gather [hbm4b:s26+s14], $0x500, $0x38;
	[tilespmem:$0x1F200] =	vst v63  }
0x377: {  	_ =	swait.ge [sflag:s22], $0x500  }
0x378: {  	[sflag:s22] =	ssyncset.done $0x0  }
0x379: {  	p0 =	sne.s32 s24, $0x280;
	s24 =	sadd.s32 $0x140, s24;
	[sflag:s22] =	ssyncadd.s32 $0xFFFFFB00  }
0x37a: {  	[tilespmem:s0], [sflag:$0x2] =	stream.indirect.gather [spmem:s3], $0x20, s17, s25, $0xb8;
	[tilespmem:$0x1F200] =	vst v63  }
0x37b: {  	s1 =	simm.s32 $0x5400;
	s6 =	simm.s32 $0x7400;
	s17 =	simm.s32 $0x580  }
0x37c: {  	[tilespmem:s4], [sflag:$0x2] =	stream.indirect.gather [spmem:s3], $0x20, s17, s25, $0xb8;
	[tilespmem:$0x1F200] =	vst v63  }
0x37d: {  	s10 =	simm.s32 $0x6400;
	s12 =	simm.s32 $0x8400;
	s26 =	simm.s32 $0x600  }
0x37e: {  	[tilespmem:s5], [sflag:$0x2] =	stream.indirect.gather [spmem:s3], $0x20, s26, s25, $0xb8;
	[tilespmem:$0x1F200] =	vst v63  }
0x37f: {  	s18 =	simm.s32 $0x9400;
	s21 =	simm.s32 $0xA400;
	s5 =	simm.s32 $0x680  }
0x380: {  	[tilespmem:s29], [sflag:$0x2] =	stream.indirect.gather [spmem:s3], $0x20, s5, s25, $0xb8;
	[tilespmem:$0x1F200] =	vst v63  }
0x381: {  	s31 =	simm.s32 $0xF400;
	s7 =	simm.s32 $0x13400;
	s29 =	simm.s32 $0x700  }
0x382: {  	[tilespmem:s15], [sflag:$0x2] =	stream.indirect.gather [spmem:s3], $0x20, s29, s25, $0xb8;
	[tilespmem:$0x1F200] =	vst v63  }
0x383: {  	s20 =	simm.s32 $0x1;
	s11 =	simm.s32 $0x12400;
	s15 =	simm.s32 $0x780  }
0x384: {  	[tilespmem:s8], [sflag:$0x2] =	stream.indirect.gather [spmem:s3], $0x20, s15, s25, $0xb8;
	[tilespmem:$0x1F200] =	vst v63  }
0x385: {  	s28 =	simm.s32 $0xF00;
	s16 =	simm.s32 $0x11400;
	s8 =	simm.s32 $0x800  }
0x386: {  	[tilespmem:s30], [sflag:$0x2] =	stream.indirect.gather [spmem:s3], $0x20, s8, s25, $0xb8;
	[tilespmem:$0x1F200] =	vst v63  }
.Ltmp1:
0x387: {  	s13 =	simm.s32 $0xB400;
	s14 =	simm.s32 $0xD400;
	(pc) =	sbr.rel @p0 .LBB2_4-.Ltmp1, $4  }
0x388: {  	s0 =	simm.s32 $0xC400;
	s4 =	simm.s32 $0x0;
	s30 =	simm.s32 $0x880  }
0x389: {  	[tilespmem:s9], [sflag:$0x2] =	stream.indirect.gather [spmem:s3], $0x20, s30, s25, $0xb8;
	[tilespmem:$0x1F200] =	vst v63  }
0x38a: {  	s17 =	simm.s32 $0x10400;
	s26 =	simm.s32 $0xE400;
	s9 =	simm.s32 $0x900  }
0x38b: {  	[tilespmem:s23], [sflag:$0x2] =	stream.indirect.gather [spmem:s3], $0x20, s9, s25, $0xb8;
	[tilespmem:$0x1F200] =	vst v63  }
0x38c: {  	s9 =	simm.s32 $0x980;
	s23 =	simm.s32 $0x14400  }
0x38d: {  	[tilespmem:s23], [sflag:$0x2] =	stream.indirect.gather [spmem:s3], $0x20, s9, s25, $0xb8;
	[tilespmem:$0x1F200] =	vst v63  }
0x38e: {  	_ =	swait.ge [sflag:s20], $0xA000  }
0x38f: {  	[sflag:s20] =	ssyncset.done $0x0  }
0x390: {  	s24 =	simm.s32 $0xA00;
	s9 =	simm.s32 $0x1400;
	[sflag:s20] =	ssyncadd.s32 $0xFFFF6000  }
0x391: {  	[spmem:s2] =	stream.indirect.scatter.add.f32 [tilespmem:s9], [sflag:$0x3], $0x20, s24, s25, $0xb8;
	[tilespmem:$0x1F200] =	vst v63  }
0x392: {  	s9 =	simm.s32 $0x2400;
	s24 =	simm.s32 $0xA80  }
0x393: {  	[spmem:s2] =	stream.indirect.scatter.add.f32 [tilespmem:s9], [sflag:$0x3], $0x20, s24, s25, $0xb8;
	[tilespmem:$0x1F200] =	vst v63  }
0x394: {  	s9 =	simm.s32 $0x3400;
	s24 =	simm.s32 $0xB00  }
0x395: {  	[spmem:s2] =	stream.indirect.scatter.add.f32 [tilespmem:s9], [sflag:$0x3], $0x20, s24, s25, $0xb8;
	[tilespmem:$0x1F200] =	vst v63  }
0x396: {  	s9 =	simm.s32 $0x4400;
	s24 =	simm.s32 $0xB80  }
0x397: {  	[spmem:s2] =	stream.indirect.scatter.add.f32 [tilespmem:s9], [sflag:$0x3], $0x20, s24, s25, $0xb8;
	[tilespmem:$0x1F200] =	vst v63  }
0x398: {  	s24 =	simm.s32 $0xC00  }
0x399: {  	[spmem:s2] =	stream.indirect.scatter.add.f32 [tilespmem:s1], [sflag:$0x3], $0x20, s24, s25, $0xb8;
	[tilespmem:$0x1F200] =	vst v63  }
0x39a: {  	s24 =	simm.s32 $0xC80  }
0x39b: {  	[spmem:s2] =	stream.indirect.scatter.add.f32 [tilespmem:s10], [sflag:$0x3], $0x20, s24, s25, $0xb8;
	[tilespmem:$0x1F200] =	vst v63  }
0x39c: {  	s9 =	simm.s32 $0xD00  }
0x39d: {  	[spmem:s2] =	stream.indirect.scatter.add.f32 [tilespmem:s6], [sflag:$0x3], $0x20, s9, s25, $0xb8;
	[tilespmem:$0x1F200] =	vst v63  }
0x39e: {  	s10 =	simm.s32 $0xD80  }
0x39f: {  	[spmem:s2] =	stream.indirect.scatter.add.f32 [tilespmem:s12], [sflag:$0x3], $0x20, s10, s25, $0xb8;
	[tilespmem:$0x1F200] =	vst v63  }
0x3a0: {  	s12 =	simm.s32 $0xE00  }
0x3a1: {  	[spmem:s2] =	stream.indirect.scatter.add.f32 [tilespmem:s18], [sflag:$0x3], $0x20, s12, s25, $0xb8;
	[tilespmem:$0x1F200] =	vst v63  }
0x3a2: {  	s18 =	simm.s32 $0xE80  }
0x3a3: {  	[spmem:s2] =	stream.indirect.scatter.add.f32 [tilespmem:s21], [sflag:$0x3], $0x20, s18, s25, $0xb8;
	[tilespmem:$0x1F200] =	vst v63  }
0x3a4: {  	_ =	swait.ge [sflag:s19], $0x1000  }
0x3a5: {  	[sflag:s19] =	ssyncset.done $0x0  }
0x3a6: {  	[sflag:s19] =	ssyncadd.s32 $0xFFFFF000  }
0x3a7: {  	_ =	swait.ge [sflag:s19], $0x1000  }
0x3a8: {  	[sflag:s19] =	ssyncset.done $0x0  }
0x3a9: {  	[sflag:s19] =	ssyncadd.s32 $0xFFFFF000  }
0x3aa: {  	_ =	swait.ge [sflag:s19], $0x1000  }
0x3ab: {  	[sflag:s19] =	ssyncset.done $0x0  }
0x3ac: {  	[sflag:s19] =	ssyncadd.s32 $0xFFFFF000  }
0x3ad: {  	_ =	swait.ge [sflag:s19], $0x1000  }
0x3ae: {  	[sflag:s19] =	ssyncset.done $0x0  }
0x3af: {  	[sflag:s19] =	ssyncadd.s32 $0xFFFFF000  }
0x3b0: {  	_ =	swait.ge [sflag:s19], $0x1000  }
0x3b1: {  	[sflag:s19] =	ssyncset.done $0x0  }
0x3b2: {  	[sflag:s19] =	ssyncadd.s32 $0xFFFFF000  }
0x3b3: {  	_ =	swait.ge [sflag:s19], $0x1000  }
0x3b4: {  	[sflag:s19] =	ssyncset.done $0x0  }
0x3b5: {  	[sflag:s19] =	ssyncadd.s32 $0xFFFFF000  }
0x3b6: {  	_ =	swait.ge [sflag:s19], $0x1000  }
0x3b7: {  	[sflag:s19] =	ssyncset.done $0x0  }
0x3b8: {  	[sflag:s19] =	ssyncadd.s32 $0xFFFFF000  }
0x3b9: {  	_ =	swait.ge [sflag:s19], $0x1000  }
0x3ba: {  	[sflag:s19] =	ssyncset.done $0x0  }
0x3bb: {  	[sflag:s19] =	ssyncadd.s32 $0xFFFFF000  }
0x3bc: {  	_ =	swait.ge [sflag:s19], $0x1000  }
0x3bd: {  	[sflag:s19] =	ssyncset.done $0x0  }
0x3be: {  	[sflag:s19] =	ssyncadd.s32 $0xFFFFF000  }
0x3bf: {  	_ =	swait.ge [sflag:s19], $0x1000  }
0x3c0: {  	[sflag:s19] =	ssyncset.done $0x0  }
0x3c1: {  	s24 =	simm.s32 $0x2;
	[sflag:s19] =	ssyncadd.s32 $0xFFFFF000  }
0x3c2: {  	_ =	swait.ge [sflag:s24], $0xA000  }
0x3c3: {  	[sflag:s24] =	ssyncset.done $0x0  }
0x3c4: {  	[sflag:s24] =	ssyncadd.s32 $0xFFFF6000  }
0x3c5: {  	[spmem:s2] =	stream.indirect.scatter.add.f32 [tilespmem:s13], [sflag:$0x3], $0x20, s28, s25, $0xb8;
	[tilespmem:$0x1F200] =	vst v63  }
0x3c6: {  	s6 =	simm.s32 $0xF80  }
0x3c7: {  	[spmem:s2] =	stream.indirect.scatter.add.f32 [tilespmem:s0], [sflag:$0x3], $0x20, s6, s25, $0xb8;
	[tilespmem:$0x1F200] =	vst v63  }
0x3c8: {  	s9 =	simm.s32 $0x1000  }
0x3c9: {  	[spmem:s2] =	stream.indirect.scatter.add.f32 [tilespmem:s14], [sflag:$0x3], $0x20, s9, s25, $0xb8;
	[tilespmem:$0x1F200] =	vst v63  }
0x3ca: {  	s10 =	simm.s32 $0x1080  }
0x3cb: {  	[spmem:s2] =	stream.indirect.scatter.add.f32 [tilespmem:s26], [sflag:$0x3], $0x20, s10, s25, $0xb8;
	[tilespmem:$0x1F200] =	vst v63  }
0x3cc: {  	s12 =	simm.s32 $0x1100  }
0x3cd: {  	[spmem:s2] =	stream.indirect.scatter.add.f32 [tilespmem:s31], [sflag:$0x3], $0x20, s12, s25, $0xb8;
	[tilespmem:$0x1F200] =	vst v63  }
0x3ce: {  	s13 =	simm.s32 $0x1180  }
0x3cf: {  	[spmem:s2] =	stream.indirect.scatter.add.f32 [tilespmem:s17], [sflag:$0x3], $0x20, s13, s25, $0xb8;
	[tilespmem:$0x1F200] =	vst v63  }
0x3d0: {  	s14 =	simm.s32 $0x1200  }
0x3d1: {  	[spmem:s2] =	stream.indirect.scatter.add.f32 [tilespmem:s16], [sflag:$0x3], $0x20, s14, s25, $0xb8;
	[tilespmem:$0x1F200] =	vst v63  }
0x3d2: {  	s16 =	simm.s32 $0x1280  }
0x3d3: {  	[spmem:s2] =	stream.indirect.scatter.add.f32 [tilespmem:s11], [sflag:$0x3], $0x20, s16, s25, $0xb8;
	[tilespmem:$0x1F200] =	vst v63  }
0x3d4: {  	s17 =	simm.s32 $0x1300  }
0x3d5: {  	[spmem:s2] =	stream.indirect.scatter.add.f32 [tilespmem:s7], [sflag:$0x3], $0x20, s17, s25, $0xb8;
	[tilespmem:$0x1F200] =	vst v63  }
0x3d6: {  	s18 =	simm.s32 $0x1380  }
0x3d7: {  	[spmem:s2] =	stream.indirect.scatter.add.f32 [tilespmem:s23], [sflag:$0x3], $0x20, s18, s25, $0xb8;
	[tilespmem:$0x1F200] =	vst v63  }
0x3d8: {  	_ =	swait.ge [sflag:s19], $0x1000  }
0x3d9: {  	[sflag:s19] =	ssyncset.done $0x0  }
0x3da: {  	[sflag:s19] =	ssyncadd.s32 $0xFFFFF000  }
0x3db: {  	_ =	swait.ge [sflag:s19], $0x1000  }
0x3dc: {  	[sflag:s19] =	ssyncset.done $0x0  }
0x3dd: {  	[sflag:s19] =	ssyncadd.s32 $0xFFFFF000  }
0x3de: {  	_ =	swait.ge [sflag:s19], $0x1000  }
0x3df: {  	[sflag:s19] =	ssyncset.done $0x0  }
0x3e0: {  	[sflag:s19] =	ssyncadd.s32 $0xFFFFF000  }
0x3e1: {  	_ =	swait.ge [sflag:s19], $0x1000  }
0x3e2: {  	[sflag:s19] =	ssyncset.done $0x0  }
0x3e3: {  	[sflag:s19] =	ssyncadd.s32 $0xFFFFF000  }
0x3e4: {  	_ =	swait.ge [sflag:s19], $0x1000  }
0x3e5: {  	[sflag:s19] =	ssyncset.done $0x0  }
0x3e6: {  	[sflag:s19] =	ssyncadd.s32 $0xFFFFF000  }
0x3e7: {  	_ =	swait.ge [sflag:s19], $0x1000  }
0x3e8: {  	[sflag:s19] =	ssyncset.done $0x0  }
0x3e9: {  	[sflag:s19] =	ssyncadd.s32 $0xFFFFF000  }
0x3ea: {  	_ =	swait.ge [sflag:s19], $0x1000  }
0x3eb: {  	[sflag:s19] =	ssyncset.done $0x0  }
0x3ec: {  	[sflag:s19] =	ssyncadd.s32 $0xFFFFF000  }
0x3ed: {  	_ =	swait.ge [sflag:s19], $0x1000  }
0x3ee: {  	[sflag:s19] =	ssyncset.done $0x0  }
0x3ef: {  	[sflag:s19] =	ssyncadd.s32 $0xFFFFF000  }
0x3f0: {  	_ =	swait.ge [sflag:s19], $0x1000  }
0x3f1: {  	[sflag:s19] =	ssyncset.done $0x0  }
0x3f2: {  	[sflag:s19] =	ssyncadd.s32 $0xFFFFF000  }
0x3f3: {  	_ =	swait.ge [sflag:s19], $0x1000  }
0x3f4: {  	[sflag:s19] =	ssyncset.done $0x0  }
0x3f5: {  	[sflag:s19] =	ssyncadd.s32 $0xFFFFF000  }
0x3f6: {  	[bflag:$0x0] =	sbarrier.arrive $0xFFFF  }
0x3f7: {  	s26 =	rddreg [dreg:$0xa]  }
0x3f8: {  	s21 =	rddreg [dreg:$0x12]  }
0x3f9: {  	s0 =	simm.s32 $0x8;
	s23 =	rddreg [dreg:$0x15]  }
0x3fa: {  	[hbm:s21@s0], [sflag:s26] =	dma.strided [spmem:s23@s22], $0x9E0, s20, $0x4   }
0x3fb: {  	_ =	swait.ge [sflag:s22], $0x9E0  }
0x3fc: {  	s28 =	rddreg [dreg:$0x14]  }
0x3fd: {  	s31 =	rddreg [dreg:$0x13];
	s1 =	sadd.s32 $0x1, s28  }
0x3fe: {  	p0 =	sne.s32 s1, s31  }
.Ltmp2:
0x3ff: {  	_ = 	snop;
	(pc) =	sbr.rel @p0 .LBB2_1-.Ltmp2, $3  }
0x400: {  	_ =	sdelay $0x1  }
0x401: {  	s13 =	simm.s32 $0x580;
	[sflag:s22] =	ssyncset.done $0x0  }
0x402: {  	s17 =	simm.s32 $0x900;
	s21 =	simm.s32 $0x500;
	[sflag:s22] =	ssyncadd.s32 $0xFFFFF620  }
0x403: {  	_ =	sfence.sel $0x180000  }
0x404: {  	[bflag:$0x0] =	sbarrier.arrive $0xFFFF  }
0x405: {  	_ =	strace $0x90000047  }
0x406: {  	s0 =	stileid.u32;
	[bflag:$0x2] =	sbarrier.arrive $0xFFFF  }
0x407: {  	p0 =	sne.s32 s0, $0x0;
	s0 =	rddreg [dreg:$0x3]  }
0x408: {  	s0 =	sadd.s32 @!p0 $0x100000, s0  }
0x409: {  	[sflag:s0] =	ssyncadd.tile.s32 @!p0 $0x1;
	_ =	shalt  }
.Lfunc_end2:
_tile_overlayer_lowered:
.L_overlay_start_2:
0x40a: {  	(tag) =	ssettag $0x2  }
0x40b: {  	s0 =	rddreg [dreg:$0x0];
	s2 =	stileid.u32  }
0x40c: {  	s1 =	rddreg [dreg:$0x1];
	p0 =	sne.s32 s2, $0x0  }
0x40d: {  	s3 =	rddreg [dreg:$0x2];
	[bflag:$0x3] =	sbarrier.arrive $0xFFFF;
	s2 =	simm.s32 @!p0 $0x1C04  }
0x40e: {  	[timem:s3], [sflag:s2] =	dma.local @!p0 [hbm:s0], s1  }
0x40f: {  	s0 =	simm.s32 @!p0 $0x4  }
0x410: {  	_ =	swait.ge @!p0 [sflag:s0], s1  }
0x411: {  	s1 =	ssub.s32 @!p0 $0x0, s1;
	[sflag:s0] =	ssyncset.done @!p0 $0x0  }
0x412: {  	[sflag:s0] =	ssyncadd.s32 @!p0 s1  }
0x413: {  	[bflag:$0x3] =	sbarrier.arrive $0xFFFF  }
0x414: {  	_ =	shalt  }

</sc_bundles>
